<compile_context>
chip_gen: v7x
topology: tpu7x:2x2x1
jax: 0.10.2.dev20260603
libtpu: 0.0.44.dev20260713+nightly
codegen_flags: <defaults>
</compile_context>

<pallas_src>
import functools

import jax
import jax.numpy as jnp
from jax import lax
from jax.experimental import pallas as pl
from jax.experimental.pallas import tpu as pltpu
from jax.experimental.pallas import tpu_sc as plsc

B = 1024
H = 20
E = 8
CE = 64
PE = 64
OFFS = 64
NCAND = 4
DPFH = 3
DPF = DPFH * NCAND
NOUT = NCAND + 1 + OFFS
EO = E * OFFS
BB = 128
G = B // BB
R = H * BB


def _t_body(c_ref, o_ref, ct_ref, ot_ref):
    cf = c_ref[...].astype(jnp.float32)
    v = lax.broadcasted_iota(jnp.int32, (B, B), 1)
    w = lax.broadcasted_iota(jnp.int32, (B, B), 0)
    src = (v // 128) * 128 + (v % 2) * 64 + (v % 128) // 2
    perm = (w == src).astype(jnp.float32)
    ct = lax.dot_general(cf, perm, (((0,), (0,)), ((), ())))
    ct_ref[...] = ct.astype(jnp.int32)
    ot_ref[...] = o_ref[...].T


def _transpose2(ch, oh):
    return pl.pallas_call(
        _t_body,
        out_shape=[
            jax.ShapeDtypeStruct((H, B), jnp.int32),
            jax.ShapeDtypeStruct((H, B), jnp.int32),
        ],
    )(ch, oh)


@functools.cache
def _sc_gather():
    info = plsc.get_sparse_core_info()
    nw = info.num_cores * info.num_subcores
    rc = (H * B) // nw
    rp = B // nw
    mesh = plsc.VectorSubcoreMesh(core_axis_name="c", subcore_axis_name="s")

    @functools.partial(
        pl.kernel,
        mesh=mesh,
        compiler_params=pltpu.CompilerParams(use_tc_tiling_on_sc=False),
        out_type=(
            jax.ShapeDtypeStruct((H * B, CE), jnp.float32),
        ),
        scratch_types=[
            pltpu.VMEM((rc,), jnp.int32),
            pltpu.VMEM((rc, CE), jnp.float32),
            pltpu.SemaphoreType.DMA,
        ],
    )
    def gather(ctab, cidx, cout, cidx_v, crows_v, sem):
        wid = lax.axis_index("s") * info.num_cores + lax.axis_index("c")
        cb = wid * rc
        pltpu.sync_copy(cidx.at[pl.ds(cb, rc)], cidx_v)
        pltpu.async_copy(ctab.at[cidx_v], crows_v, sem).wait()
        pltpu.sync_copy(crows_v, cout.at[pl.ds(cb, rc)])

    return gather


def _tc_body(ce_ref, oh_ref, ptab_ref, pc_ref, dpf_ref, off512_ref, offT_ref,
             wq_ref, wkT_ref, wv_ref, wo_ref,
             wpc_ref, wclctx_ref, wdpf_ref, b_ref,
             cand_ref, off_ref, pbuf_ref, psem):
    copies = []
    for i in range(BB):
        c = pltpu.make_async_copy(ptab_ref.at[pl.ds(pc_ref[i, 0], 1)],
                                  pbuf_ref.at[pl.ds(i, 1)], psem)
        c.start()
        copies.append(c)

    hb = BB // 2
    rh = H * hb
    pair = ce_ref[...]
    ce_lo = pair[:, :, :CE]
    ce_hi = pair[:, :, CE:]
    oh = oh_ref[...]

    qk = (wq_ref[...] @ (wkT_ref[...] @ offT_ref[...])) * 0.125
    vo = (off512_ref[...] @ wv_ref[...]) @ wo_ref[...]

    jcol = lax.broadcasted_iota(jnp.int32, (rh, EO), 1)
    ecol = lax.broadcasted_iota(jnp.int32, (EO, E), 0)
    p = (ecol % E == lax.broadcasted_iota(jnp.int32, (EO, E), 1)) \
        .astype(jnp.float32)
    zero = jnp.float32(0.0)

    sel_lo = (jcol // E) == oh[:, :hb, :].reshape(rh, 1)
    sel_hi = (jcol // E) == oh[:, hb:, :].reshape(rh, 1)
    s0_lo = jnp.dot(ce_lo.reshape(rh, CE), qk)
    s0_hi = jnp.dot(ce_hi.reshape(rh, CE), qk)
    sc0_lo = jnp.dot(jnp.where(sel_lo, s0_lo, zero), p)
    sc0_hi = jnp.dot(jnp.where(sel_hi, s0_hi, zero), p)

    for c in copies:
        c.wait()
    pce = pbuf_ref[...]
    s1b = jnp.dot(pce, qk)

    def _half(sel, sc0, s1h):
        s1 = jnp.broadcast_to(s1h[None], (H, hb, EO)).reshape(rh, EO)
        sc1 = jnp.dot(jnp.where(sel, s1, zero), p)
        attn = 0.5 * (jax.nn.softmax(sc0, axis=-1)
                      + jax.nn.softmax(sc1, axis=-1))
        amat = jnp.where(sel, jnp.dot(attn, p.T), zero)
        return jnp.dot(amat, vo).reshape(H, hb, CE)

    ctx_lo = _half(sel_lo, sc0_lo, s1b[:hb])
    ctx_hi = _half(sel_hi, sc0_hi, s1b[hb:])

    base = dpf_ref[...] @ wdpf_ref[...] + b_ref[...] + pce @ wpc_ref[...]
    acc_lo = base[:hb]
    acc_hi = base[hb:]
    for h in range(H):
        acc_lo = (acc_lo + ce_lo[h] @ wclctx_ref[h, :CE]
                  + ctx_lo[h] @ wclctx_ref[h, CE:])
        acc_hi = (acc_hi + ce_hi[h] @ wclctx_ref[h, :CE]
                  + ctx_hi[h] @ wclctx_ref[h, CE:])
    cand_ref[:hb, :] = acc_lo[:, :NCAND + 1]
    cand_ref[hb:, :] = acc_hi[:, :NCAND + 1]
    off_ref[:hb, :] = acc_lo[:, NCAND + 1:]
    off_ref[hb:, :] = acc_hi[:, NCAND + 1:]


def _tc_call(ce3, oh3, pc_table, pc2, dpf2, off512, offT, Wq, WkT, Wv, Wo,
             Wpc, Wclctx, Wdpf, b2, interpret=False):
    full = lambda s: pl.BlockSpec(s, lambda j: (0,) * len(s))
    return pl.pallas_call(
        _tc_body,
        grid=(G,),
        in_specs=[
            pl.BlockSpec((H, BB // 2, 2 * CE), lambda j: (0, j, 0)),
            pl.BlockSpec((H, BB, 1), lambda j: (0, j, 0)),
            pl.BlockSpec(memory_space=pl.ANY),
            pl.BlockSpec((BB, 1), lambda j: (j, 0),
                         memory_space=pltpu.SMEM),
            pl.BlockSpec((BB, DPF), lambda j: (j, 0)),
            full((EO, CE)),
            full((CE, EO)),
            full((CE, CE)),
            full((CE, CE)),
            full((CE, CE)),
            full((CE, CE)),
            full((PE, NOUT)),
            full((H, 2 * CE, NOUT)),
            full((DPF, NOUT)),
            full((1, NOUT)),
        ],
        out_specs=[
            pl.BlockSpec((BB, NCAND + 1), lambda j: (j, 0)),
            pl.BlockSpec((BB, OFFS), lambda j: (j, 0)),
        ],
        out_shape=[
            jax.ShapeDtypeStruct((B, NCAND + 1), jnp.float32),
            jax.ShapeDtypeStruct((B, OFFS), jnp.float32),
        ],
        scratch_shapes=[
            pltpu.VMEM((BB, PE), jnp.float32),
            pltpu.SemaphoreType.DMA,
        ],
        interpret=interpret,
    )(ce3, oh3, pc_table, pc2, dpf2, off512, offT, Wq, WkT, Wv, Wo,
      Wpc, Wclctx, Wdpf, b2)


def kernel(cluster_history, offset_history, pc, dpf_vectors, pc_table,
           cluster_table, offset_table, Wq, Wk, Wv, Wo, W_cand, b_cand,
           W_off, b_off):
    chT, ohT = _transpose2(cluster_history, offset_history)
    v = jnp.arange(B)
    src = (v // 128) * 128 + (v % 2) * 64 + (v % 128) // 2
    cidx = cluster_history.T[:, src].reshape(-1)
    (ce_flat,) = _sc_gather()(cluster_table, cidx)
    ce3 = ce_flat.reshape(H, B // 2, 2 * CE)
    oh3 = ohT.reshape(H, B, 1)
    dpf2 = dpf_vectors.reshape(B, DPF)
    off512 = offset_table.reshape(EO, CE)
    offT = off512.T
    W = jnp.concatenate([W_cand, W_off], axis=1)
    b2 = jnp.concatenate([b_cand, b_off]).reshape(1, NOUT)
    Wpc = W[:PE]
    Wcl = W[PE:PE + H * CE].reshape(H, CE, NOUT)
    Wctx = W[PE + H * CE:PE + 2 * H * CE].reshape(H, CE, NOUT)
    Wclctx = jnp.concatenate([Wcl, Wctx], axis=1)
    Wdpf = W[PE + 2 * H * CE:]
    return tuple(_tc_call(ce3, oh3, pc_table, pc, dpf2, off512, offT, Wq,
                          Wk.T, Wv, Wo, Wpc, Wclctx, Wdpf, b2))

# --- scband reference (transcript-rebuilt; emitter-appended) ---
"""Pipeline reference for scband-tlite-17935783428099 (READ-ONLY COPY).

The authoritative reference and input builder live on the scoring server;
editing this copy changes nothing except your own understanding.
"""

import jax, jax.numpy as jnp
import numpy as np

B = 1024; H = 20; E = 8; CE = 64; PE = 64
NPCS = 100000; NCLUST = 4096; OFFS = 64; NCAND = 4; DPFH = 3
COMB = PE + H * CE + H * CE + DPFH * NCAND


def setup_inputs(seed: int = 0):
    key = jax.random.key(seed)
    ks = jax.random.split(key, 16)
    inp = {}
    inp["cluster_history"] = jax.random.randint(ks[0], (B, H), 0, NCLUST, dtype=jnp.int32)
    inp["offset_history"] = jax.random.randint(ks[1], (B, H), 0, OFFS, dtype=jnp.int32)
    inp["pc"] = jax.random.randint(ks[2], (B, 1), 0, NPCS, dtype=jnp.int32)
    inp["dpf_vectors"] = jax.random.uniform(ks[3], (B, DPFH, NCAND), dtype=jnp.float32)
    inp["pc_table"] = jax.random.normal(ks[4], (NPCS, PE), dtype=jnp.float32) * 0.02
    inp["cluster_table"] = jax.random.normal(ks[5], (NCLUST, CE), dtype=jnp.float32) * 0.02
    inp["offset_table"] = jax.random.normal(ks[6], (OFFS, E * CE), dtype=jnp.float32) * 0.02
    s = 1.0 / np.sqrt(CE)
    inp["Wq"] = jax.random.normal(ks[7], (CE, CE), dtype=jnp.float32) * s
    inp["Wk"] = jax.random.normal(ks[8], (CE, CE), dtype=jnp.float32) * s
    inp["Wv"] = jax.random.normal(ks[9], (CE, CE), dtype=jnp.float32) * s
    inp["Wo"] = jax.random.normal(ks[10], (CE, CE), dtype=jnp.float32) * s
    sc = 1.0 / np.sqrt(COMB)
    inp["W_cand"] = jax.random.normal(ks[11], (COMB, NCAND + 1), dtype=jnp.float32) * sc
    inp["b_cand"] = jnp.zeros((NCAND + 1,), dtype=jnp.float32)
    inp["W_off"] = jax.random.normal(ks[12], (COMB, OFFS), dtype=jnp.float32) * sc
    inp["b_off"] = jnp.zeros((OFFS,), dtype=jnp.float32)
    return inp


def reference(cluster_history, offset_history, pc, dpf_vectors, pc_table, cluster_table,
              offset_table, Wq, Wk, Wv, Wo, W_cand, b_cand, W_off, b_off):
    b = cluster_history.shape[0]
    # embedding lookups (SparseCore gathers)
    cluster_embed = jnp.take(cluster_table, cluster_history, axis=0)            # [B,H,CE]
    offset_embed = jnp.take(offset_table, offset_history, axis=0)               # [B,H,E*CE]
    offset_embed = offset_embed.reshape(b, H, E, CE)                            # mixture-of-experts view
    pc_embed = jnp.take(pc_table, pc[:, 0], axis=0)                             # [B,PE]
    # context query: cluster context per step + PC context broadcast over history
    ctx = jnp.concatenate([
        cluster_embed[:, :, None, :],
        jnp.broadcast_to(pc_embed[:, None, None, :], (b, H, 1, CE)),
    ], axis=2)                                                                   # [B,H,2,CE]
    # single-head attention over the expert axis (keras MHA, num_heads=1)
    q = ctx @ Wq                                                                 # [B,H,2,CE]
    k = offset_embed @ Wk                                                        # [B,H,E,CE]
    v = offset_embed @ Wv                                                        # [B,H,E,CE]
    scores = jnp.einsum('bhqd,bhed->bhqe', q, k) / jnp.sqrt(jnp.float32(CE))
    attn = jax.nn.softmax(scores, axis=-1)
    o = jnp.einsum('bhqe,bhed->bhqd', attn, v) @ Wo                              # [B,H,2,CE]
    context_aware_offset = jnp.mean(o, axis=2)                                   # [B,H,CE]
    # flatten + concat features
    dpf_flat = dpf_vectors.reshape(b, DPFH * NCAND)
    cluster_flat = cluster_embed.reshape(b, H * CE)
    offset_flat = context_aware_offset.reshape(b, H * CE)
    combined = jnp.concatenate([pc_embed, cluster_flat, offset_flat, dpf_flat], axis=1)
    candidate_logits = combined @ W_cand + b_cand
    offset_logits = combined @ W_off + b_off
    return (candidate_logits, offset_logits)

if __name__ == "__main__":
    import jax
    _d = setup_inputs()
    print(jax.jit(kernel)(*tuple(_d.values())))

</pallas_src>

<mosaic_0001>
#map = affine_map<(d0, d1) -> (0, 0)>
#map1 = affine_map<(d0, d1) -> (0)>
module attributes {stable_mosaic.version = 14 : i64} {
  func.func @gather(%arg0: i32, %arg1: i32, %arg2: memref<4096x64xf32, #tpu.memory_space<hbm>>, %arg3: memref<20480xi32, #tpu.memory_space<hbm>>, %arg4: memref<20480x64xf32, #tpu.memory_space<hbm>>, %arg5: memref<640xi32, #tpu.memory_space<vmem>>, %arg6: memref<640x64xf32, #tpu.memory_space<vmem>>, %arg7: memref<!tpu.dma_semaphore, #tpu.memory_space<semaphore_mem>>) attributes {dimension_semantics = [#tpu.dimension_semantics<core_parallel>, #tpu.dimension_semantics<subcore_parallel>], iteration_bounds = array<i64: 2, 16>, scalar_prefetch = 0 : i64, scratch_operands = 3 : i64, tpu.core_type = #tpu.core_type<sc_vector_subcore>, window_params = [{transform_indices = #map}, {transform_indices = #map1}, {transform_indices = #map}]} {
    %mul3A = arith.constant 2 : i32
    %mul3A_0 = arith.muli %arg1, %mul3A : i32
    %add3A = arith.addi %mul3A_0, %arg0 : i32
    %mul3A_1 = arith.constant 640 : i32
    %mul3A_2 = arith.muli %add3A, %mul3A_1 : i32
    "tpu.region"() ({
      %run_scoped3A = tpu.sem_alloc : memref<!tpu.dma_semaphore, #tpu.memory_space<semaphore_mem>>
      %dma_start3A_7 = tpu.memref_slice %arg3[%mul3A_2] : memref<20480xi32, #tpu.memory_space<hbm>> -> memref<640xi32, #tpu.memory_space<hbm>>
      %dma_start3A_8 = tpu.memref_slice %arg3[%mul3A_2] : memref<20480xi32, #tpu.memory_space<hbm>> -> memref<640xi32, #tpu.memory_space<hbm>>
      tpu.enqueue_dma source(%dma_start3A_8 : memref<640xi32, #tpu.memory_space<hbm>>) target(%arg5 : memref<640xi32, #tpu.memory_space<vmem>>) target_semaphore(%run_scoped3A : memref<!tpu.dma_semaphore, #tpu.memory_space<semaphore_mem>>)
      %dma_wait3A_9 = tpu.memref_slice %arg3[%mul3A_2] : memref<20480xi32, #tpu.memory_space<hbm>> -> memref<640xi32, #tpu.memory_space<hbm>>
      %dma_wait3A_10 = tpu.memref_slice %arg3[%mul3A_2] : memref<20480xi32, #tpu.memory_space<hbm>> -> memref<640xi32, #tpu.memory_space<hbm>>
      tpu.wait_dma2 semaphore(%run_scoped3A : memref<!tpu.dma_semaphore, #tpu.memory_space<semaphore_mem>>) src(%dma_wait3A_10 : memref<640xi32, #tpu.memory_space<hbm>>) dst(%arg5 : memref<640xi32, #tpu.memory_space<vmem>>)
      tpu.yield
    }) : () -> ()
    %dma_start3A = arith.constant 0 : i32
    %dma_start3A_3 = arith.constant 0 : i32
    %dma_start3A_4 = tpu.memref_slice %arg2[%dma_start3A, %dma_start3A_3] : memref<4096x64xf32, #tpu.memory_space<hbm>> -> memref<4096x64xf32, #tpu.memory_space<hbm>>
    tpu.enqueue_indirect_dma source(%dma_start3A_4 : memref<4096x64xf32, #tpu.memory_space<hbm>>) target(%arg6 : memref<640x64xf32, #tpu.memory_space<vmem>>) offsets(%arg5 : memref<640xi32, #tpu.memory_space<vmem>>) semaphore(%arg7 : memref<!tpu.dma_semaphore, #tpu.memory_space<semaphore_mem>>)
    %dma_wait3A = arith.constant 0 : i32
    %dma_wait3A_5 = arith.constant 0 : i32
    %dma_wait3A_6 = tpu.memref_slice %arg2[%dma_wait3A, %dma_wait3A_5] : memref<4096x64xf32, #tpu.memory_space<hbm>> -> memref<4096x64xf32, #tpu.memory_space<hbm>>
    tpu.wait_indirect_dma semaphore(%arg7 : memref<!tpu.dma_semaphore, #tpu.memory_space<semaphore_mem>>) src(%dma_wait3A_6 : memref<4096x64xf32, #tpu.memory_space<hbm>>) dst(%arg6 : memref<640x64xf32, #tpu.memory_space<vmem>>)
    "tpu.region"() ({
      %run_scoped3A = tpu.sem_alloc : memref<!tpu.dma_semaphore, #tpu.memory_space<semaphore_mem>>
      %dma_start3A_7 = arith.constant 0 : i32
      %dma_start3A_8 = tpu.memref_slice %arg4[%mul3A_2, %dma_start3A_7] : memref<20480x64xf32, #tpu.memory_space<hbm>> -> memref<640x64xf32, #tpu.memory_space<hbm>>
      %dma_start3A_9 = arith.constant 0 : i32
      %dma_start3A_10 = tpu.memref_slice %arg4[%mul3A_2, %dma_start3A_9] : memref<20480x64xf32, #tpu.memory_space<hbm>> -> memref<640x64xf32, #tpu.memory_space<hbm>>
      tpu.enqueue_dma source(%arg6 : memref<640x64xf32, #tpu.memory_space<vmem>>) target(%dma_start3A_10 : memref<640x64xf32, #tpu.memory_space<hbm>>) target_semaphore(%run_scoped3A : memref<!tpu.dma_semaphore, #tpu.memory_space<semaphore_mem>>)
      %dma_wait3A_11 = arith.constant 0 : i32
      %dma_wait3A_12 = tpu.memref_slice %arg4[%mul3A_2, %dma_wait3A_11] : memref<20480x64xf32, #tpu.memory_space<hbm>> -> memref<640x64xf32, #tpu.memory_space<hbm>>
      %dma_wait3A_13 = arith.constant 0 : i32
      %dma_wait3A_14 = tpu.memref_slice %arg4[%mul3A_2, %dma_wait3A_13] : memref<20480x64xf32, #tpu.memory_space<hbm>> -> memref<640x64xf32, #tpu.memory_space<hbm>>
      tpu.wait_dma2 semaphore(%run_scoped3A : memref<!tpu.dma_semaphore, #tpu.memory_space<semaphore_mem>>) src(%arg6 : memref<640x64xf32, #tpu.memory_space<vmem>>) dst(%dma_wait3A_14 : memref<640x64xf32, #tpu.memory_space<hbm>>)
      tpu.yield
    }) : () -> ()
    return
  }
}

module attributes {stable_mosaic.version = 14 : i64} {
  func.func @_t_body(%arg0: memref<1024x20xi32, #tpu.memory_space<vmem>>, %arg1: memref<1024x20xi32, #tpu.memory_space<vmem>>, %arg2: memref<20x1024xi32, #tpu.memory_space<vmem>>, %arg3: memref<20x1024xi32, #tpu.memory_space<vmem>>) attributes {dimension_semantics = [], scalar_prefetch = 0 : i64, scratch_operands = 0 : i64, tpu.core_type = #tpu.core_type<tc>} {
    %get3A = arith.constant 0 : index
    %get3A_0 = arith.constant 0 : index
    %get3A_1 = vector.load %arg0[%get3A, %get3A_0] : memref<1024x20xi32, #tpu.memory_space<vmem>>, vector<1024x20xi32>
    %convert_element_type3A = arith.sitofp %get3A_1 : vector<1024x20xi32> to vector<1024x20xf32>
    %iota3A = tpu.iota {dimensions = array<i32: 1>} : vector<1024x1024xi32>
    %iota3A_2 = tpu.iota {dimensions = array<i32: 0>} : vector<1024x1024xi32>
    %jit3A = arith.constant 128 : i32
    %div3A = vector.broadcast %jit3A : i32 to vector<1024x1024xi32>
    %div3A_3 = arith.divsi %iota3A, %div3A : vector<1024x1024xi32>
    %sign3A = arith.constant 0 : i32
    %sign3A_4 = vector.broadcast %sign3A : i32 to vector<1024x1024xi32>
    %sign3A_5 = arith.cmpi sgt, %iota3A, %sign3A_4 : vector<1024x1024xi32>
    %sign3A_6 = arith.extui %sign3A_5 : vector<1024x1024xi1> to vector<1024x1024xi32>
    %sign3A_7 = arith.constant 0 : i32
    %sign3A_8 = vector.broadcast %sign3A_7 : i32 to vector<1024x1024xi32>
    %sign3A_9 = arith.cmpi slt, %iota3A, %sign3A_8 : vector<1024x1024xi32>
    %sign3A_10 = arith.extui %sign3A_9 : vector<1024x1024xi1> to vector<1024x1024xi32>
    %sign3A_11 = arith.subi %sign3A_6, %sign3A_10 : vector<1024x1024xi32>
    %sign3A_12 = arith.constant 0 : i32
    %sign3A_13 = arith.cmpi sgt, %jit3A, %sign3A_12 : i32
    %sign3A_14 = arith.extui %sign3A_13 : i1 to i32
    %sign3A_15 = arith.constant 0 : i32
    %sign3A_16 = arith.cmpi slt, %jit3A, %sign3A_15 : i32
    %sign3A_17 = arith.extui %sign3A_16 : i1 to i32
    %sign3A_18 = arith.subi %sign3A_14, %sign3A_17 : i32
    %ne3A = vector.broadcast %sign3A_18 : i32 to vector<1024x1024xi32>
    %ne3A_19 = arith.cmpi ne, %sign3A_11, %ne3A : vector<1024x1024xi32>
    %rem3A = vector.broadcast %jit3A : i32 to vector<1024x1024xi32>
    %rem3A_20 = arith.remsi %iota3A, %rem3A : vector<1024x1024xi32>
    %ne3A_21 = arith.constant 0 : i32
    %ne3A_22 = vector.broadcast %ne3A_21 : i32 to vector<1024x1024xi32>
    %ne3A_23 = arith.cmpi ne, %rem3A_20, %ne3A_22 : vector<1024x1024xi32>
    %and3A = arith.andi %ne3A_19, %ne3A_23 : vector<1024x1024xi1>
    %sub3A = arith.constant 1 : i32
    %sub3A_24 = vector.broadcast %sub3A : i32 to vector<1024x1024xi32>
    %sub3A_25 = arith.subi %div3A_3, %sub3A_24 : vector<1024x1024xi32>
    %select_n3A = arith.select %and3A, %sub3A_25, %div3A_3 : vector<1024x1024xi1>, vector<1024x1024xi32>
    %mul3A = arith.constant 128 : i32
    %mul3A_26 = vector.broadcast %mul3A : i32 to vector<1024x1024xi32>
    %mul3A_27 = arith.muli %select_n3A, %mul3A_26 : vector<1024x1024xi32>
    %jit3A_28 = arith.constant 2 : i32
    %eq3A = arith.constant 0 : i32
    %eq3A_29 = arith.cmpi eq, %jit3A_28, %eq3A : i32
    %jit3A_30 = arith.constant 1 : i32
    %select_n3A_31 = arith.select %eq3A_29, %jit3A_30, %jit3A_28 : i32
    %rem3A_32 = vector.broadcast %select_n3A_31 : i32 to vector<1024x1024xi32>
    %rem3A_33 = arith.remsi %iota3A, %rem3A_32 : vector<1024x1024xi32>
    %ne3A_34 = arith.constant 0 : i32
    %ne3A_35 = vector.broadcast %ne3A_34 : i32 to vector<1024x1024xi32>
    %ne3A_36 = arith.cmpi ne, %rem3A_33, %ne3A_35 : vector<1024x1024xi32>
    %lt3A = arith.constant 0 : i32
    %lt3A_37 = vector.broadcast %lt3A : i32 to vector<1024x1024xi32>
    %lt3A_38 = arith.cmpi slt, %rem3A_33, %lt3A_37 : vector<1024x1024xi32>
    %lt3A_39 = arith.constant 0 : i32
    %lt3A_40 = arith.cmpi slt, %select_n3A_31, %lt3A_39 : i32
    %ne3A_41 = vector.broadcast %lt3A_40 : i1 to vector<1024x1024xi1>
    %ne3A_42 = vector.broadcast %ne3A_41 : vector<1024x1024xi1> to vector<1024x1024xi1>
    %ne3A_43 = arith.xori %lt3A_38, %ne3A_42 : vector<1024x1024xi1>
    %and3A_44 = arith.andi %ne3A_43, %ne3A_36 : vector<1024x1024xi1>
    %add3A = vector.broadcast %select_n3A_31 : i32 to vector<1024x1024xi32>
    %add3A_45 = arith.addi %rem3A_33, %add3A : vector<1024x1024xi32>
    %select_n3A_46 = arith.select %and3A_44, %add3A_45, %rem3A_33 : vector<1024x1024xi1>, vector<1024x1024xi32>
    %mul3A_47 = arith.constant 64 : i32
    %mul3A_48 = vector.broadcast %mul3A_47 : i32 to vector<1024x1024xi32>
    %mul3A_49 = arith.muli %select_n3A_46, %mul3A_48 : vector<1024x1024xi32>
    %add3A_50 = arith.addi %mul3A_27, %mul3A_49 : vector<1024x1024xi32>
    %jit3A_51 = arith.constant 128 : i32
    %eq3A_52 = arith.constant 0 : i32
    %eq3A_53 = arith.cmpi eq, %jit3A_51, %eq3A_52 : i32
    %jit3A_54 = arith.constant 1 : i32
    %select_n3A_55 = arith.select %eq3A_53, %jit3A_54, %jit3A_51 : i32
    %rem3A_56 = vector.broadcast %select_n3A_55 : i32 to vector<1024x1024xi32>
    %rem3A_57 = arith.remsi %iota3A, %rem3A_56 : vector<1024x1024xi32>
    %ne3A_58 = arith.constant 0 : i32
    %ne3A_59 = vector.broadcast %ne3A_58 : i32 to vector<1024x1024xi32>
    %ne3A_60 = arith.cmpi ne, %rem3A_57, %ne3A_59 : vector<1024x1024xi32>
    %lt3A_61 = arith.constant 0 : i32
    %lt3A_62 = vector.broadcast %lt3A_61 : i32 to vector<1024x1024xi32>
    %lt3A_63 = arith.cmpi slt, %rem3A_57, %lt3A_62 : vector<1024x1024xi32>
    %lt3A_64 = arith.constant 0 : i32
    %lt3A_65 = arith.cmpi slt, %select_n3A_55, %lt3A_64 : i32
    %ne3A_66 = vector.broadcast %lt3A_65 : i1 to vector<1024x1024xi1>
    %ne3A_67 = vector.broadcast %ne3A_66 : vector<1024x1024xi1> to vector<1024x1024xi1>
    %ne3A_68 = arith.xori %lt3A_63, %ne3A_67 : vector<1024x1024xi1>
    %and3A_69 = arith.andi %ne3A_68, %ne3A_60 : vector<1024x1024xi1>
    %add3A_70 = vector.broadcast %select_n3A_55 : i32 to vector<1024x1024xi32>
    %add3A_71 = arith.addi %rem3A_57, %add3A_70 : vector<1024x1024xi32>
    %select_n3A_72 = arith.select %and3A_69, %add3A_71, %rem3A_57 : vector<1024x1024xi1>, vector<1024x1024xi32>
    %jit3A_73 = arith.constant 2 : i32
    %div3A_74 = vector.broadcast %jit3A_73 : i32 to vector<1024x1024xi32>
    %div3A_75 = arith.divsi %select_n3A_72, %div3A_74 : vector<1024x1024xi32>
    %sign3A_76 = arith.constant 0 : i32
    %sign3A_77 = vector.broadcast %sign3A_76 : i32 to vector<1024x1024xi32>
    %sign3A_78 = arith.cmpi sgt, %select_n3A_72, %sign3A_77 : vector<1024x1024xi32>
    %sign3A_79 = arith.extui %sign3A_78 : vector<1024x1024xi1> to vector<1024x1024xi32>
    %sign3A_80 = arith.constant 0 : i32
    %sign3A_81 = vector.broadcast %sign3A_80 : i32 to vector<1024x1024xi32>
    %sign3A_82 = arith.cmpi slt, %select_n3A_72, %sign3A_81 : vector<1024x1024xi32>
    %sign3A_83 = arith.extui %sign3A_82 : vector<1024x1024xi1> to vector<1024x1024xi32>
    %sign3A_84 = arith.subi %sign3A_79, %sign3A_83 : vector<1024x1024xi32>
    %sign3A_85 = arith.constant 0 : i32
    %sign3A_86 = arith.cmpi sgt, %jit3A_73, %sign3A_85 : i32
    %sign3A_87 = arith.extui %sign3A_86 : i1 to i32
    %sign3A_88 = arith.constant 0 : i32
    %sign3A_89 = arith.cmpi slt, %jit3A_73, %sign3A_88 : i32
    %sign3A_90 = arith.extui %sign3A_89 : i1 to i32
    %sign3A_91 = arith.subi %sign3A_87, %sign3A_90 : i32
    %ne3A_92 = vector.broadcast %sign3A_91 : i32 to vector<1024x1024xi32>
    %ne3A_93 = arith.cmpi ne, %sign3A_84, %ne3A_92 : vector<1024x1024xi32>
    %rem3A_94 = vector.broadcast %jit3A_73 : i32 to vector<1024x1024xi32>
    %rem3A_95 = arith.remsi %select_n3A_72, %rem3A_94 : vector<1024x1024xi32>
    %ne3A_96 = arith.constant 0 : i32
    %ne3A_97 = vector.broadcast %ne3A_96 : i32 to vector<1024x1024xi32>
    %ne3A_98 = arith.cmpi ne, %rem3A_95, %ne3A_97 : vector<1024x1024xi32>
    %and3A_99 = arith.andi %ne3A_93, %ne3A_98 : vector<1024x1024xi1>
    %sub3A_100 = arith.constant 1 : i32
    %sub3A_101 = vector.broadcast %sub3A_100 : i32 to vector<1024x1024xi32>
    %sub3A_102 = arith.subi %div3A_75, %sub3A_101 : vector<1024x1024xi32>
    %select_n3A_103 = arith.select %and3A_99, %sub3A_102, %div3A_75 : vector<1024x1024xi1>, vector<1024x1024xi32>
    %add3A_104 = arith.addi %add3A_50, %select_n3A_103 : vector<1024x1024xi32>
    %eq3A_105 = arith.cmpi eq, %iota3A_2, %add3A_104 : vector<1024x1024xi32>
    %convert_element_type3A_106 = arith.extui %eq3A_105 : vector<1024x1024xi1> to vector<1024x1024xi32>
    %convert_element_type3A_107 = arith.sitofp %convert_element_type3A_106 : vector<1024x1024xi32> to vector<1024x1024xf32>
    %dot_general3A = arith.constant dense<0.000000e+00> : vector<20x1024xf32>
    %dot_general3A_108 = tpu.matmul %convert_element_type3A, %convert_element_type3A_107, %dot_general3A {dimension_numbers = #tpu.dot_dimension_numbers<[0], [0], [1], [1], [0, 1, 1, 1], [], []>, transpose_lhs_hint = false} : vector<1024x20xf32>, vector<1024x1024xf32>, vector<20x1024xf32> -> vector<20x1024xf32>
    %convert_element_type3A_109 = arith.fptosi %dot_general3A_108 : vector<20x1024xf32> to vector<20x1024xi32>
    %swap3A = arith.constant 0 : index
    %swap3A_110 = arith.constant 0 : index
    %swap3A_111 = vector.load %arg2[%swap3A, %swap3A_110] : memref<20x1024xi32, #tpu.memory_space<vmem>>, vector<20x1024xi32>
    tpu.vector_store %arg2[%swap3A, %swap3A_110], %convert_element_type3A_109 {strides = array<i32>} : memref<20x1024xi32, #tpu.memory_space<vmem>>, vector<20x1024xi32>,
    %get3A_112 = arith.constant 0 : index
    %get3A_113 = arith.constant 0 : index
    %get3A_114 = vector.load %arg1[%get3A_112, %get3A_113] : memref<1024x20xi32, #tpu.memory_space<vmem>>, vector<1024x20xi32>
    %transpose3A = tpu.transpose %get3A_114, [1, 0] : vector<1024x20xi32> -> vector<20x1024xi32>
    %swap3A_115 = arith.constant 0 : index
    %swap3A_116 = arith.constant 0 : index
    %swap3A_117 = vector.load %arg3[%swap3A_115, %swap3A_116] : memref<20x1024xi32, #tpu.memory_space<vmem>>, vector<20x1024xi32>
    tpu.vector_store %arg3[%swap3A_115, %swap3A_116], %transpose3A {strides = array<i32>} : memref<20x1024xi32, #tpu.memory_space<vmem>>, vector<20x1024xi32>,
    return
  }
}

module attributes {stable_mosaic.version = 14 : i64} {
  func.func @_tc_body(%arg0: i32, %arg1: memref<20x64x128xf32, #tpu.memory_space<vmem>>, %arg2: memref<20x128x1xi32, #tpu.memory_space<vmem>>, %arg3: memref<100000x64xf32, #tpu.memory_space<any>>, %arg4: memref<128x1xi32, #tpu.memory_space<smem>>, %arg5: memref<128x12xf32, #tpu.memory_space<vmem>>, %arg6: memref<512x64xf32, #tpu.memory_space<vmem>>, %arg7: memref<64x512xf32, #tpu.memory_space<vmem>>, %arg8: memref<64x64xf32, #tpu.memory_space<vmem>>, %arg9: memref<64x64xf32, #tpu.memory_space<vmem>>, %arg10: memref<64x64xf32, #tpu.memory_space<vmem>>, %arg11: memref<64x64xf32, #tpu.memory_space<vmem>>, %arg12: memref<64x69xf32, #tpu.memory_space<vmem>>, %arg13: memref<20x128x69xf32, #tpu.memory_space<vmem>>, %arg14: memref<12x69xf32, #tpu.memory_space<vmem>>, %arg15: memref<1x69xf32, #tpu.memory_space<vmem>>, %arg16: memref<128x5xf32, #tpu.memory_space<vmem>>, %arg17: memref<128x64xf32, #tpu.memory_space<vmem>>, %arg18: memref<128x64xf32, #tpu.memory_space<vmem>>, %arg19: memref<!tpu.dma_semaphore, #tpu.memory_space<semaphore_mem>>) attributes {dimension_semantics = [#tpu.dimension_semantics<arbitrary>], iteration_bounds = array<i64: 8>, scalar_prefetch = 0 : i64, scratch_operands = 2 : i64, tpu.core_type = #tpu.core_type<tc>, window_params = [{transform_indices = @transform_0, window_bounds = array<i64: 20, 64, 128>}, {transform_indices = @transform_1, window_bounds = array<i64: 20, 128, 1>}, {}, {transform_indices = @transform_3, window_bounds = array<i64: 128, 1>}, {transform_indices = @transform_4, window_bounds = array<i64: 128, 12>}, {pipeline_mode = #tpu.pipeline_mode<synchronous>, transform_indices = @transform_5, window_bounds = array<i64: 512, 64>}, {pipeline_mode = #tpu.pipeline_mode<synchronous>, transform_indices = @transform_6, window_bounds = array<i64: 64, 512>}, {pipeline_mode = #tpu.pipeline_mode<synchronous>, transform_indices = @transform_7, window_bounds = array<i64: 64, 64>}, {pipeline_mode = #tpu.pipeline_mode<synchronous>, transform_indices = @transform_8, window_bounds = array<i64: 64, 64>}, {pipeline_mode = #tpu.pipeline_mode<synchronous>, transform_indices = @transform_9, window_bounds = array<i64: 64, 64>}, {pipeline_mode = #tpu.pipeline_mode<synchronous>, transform_indices = @transform_10, window_bounds = array<i64: 64, 64>}, {pipeline_mode = #tpu.pipeline_mode<synchronous>, transform_indices = @transform_11, window_bounds = array<i64: 64, 69>}, {pipeline_mode = #tpu.pipeline_mode<synchronous>, transform_indices = @transform_12, window_bounds = array<i64: 20, 128, 69>}, {pipeline_mode = #tpu.pipeline_mode<synchronous>, transform_indices = @transform_13, window_bounds = array<i64: 12, 69>}, {pipeline_mode = #tpu.pipeline_mode<synchronous>, transform_indices = @transform_14, window_bounds = array<i64: 1, 69>}, {transform_indices = @transform_15, window_bounds = array<i64: 128, 5>}, {transform_indices = @transform_16, window_bounds = array<i64: 128, 64>}]} {
    %get3A = arith.constant 0 : index
    %get3A_0 = arith.constant 0 : index
    %get3A_1 = memref.load %arg4[%get3A, %get3A_0] : memref<128x1xi32, #tpu.memory_space<smem>>
    %dma_start3A = arith.constant 0 : i32
    %dma_start3A_2 = arith.constant 0 : i32
    %dma_start3A_3 = tpu.memref_slice %arg18[%dma_start3A, %dma_start3A_2] : memref<128x64xf32, #tpu.memory_space<vmem>> -> memref<1x64xf32, #tpu.memory_space<vmem>>
    %dma_start3A_4 = arith.constant 0 : i32
    %dma_start3A_5 = tpu.memref_slice %arg3[%get3A_1, %dma_start3A_4] : memref<100000x64xf32, #tpu.memory_space<any>> -> memref<1x64xf32, #tpu.memory_space<any>>
    tpu.enqueue_dma source(%dma_start3A_5 : memref<1x64xf32, #tpu.memory_space<any>>) target(%dma_start3A_3 : memref<1x64xf32, #tpu.memory_space<vmem>>) target_semaphore(%arg19 : memref<!tpu.dma_semaphore, #tpu.memory_space<semaphore_mem>>)
    %get3A_6 = arith.constant 1 : index
    %get3A_7 = arith.constant 0 : index
    %get3A_8 = memref.load %arg4[%get3A_6, %get3A_7] : memref<128x1xi32, #tpu.memory_space<smem>>
    %dma_start3A_9 = arith.constant 1 : i32
    %dma_start3A_10 = arith.constant 0 : i32
    %dma_start3A_11 = tpu.memref_slice %arg18[%dma_start3A_9, %dma_start3A_10] : memref<128x64xf32, #tpu.memory_space<vmem>> -> memref<1x64xf32, #tpu.memory_space<vmem>>
    %dma_start3A_12 = arith.constant 0 : i32
    %dma_start3A_13 = tpu.memref_slice %arg3[%get3A_8, %dma_start3A_12] : memref<100000x64xf32, #tpu.memory_space<any>> -> memref<1x64xf32, #tpu.memory_space<any>>
    tpu.enqueue_dma source(%dma_start3A_13 : memref<1x64xf32, #tpu.memory_space<any>>) target(%dma_start3A_11 : memref<1x64xf32, #tpu.memory_space<vmem>>) target_semaphore(%arg19 : memref<!tpu.dma_semaphore, #tpu.memory_space<semaphore_mem>>)
    %get3A_14 = arith.constant 2 : index
    %get3A_15 = arith.constant 0 : index
    %get3A_16 = memref.load %arg4[%get3A_14, %get3A_15] : memref<128x1xi32, #tpu.memory_space<smem>>
    %dma_start3A_17 = arith.constant 2 : i32
    %dma_start3A_18 = arith.constant 0 : i32
    %dma_start3A_19 = tpu.memref_slice %arg18[%dma_start3A_17, %dma_start3A_18] : memref<128x64xf32, #tpu.memory_space<vmem>> -> memref<1x64xf32, #tpu.memory_space<vmem>>
    %dma_start3A_20 = arith.constant 0 : i32
    %dma_start3A_21 = tpu.memref_slice %arg3[%get3A_16, %dma_start3A_20] : memref<100000x64xf32, #tpu.memory_space<any>> -> memref<1x64xf32, #tpu.memory_space<any>>
    tpu.enqueue_dma source(%dma_start3A_21 : memref<1x64xf32, #tpu.memory_space<any>>) target(%dma_start3A_19 : memref<1x64xf32, #tpu.memory_space<vmem>>) target_semaphore(%arg19 : memref<!tpu.dma_semaphore, #tpu.memory_space<semaphore_mem>>)
    %get3A_22 = arith.constant 3 : index
    %get3A_23 = arith.constant 0 : index
    %get3A_24 = memref.load %arg4[%get3A_22, %get3A_23] : memref<128x1xi32, #tpu.memory_space<smem>>
    %dma_start3A_25 = arith.constant 3 : i32
    %dma_start3A_26 = arith.constant 0 : i32
    %dma_start3A_27 = tpu.memref_slice %arg18[%dma_start3A_25, %dma_start3A_26] : memref<128x64xf32, #tpu.memory_space<vmem>> -> memref<1x64xf32, #tpu.memory_space<vmem>>
    %dma_start3A_28 = arith.constant 0 : i32
    %dma_start3A_29 = tpu.memref_slice %arg3[%get3A_24, %dma_start3A_28] : memref<100000x64xf32, #tpu.memory_space<any>> -> memref<1x64xf32, #tpu.memory_space<any>>
    tpu.enqueue_dma source(%dma_start3A_29 : memref<1x64xf32, #tpu.memory_space<any>>) target(%dma_start3A_27 : memref<1x64xf32, #tpu.memory_space<vmem>>) target_semaphore(%arg19 : memref<!tpu.dma_semaphore, #tpu.memory_space<semaphore_mem>>)
    %get3A_30 = arith.constant 4 : index
    %get3A_31 = arith.constant 0 : index
    %get3A_32 = memref.load %arg4[%get3A_30, %get3A_31] : memref<128x1xi32, #tpu.memory_space<smem>>
    %dma_start3A_33 = arith.constant 4 : i32
    %dma_start3A_34 = arith.constant 0 : i32
    %dma_start3A_35 = tpu.memref_slice %arg18[%dma_start3A_33, %dma_start3A_34] : memref<128x64xf32, #tpu.memory_space<vmem>> -> memref<1x64xf32, #tpu.memory_space<vmem>>
    %dma_start3A_36 = arith.constant 0 : i32
    %dma_start3A_37 = tpu.memref_slice %arg3[%get3A_32, %dma_start3A_36] : memref<100000x64xf32, #tpu.memory_space<any>> -> memref<1x64xf32, #tpu.memory_space<any>>
    tpu.enqueue_dma source(%dma_start3A_37 : memref<1x64xf32, #tpu.memory_space<any>>) target(%dma_start3A_35 : memref<1x64xf32, #tpu.memory_space<vmem>>) target_semaphore(%arg19 : memref<!tpu.dma_semaphore, #tpu.memory_space<semaphore_mem>>)
    %get3A_38 = arith.constant 5 : index
    %get3A_39 = arith.constant 0 : index
    %get3A_40 = memref.load %arg4[%get3A_38, %get3A_39] : memref<128x1xi32, #tpu.memory_space<smem>>
    %dma_start3A_41 = arith.constant 5 : i32
    %dma_start3A_42 = arith.constant 0 : i32
    %dma_start3A_43 = tpu.memref_slice %arg18[%dma_start3A_41, %dma_start3A_42] : memref<128x64xf32, #tpu.memory_space<vmem>> -> memref<1x64xf32, #tpu.memory_space<vmem>>
    %dma_start3A_44 = arith.constant 0 : i32
    %dma_start3A_45 = tpu.memref_slice %arg3[%get3A_40, %dma_start3A_44] : memref<100000x64xf32, #tpu.memory_space<any>> -> memref<1x64xf32, #tpu.memory_space<any>>
    tpu.enqueue_dma source(%dma_start3A_45 : memref<1x64xf32, #tpu.memory_space<any>>) target(%dma_start3A_43 : memref<1x64xf32, #tpu.memory_space<vmem>>) target_semaphore(%arg19 : memref<!tpu.dma_semaphore, #tpu.memory_space<semaphore_mem>>)
    %get3A_46 = arith.constant 6 : index
    %get3A_47 = arith.constant 0 : index
    %get3A_48 = memref.load %arg4[%get3A_46, %get3A_47] : memref<128x1xi32, #tpu.memory_space<smem>>
    %dma_start3A_49 = arith.constant 6 : i32
    %dma_start3A_50 = arith.constant 0 : i32
    %dma_start3A_51 = tpu.memref_slice %arg18[%dma_start3A_49, %dma_start3A_50] : memref<128x64xf32, #tpu.memory_space<vmem>> -> memref<1x64xf32, #tpu.memory_space<vmem>>
    %dma_start3A_52 = arith.constant 0 : i32
    %dma_start3A_53 = tpu.memref_slice %arg3[%get3A_48, %dma_start3A_52] : memref<100000x64xf32, #tpu.memory_space<any>> -> memref<1x64xf32, #tpu.memory_space<any>>
    tpu.enqueue_dma source(%dma_start3A_53 : memref<1x64xf32, #tpu.memory_space<any>>) target(%dma_start3A_51 : memref<1x64xf32, #tpu.memory_space<vmem>>) target_semaphore(%arg19 : memref<!tpu.dma_semaphore, #tpu.memory_space<semaphore_mem>>)
    %get3A_54 = arith.constant 7 : index
    %get3A_55 = arith.constant 0 : index
    %get3A_56 = memref.load %arg4[%get3A_54, %get3A_55] : memref<128x1xi32, #tpu.memory_space<smem>>
    %dma_start3A_57 = arith.constant 7 : i32
    %dma_start3A_58 = arith.constant 0 : i32
    %dma_start3A_59 = tpu.memref_slice %arg18[%dma_start3A_57, %dma_start3A_58] : memref<128x64xf32, #tpu.memory_space<vmem>> -> memref<1x64xf32, #tpu.memory_space<vmem>>
    %dma_start3A_60 = arith.constant 0 : i32
    %dma_start3A_61 = tpu.memref_slice %arg3[%get3A_56, %dma_start3A_60] : memref<100000x64xf32, #tpu.memory_space<any>> -> memref<1x64xf32, #tpu.memory_space<any>>
    tpu.enqueue_dma source(%dma_start3A_61 : memref<1x64xf32, #tpu.memory_space<any>>) target(%dma_start3A_59 : memref<1x64xf32, #tpu.memory_space<vmem>>) target_semaphore(%arg19 : memref<!tpu.dma_semaphore, #tpu.memory_space<semaphore_mem>>)
    %get3A_62 = arith.constant 8 : index
    %get3A_63 = arith.constant 0 : index
    %get3A_64 = memref.load %arg4[%get3A_62, %get3A_63] : memref<128x1xi32, #tpu.memory_space<smem>>
    %dma_start3A_65 = arith.constant 8 : i32
    %dma_start3A_66 = arith.constant 0 : i32
    %dma_start3A_67 = tpu.memref_slice %arg18[%dma_start3A_65, %dma_start3A_66] : memref<128x64xf32, #tpu.memory_space<vmem>> -> memref<1x64xf32, #tpu.memory_space<vmem>>
    %dma_start3A_68 = arith.constant 0 : i32
    %dma_start3A_69 = tpu.memref_slice %arg3[%get3A_64, %dma_start3A_68] : memref<100000x64xf32, #tpu.memory_space<any>> -> memref<1x64xf32, #tpu.memory_space<any>>
    tpu.enqueue_dma source(%dma_start3A_69 : memref<1x64xf32, #tpu.memory_space<any>>) target(%dma_start3A_67 : memref<1x64xf32, #tpu.memory_space<vmem>>) target_semaphore(%arg19 : memref<!tpu.dma_semaphore, #tpu.memory_space<semaphore_mem>>)
    %get3A_70 = arith.constant 9 : index
    %get3A_71 = arith.constant 0 : index
    %get3A_72 = memref.load %arg4[%get3A_70, %get3A_71] : memref<128x1xi32, #tpu.memory_space<smem>>
    %dma_start3A_73 = arith.constant 9 : i32
    %dma_start3A_74 = arith.constant 0 : i32
    %dma_start3A_75 = tpu.memref_slice %arg18[%dma_start3A_73, %dma_start3A_74] : memref<128x64xf32, #tpu.memory_space<vmem>> -> memref<1x64xf32, #tpu.memory_space<vmem>>
    %dma_start3A_76 = arith.constant 0 : i32
    %dma_start3A_77 = tpu.memref_slice %arg3[%get3A_72, %dma_start3A_76] : memref<100000x64xf32, #tpu.memory_space<any>> -> memref<1x64xf32, #tpu.memory_space<any>>
    tpu.enqueue_dma source(%dma_start3A_77 : memref<1x64xf32, #tpu.memory_space<any>>) target(%dma_start3A_75 : memref<1x64xf32, #tpu.memory_space<vmem>>) target_semaphore(%arg19 : memref<!tpu.dma_semaphore, #tpu.memory_space<semaphore_mem>>)
    %get3A_78 = arith.constant 10 : index
    %get3A_79 = arith.constant 0 : index
    %get3A_80 = memref.load %arg4[%get3A_78, %get3A_79] : memref<128x1xi32, #tpu.memory_space<smem>>
    %dma_start3A_81 = arith.constant 10 : i32
    %dma_start3A_82 = arith.constant 0 : i32
    %dma_start3A_83 = tpu.memref_slice %arg18[%dma_start3A_81, %dma_start3A_82] : memref<128x64xf32, #tpu.memory_space<vmem>> -> memref<1x64xf32, #tpu.memory_space<vmem>>
    %dma_start3A_84 = arith.constant 0 : i32
    %dma_start3A_85 = tpu.memref_slice %arg3[%get3A_80, %dma_start3A_84] : memref<100000x64xf32, #tpu.memory_space<any>> -> memref<1x64xf32, #tpu.memory_space<any>>
    tpu.enqueue_dma source(%dma_start3A_85 : memref<1x64xf32, #tpu.memory_space<any>>) target(%dma_start3A_83 : memref<1x64xf32, #tpu.memory_space<vmem>>) target_semaphore(%arg19 : memref<!tpu.dma_semaphore, #tpu.memory_space<semaphore_mem>>)
    %get3A_86 = arith.constant 11 : index
    %get3A_87 = arith.constant 0 : index
    %get3A_88 = memref.load %arg4[%get3A_86, %get3A_87] : memref<128x1xi32, #tpu.memory_space<smem>>
    %dma_start3A_89 = arith.constant 11 : i32
    %dma_start3A_90 = arith.constant 0 : i32
    %dma_start3A_91 = tpu.memref_slice %arg18[%dma_start3A_89, %dma_start3A_90] : memref<128x64xf32, #tpu.memory_space<vmem>> -> memref<1x64xf32, #tpu.memory_space<vmem>>
    %dma_start3A_92 = arith.constant 0 : i32
    %dma_start3A_93 = tpu.memref_slice %arg3[%get3A_88, %dma_start3A_92] : memref<100000x64xf32, #tpu.memory_space<any>> -> memref<1x64xf32, #tpu.memory_space<any>>
    tpu.enqueue_dma source(%dma_start3A_93 : memref<1x64xf32, #tpu.memory_space<any>>) target(%dma_start3A_91 : memref<1x64xf32, #tpu.memory_space<vmem>>) target_semaphore(%arg19 : memref<!tpu.dma_semaphore, #tpu.memory_space<semaphore_mem>>)
    %get3A_94 = arith.constant 12 : index
    %get3A_95 = arith.constant 0 : index
    %get3A_96 = memref.load %arg4[%get3A_94, %get3A_95] : memref<128x1xi32, #tpu.memory_space<smem>>
    %dma_start3A_97 = arith.constant 12 : i32
    %dma_start3A_98 = arith.constant 0 : i32
    %dma_start3A_99 = tpu.memref_slice %arg18[%dma_start3A_97, %dma_start3A_98] : memref<128x64xf32, #tpu.memory_space<vmem>> -> memref<1x64xf32, #tpu.memory_space<vmem>>
    %dma_start3A_100 = arith.constant 0 : i32
    %dma_start3A_101 = tpu.memref_slice %arg3[%get3A_96, %dma_start3A_100] : memref<100000x64xf32, #tpu.memory_space<any>> -> memref<1x64xf32, #tpu.memory_space<any>>
    tpu.enqueue_dma source(%dma_start3A_101 : memref<1x64xf32, #tpu.memory_space<any>>) target(%dma_start3A_99 : memref<1x64xf32, #tpu.memory_space<vmem>>) target_semaphore(%arg19 : memref<!tpu.dma_semaphore, #tpu.memory_space<semaphore_mem>>)
    %get3A_102 = arith.constant 13 : index
    %get3A_103 = arith.constant 0 : index
    %get3A_104 = memref.load %arg4[%get3A_102, %get3A_103] : memref<128x1xi32, #tpu.memory_space<smem>>
    %dma_start3A_105 = arith.constant 13 : i32
    %dma_start3A_106 = arith.constant 0 : i32
    %dma_start3A_107 = tpu.memref_slice %arg18[%dma_start3A_105, %dma_start3A_106] : memref<128x64xf32, #tpu.memory_space<vmem>> -> memref<1x64xf32, #tpu.memory_space<vmem>>
    %dma_start3A_108 = arith.constant 0 : i32
    %dma_start3A_109 = tpu.memref_slice %arg3[%get3A_104, %dma_start3A_108] : memref<100000x64xf32, #tpu.memory_space<any>> -> memref<1x64xf32, #tpu.memory_space<any>>
    tpu.enqueue_dma source(%dma_start3A_109 : memref<1x64xf32, #tpu.memory_space<any>>) target(%dma_start3A_107 : memref<1x64xf32, #tpu.memory_space<vmem>>) target_semaphore(%arg19 : memref<!tpu.dma_semaphore, #tpu.memory_space<semaphore_mem>>)
    %get3A_110 = arith.constant 14 : index
    %get3A_111 = arith.constant 0 : index
    %get3A_112 = memref.load %arg4[%get3A_110, %get3A_111] : memref<128x1xi32, #tpu.memory_space<smem>>
    %dma_start3A_113 = arith.constant 14 : i32
    %dma_start3A_114 = arith.constant 0 : i32
    %dma_start3A_115 = tpu.memref_slice %arg18[%dma_start3A_113, %dma_start3A_114] : memref<128x64xf32, #tpu.memory_space<vmem>> -> memref<1x64xf32, #tpu.memory_space<vmem>>
    %dma_start3A_116 = arith.constant 0 : i32
    %dma_start3A_117 = tpu.memref_slice %arg3[%get3A_112, %dma_start3A_116] : memref<100000x64xf32, #tpu.memory_space<any>> -> memref<1x64xf32, #tpu.memory_space<any>>
    tpu.enqueue_dma source(%dma_start3A_117 : memref<1x64xf32, #tpu.memory_space<any>>) target(%dma_start3A_115 : memref<1x64xf32, #tpu.memory_space<vmem>>) target_semaphore(%arg19 : memref<!tpu.dma_semaphore, #tpu.memory_space<semaphore_mem>>)
    %get3A_118 = arith.constant 15 : index
    %get3A_119 = arith.constant 0 : index
    %get3A_120 = memref.load %arg4[%get3A_118, %get3A_119] : memref<128x1xi32, #tpu.memory_space<smem>>
    %dma_start3A_121 = arith.constant 15 : i32
    %dma_start3A_122 = arith.constant 0 : i32
    %dma_start3A_123 = tpu.memref_slice %arg18[%dma_start3A_121, %dma_start3A_122] : memref<128x64xf32, #tpu.memory_space<vmem>> -> memref<1x64xf32, #tpu.memory_space<vmem>>
    %dma_start3A_124 = arith.constant 0 : i32
    %dma_start3A_125 = tpu.memref_slice %arg3[%get3A_120, %dma_start3A_124] : memref<100000x64xf32, #tpu.memory_space<any>> -> memref<1x64xf32, #tpu.memory_space<any>>
    tpu.enqueue_dma source(%dma_start3A_125 : memref<1x64xf32, #tpu.memory_space<any>>) target(%dma_start3A_123 : memref<1x64xf32, #tpu.memory_space<vmem>>) target_semaphore(%arg19 : memref<!tpu.dma_semaphore, #tpu.memory_space<semaphore_mem>>)
    %get3A_126 = arith.constant 16 : index
    %get3A_127 = arith.constant 0 : index
    %get3A_128 = memref.load %arg4[%get3A_126, %get3A_127] : memref<128x1xi32, #tpu.memory_space<smem>>
    %dma_start3A_129 = arith.constant 16 : i32
    %dma_start3A_130 = arith.constant 0 : i32
    %dma_start3A_131 = tpu.memref_slice %arg18[%dma_start3A_129, %dma_start3A_130] : memref<128x64xf32, #tpu.memory_space<vmem>> -> memref<1x64xf32, #tpu.memory_space<vmem>>
    %dma_start3A_132 = arith.constant 0 : i32
    %dma_start3A_133 = tpu.memref_slice %arg3[%get3A_128, %dma_start3A_132] : memref<100000x64xf32, #tpu.memory_space<any>> -> memref<1x64xf32, #tpu.memory_space<any>>
    tpu.enqueue_dma source(%dma_start3A_133 : memref<1x64xf32, #tpu.memory_space<any>>) target(%dma_start3A_131 : memref<1x64xf32, #tpu.memory_space<vmem>>) target_semaphore(%arg19 : memref<!tpu.dma_semaphore, #tpu.memory_space<semaphore_mem>>)
    %get3A_134 = arith.constant 17 : index
    %get3A_135 = arith.constant 0 : index
    %get3A_136 = memref.load %arg4[%get3A_134, %get3A_135] : memref<128x1xi32, #tpu.memory_space<smem>>
    %dma_start3A_137 = arith.constant 17 : i32
    %dma_start3A_138 = arith.constant 0 : i32
    %dma_start3A_139 = tpu.memref_slice %arg18[%dma_start3A_137, %dma_start3A_138] : memref<128x64xf32, #tpu.memory_space<vmem>> -> memref<1x64xf32, #tpu.memory_space<vmem>>
    %dma_start3A_140 = arith.constant 0 : i32
    %dma_start3A_141 = tpu.memref_slice %arg3[%get3A_136, %dma_start3A_140] : memref<100000x64xf32, #tpu.memory_space<any>> -> memref<1x64xf32, #tpu.memory_space<any>>
    tpu.enqueue_dma source(%dma_start3A_141 : memref<1x64xf32, #tpu.memory_space<any>>) target(%dma_start3A_139 : memref<1x64xf32, #tpu.memory_space<vmem>>) target_semaphore(%arg19 : memref<!tpu.dma_semaphore, #tpu.memory_space<semaphore_mem>>)
    %get3A_142 = arith.constant 18 : index
    %get3A_143 = arith.constant 0 : index
    %get3A_144 = memref.load %arg4[%get3A_142, %get3A_143] : memref<128x1xi32, #tpu.memory_space<smem>>
    %dma_start3A_145 = arith.constant 18 : i32
    %dma_start3A_146 = arith.constant 0 : i32
    %dma_start3A_147 = tpu.memref_slice %arg18[%dma_start3A_145, %dma_start3A_146] : memref<128x64xf32, #tpu.memory_space<vmem>> -> memref<1x64xf32, #tpu.memory_space<vmem>>
    %dma_start3A_148 = arith.constant 0 : i32
    %dma_start3A_149 = tpu.memref_slice %arg3[%get3A_144, %dma_start3A_148] : memref<100000x64xf32, #tpu.memory_space<any>> -> memref<1x64xf32, #tpu.memory_space<any>>
    tpu.enqueue_dma source(%dma_start3A_149 : memref<1x64xf32, #tpu.memory_space<any>>) target(%dma_start3A_147 : memref<1x64xf32, #tpu.memory_space<vmem>>) target_semaphore(%arg19 : memref<!tpu.dma_semaphore, #tpu.memory_space<semaphore_mem>>)
    %get3A_150 = arith.constant 19 : index
    %get3A_151 = arith.constant 0 : index
    %get3A_152 = memref.load %arg4[%get3A_150, %get3A_151] : memref<128x1xi32, #tpu.memory_space<smem>>
    %dma_start3A_153 = arith.constant 19 : i32
    %dma_start3A_154 = arith.constant 0 : i32
    %dma_start3A_155 = tpu.memref_slice %arg18[%dma_start3A_153, %dma_start3A_154] : memref<128x64xf32, #tpu.memory_space<vmem>> -> memref<1x64xf32, #tpu.memory_space<vmem>>
    %dma_start3A_156 = arith.constant 0 : i32
    %dma_start3A_157 = tpu.memref_slice %arg3[%get3A_152, %dma_start3A_156] : memref<100000x64xf32, #tpu.memory_space<any>> -> memref<1x64xf32, #tpu.memory_space<any>>
    tpu.enqueue_dma source(%dma_start3A_157 : memref<1x64xf32, #tpu.memory_space<any>>) target(%dma_start3A_155 : memref<1x64xf32, #tpu.memory_space<vmem>>) target_semaphore(%arg19 : memref<!tpu.dma_semaphore, #tpu.memory_space<semaphore_mem>>)
    %get3A_158 = arith.constant 20 : index
    %get3A_159 = arith.constant 0 : index
    %get3A_160 = memref.load %arg4[%get3A_158, %get3A_159] : memref<128x1xi32, #tpu.memory_space<smem>>
    %dma_start3A_161 = arith.constant 20 : i32
    %dma_start3A_162 = arith.constant 0 : i32
    %dma_start3A_163 = tpu.memref_slice %arg18[%dma_start3A_161, %dma_start3A_162] : memref<128x64xf32, #tpu.memory_space<vmem>> -> memref<1x64xf32, #tpu.memory_space<vmem>>
    %dma_start3A_164 = arith.constant 0 : i32
    %dma_start3A_165 = tpu.memref_slice %arg3[%get3A_160, %dma_start3A_164] : memref<100000x64xf32, #tpu.memory_space<any>> -> memref<1x64xf32, #tpu.memory_space<any>>
    tpu.enqueue_dma source(%dma_start3A_165 : memref<1x64xf32, #tpu.memory_space<any>>) target(%dma_start3A_163 : memref<1x64xf32, #tpu.memory_space<vmem>>) target_semaphore(%arg19 : memref<!tpu.dma_semaphore, #tpu.memory_space<semaphore_mem>>)
    %get3A_166 = arith.constant 21 : index
    %get3A_167 = arith.constant 0 : index
    %get3A_168 = memref.load %arg4[%get3A_166, %get3A_167] : memref<128x1xi32, #tpu.memory_space<smem>>
    %dma_start3A_169 = arith.constant 21 : i32
    %dma_start3A_170 = arith.constant 0 : i32
    %dma_start3A_171 = tpu.memref_slice %arg18[%dma_start3A_169, %dma_start3A_170] : memref<128x64xf32, #tpu.memory_space<vmem>> -> memref<1x64xf32, #tpu.memory_space<vmem>>
    %dma_start3A_172 = arith.constant 0 : i32
    %dma_start3A_173 = tpu.memref_slice %arg3[%get3A_168, %dma_start3A_172] : memref<100000x64xf32, #tpu.memory_space<any>> -> memref<1x64xf32, #tpu.memory_space<any>>
    tpu.enqueue_dma source(%dma_start3A_173 : memref<1x64xf32, #tpu.memory_space<any>>) target(%dma_start3A_171 : memref<1x64xf32, #tpu.memory_space<vmem>>) target_semaphore(%arg19 : memref<!tpu.dma_semaphore, #tpu.memory_space<semaphore_mem>>)
    %get3A_174 = arith.constant 22 : index
    %get3A_175 = arith.constant 0 : index
    %get3A_176 = memref.load %arg4[%get3A_174, %get3A_175] : memref<128x1xi32, #tpu.memory_space<smem>>
    %dma_start3A_177 = arith.constant 22 : i32
    %dma_start3A_178 = arith.constant 0 : i32
    %dma_start3A_179 = tpu.memref_slice %arg18[%dma_start3A_177, %dma_start3A_178] : memref<128x64xf32, #tpu.memory_space<vmem>> -> memref<1x64xf32, #tpu.memory_space<vmem>>
    %dma_start3A_180 = arith.constant 0 : i32
    %dma_start3A_181 = tpu.memref_slice %arg3[%get3A_176, %dma_start3A_180] : memref<100000x64xf32, #tpu.memory_space<any>> -> memref<1x64xf32, #tpu.memory_space<any>>
    tpu.enqueue_dma source(%dma_start3A_181 : memref<1x64xf32, #tpu.memory_space<any>>) target(%dma_start3A_179 : memref<1x64xf32, #tpu.memory_space<vmem>>) target_semaphore(%arg19 : memref<!tpu.dma_semaphore, #tpu.memory_space<semaphore_mem>>)
    %get3A_182 = arith.constant 23 : index
    %get3A_183 = arith.constant 0 : index
    %get3A_184 = memref.load %arg4[%get3A_182, %get3A_183] : memref<128x1xi32, #tpu.memory_space<smem>>
    %dma_start3A_185 = arith.constant 23 : i32
    %dma_start3A_186 = arith.constant 0 : i32
    %dma_start3A_187 = tpu.memref_slice %arg18[%dma_start3A_185, %dma_start3A_186] : memref<128x64xf32, #tpu.memory_space<vmem>> -> memref<1x64xf32, #tpu.memory_space<vmem>>
    %dma_start3A_188 = arith.constant 0 : i32
    %dma_start3A_189 = tpu.memref_slice %arg3[%get3A_184, %dma_start3A_188] : memref<100000x64xf32, #tpu.memory_space<any>> -> memref<1x64xf32, #tpu.memory_space<any>>
    tpu.enqueue_dma source(%dma_start3A_189 : memref<1x64xf32, #tpu.memory_space<any>>) target(%dma_start3A_187 : memref<1x64xf32, #tpu.memory_space<vmem>>) target_semaphore(%arg19 : memref<!tpu.dma_semaphore, #tpu.memory_space<semaphore_mem>>)
    %get3A_190 = arith.constant 24 : index
    %get3A_191 = arith.constant 0 : index
    %get3A_192 = memref.load %arg4[%get3A_190, %get3A_191] : memref<128x1xi32, #tpu.memory_space<smem>>
    %dma_start3A_193 = arith.constant 24 : i32
    %dma_start3A_194 = arith.constant 0 : i32
    %dma_start3A_195 = tpu.memref_slice %arg18[%dma_start3A_193, %dma_start3A_194] : memref<128x64xf32, #tpu.memory_space<vmem>> -> memref<1x64xf32, #tpu.memory_space<vmem>>
    %dma_start3A_196 = arith.constant 0 : i32
    %dma_start3A_197 = tpu.memref_slice %arg3[%get3A_192, %dma_start3A_196] : memref<100000x64xf32, #tpu.memory_space<any>> -> memref<1x64xf32, #tpu.memory_space<any>>
    tpu.enqueue_dma source(%dma_start3A_197 : memref<1x64xf32, #tpu.memory_space<any>>) target(%dma_start3A_195 : memref<1x64xf32, #tpu.memory_space<vmem>>) target_semaphore(%arg19 : memref<!tpu.dma_semaphore, #tpu.memory_space<semaphore_mem>>)
    %get3A_198 = arith.constant 25 : index
    %get3A_199 = arith.constant 0 : index
    %get3A_200 = memref.load %arg4[%get3A_198, %get3A_199] : memref<128x1xi32, #tpu.memory_space<smem>>
    %dma_start3A_201 = arith.constant 25 : i32
    %dma_start3A_202 = arith.constant 0 : i32
    %dma_start3A_203 = tpu.memref_slice %arg18[%dma_start3A_201, %dma_start3A_202] : memref<128x64xf32, #tpu.memory_space<vmem>> -> memref<1x64xf32, #tpu.memory_space<vmem>>
    %dma_start3A_204 = arith.constant 0 : i32
    %dma_start3A_205 = tpu.memref_slice %arg3[%get3A_200, %dma_start3A_204] : memref<100000x64xf32, #tpu.memory_space<any>> -> memref<1x64xf32, #tpu.memory_space<any>>
    tpu.enqueue_dma source(%dma_start3A_205 : memref<1x64xf32, #tpu.memory_space<any>>) target(%dma_start3A_203 : memref<1x64xf32, #tpu.memory_space<vmem>>) target_semaphore(%arg19 : memref<!tpu.dma_semaphore, #tpu.memory_space<semaphore_mem>>)
    %get3A_206 = arith.constant 26 : index
    %get3A_207 = arith.constant 0 : index
    %get3A_208 = memref.load %arg4[%get3A_206, %get3A_207] : memref<128x1xi32, #tpu.memory_space<smem>>
    %dma_start3A_209 = arith.constant 26 : i32
    %dma_start3A_210 = arith.constant 0 : i32
    %dma_start3A_211 = tpu.memref_slice %arg18[%dma_start3A_209, %dma_start3A_210] : memref<128x64xf32, #tpu.memory_space<vmem>> -> memref<1x64xf32, #tpu.memory_space<vmem>>
    %dma_start3A_212 = arith.constant 0 : i32
    %dma_start3A_213 = tpu.memref_slice %arg3[%get3A_208, %dma_start3A_212] : memref<100000x64xf32, #tpu.memory_space<any>> -> memref<1x64xf32, #tpu.memory_space<any>>
    tpu.enqueue_dma source(%dma_start3A_213 : memref<1x64xf32, #tpu.memory_space<any>>) target(%dma_start3A_211 : memref<1x64xf32, #tpu.memory_space<vmem>>) target_semaphore(%arg19 : memref<!tpu.dma_semaphore, #tpu.memory_space<semaphore_mem>>)
    %get3A_214 = arith.constant 27 : index
    %get3A_215 = arith.constant 0 : index
    %get3A_216 = memref.load %arg4[%get3A_214, %get3A_215] : memref<128x1xi32, #tpu.memory_space<smem>>
    %dma_start3A_217 = arith.constant 27 : i32
    %dma_start3A_218 = arith.constant 0 : i32
    %dma_start3A_219 = tpu.memref_slice %arg18[%dma_start3A_217, %dma_start3A_218] : memref<128x64xf32, #tpu.memory_space<vmem>> -> memref<1x64xf32, #tpu.memory_space<vmem>>
    %dma_start3A_220 = arith.constant 0 : i32
    %dma_start3A_221 = tpu.memref_slice %arg3[%get3A_216, %dma_start3A_220] : memref<100000x64xf32, #tpu.memory_space<any>> -> memref<1x64xf32, #tpu.memory_space<any>>
    tpu.enqueue_dma source(%dma_start3A_221 : memref<1x64xf32, #tpu.memory_space<any>>) target(%dma_start3A_219 : memref<1x64xf32, #tpu.memory_space<vmem>>) target_semaphore(%arg19 : memref<!tpu.dma_semaphore, #tpu.memory_space<semaphore_mem>>)
    %get3A_222 = arith.constant 28 : index
    %get3A_223 = arith.constant 0 : index
    %get3A_224 = memref.load %arg4[%get3A_222, %get3A_223] : memref<128x1xi32, #tpu.memory_space<smem>>
    %dma_start3A_225 = arith.constant 28 : i32
    %dma_start3A_226 = arith.constant 0 : i32
    %dma_start3A_227 = tpu.memref_slice %arg18[%dma_start3A_225, %dma_start3A_226] : memref<128x64xf32, #tpu.memory_space<vmem>> -> memref<1x64xf32, #tpu.memory_space<vmem>>
    %dma_start3A_228 = arith.constant 0 : i32
    %dma_start3A_229 = tpu.memref_slice %arg3[%get3A_224, %dma_start3A_228] : memref<100000x64xf32, #tpu.memory_space<any>> -> memref<1x64xf32, #tpu.memory_space<any>>
    tpu.enqueue_dma source(%dma_start3A_229 : memref<1x64xf32, #tpu.memory_space<any>>) target(%dma_start3A_227 : memref<1x64xf32, #tpu.memory_space<vmem>>) target_semaphore(%arg19 : memref<!tpu.dma_semaphore, #tpu.memory_space<semaphore_mem>>)
    %get3A_230 = arith.constant 29 : index
    %get3A_231 = arith.constant 0 : index
    %get3A_232 = memref.load %arg4[%get3A_230, %get3A_231] : memref<128x1xi32, #tpu.memory_space<smem>>
    %dma_start3A_233 = arith.constant 29 : i32
    %dma_start3A_234 = arith.constant 0 : i32
    %dma_start3A_235 = tpu.memref_slice %arg18[%dma_start3A_233, %dma_start3A_234] : memref<128x64xf32, #tpu.memory_space<vmem>> -> memref<1x64xf32, #tpu.memory_space<vmem>>
    %dma_start3A_236 = arith.constant 0 : i32
    %dma_start3A_237 = tpu.memref_slice %arg3[%get3A_232, %dma_start3A_236] : memref<100000x64xf32, #tpu.memory_space<any>> -> memref<1x64xf32, #tpu.memory_space<any>>
    tpu.enqueue_dma source(%dma_start3A_237 : memref<1x64xf32, #tpu.memory_space<any>>) target(%dma_start3A_235 : memref<1x64xf32, #tpu.memory_space<vmem>>) target_semaphore(%arg19 : memref<!tpu.dma_semaphore, #tpu.memory_space<semaphore_mem>>)
    %get3A_238 = arith.constant 30 : index
    %get3A_239 = arith.constant 0 : index
    %get3A_240 = memref.load %arg4[%get3A_238, %get3A_239] : memref<128x1xi32, #tpu.memory_space<smem>>
    %dma_start3A_241 = arith.constant 30 : i32
    %dma_start3A_242 = arith.constant 0 : i32
    %dma_start3A_243 = tpu.memref_slice %arg18[%dma_start3A_241, %dma_start3A_242] : memref<128x64xf32, #tpu.memory_space<vmem>> -> memref<1x64xf32, #tpu.memory_space<vmem>>
    %dma_start3A_244 = arith.constant 0 : i32
    %dma_start3A_245 = tpu.memref_slice %arg3[%get3A_240, %dma_start3A_244] : memref<100000x64xf32, #tpu.memory_space<any>> -> memref<1x64xf32, #tpu.memory_space<any>>
    tpu.enqueue_dma source(%dma_start3A_245 : memref<1x64xf32, #tpu.memory_space<any>>) target(%dma_start3A_243 : memref<1x64xf32, #tpu.memory_space<vmem>>) target_semaphore(%arg19 : memref<!tpu.dma_semaphore, #tpu.memory_space<semaphore_mem>>)
    %get3A_246 = arith.constant 31 : index
    %get3A_247 = arith.constant 0 : index
    %get3A_248 = memref.load %arg4[%get3A_246, %get3A_247] : memref<128x1xi32, #tpu.memory_space<smem>>
    %dma_start3A_249 = arith.constant 31 : i32
    %dma_start3A_250 = arith.constant 0 : i32
    %dma_start3A_251 = tpu.memref_slice %arg18[%dma_start3A_249, %dma_start3A_250] : memref<128x64xf32, #tpu.memory_space<vmem>> -> memref<1x64xf32, #tpu.memory_space<vmem>>
    %dma_start3A_252 = arith.constant 0 : i32
    %dma_start3A_253 = tpu.memref_slice %arg3[%get3A_248, %dma_start3A_252] : memref<100000x64xf32, #tpu.memory_space<any>> -> memref<1x64xf32, #tpu.memory_space<any>>
    tpu.enqueue_dma source(%dma_start3A_253 : memref<1x64xf32, #tpu.memory_space<any>>) target(%dma_start3A_251 : memref<1x64xf32, #tpu.memory_space<vmem>>) target_semaphore(%arg19 : memref<!tpu.dma_semaphore, #tpu.memory_space<semaphore_mem>>)
    %get3A_254 = arith.constant 32 : index
    %get3A_255 = arith.constant 0 : index
    %get3A_256 = memref.load %arg4[%get3A_254, %get3A_255] : memref<128x1xi32, #tpu.memory_space<smem>>
    %dma_start3A_257 = arith.constant 32 : i32
    %dma_start3A_258 = arith.constant 0 : i32
    %dma_start3A_259 = tpu.memref_slice %arg18[%dma_start3A_257, %dma_start3A_258] : memref<128x64xf32, #tpu.memory_space<vmem>> -> memref<1x64xf32, #tpu.memory_space<vmem>>
    %dma_start3A_260 = arith.constant 0 : i32
    %dma_start3A_261 = tpu.memref_slice %arg3[%get3A_256, %dma_start3A_260] : memref<100000x64xf32, #tpu.memory_space<any>> -> memref<1x64xf32, #tpu.memory_space<any>>
    tpu.enqueue_dma source(%dma_start3A_261 : memref<1x64xf32, #tpu.memory_space<any>>) target(%dma_start3A_259 : memref<1x64xf32, #tpu.memory_space<vmem>>) target_semaphore(%arg19 : memref<!tpu.dma_semaphore, #tpu.memory_space<semaphore_mem>>)
    %get3A_262 = arith.constant 33 : index
    %get3A_263 = arith.constant 0 : index
    %get3A_264 = memref.load %arg4[%get3A_262, %get3A_263] : memref<128x1xi32, #tpu.memory_space<smem>>
    %dma_start3A_265 = arith.constant 33 : i32
    %dma_start3A_266 = arith.constant 0 : i32
    %dma_start3A_267 = tpu.memref_slice %arg18[%dma_start3A_265, %dma_start3A_266] : memref<128x64xf32, #tpu.memory_space<vmem>> -> memref<1x64xf32, #tpu.memory_space<vmem>>
    %dma_start3A_268 = arith.constant 0 : i32
    %dma_start3A_269 = tpu.memref_slice %arg3[%get3A_264, %dma_start3A_268] : memref<100000x64xf32, #tpu.memory_space<any>> -> memref<1x64xf32, #tpu.memory_space<any>>
    tpu.enqueue_dma source(%dma_start3A_269 : memref<1x64xf32, #tpu.memory_space<any>>) target(%dma_start3A_267 : memref<1x64xf32, #tpu.memory_space<vmem>>) target_semaphore(%arg19 : memref<!tpu.dma_semaphore, #tpu.memory_space<semaphore_mem>>)
    %get3A_270 = arith.constant 34 : index
    %get3A_271 = arith.constant 0 : index
    %get3A_272 = memref.load %arg4[%get3A_270, %get3A_271] : memref<128x1xi32, #tpu.memory_space<smem>>
    %dma_start3A_273 = arith.constant 34 : i32
    %dma_start3A_274 = arith.constant 0 : i32
    %dma_start3A_275 = tpu.memref_slice %arg18[%dma_start3A_273, %dma_start3A_274] : memref<128x64xf32, #tpu.memory_space<vmem>> -> memref<1x64xf32, #tpu.memory_space<vmem>>
    %dma_start3A_276 = arith.constant 0 : i32
    %dma_start3A_277 = tpu.memref_slice %arg3[%get3A_272, %dma_start3A_276] : memref<100000x64xf32, #tpu.memory_space<any>> -> memref<1x64xf32, #tpu.memory_space<any>>
    tpu.enqueue_dma source(%dma_start3A_277 : memref<1x64xf32, #tpu.memory_space<any>>) target(%dma_start3A_275 : memref<1x64xf32, #tpu.memory_space<vmem>>) target_semaphore(%arg19 : memref<!tpu.dma_semaphore, #tpu.memory_space<semaphore_mem>>)
    %get3A_278 = arith.constant 35 : index
    %get3A_279 = arith.constant 0 : index
    %get3A_280 = memref.load %arg4[%get3A_278, %get3A_279] : memref<128x1xi32, #tpu.memory_space<smem>>
    %dma_start3A_281 = arith.constant 35 : i32
    %dma_start3A_282 = arith.constant 0 : i32
    %dma_start3A_283 = tpu.memref_slice %arg18[%dma_start3A_281, %dma_start3A_282] : memref<128x64xf32, #tpu.memory_space<vmem>> -> memref<1x64xf32, #tpu.memory_space<vmem>>
    %dma_start3A_284 = arith.constant 0 : i32
    %dma_start3A_285 = tpu.memref_slice %arg3[%get3A_280, %dma_start3A_284] : memref<100000x64xf32, #tpu.memory_space<any>> -> memref<1x64xf32, #tpu.memory_space<any>>
    tpu.enqueue_dma source(%dma_start3A_285 : memref<1x64xf32, #tpu.memory_space<any>>) target(%dma_start3A_283 : memref<1x64xf32, #tpu.memory_space<vmem>>) target_semaphore(%arg19 : memref<!tpu.dma_semaphore, #tpu.memory_space<semaphore_mem>>)
    %get3A_286 = arith.constant 36 : index
    %get3A_287 = arith.constant 0 : index
    %get3A_288 = memref.load %arg4[%get3A_286, %get3A_287] : memref<128x1xi32, #tpu.memory_space<smem>>
    %dma_start3A_289 = arith.constant 36 : i32
    %dma_start3A_290 = arith.constant 0 : i32
    %dma_start3A_291 = tpu.memref_slice %arg18[%dma_start3A_289, %dma_start3A_290] : memref<128x64xf32, #tpu.memory_space<vmem>> -> memref<1x64xf32, #tpu.memory_space<vmem>>
    %dma_start3A_292 = arith.constant 0 : i32
    %dma_start3A_293 = tpu.memref_slice %arg3[%get3A_288, %dma_start3A_292] : memref<100000x64xf32, #tpu.memory_space<any>> -> memref<1x64xf32, #tpu.memory_space<any>>
    tpu.enqueue_dma source(%dma_start3A_293 : memref<1x64xf32, #tpu.memory_space<any>>) target(%dma_start3A_291 : memref<1x64xf32, #tpu.memory_space<vmem>>) target_semaphore(%arg19 : memref<!tpu.dma_semaphore, #tpu.memory_space<semaphore_mem>>)
    %get3A_294 = arith.constant 37 : index
    %get3A_295 = arith.constant 0 : index
    %get3A_296 = memref.load %arg4[%get3A_294, %get3A_295] : memref<128x1xi32, #tpu.memory_space<smem>>
    %dma_start3A_297 = arith.constant 37 : i32
    %dma_start3A_298 = arith.constant 0 : i32
    %dma_start3A_299 = tpu.memref_slice %arg18[%dma_start3A_297, %dma_start3A_298] : memref<128x64xf32, #tpu.memory_space<vmem>> -> memref<1x64xf32, #tpu.memory_space<vmem>>
    %dma_start3A_300 = arith.constant 0 : i32
    %dma_start3A_301 = tpu.memref_slice %arg3[%get3A_296, %dma_start3A_300] : memref<100000x64xf32, #tpu.memory_space<any>> -> memref<1x64xf32, #tpu.memory_space<any>>
    tpu.enqueue_dma source(%dma_start3A_301 : memref<1x64xf32, #tpu.memory_space<any>>) target(%dma_start3A_299 : memref<1x64xf32, #tpu.memory_space<vmem>>) target_semaphore(%arg19 : memref<!tpu.dma_semaphore, #tpu.memory_space<semaphore_mem>>)
    %get3A_302 = arith.constant 38 : index
    %get3A_303 = arith.constant 0 : index
    %get3A_304 = memref.load %arg4[%get3A_302, %get3A_303] : memref<128x1xi32, #tpu.memory_space<smem>>
    %dma_start3A_305 = arith.constant 38 : i32
    %dma_start3A_306 = arith.constant 0 : i32
    %dma_start3A_307 = tpu.memref_slice %arg18[%dma_start3A_305, %dma_start3A_306] : memref<128x64xf32, #tpu.memory_space<vmem>> -> memref<1x64xf32, #tpu.memory_space<vmem>>
    %dma_start3A_308 = arith.constant 0 : i32
    %dma_start3A_309 = tpu.memref_slice %arg3[%get3A_304, %dma_start3A_308] : memref<100000x64xf32, #tpu.memory_space<any>> -> memref<1x64xf32, #tpu.memory_space<any>>
    tpu.enqueue_dma source(%dma_start3A_309 : memref<1x64xf32, #tpu.memory_space<any>>) target(%dma_start3A_307 : memref<1x64xf32, #tpu.memory_space<vmem>>) target_semaphore(%arg19 : memref<!tpu.dma_semaphore, #tpu.memory_space<semaphore_mem>>)
    %get3A_310 = arith.constant 39 : index
    %get3A_311 = arith.constant 0 : index
    %get3A_312 = memref.load %arg4[%get3A_310, %get3A_311] : memref<128x1xi32, #tpu.memory_space<smem>>
    %dma_start3A_313 = arith.constant 39 : i32
    %dma_start3A_314 = arith.constant 0 : i32
    %dma_start3A_315 = tpu.memref_slice %arg18[%dma_start3A_313, %dma_start3A_314] : memref<128x64xf32, #tpu.memory_space<vmem>> -> memref<1x64xf32, #tpu.memory_space<vmem>>
    %dma_start3A_316 = arith.constant 0 : i32
    %dma_start3A_317 = tpu.memref_slice %arg3[%get3A_312, %dma_start3A_316] : memref<100000x64xf32, #tpu.memory_space<any>> -> memref<1x64xf32, #tpu.memory_space<any>>
    tpu.enqueue_dma source(%dma_start3A_317 : memref<1x64xf32, #tpu.memory_space<any>>) target(%dma_start3A_315 : memref<1x64xf32, #tpu.memory_space<vmem>>) target_semaphore(%arg19 : memref<!tpu.dma_semaphore, #tpu.memory_space<semaphore_mem>>)
    %get3A_318 = arith.constant 40 : index
    %get3A_319 = arith.constant 0 : index
    %get3A_320 = memref.load %arg4[%get3A_318, %get3A_319] : memref<128x1xi32, #tpu.memory_space<smem>>
    %dma_start3A_321 = arith.constant 40 : i32
    %dma_start3A_322 = arith.constant 0 : i32
    %dma_start3A_323 = tpu.memref_slice %arg18[%dma_start3A_321, %dma_start3A_322] : memref<128x64xf32, #tpu.memory_space<vmem>> -> memref<1x64xf32, #tpu.memory_space<vmem>>
    %dma_start3A_324 = arith.constant 0 : i32
    %dma_start3A_325 = tpu.memref_slice %arg3[%get3A_320, %dma_start3A_324] : memref<100000x64xf32, #tpu.memory_space<any>> -> memref<1x64xf32, #tpu.memory_space<any>>
    tpu.enqueue_dma source(%dma_start3A_325 : memref<1x64xf32, #tpu.memory_space<any>>) target(%dma_start3A_323 : memref<1x64xf32, #tpu.memory_space<vmem>>) target_semaphore(%arg19 : memref<!tpu.dma_semaphore, #tpu.memory_space<semaphore_mem>>)
    %get3A_326 = arith.constant 41 : index
    %get3A_327 = arith.constant 0 : index
    %get3A_328 = memref.load %arg4[%get3A_326, %get3A_327] : memref<128x1xi32, #tpu.memory_space<smem>>
    %dma_start3A_329 = arith.constant 41 : i32
    %dma_start3A_330 = arith.constant 0 : i32
    %dma_start3A_331 = tpu.memref_slice %arg18[%dma_start3A_329, %dma_start3A_330] : memref<128x64xf32, #tpu.memory_space<vmem>> -> memref<1x64xf32, #tpu.memory_space<vmem>>
    %dma_start3A_332 = arith.constant 0 : i32
    %dma_start3A_333 = tpu.memref_slice %arg3[%get3A_328, %dma_start3A_332] : memref<100000x64xf32, #tpu.memory_space<any>> -> memref<1x64xf32, #tpu.memory_space<any>>
    tpu.enqueue_dma source(%dma_start3A_333 : memref<1x64xf32, #tpu.memory_space<any>>) target(%dma_start3A_331 : memref<1x64xf32, #tpu.memory_space<vmem>>) target_semaphore(%arg19 : memref<!tpu.dma_semaphore, #tpu.memory_space<semaphore_mem>>)
    %get3A_334 = arith.constant 42 : index
    %get3A_335 = arith.constant 0 : index
    %get3A_336 = memref.load %arg4[%get3A_334, %get3A_335] : memref<128x1xi32, #tpu.memory_space<smem>>
    %dma_start3A_337 = arith.constant 42 : i32
    %dma_start3A_338 = arith.constant 0 : i32
    %dma_start3A_339 = tpu.memref_slice %arg18[%dma_start3A_337, %dma_start3A_338] : memref<128x64xf32, #tpu.memory_space<vmem>> -> memref<1x64xf32, #tpu.memory_space<vmem>>
    %dma_start3A_340 = arith.constant 0 : i32
    %dma_start3A_341 = tpu.memref_slice %arg3[%get3A_336, %dma_start3A_340] : memref<100000x64xf32, #tpu.memory_space<any>> -> memref<1x64xf32, #tpu.memory_space<any>>
    tpu.enqueue_dma source(%dma_start3A_341 : memref<1x64xf32, #tpu.memory_space<any>>) target(%dma_start3A_339 : memref<1x64xf32, #tpu.memory_space<vmem>>) target_semaphore(%arg19 : memref<!tpu.dma_semaphore, #tpu.memory_space<semaphore_mem>>)
    %get3A_342 = arith.constant 43 : index
    %get3A_343 = arith.constant 0 : index
    %get3A_344 = memref.load %arg4[%get3A_342, %get3A_343] : memref<128x1xi32, #tpu.memory_space<smem>>
    %dma_start3A_345 = arith.constant 43 : i32
    %dma_start3A_346 = arith.constant 0 : i32
    %dma_start3A_347 = tpu.memref_slice %arg18[%dma_start3A_345, %dma_start3A_346] : memref<128x64xf32, #tpu.memory_space<vmem>> -> memref<1x64xf32, #tpu.memory_space<vmem>>
    %dma_start3A_348 = arith.constant 0 : i32
    %dma_start3A_349 = tpu.memref_slice %arg3[%get3A_344, %dma_start3A_348] : memref<100000x64xf32, #tpu.memory_space<any>> -> memref<1x64xf32, #tpu.memory_space<any>>
    tpu.enqueue_dma source(%dma_start3A_349 : memref<1x64xf32, #tpu.memory_space<any>>) target(%dma_start3A_347 : memref<1x64xf32, #tpu.memory_space<vmem>>) target_semaphore(%arg19 : memref<!tpu.dma_semaphore, #tpu.memory_space<semaphore_mem>>)
    %get3A_350 = arith.constant 44 : index
    %get3A_351 = arith.constant 0 : index
    %get3A_352 = memref.load %arg4[%get3A_350, %get3A_351] : memref<128x1xi32, #tpu.memory_space<smem>>
    %dma_start3A_353 = arith.constant 44 : i32
    %dma_start3A_354 = arith.constant 0 : i32
    %dma_start3A_355 = tpu.memref_slice %arg18[%dma_start3A_353, %dma_start3A_354] : memref<128x64xf32, #tpu.memory_space<vmem>> -> memref<1x64xf32, #tpu.memory_space<vmem>>
    %dma_start3A_356 = arith.constant 0 : i32
    %dma_start3A_357 = tpu.memref_slice %arg3[%get3A_352, %dma_start3A_356] : memref<100000x64xf32, #tpu.memory_space<any>> -> memref<1x64xf32, #tpu.memory_space<any>>
    tpu.enqueue_dma source(%dma_start3A_357 : memref<1x64xf32, #tpu.memory_space<any>>) target(%dma_start3A_355 : memref<1x64xf32, #tpu.memory_space<vmem>>) target_semaphore(%arg19 : memref<!tpu.dma_semaphore, #tpu.memory_space<semaphore_mem>>)
    %get3A_358 = arith.constant 45 : index
    %get3A_359 = arith.constant 0 : index
    %get3A_360 = memref.load %arg4[%get3A_358, %get3A_359] : memref<128x1xi32, #tpu.memory_space<smem>>
    %dma_start3A_361 = arith.constant 45 : i32
    %dma_start3A_362 = arith.constant 0 : i32
    %dma_start3A_363 = tpu.memref_slice %arg18[%dma_start3A_361, %dma_start3A_362] : memref<128x64xf32, #tpu.memory_space<vmem>> -> memref<1x64xf32, #tpu.memory_space<vmem>>
    %dma_start3A_364 = arith.constant 0 : i32
    %dma_start3A_365 = tpu.memref_slice %arg3[%get3A_360, %dma_start3A_364] : memref<100000x64xf32, #tpu.memory_space<any>> -> memref<1x64xf32, #tpu.memory_space<any>>
    tpu.enqueue_dma source(%dma_start3A_365 : memref<1x64xf32, #tpu.memory_space<any>>) target(%dma_start3A_363 : memref<1x64xf32, #tpu.memory_space<vmem>>) target_semaphore(%arg19 : memref<!tpu.dma_semaphore, #tpu.memory_space<semaphore_mem>>)
    %get3A_366 = arith.constant 46 : index
    %get3A_367 = arith.constant 0 : index
    %get3A_368 = memref.load %arg4[%get3A_366, %get3A_367] : memref<128x1xi32, #tpu.memory_space<smem>>
    %dma_start3A_369 = arith.constant 46 : i32
    %dma_start3A_370 = arith.constant 0 : i32
    %dma_start3A_371 = tpu.memref_slice %arg18[%dma_start3A_369, %dma_start3A_370] : memref<128x64xf32, #tpu.memory_space<vmem>> -> memref<1x64xf32, #tpu.memory_space<vmem>>
    %dma_start3A_372 = arith.constant 0 : i32
    %dma_start3A_373 = tpu.memref_slice %arg3[%get3A_368, %dma_start3A_372] : memref<100000x64xf32, #tpu.memory_space<any>> -> memref<1x64xf32, #tpu.memory_space<any>>
    tpu.enqueue_dma source(%dma_start3A_373 : memref<1x64xf32, #tpu.memory_space<any>>) target(%dma_start3A_371 : memref<1x64xf32, #tpu.memory_space<vmem>>) target_semaphore(%arg19 : memref<!tpu.dma_semaphore, #tpu.memory_space<semaphore_mem>>)
    %get3A_374 = arith.constant 47 : index
    %get3A_375 = arith.constant 0 : index
    %get3A_376 = memref.load %arg4[%get3A_374, %get3A_375] : memref<128x1xi32, #tpu.memory_space<smem>>
    %dma_start3A_377 = arith.constant 47 : i32
    %dma_start3A_378 = arith.constant 0 : i32
    %dma_start3A_379 = tpu.memref_slice %arg18[%dma_start3A_377, %dma_start3A_378] : memref<128x64xf32, #tpu.memory_space<vmem>> -> memref<1x64xf32, #tpu.memory_space<vmem>>
    %dma_start3A_380 = arith.constant 0 : i32
    %dma_start3A_381 = tpu.memref_slice %arg3[%get3A_376, %dma_start3A_380] : memref<100000x64xf32, #tpu.memory_space<any>> -> memref<1x64xf32, #tpu.memory_space<any>>
    tpu.enqueue_dma source(%dma_start3A_381 : memref<1x64xf32, #tpu.memory_space<any>>) target(%dma_start3A_379 : memref<1x64xf32, #tpu.memory_space<vmem>>) target_semaphore(%arg19 : memref<!tpu.dma_semaphore, #tpu.memory_space<semaphore_mem>>)
    %get3A_382 = arith.constant 48 : index
    %get3A_383 = arith.constant 0 : index
    %get3A_384 = memref.load %arg4[%get3A_382, %get3A_383] : memref<128x1xi32, #tpu.memory_space<smem>>
    %dma_start3A_385 = arith.constant 48 : i32
    %dma_start3A_386 = arith.constant 0 : i32
    %dma_start3A_387 = tpu.memref_slice %arg18[%dma_start3A_385, %dma_start3A_386] : memref<128x64xf32, #tpu.memory_space<vmem>> -> memref<1x64xf32, #tpu.memory_space<vmem>>
    %dma_start3A_388 = arith.constant 0 : i32
    %dma_start3A_389 = tpu.memref_slice %arg3[%get3A_384, %dma_start3A_388] : memref<100000x64xf32, #tpu.memory_space<any>> -> memref<1x64xf32, #tpu.memory_space<any>>
    tpu.enqueue_dma source(%dma_start3A_389 : memref<1x64xf32, #tpu.memory_space<any>>) target(%dma_start3A_387 : memref<1x64xf32, #tpu.memory_space<vmem>>) target_semaphore(%arg19 : memref<!tpu.dma_semaphore, #tpu.memory_space<semaphore_mem>>)
    %get3A_390 = arith.constant 49 : index
    %get3A_391 = arith.constant 0 : index
    %get3A_392 = memref.load %arg4[%get3A_390, %get3A_391] : memref<128x1xi32, #tpu.memory_space<smem>>
    %dma_start3A_393 = arith.constant 49 : i32
    %dma_start3A_394 = arith.constant 0 : i32
    %dma_start3A_395 = tpu.memref_slice %arg18[%dma_start3A_393, %dma_start3A_394] : memref<128x64xf32, #tpu.memory_space<vmem>> -> memref<1x64xf32, #tpu.memory_space<vmem>>
    %dma_start3A_396 = arith.constant 0 : i32
    %dma_start3A_397 = tpu.memref_slice %arg3[%get3A_392, %dma_start3A_396] : memref<100000x64xf32, #tpu.memory_space<any>> -> memref<1x64xf32, #tpu.memory_space<any>>
    tpu.enqueue_dma source(%dma_start3A_397 : memref<1x64xf32, #tpu.memory_space<any>>) target(%dma_start3A_395 : memref<1x64xf32, #tpu.memory_space<vmem>>) target_semaphore(%arg19 : memref<!tpu.dma_semaphore, #tpu.memory_space<semaphore_mem>>)
    %get3A_398 = arith.constant 50 : index
    %get3A_399 = arith.constant 0 : index
    %get3A_400 = memref.load %arg4[%get3A_398, %get3A_399] : memref<128x1xi32, #tpu.memory_space<smem>>
    %dma_start3A_401 = arith.constant 50 : i32
    %dma_start3A_402 = arith.constant 0 : i32
    %dma_start3A_403 = tpu.memref_slice %arg18[%dma_start3A_401, %dma_start3A_402] : memref<128x64xf32, #tpu.memory_space<vmem>> -> memref<1x64xf32, #tpu.memory_space<vmem>>
    %dma_start3A_404 = arith.constant 0 : i32
    %dma_start3A_405 = tpu.memref_slice %arg3[%get3A_400, %dma_start3A_404] : memref<100000x64xf32, #tpu.memory_space<any>> -> memref<1x64xf32, #tpu.memory_space<any>>
    tpu.enqueue_dma source(%dma_start3A_405 : memref<1x64xf32, #tpu.memory_space<any>>) target(%dma_start3A_403 : memref<1x64xf32, #tpu.memory_space<vmem>>) target_semaphore(%arg19 : memref<!tpu.dma_semaphore, #tpu.memory_space<semaphore_mem>>)
    %get3A_406 = arith.constant 51 : index
    %get3A_407 = arith.constant 0 : index
    %get3A_408 = memref.load %arg4[%get3A_406, %get3A_407] : memref<128x1xi32, #tpu.memory_space<smem>>
    %dma_start3A_409 = arith.constant 51 : i32
    %dma_start3A_410 = arith.constant 0 : i32
    %dma_start3A_411 = tpu.memref_slice %arg18[%dma_start3A_409, %dma_start3A_410] : memref<128x64xf32, #tpu.memory_space<vmem>> -> memref<1x64xf32, #tpu.memory_space<vmem>>
    %dma_start3A_412 = arith.constant 0 : i32
    %dma_start3A_413 = tpu.memref_slice %arg3[%get3A_408, %dma_start3A_412] : memref<100000x64xf32, #tpu.memory_space<any>> -> memref<1x64xf32, #tpu.memory_space<any>>
    tpu.enqueue_dma source(%dma_start3A_413 : memref<1x64xf32, #tpu.memory_space<any>>) target(%dma_start3A_411 : memref<1x64xf32, #tpu.memory_space<vmem>>) target_semaphore(%arg19 : memref<!tpu.dma_semaphore, #tpu.memory_space<semaphore_mem>>)
    %get3A_414 = arith.constant 52 : index
    %get3A_415 = arith.constant 0 : index
    %get3A_416 = memref.load %arg4[%get3A_414, %get3A_415] : memref<128x1xi32, #tpu.memory_space<smem>>
    %dma_start3A_417 = arith.constant 52 : i32
    %dma_start3A_418 = arith.constant 0 : i32
    %dma_start3A_419 = tpu.memref_slice %arg18[%dma_start3A_417, %dma_start3A_418] : memref<128x64xf32, #tpu.memory_space<vmem>> -> memref<1x64xf32, #tpu.memory_space<vmem>>
    %dma_start3A_420 = arith.constant 0 : i32
    %dma_start3A_421 = tpu.memref_slice %arg3[%get3A_416, %dma_start3A_420] : memref<100000x64xf32, #tpu.memory_space<any>> -> memref<1x64xf32, #tpu.memory_space<any>>
    tpu.enqueue_dma source(%dma_start3A_421 : memref<1x64xf32, #tpu.memory_space<any>>) target(%dma_start3A_419 : memref<1x64xf32, #tpu.memory_space<vmem>>) target_semaphore(%arg19 : memref<!tpu.dma_semaphore, #tpu.memory_space<semaphore_mem>>)
    %get3A_422 = arith.constant 53 : index
    %get3A_423 = arith.constant 0 : index
    %get3A_424 = memref.load %arg4[%get3A_422, %get3A_423] : memref<128x1xi32, #tpu.memory_space<smem>>
    %dma_start3A_425 = arith.constant 53 : i32
    %dma_start3A_426 = arith.constant 0 : i32
    %dma_start3A_427 = tpu.memref_slice %arg18[%dma_start3A_425, %dma_start3A_426] : memref<128x64xf32, #tpu.memory_space<vmem>> -> memref<1x64xf32, #tpu.memory_space<vmem>>
    %dma_start3A_428 = arith.constant 0 : i32
    %dma_start3A_429 = tpu.memref_slice %arg3[%get3A_424, %dma_start3A_428] : memref<100000x64xf32, #tpu.memory_space<any>> -> memref<1x64xf32, #tpu.memory_space<any>>
    tpu.enqueue_dma source(%dma_start3A_429 : memref<1x64xf32, #tpu.memory_space<any>>) target(%dma_start3A_427 : memref<1x64xf32, #tpu.memory_space<vmem>>) target_semaphore(%arg19 : memref<!tpu.dma_semaphore, #tpu.memory_space<semaphore_mem>>)
    %get3A_430 = arith.constant 54 : index
    %get3A_431 = arith.constant 0 : index
    %get3A_432 = memref.load %arg4[%get3A_430, %get3A_431] : memref<128x1xi32, #tpu.memory_space<smem>>
    %dma_start3A_433 = arith.constant 54 : i32
    %dma_start3A_434 = arith.constant 0 : i32
    %dma_start3A_435 = tpu.memref_slice %arg18[%dma_start3A_433, %dma_start3A_434] : memref<128x64xf32, #tpu.memory_space<vmem>> -> memref<1x64xf32, #tpu.memory_space<vmem>>
    %dma_start3A_436 = arith.constant 0 : i32
    %dma_start3A_437 = tpu.memref_slice %arg3[%get3A_432, %dma_start3A_436] : memref<100000x64xf32, #tpu.memory_space<any>> -> memref<1x64xf32, #tpu.memory_space<any>>
    tpu.enqueue_dma source(%dma_start3A_437 : memref<1x64xf32, #tpu.memory_space<any>>) target(%dma_start3A_435 : memref<1x64xf32, #tpu.memory_space<vmem>>) target_semaphore(%arg19 : memref<!tpu.dma_semaphore, #tpu.memory_space<semaphore_mem>>)
    %get3A_438 = arith.constant 55 : index
    %get3A_439 = arith.constant 0 : index
    %get3A_440 = memref.load %arg4[%get3A_438, %get3A_439] : memref<128x1xi32, #tpu.memory_space<smem>>
    %dma_start3A_441 = arith.constant 55 : i32
    %dma_start3A_442 = arith.constant 0 : i32
    %dma_start3A_443 = tpu.memref_slice %arg18[%dma_start3A_441, %dma_start3A_442] : memref<128x64xf32, #tpu.memory_space<vmem>> -> memref<1x64xf32, #tpu.memory_space<vmem>>
    %dma_start3A_444 = arith.constant 0 : i32
    %dma_start3A_445 = tpu.memref_slice %arg3[%get3A_440, %dma_start3A_444] : memref<100000x64xf32, #tpu.memory_space<any>> -> memref<1x64xf32, #tpu.memory_space<any>>
    tpu.enqueue_dma source(%dma_start3A_445 : memref<1x64xf32, #tpu.memory_space<any>>) target(%dma_start3A_443 : memref<1x64xf32, #tpu.memory_space<vmem>>) target_semaphore(%arg19 : memref<!tpu.dma_semaphore, #tpu.memory_space<semaphore_mem>>)
    %get3A_446 = arith.constant 56 : index
    %get3A_447 = arith.constant 0 : index
    %get3A_448 = memref.load %arg4[%get3A_446, %get3A_447] : memref<128x1xi32, #tpu.memory_space<smem>>
    %dma_start3A_449 = arith.constant 56 : i32
    %dma_start3A_450 = arith.constant 0 : i32
    %dma_start3A_451 = tpu.memref_slice %arg18[%dma_start3A_449, %dma_start3A_450] : memref<128x64xf32, #tpu.memory_space<vmem>> -> memref<1x64xf32, #tpu.memory_space<vmem>>
    %dma_start3A_452 = arith.constant 0 : i32
    %dma_start3A_453 = tpu.memref_slice %arg3[%get3A_448, %dma_start3A_452] : memref<100000x64xf32, #tpu.memory_space<any>> -> memref<1x64xf32, #tpu.memory_space<any>>
    tpu.enqueue_dma source(%dma_start3A_453 : memref<1x64xf32, #tpu.memory_space<any>>) target(%dma_start3A_451 : memref<1x64xf32, #tpu.memory_space<vmem>>) target_semaphore(%arg19 : memref<!tpu.dma_semaphore, #tpu.memory_space<semaphore_mem>>)
    %get3A_454 = arith.constant 57 : index
    %get3A_455 = arith.constant 0 : index
    %get3A_456 = memref.load %arg4[%get3A_454, %get3A_455] : memref<128x1xi32, #tpu.memory_space<smem>>
    %dma_start3A_457 = arith.constant 57 : i32
    %dma_start3A_458 = arith.constant 0 : i32
    %dma_start3A_459 = tpu.memref_slice %arg18[%dma_start3A_457, %dma_start3A_458] : memref<128x64xf32, #tpu.memory_space<vmem>> -> memref<1x64xf32, #tpu.memory_space<vmem>>
    %dma_start3A_460 = arith.constant 0 : i32
    %dma_start3A_461 = tpu.memref_slice %arg3[%get3A_456, %dma_start3A_460] : memref<100000x64xf32, #tpu.memory_space<any>> -> memref<1x64xf32, #tpu.memory_space<any>>
    tpu.enqueue_dma source(%dma_start3A_461 : memref<1x64xf32, #tpu.memory_space<any>>) target(%dma_start3A_459 : memref<1x64xf32, #tpu.memory_space<vmem>>) target_semaphore(%arg19 : memref<!tpu.dma_semaphore, #tpu.memory_space<semaphore_mem>>)
    %get3A_462 = arith.constant 58 : index
    %get3A_463 = arith.constant 0 : index
    %get3A_464 = memref.load %arg4[%get3A_462, %get3A_463] : memref<128x1xi32, #tpu.memory_space<smem>>
    %dma_start3A_465 = arith.constant 58 : i32
    %dma_start3A_466 = arith.constant 0 : i32
    %dma_start3A_467 = tpu.memref_slice %arg18[%dma_start3A_465, %dma_start3A_466] : memref<128x64xf32, #tpu.memory_space<vmem>> -> memref<1x64xf32, #tpu.memory_space<vmem>>
    %dma_start3A_468 = arith.constant 0 : i32
    %dma_start3A_469 = tpu.memref_slice %arg3[%get3A_464, %dma_start3A_468] : memref<100000x64xf32, #tpu.memory_space<any>> -> memref<1x64xf32, #tpu.memory_space<any>>
    tpu.enqueue_dma source(%dma_start3A_469 : memref<1x64xf32, #tpu.memory_space<any>>) target(%dma_start3A_467 : memref<1x64xf32, #tpu.memory_space<vmem>>) target_semaphore(%arg19 : memref<!tpu.dma_semaphore, #tpu.memory_space<semaphore_mem>>)
    %get3A_470 = arith.constant 59 : index
    %get3A_471 = arith.constant 0 : index
    %get3A_472 = memref.load %arg4[%get3A_470, %get3A_471] : memref<128x1xi32, #tpu.memory_space<smem>>
    %dma_start3A_473 = arith.constant 59 : i32
    %dma_start3A_474 = arith.constant 0 : i32
    %dma_start3A_475 = tpu.memref_slice %arg18[%dma_start3A_473, %dma_start3A_474] : memref<128x64xf32, #tpu.memory_space<vmem>> -> memref<1x64xf32, #tpu.memory_space<vmem>>
    %dma_start3A_476 = arith.constant 0 : i32
    %dma_start3A_477 = tpu.memref_slice %arg3[%get3A_472, %dma_start3A_476] : memref<100000x64xf32, #tpu.memory_space<any>> -> memref<1x64xf32, #tpu.memory_space<any>>
    tpu.enqueue_dma source(%dma_start3A_477 : memref<1x64xf32, #tpu.memory_space<any>>) target(%dma_start3A_475 : memref<1x64xf32, #tpu.memory_space<vmem>>) target_semaphore(%arg19 : memref<!tpu.dma_semaphore, #tpu.memory_space<semaphore_mem>>)
    %get3A_478 = arith.constant 60 : index
    %get3A_479 = arith.constant 0 : index
    %get3A_480 = memref.load %arg4[%get3A_478, %get3A_479] : memref<128x1xi32, #tpu.memory_space<smem>>
    %dma_start3A_481 = arith.constant 60 : i32
    %dma_start3A_482 = arith.constant 0 : i32
    %dma_start3A_483 = tpu.memref_slice %arg18[%dma_start3A_481, %dma_start3A_482] : memref<128x64xf32, #tpu.memory_space<vmem>> -> memref<1x64xf32, #tpu.memory_space<vmem>>
    %dma_start3A_484 = arith.constant 0 : i32
    %dma_start3A_485 = tpu.memref_slice %arg3[%get3A_480, %dma_start3A_484] : memref<100000x64xf32, #tpu.memory_space<any>> -> memref<1x64xf32, #tpu.memory_space<any>>
    tpu.enqueue_dma source(%dma_start3A_485 : memref<1x64xf32, #tpu.memory_space<any>>) target(%dma_start3A_483 : memref<1x64xf32, #tpu.memory_space<vmem>>) target_semaphore(%arg19 : memref<!tpu.dma_semaphore, #tpu.memory_space<semaphore_mem>>)
    %get3A_486 = arith.constant 61 : index
    %get3A_487 = arith.constant 0 : index
    %get3A_488 = memref.load %arg4[%get3A_486, %get3A_487] : memref<128x1xi32, #tpu.memory_space<smem>>
    %dma_start3A_489 = arith.constant 61 : i32
    %dma_start3A_490 = arith.constant 0 : i32
    %dma_start3A_491 = tpu.memref_slice %arg18[%dma_start3A_489, %dma_start3A_490] : memref<128x64xf32, #tpu.memory_space<vmem>> -> memref<1x64xf32, #tpu.memory_space<vmem>>
    %dma_start3A_492 = arith.constant 0 : i32
    %dma_start3A_493 = tpu.memref_slice %arg3[%get3A_488, %dma_start3A_492] : memref<100000x64xf32, #tpu.memory_space<any>> -> memref<1x64xf32, #tpu.memory_space<any>>
    tpu.enqueue_dma source(%dma_start3A_493 : memref<1x64xf32, #tpu.memory_space<any>>) target(%dma_start3A_491 : memref<1x64xf32, #tpu.memory_space<vmem>>) target_semaphore(%arg19 : memref<!tpu.dma_semaphore, #tpu.memory_space<semaphore_mem>>)
    %get3A_494 = arith.constant 62 : index
    %get3A_495 = arith.constant 0 : index
    %get3A_496 = memref.load %arg4[%get3A_494, %get3A_495] : memref<128x1xi32, #tpu.memory_space<smem>>
    %dma_start3A_497 = arith.constant 62 : i32
    %dma_start3A_498 = arith.constant 0 : i32
    %dma_start3A_499 = tpu.memref_slice %arg18[%dma_start3A_497, %dma_start3A_498] : memref<128x64xf32, #tpu.memory_space<vmem>> -> memref<1x64xf32, #tpu.memory_space<vmem>>
    %dma_start3A_500 = arith.constant 0 : i32
    %dma_start3A_501 = tpu.memref_slice %arg3[%get3A_496, %dma_start3A_500] : memref<100000x64xf32, #tpu.memory_space<any>> -> memref<1x64xf32, #tpu.memory_space<any>>
    tpu.enqueue_dma source(%dma_start3A_501 : memref<1x64xf32, #tpu.memory_space<any>>) target(%dma_start3A_499 : memref<1x64xf32, #tpu.memory_space<vmem>>) target_semaphore(%arg19 : memref<!tpu.dma_semaphore, #tpu.memory_space<semaphore_mem>>)
    %get3A_502 = arith.constant 63 : index
    %get3A_503 = arith.constant 0 : index
    %get3A_504 = memref.load %arg4[%get3A_502, %get3A_503] : memref<128x1xi32, #tpu.memory_space<smem>>
    %dma_start3A_505 = arith.constant 63 : i32
    %dma_start3A_506 = arith.constant 0 : i32
    %dma_start3A_507 = tpu.memref_slice %arg18[%dma_start3A_505, %dma_start3A_506] : memref<128x64xf32, #tpu.memory_space<vmem>> -> memref<1x64xf32, #tpu.memory_space<vmem>>
    %dma_start3A_508 = arith.constant 0 : i32
    %dma_start3A_509 = tpu.memref_slice %arg3[%get3A_504, %dma_start3A_508] : memref<100000x64xf32, #tpu.memory_space<any>> -> memref<1x64xf32, #tpu.memory_space<any>>
    tpu.enqueue_dma source(%dma_start3A_509 : memref<1x64xf32, #tpu.memory_space<any>>) target(%dma_start3A_507 : memref<1x64xf32, #tpu.memory_space<vmem>>) target_semaphore(%arg19 : memref<!tpu.dma_semaphore, #tpu.memory_space<semaphore_mem>>)
    %get3A_510 = arith.constant 64 : index
    %get3A_511 = arith.constant 0 : index
    %get3A_512 = memref.load %arg4[%get3A_510, %get3A_511] : memref<128x1xi32, #tpu.memory_space<smem>>
    %dma_start3A_513 = arith.constant 64 : i32
    %dma_start3A_514 = arith.constant 0 : i32
    %dma_start3A_515 = tpu.memref_slice %arg18[%dma_start3A_513, %dma_start3A_514] : memref<128x64xf32, #tpu.memory_space<vmem>> -> memref<1x64xf32, #tpu.memory_space<vmem>>
    %dma_start3A_516 = arith.constant 0 : i32
    %dma_start3A_517 = tpu.memref_slice %arg3[%get3A_512, %dma_start3A_516] : memref<100000x64xf32, #tpu.memory_space<any>> -> memref<1x64xf32, #tpu.memory_space<any>>
    tpu.enqueue_dma source(%dma_start3A_517 : memref<1x64xf32, #tpu.memory_space<any>>) target(%dma_start3A_515 : memref<1x64xf32, #tpu.memory_space<vmem>>) target_semaphore(%arg19 : memref<!tpu.dma_semaphore, #tpu.memory_space<semaphore_mem>>)
    %get3A_518 = arith.constant 65 : index
    %get3A_519 = arith.constant 0 : index
    %get3A_520 = memref.load %arg4[%get3A_518, %get3A_519] : memref<128x1xi32, #tpu.memory_space<smem>>
    %dma_start3A_521 = arith.constant 65 : i32
    %dma_start3A_522 = arith.constant 0 : i32
    %dma_start3A_523 = tpu.memref_slice %arg18[%dma_start3A_521, %dma_start3A_522] : memref<128x64xf32, #tpu.memory_space<vmem>> -> memref<1x64xf32, #tpu.memory_space<vmem>>
    %dma_start3A_524 = arith.constant 0 : i32
    %dma_start3A_525 = tpu.memref_slice %arg3[%get3A_520, %dma_start3A_524] : memref<100000x64xf32, #tpu.memory_space<any>> -> memref<1x64xf32, #tpu.memory_space<any>>
    tpu.enqueue_dma source(%dma_start3A_525 : memref<1x64xf32, #tpu.memory_space<any>>) target(%dma_start3A_523 : memref<1x64xf32, #tpu.memory_space<vmem>>) target_semaphore(%arg19 : memref<!tpu.dma_semaphore, #tpu.memory_space<semaphore_mem>>)
    %get3A_526 = arith.constant 66 : index
    %get3A_527 = arith.constant 0 : index
    %get3A_528 = memref.load %arg4[%get3A_526, %get3A_527] : memref<128x1xi32, #tpu.memory_space<smem>>
    %dma_start3A_529 = arith.constant 66 : i32
    %dma_start3A_530 = arith.constant 0 : i32
    %dma_start3A_531 = tpu.memref_slice %arg18[%dma_start3A_529, %dma_start3A_530] : memref<128x64xf32, #tpu.memory_space<vmem>> -> memref<1x64xf32, #tpu.memory_space<vmem>>
    %dma_start3A_532 = arith.constant 0 : i32
    %dma_start3A_533 = tpu.memref_slice %arg3[%get3A_528, %dma_start3A_532] : memref<100000x64xf32, #tpu.memory_space<any>> -> memref<1x64xf32, #tpu.memory_space<any>>
    tpu.enqueue_dma source(%dma_start3A_533 : memref<1x64xf32, #tpu.memory_space<any>>) target(%dma_start3A_531 : memref<1x64xf32, #tpu.memory_space<vmem>>) target_semaphore(%arg19 : memref<!tpu.dma_semaphore, #tpu.memory_space<semaphore_mem>>)
    %get3A_534 = arith.constant 67 : index
    %get3A_535 = arith.constant 0 : index
    %get3A_536 = memref.load %arg4[%get3A_534, %get3A_535] : memref<128x1xi32, #tpu.memory_space<smem>>
    %dma_start3A_537 = arith.constant 67 : i32
    %dma_start3A_538 = arith.constant 0 : i32
    %dma_start3A_539 = tpu.memref_slice %arg18[%dma_start3A_537, %dma_start3A_538] : memref<128x64xf32, #tpu.memory_space<vmem>> -> memref<1x64xf32, #tpu.memory_space<vmem>>
    %dma_start3A_540 = arith.constant 0 : i32
    %dma_start3A_541 = tpu.memref_slice %arg3[%get3A_536, %dma_start3A_540] : memref<100000x64xf32, #tpu.memory_space<any>> -> memref<1x64xf32, #tpu.memory_space<any>>
    tpu.enqueue_dma source(%dma_start3A_541 : memref<1x64xf32, #tpu.memory_space<any>>) target(%dma_start3A_539 : memref<1x64xf32, #tpu.memory_space<vmem>>) target_semaphore(%arg19 : memref<!tpu.dma_semaphore, #tpu.memory_space<semaphore_mem>>)
    %get3A_542 = arith.constant 68 : index
    %get3A_543 = arith.constant 0 : index
    %get3A_544 = memref.load %arg4[%get3A_542, %get3A_543] : memref<128x1xi32, #tpu.memory_space<smem>>
    %dma_start3A_545 = arith.constant 68 : i32
    %dma_start3A_546 = arith.constant 0 : i32
    %dma_start3A_547 = tpu.memref_slice %arg18[%dma_start3A_545, %dma_start3A_546] : memref<128x64xf32, #tpu.memory_space<vmem>> -> memref<1x64xf32, #tpu.memory_space<vmem>>
    %dma_start3A_548 = arith.constant 0 : i32
    %dma_start3A_549 = tpu.memref_slice %arg3[%get3A_544, %dma_start3A_548] : memref<100000x64xf32, #tpu.memory_space<any>> -> memref<1x64xf32, #tpu.memory_space<any>>
    tpu.enqueue_dma source(%dma_start3A_549 : memref<1x64xf32, #tpu.memory_space<any>>) target(%dma_start3A_547 : memref<1x64xf32, #tpu.memory_space<vmem>>) target_semaphore(%arg19 : memref<!tpu.dma_semaphore, #tpu.memory_space<semaphore_mem>>)
    %get3A_550 = arith.constant 69 : index
    %get3A_551 = arith.constant 0 : index
    %get3A_552 = memref.load %arg4[%get3A_550, %get3A_551] : memref<128x1xi32, #tpu.memory_space<smem>>
    %dma_start3A_553 = arith.constant 69 : i32
    %dma_start3A_554 = arith.constant 0 : i32
    %dma_start3A_555 = tpu.memref_slice %arg18[%dma_start3A_553, %dma_start3A_554] : memref<128x64xf32, #tpu.memory_space<vmem>> -> memref<1x64xf32, #tpu.memory_space<vmem>>
    %dma_start3A_556 = arith.constant 0 : i32
    %dma_start3A_557 = tpu.memref_slice %arg3[%get3A_552, %dma_start3A_556] : memref<100000x64xf32, #tpu.memory_space<any>> -> memref<1x64xf32, #tpu.memory_space<any>>
    tpu.enqueue_dma source(%dma_start3A_557 : memref<1x64xf32, #tpu.memory_space<any>>) target(%dma_start3A_555 : memref<1x64xf32, #tpu.memory_space<vmem>>) target_semaphore(%arg19 : memref<!tpu.dma_semaphore, #tpu.memory_space<semaphore_mem>>)
    %get3A_558 = arith.constant 70 : index
    %get3A_559 = arith.constant 0 : index
    %get3A_560 = memref.load %arg4[%get3A_558, %get3A_559] : memref<128x1xi32, #tpu.memory_space<smem>>
    %dma_start3A_561 = arith.constant 70 : i32
    %dma_start3A_562 = arith.constant 0 : i32
    %dma_start3A_563 = tpu.memref_slice %arg18[%dma_start3A_561, %dma_start3A_562] : memref<128x64xf32, #tpu.memory_space<vmem>> -> memref<1x64xf32, #tpu.memory_space<vmem>>
    %dma_start3A_564 = arith.constant 0 : i32
    %dma_start3A_565 = tpu.memref_slice %arg3[%get3A_560, %dma_start3A_564] : memref<100000x64xf32, #tpu.memory_space<any>> -> memref<1x64xf32, #tpu.memory_space<any>>
    tpu.enqueue_dma source(%dma_start3A_565 : memref<1x64xf32, #tpu.memory_space<any>>) target(%dma_start3A_563 : memref<1x64xf32, #tpu.memory_space<vmem>>) target_semaphore(%arg19 : memref<!tpu.dma_semaphore, #tpu.memory_space<semaphore_mem>>)
    %get3A_566 = arith.constant 71 : index
    %get3A_567 = arith.constant 0 : index
    %get3A_568 = memref.load %arg4[%get3A_566, %get3A_567] : memref<128x1xi32, #tpu.memory_space<smem>>
    %dma_start3A_569 = arith.constant 71 : i32
    %dma_start3A_570 = arith.constant 0 : i32
    %dma_start3A_571 = tpu.memref_slice %arg18[%dma_start3A_569, %dma_start3A_570] : memref<128x64xf32, #tpu.memory_space<vmem>> -> memref<1x64xf32, #tpu.memory_space<vmem>>
    %dma_start3A_572 = arith.constant 0 : i32
    %dma_start3A_573 = tpu.memref_slice %arg3[%get3A_568, %dma_start3A_572] : memref<100000x64xf32, #tpu.memory_space<any>> -> memref<1x64xf32, #tpu.memory_space<any>>
    tpu.enqueue_dma source(%dma_start3A_573 : memref<1x64xf32, #tpu.memory_space<any>>) target(%dma_start3A_571 : memref<1x64xf32, #tpu.memory_space<vmem>>) target_semaphore(%arg19 : memref<!tpu.dma_semaphore, #tpu.memory_space<semaphore_mem>>)
    %get3A_574 = arith.constant 72 : index
    %get3A_575 = arith.constant 0 : index
    %get3A_576 = memref.load %arg4[%get3A_574, %get3A_575] : memref<128x1xi32, #tpu.memory_space<smem>>
    %dma_start3A_577 = arith.constant 72 : i32
    %dma_start3A_578 = arith.constant 0 : i32
    %dma_start3A_579 = tpu.memref_slice %arg18[%dma_start3A_577, %dma_start3A_578] : memref<128x64xf32, #tpu.memory_space<vmem>> -> memref<1x64xf32, #tpu.memory_space<vmem>>
    %dma_start3A_580 = arith.constant 0 : i32
    %dma_start3A_581 = tpu.memref_slice %arg3[%get3A_576, %dma_start3A_580] : memref<100000x64xf32, #tpu.memory_space<any>> -> memref<1x64xf32, #tpu.memory_space<any>>
    tpu.enqueue_dma source(%dma_start3A_581 : memref<1x64xf32, #tpu.memory_space<any>>) target(%dma_start3A_579 : memref<1x64xf32, #tpu.memory_space<vmem>>) target_semaphore(%arg19 : memref<!tpu.dma_semaphore, #tpu.memory_space<semaphore_mem>>)
    %get3A_582 = arith.constant 73 : index
    %get3A_583 = arith.constant 0 : index
    %get3A_584 = memref.load %arg4[%get3A_582, %get3A_583] : memref<128x1xi32, #tpu.memory_space<smem>>
    %dma_start3A_585 = arith.constant 73 : i32
    %dma_start3A_586 = arith.constant 0 : i32
    %dma_start3A_587 = tpu.memref_slice %arg18[%dma_start3A_585, %dma_start3A_586] : memref<128x64xf32, #tpu.memory_space<vmem>> -> memref<1x64xf32, #tpu.memory_space<vmem>>
    %dma_start3A_588 = arith.constant 0 : i32
    %dma_start3A_589 = tpu.memref_slice %arg3[%get3A_584, %dma_start3A_588] : memref<100000x64xf32, #tpu.memory_space<any>> -> memref<1x64xf32, #tpu.memory_space<any>>
    tpu.enqueue_dma source(%dma_start3A_589 : memref<1x64xf32, #tpu.memory_space<any>>) target(%dma_start3A_587 : memref<1x64xf32, #tpu.memory_space<vmem>>) target_semaphore(%arg19 : memref<!tpu.dma_semaphore, #tpu.memory_space<semaphore_mem>>)
    %get3A_590 = arith.constant 74 : index
    %get3A_591 = arith.constant 0 : index
    %get3A_592 = memref.load %arg4[%get3A_590, %get3A_591] : memref<128x1xi32, #tpu.memory_space<smem>>
    %dma_start3A_593 = arith.constant 74 : i32
    %dma_start3A_594 = arith.constant 0 : i32
    %dma_start3A_595 = tpu.memref_slice %arg18[%dma_start3A_593, %dma_start3A_594] : memref<128x64xf32, #tpu.memory_space<vmem>> -> memref<1x64xf32, #tpu.memory_space<vmem>>
    %dma_start3A_596 = arith.constant 0 : i32
    %dma_start3A_597 = tpu.memref_slice %arg3[%get3A_592, %dma_start3A_596] : memref<100000x64xf32, #tpu.memory_space<any>> -> memref<1x64xf32, #tpu.memory_space<any>>
    tpu.enqueue_dma source(%dma_start3A_597 : memref<1x64xf32, #tpu.memory_space<any>>) target(%dma_start3A_595 : memref<1x64xf32, #tpu.memory_space<vmem>>) target_semaphore(%arg19 : memref<!tpu.dma_semaphore, #tpu.memory_space<semaphore_mem>>)
    %get3A_598 = arith.constant 75 : index
    %get3A_599 = arith.constant 0 : index
    %get3A_600 = memref.load %arg4[%get3A_598, %get3A_599] : memref<128x1xi32, #tpu.memory_space<smem>>
    %dma_start3A_601 = arith.constant 75 : i32
    %dma_start3A_602 = arith.constant 0 : i32
    %dma_start3A_603 = tpu.memref_slice %arg18[%dma_start3A_601, %dma_start3A_602] : memref<128x64xf32, #tpu.memory_space<vmem>> -> memref<1x64xf32, #tpu.memory_space<vmem>>
    %dma_start3A_604 = arith.constant 0 : i32
    %dma_start3A_605 = tpu.memref_slice %arg3[%get3A_600, %dma_start3A_604] : memref<100000x64xf32, #tpu.memory_space<any>> -> memref<1x64xf32, #tpu.memory_space<any>>
    tpu.enqueue_dma source(%dma_start3A_605 : memref<1x64xf32, #tpu.memory_space<any>>) target(%dma_start3A_603 : memref<1x64xf32, #tpu.memory_space<vmem>>) target_semaphore(%arg19 : memref<!tpu.dma_semaphore, #tpu.memory_space<semaphore_mem>>)
    %get3A_606 = arith.constant 76 : index
    %get3A_607 = arith.constant 0 : index
    %get3A_608 = memref.load %arg4[%get3A_606, %get3A_607] : memref<128x1xi32, #tpu.memory_space<smem>>
    %dma_start3A_609 = arith.constant 76 : i32
    %dma_start3A_610 = arith.constant 0 : i32
    %dma_start3A_611 = tpu.memref_slice %arg18[%dma_start3A_609, %dma_start3A_610] : memref<128x64xf32, #tpu.memory_space<vmem>> -> memref<1x64xf32, #tpu.memory_space<vmem>>
    %dma_start3A_612 = arith.constant 0 : i32
    %dma_start3A_613 = tpu.memref_slice %arg3[%get3A_608, %dma_start3A_612] : memref<100000x64xf32, #tpu.memory_space<any>> -> memref<1x64xf32, #tpu.memory_space<any>>
    tpu.enqueue_dma source(%dma_start3A_613 : memref<1x64xf32, #tpu.memory_space<any>>) target(%dma_start3A_611 : memref<1x64xf32, #tpu.memory_space<vmem>>) target_semaphore(%arg19 : memref<!tpu.dma_semaphore, #tpu.memory_space<semaphore_mem>>)
    %get3A_614 = arith.constant 77 : index
    %get3A_615 = arith.constant 0 : index
    %get3A_616 = memref.load %arg4[%get3A_614, %get3A_615] : memref<128x1xi32, #tpu.memory_space<smem>>
    %dma_start3A_617 = arith.constant 77 : i32
    %dma_start3A_618 = arith.constant 0 : i32
    %dma_start3A_619 = tpu.memref_slice %arg18[%dma_start3A_617, %dma_start3A_618] : memref<128x64xf32, #tpu.memory_space<vmem>> -> memref<1x64xf32, #tpu.memory_space<vmem>>
    %dma_start3A_620 = arith.constant 0 : i32
    %dma_start3A_621 = tpu.memref_slice %arg3[%get3A_616, %dma_start3A_620] : memref<100000x64xf32, #tpu.memory_space<any>> -> memref<1x64xf32, #tpu.memory_space<any>>
    tpu.enqueue_dma source(%dma_start3A_621 : memref<1x64xf32, #tpu.memory_space<any>>) target(%dma_start3A_619 : memref<1x64xf32, #tpu.memory_space<vmem>>) target_semaphore(%arg19 : memref<!tpu.dma_semaphore, #tpu.memory_space<semaphore_mem>>)
    %get3A_622 = arith.constant 78 : index
    %get3A_623 = arith.constant 0 : index
    %get3A_624 = memref.load %arg4[%get3A_622, %get3A_623] : memref<128x1xi32, #tpu.memory_space<smem>>
    %dma_start3A_625 = arith.constant 78 : i32
    %dma_start3A_626 = arith.constant 0 : i32
    %dma_start3A_627 = tpu.memref_slice %arg18[%dma_start3A_625, %dma_start3A_626] : memref<128x64xf32, #tpu.memory_space<vmem>> -> memref<1x64xf32, #tpu.memory_space<vmem>>
    %dma_start3A_628 = arith.constant 0 : i32
    %dma_start3A_629 = tpu.memref_slice %arg3[%get3A_624, %dma_start3A_628] : memref<100000x64xf32, #tpu.memory_space<any>> -> memref<1x64xf32, #tpu.memory_space<any>>
    tpu.enqueue_dma source(%dma_start3A_629 : memref<1x64xf32, #tpu.memory_space<any>>) target(%dma_start3A_627 : memref<1x64xf32, #tpu.memory_space<vmem>>) target_semaphore(%arg19 : memref<!tpu.dma_semaphore, #tpu.memory_space<semaphore_mem>>)
    %get3A_630 = arith.constant 79 : index
    %get3A_631 = arith.constant 0 : index
    %get3A_632 = memref.load %arg4[%get3A_630, %get3A_631] : memref<128x1xi32, #tpu.memory_space<smem>>
    %dma_start3A_633 = arith.constant 79 : i32
    %dma_start3A_634 = arith.constant 0 : i32
    %dma_start3A_635 = tpu.memref_slice %arg18[%dma_start3A_633, %dma_start3A_634] : memref<128x64xf32, #tpu.memory_space<vmem>> -> memref<1x64xf32, #tpu.memory_space<vmem>>
    %dma_start3A_636 = arith.constant 0 : i32
    %dma_start3A_637 = tpu.memref_slice %arg3[%get3A_632, %dma_start3A_636] : memref<100000x64xf32, #tpu.memory_space<any>> -> memref<1x64xf32, #tpu.memory_space<any>>
    tpu.enqueue_dma source(%dma_start3A_637 : memref<1x64xf32, #tpu.memory_space<any>>) target(%dma_start3A_635 : memref<1x64xf32, #tpu.memory_space<vmem>>) target_semaphore(%arg19 : memref<!tpu.dma_semaphore, #tpu.memory_space<semaphore_mem>>)
    %get3A_638 = arith.constant 80 : index
    %get3A_639 = arith.constant 0 : index
    %get3A_640 = memref.load %arg4[%get3A_638, %get3A_639] : memref<128x1xi32, #tpu.memory_space<smem>>
    %dma_start3A_641 = arith.constant 80 : i32
    %dma_start3A_642 = arith.constant 0 : i32
    %dma_start3A_643 = tpu.memref_slice %arg18[%dma_start3A_641, %dma_start3A_642] : memref<128x64xf32, #tpu.memory_space<vmem>> -> memref<1x64xf32, #tpu.memory_space<vmem>>
    %dma_start3A_644 = arith.constant 0 : i32
    %dma_start3A_645 = tpu.memref_slice %arg3[%get3A_640, %dma_start3A_644] : memref<100000x64xf32, #tpu.memory_space<any>> -> memref<1x64xf32, #tpu.memory_space<any>>
    tpu.enqueue_dma source(%dma_start3A_645 : memref<1x64xf32, #tpu.memory_space<any>>) target(%dma_start3A_643 : memref<1x64xf32, #tpu.memory_space<vmem>>) target_semaphore(%arg19 : memref<!tpu.dma_semaphore, #tpu.memory_space<semaphore_mem>>)
    %get3A_646 = arith.constant 81 : index
    %get3A_647 = arith.constant 0 : index
    %get3A_648 = memref.load %arg4[%get3A_646, %get3A_647] : memref<128x1xi32, #tpu.memory_space<smem>>
    %dma_start3A_649 = arith.constant 81 : i32
    %dma_start3A_650 = arith.constant 0 : i32
    %dma_start3A_651 = tpu.memref_slice %arg18[%dma_start3A_649, %dma_start3A_650] : memref<128x64xf32, #tpu.memory_space<vmem>> -> memref<1x64xf32, #tpu.memory_space<vmem>>
    %dma_start3A_652 = arith.constant 0 : i32
    %dma_start3A_653 = tpu.memref_slice %arg3[%get3A_648, %dma_start3A_652] : memref<100000x64xf32, #tpu.memory_space<any>> -> memref<1x64xf32, #tpu.memory_space<any>>
    tpu.enqueue_dma source(%dma_start3A_653 : memref<1x64xf32, #tpu.memory_space<any>>) target(%dma_start3A_651 : memref<1x64xf32, #tpu.memory_space<vmem>>) target_semaphore(%arg19 : memref<!tpu.dma_semaphore, #tpu.memory_space<semaphore_mem>>)
    %get3A_654 = arith.constant 82 : index
    %get3A_655 = arith.constant 0 : index
    %get3A_656 = memref.load %arg4[%get3A_654, %get3A_655] : memref<128x1xi32, #tpu.memory_space<smem>>
    %dma_start3A_657 = arith.constant 82 : i32
    %dma_start3A_658 = arith.constant 0 : i32
    %dma_start3A_659 = tpu.memref_slice %arg18[%dma_start3A_657, %dma_start3A_658] : memref<128x64xf32, #tpu.memory_space<vmem>> -> memref<1x64xf32, #tpu.memory_space<vmem>>
    %dma_start3A_660 = arith.constant 0 : i32
    %dma_start3A_661 = tpu.memref_slice %arg3[%get3A_656, %dma_start3A_660] : memref<100000x64xf32, #tpu.memory_space<any>> -> memref<1x64xf32, #tpu.memory_space<any>>
    tpu.enqueue_dma source(%dma_start3A_661 : memref<1x64xf32, #tpu.memory_space<any>>) target(%dma_start3A_659 : memref<1x64xf32, #tpu.memory_space<vmem>>) target_semaphore(%arg19 : memref<!tpu.dma_semaphore, #tpu.memory_space<semaphore_mem>>)
    %get3A_662 = arith.constant 83 : index
    %get3A_663 = arith.constant 0 : index
    %get3A_664 = memref.load %arg4[%get3A_662, %get3A_663] : memref<128x1xi32, #tpu.memory_space<smem>>
    %dma_start3A_665 = arith.constant 83 : i32
    %dma_start3A_666 = arith.constant 0 : i32
    %dma_start3A_667 = tpu.memref_slice %arg18[%dma_start3A_665, %dma_start3A_666] : memref<128x64xf32, #tpu.memory_space<vmem>> -> memref<1x64xf32, #tpu.memory_space<vmem>>
    %dma_start3A_668 = arith.constant 0 : i32
    %dma_start3A_669 = tpu.memref_slice %arg3[%get3A_664, %dma_start3A_668] : memref<100000x64xf32, #tpu.memory_space<any>> -> memref<1x64xf32, #tpu.memory_space<any>>
    tpu.enqueue_dma source(%dma_start3A_669 : memref<1x64xf32, #tpu.memory_space<any>>) target(%dma_start3A_667 : memref<1x64xf32, #tpu.memory_space<vmem>>) target_semaphore(%arg19 : memref<!tpu.dma_semaphore, #tpu.memory_space<semaphore_mem>>)
    %get3A_670 = arith.constant 84 : index
    %get3A_671 = arith.constant 0 : index
    %get3A_672 = memref.load %arg4[%get3A_670, %get3A_671] : memref<128x1xi32, #tpu.memory_space<smem>>
    %dma_start3A_673 = arith.constant 84 : i32
    %dma_start3A_674 = arith.constant 0 : i32
    %dma_start3A_675 = tpu.memref_slice %arg18[%dma_start3A_673, %dma_start3A_674] : memref<128x64xf32, #tpu.memory_space<vmem>> -> memref<1x64xf32, #tpu.memory_space<vmem>>
    %dma_start3A_676 = arith.constant 0 : i32
    %dma_start3A_677 = tpu.memref_slice %arg3[%get3A_672, %dma_start3A_676] : memref<100000x64xf32, #tpu.memory_space<any>> -> memref<1x64xf32, #tpu.memory_space<any>>
    tpu.enqueue_dma source(%dma_start3A_677 : memref<1x64xf32, #tpu.memory_space<any>>) target(%dma_start3A_675 : memref<1x64xf32, #tpu.memory_space<vmem>>) target_semaphore(%arg19 : memref<!tpu.dma_semaphore, #tpu.memory_space<semaphore_mem>>)
    %get3A_678 = arith.constant 85 : index
    %get3A_679 = arith.constant 0 : index
    %get3A_680 = memref.load %arg4[%get3A_678, %get3A_679] : memref<128x1xi32, #tpu.memory_space<smem>>
    %dma_start3A_681 = arith.constant 85 : i32
    %dma_start3A_682 = arith.constant 0 : i32
    %dma_start3A_683 = tpu.memref_slice %arg18[%dma_start3A_681, %dma_start3A_682] : memref<128x64xf32, #tpu.memory_space<vmem>> -> memref<1x64xf32, #tpu.memory_space<vmem>>
    %dma_start3A_684 = arith.constant 0 : i32
    %dma_start3A_685 = tpu.memref_slice %arg3[%get3A_680, %dma_start3A_684] : memref<100000x64xf32, #tpu.memory_space<any>> -> memref<1x64xf32, #tpu.memory_space<any>>
    tpu.enqueue_dma source(%dma_start3A_685 : memref<1x64xf32, #tpu.memory_space<any>>) target(%dma_start3A_683 : memref<1x64xf32, #tpu.memory_space<vmem>>) target_semaphore(%arg19 : memref<!tpu.dma_semaphore, #tpu.memory_space<semaphore_mem>>)
    %get3A_686 = arith.constant 86 : index
    %get3A_687 = arith.constant 0 : index
    %get3A_688 = memref.load %arg4[%get3A_686, %get3A_687] : memref<128x1xi32, #tpu.memory_space<smem>>
    %dma_start3A_689 = arith.constant 86 : i32
    %dma_start3A_690 = arith.constant 0 : i32
    %dma_start3A_691 = tpu.memref_slice %arg18[%dma_start3A_689, %dma_start3A_690] : memref<128x64xf32, #tpu.memory_space<vmem>> -> memref<1x64xf32, #tpu.memory_space<vmem>>
    %dma_start3A_692 = arith.constant 0 : i32
    %dma_start3A_693 = tpu.memref_slice %arg3[%get3A_688, %dma_start3A_692] : memref<100000x64xf32, #tpu.memory_space<any>> -> memref<1x64xf32, #tpu.memory_space<any>>
    tpu.enqueue_dma source(%dma_start3A_693 : memref<1x64xf32, #tpu.memory_space<any>>) target(%dma_start3A_691 : memref<1x64xf32, #tpu.memory_space<vmem>>) target_semaphore(%arg19 : memref<!tpu.dma_semaphore, #tpu.memory_space<semaphore_mem>>)
    %get3A_694 = arith.constant 87 : index
    %get3A_695 = arith.constant 0 : index
    %get3A_696 = memref.load %arg4[%get3A_694, %get3A_695] : memref<128x1xi32, #tpu.memory_space<smem>>
    %dma_start3A_697 = arith.constant 87 : i32
    %dma_start3A_698 = arith.constant 0 : i32
    %dma_start3A_699 = tpu.memref_slice %arg18[%dma_start3A_697, %dma_start3A_698] : memref<128x64xf32, #tpu.memory_space<vmem>> -> memref<1x64xf32, #tpu.memory_space<vmem>>
    %dma_start3A_700 = arith.constant 0 : i32
    %dma_start3A_701 = tpu.memref_slice %arg3[%get3A_696, %dma_start3A_700] : memref<100000x64xf32, #tpu.memory_space<any>> -> memref<1x64xf32, #tpu.memory_space<any>>
    tpu.enqueue_dma source(%dma_start3A_701 : memref<1x64xf32, #tpu.memory_space<any>>) target(%dma_start3A_699 : memref<1x64xf32, #tpu.memory_space<vmem>>) target_semaphore(%arg19 : memref<!tpu.dma_semaphore, #tpu.memory_space<semaphore_mem>>)
    %get3A_702 = arith.constant 88 : index
    %get3A_703 = arith.constant 0 : index
    %get3A_704 = memref.load %arg4[%get3A_702, %get3A_703] : memref<128x1xi32, #tpu.memory_space<smem>>
    %dma_start3A_705 = arith.constant 88 : i32
    %dma_start3A_706 = arith.constant 0 : i32
    %dma_start3A_707 = tpu.memref_slice %arg18[%dma_start3A_705, %dma_start3A_706] : memref<128x64xf32, #tpu.memory_space<vmem>> -> memref<1x64xf32, #tpu.memory_space<vmem>>
    %dma_start3A_708 = arith.constant 0 : i32
    %dma_start3A_709 = tpu.memref_slice %arg3[%get3A_704, %dma_start3A_708] : memref<100000x64xf32, #tpu.memory_space<any>> -> memref<1x64xf32, #tpu.memory_space<any>>
    tpu.enqueue_dma source(%dma_start3A_709 : memref<1x64xf32, #tpu.memory_space<any>>) target(%dma_start3A_707 : memref<1x64xf32, #tpu.memory_space<vmem>>) target_semaphore(%arg19 : memref<!tpu.dma_semaphore, #tpu.memory_space<semaphore_mem>>)
    %get3A_710 = arith.constant 89 : index
    %get3A_711 = arith.constant 0 : index
    %get3A_712 = memref.load %arg4[%get3A_710, %get3A_711] : memref<128x1xi32, #tpu.memory_space<smem>>
    %dma_start3A_713 = arith.constant 89 : i32
    %dma_start3A_714 = arith.constant 0 : i32
    %dma_start3A_715 = tpu.memref_slice %arg18[%dma_start3A_713, %dma_start3A_714] : memref<128x64xf32, #tpu.memory_space<vmem>> -> memref<1x64xf32, #tpu.memory_space<vmem>>
    %dma_start3A_716 = arith.constant 0 : i32
    %dma_start3A_717 = tpu.memref_slice %arg3[%get3A_712, %dma_start3A_716] : memref<100000x64xf32, #tpu.memory_space<any>> -> memref<1x64xf32, #tpu.memory_space<any>>
    tpu.enqueue_dma source(%dma_start3A_717 : memref<1x64xf32, #tpu.memory_space<any>>) target(%dma_start3A_715 : memref<1x64xf32, #tpu.memory_space<vmem>>) target_semaphore(%arg19 : memref<!tpu.dma_semaphore, #tpu.memory_space<semaphore_mem>>)
    %get3A_718 = arith.constant 90 : index
    %get3A_719 = arith.constant 0 : index
    %get3A_720 = memref.load %arg4[%get3A_718, %get3A_719] : memref<128x1xi32, #tpu.memory_space<smem>>
    %dma_start3A_721 = arith.constant 90 : i32
    %dma_start3A_722 = arith.constant 0 : i32
    %dma_start3A_723 = tpu.memref_slice %arg18[%dma_start3A_721, %dma_start3A_722] : memref<128x64xf32, #tpu.memory_space<vmem>> -> memref<1x64xf32, #tpu.memory_space<vmem>>
    %dma_start3A_724 = arith.constant 0 : i32
    %dma_start3A_725 = tpu.memref_slice %arg3[%get3A_720, %dma_start3A_724] : memref<100000x64xf32, #tpu.memory_space<any>> -> memref<1x64xf32, #tpu.memory_space<any>>
    tpu.enqueue_dma source(%dma_start3A_725 : memref<1x64xf32, #tpu.memory_space<any>>) target(%dma_start3A_723 : memref<1x64xf32, #tpu.memory_space<vmem>>) target_semaphore(%arg19 : memref<!tpu.dma_semaphore, #tpu.memory_space<semaphore_mem>>)
    %get3A_726 = arith.constant 91 : index
    %get3A_727 = arith.constant 0 : index
    %get3A_728 = memref.load %arg4[%get3A_726, %get3A_727] : memref<128x1xi32, #tpu.memory_space<smem>>
    %dma_start3A_729 = arith.constant 91 : i32
    %dma_start3A_730 = arith.constant 0 : i32
    %dma_start3A_731 = tpu.memref_slice %arg18[%dma_start3A_729, %dma_start3A_730] : memref<128x64xf32, #tpu.memory_space<vmem>> -> memref<1x64xf32, #tpu.memory_space<vmem>>
    %dma_start3A_732 = arith.constant 0 : i32
    %dma_start3A_733 = tpu.memref_slice %arg3[%get3A_728, %dma_start3A_732] : memref<100000x64xf32, #tpu.memory_space<any>> -> memref<1x64xf32, #tpu.memory_space<any>>
    tpu.enqueue_dma source(%dma_start3A_733 : memref<1x64xf32, #tpu.memory_space<any>>) target(%dma_start3A_731 : memref<1x64xf32, #tpu.memory_space<vmem>>) target_semaphore(%arg19 : memref<!tpu.dma_semaphore, #tpu.memory_space<semaphore_mem>>)
    %get3A_734 = arith.constant 92 : index
    %get3A_735 = arith.constant 0 : index
    %get3A_736 = memref.load %arg4[%get3A_734, %get3A_735] : memref<128x1xi32, #tpu.memory_space<smem>>
    %dma_start3A_737 = arith.constant 92 : i32
    %dma_start3A_738 = arith.constant 0 : i32
    %dma_start3A_739 = tpu.memref_slice %arg18[%dma_start3A_737, %dma_start3A_738] : memref<128x64xf32, #tpu.memory_space<vmem>> -> memref<1x64xf32, #tpu.memory_space<vmem>>
    %dma_start3A_740 = arith.constant 0 : i32
    %dma_start3A_741 = tpu.memref_slice %arg3[%get3A_736, %dma_start3A_740] : memref<100000x64xf32, #tpu.memory_space<any>> -> memref<1x64xf32, #tpu.memory_space<any>>
    tpu.enqueue_dma source(%dma_start3A_741 : memref<1x64xf32, #tpu.memory_space<any>>) target(%dma_start3A_739 : memref<1x64xf32, #tpu.memory_space<vmem>>) target_semaphore(%arg19 : memref<!tpu.dma_semaphore, #tpu.memory_space<semaphore_mem>>)
    %get3A_742 = arith.constant 93 : index
    %get3A_743 = arith.constant 0 : index
    %get3A_744 = memref.load %arg4[%get3A_742, %get3A_743] : memref<128x1xi32, #tpu.memory_space<smem>>
    %dma_start3A_745 = arith.constant 93 : i32
    %dma_start3A_746 = arith.constant 0 : i32
    %dma_start3A_747 = tpu.memref_slice %arg18[%dma_start3A_745, %dma_start3A_746] : memref<128x64xf32, #tpu.memory_space<vmem>> -> memref<1x64xf32, #tpu.memory_space<vmem>>
    %dma_start3A_748 = arith.constant 0 : i32
    %dma_start3A_749 = tpu.memref_slice %arg3[%get3A_744, %dma_start3A_748] : memref<100000x64xf32, #tpu.memory_space<any>> -> memref<1x64xf32, #tpu.memory_space<any>>
    tpu.enqueue_dma source(%dma_start3A_749 : memref<1x64xf32, #tpu.memory_space<any>>) target(%dma_start3A_747 : memref<1x64xf32, #tpu.memory_space<vmem>>) target_semaphore(%arg19 : memref<!tpu.dma_semaphore, #tpu.memory_space<semaphore_mem>>)
    %get3A_750 = arith.constant 94 : index
    %get3A_751 = arith.constant 0 : index
    %get3A_752 = memref.load %arg4[%get3A_750, %get3A_751] : memref<128x1xi32, #tpu.memory_space<smem>>
    %dma_start3A_753 = arith.constant 94 : i32
    %dma_start3A_754 = arith.constant 0 : i32
    %dma_start3A_755 = tpu.memref_slice %arg18[%dma_start3A_753, %dma_start3A_754] : memref<128x64xf32, #tpu.memory_space<vmem>> -> memref<1x64xf32, #tpu.memory_space<vmem>>
    %dma_start3A_756 = arith.constant 0 : i32
    %dma_start3A_757 = tpu.memref_slice %arg3[%get3A_752, %dma_start3A_756] : memref<100000x64xf32, #tpu.memory_space<any>> -> memref<1x64xf32, #tpu.memory_space<any>>
    tpu.enqueue_dma source(%dma_start3A_757 : memref<1x64xf32, #tpu.memory_space<any>>) target(%dma_start3A_755 : memref<1x64xf32, #tpu.memory_space<vmem>>) target_semaphore(%arg19 : memref<!tpu.dma_semaphore, #tpu.memory_space<semaphore_mem>>)
    %get3A_758 = arith.constant 95 : index
    %get3A_759 = arith.constant 0 : index
    %get3A_760 = memref.load %arg4[%get3A_758, %get3A_759] : memref<128x1xi32, #tpu.memory_space<smem>>
    %dma_start3A_761 = arith.constant 95 : i32
    %dma_start3A_762 = arith.constant 0 : i32
    %dma_start3A_763 = tpu.memref_slice %arg18[%dma_start3A_761, %dma_start3A_762] : memref<128x64xf32, #tpu.memory_space<vmem>> -> memref<1x64xf32, #tpu.memory_space<vmem>>
    %dma_start3A_764 = arith.constant 0 : i32
    %dma_start3A_765 = tpu.memref_slice %arg3[%get3A_760, %dma_start3A_764] : memref<100000x64xf32, #tpu.memory_space<any>> -> memref<1x64xf32, #tpu.memory_space<any>>
    tpu.enqueue_dma source(%dma_start3A_765 : memref<1x64xf32, #tpu.memory_space<any>>) target(%dma_start3A_763 : memref<1x64xf32, #tpu.memory_space<vmem>>) target_semaphore(%arg19 : memref<!tpu.dma_semaphore, #tpu.memory_space<semaphore_mem>>)
    %get3A_766 = arith.constant 96 : index
    %get3A_767 = arith.constant 0 : index
    %get3A_768 = memref.load %arg4[%get3A_766, %get3A_767] : memref<128x1xi32, #tpu.memory_space<smem>>
    %dma_start3A_769 = arith.constant 96 : i32
    %dma_start3A_770 = arith.constant 0 : i32
    %dma_start3A_771 = tpu.memref_slice %arg18[%dma_start3A_769, %dma_start3A_770] : memref<128x64xf32, #tpu.memory_space<vmem>> -> memref<1x64xf32, #tpu.memory_space<vmem>>
    %dma_start3A_772 = arith.constant 0 : i32
    %dma_start3A_773 = tpu.memref_slice %arg3[%get3A_768, %dma_start3A_772] : memref<100000x64xf32, #tpu.memory_space<any>> -> memref<1x64xf32, #tpu.memory_space<any>>
    tpu.enqueue_dma source(%dma_start3A_773 : memref<1x64xf32, #tpu.memory_space<any>>) target(%dma_start3A_771 : memref<1x64xf32, #tpu.memory_space<vmem>>) target_semaphore(%arg19 : memref<!tpu.dma_semaphore, #tpu.memory_space<semaphore_mem>>)
    %get3A_774 = arith.constant 97 : index
    %get3A_775 = arith.constant 0 : index
    %get3A_776 = memref.load %arg4[%get3A_774, %get3A_775] : memref<128x1xi32, #tpu.memory_space<smem>>
    %dma_start3A_777 = arith.constant 97 : i32
    %dma_start3A_778 = arith.constant 0 : i32
    %dma_start3A_779 = tpu.memref_slice %arg18[%dma_start3A_777, %dma_start3A_778] : memref<128x64xf32, #tpu.memory_space<vmem>> -> memref<1x64xf32, #tpu.memory_space<vmem>>
    %dma_start3A_780 = arith.constant 0 : i32
    %dma_start3A_781 = tpu.memref_slice %arg3[%get3A_776, %dma_start3A_780] : memref<100000x64xf32, #tpu.memory_space<any>> -> memref<1x64xf32, #tpu.memory_space<any>>
    tpu.enqueue_dma source(%dma_start3A_781 : memref<1x64xf32, #tpu.memory_space<any>>) target(%dma_start3A_779 : memref<1x64xf32, #tpu.memory_space<vmem>>) target_semaphore(%arg19 : memref<!tpu.dma_semaphore, #tpu.memory_space<semaphore_mem>>)
    %get3A_782 = arith.constant 98 : index
    %get3A_783 = arith.constant 0 : index
    %get3A_784 = memref.load %arg4[%get3A_782, %get3A_783] : memref<128x1xi32, #tpu.memory_space<smem>>
    %dma_start3A_785 = arith.constant 98 : i32
    %dma_start3A_786 = arith.constant 0 : i32
    %dma_start3A_787 = tpu.memref_slice %arg18[%dma_start3A_785, %dma_start3A_786] : memref<128x64xf32, #tpu.memory_space<vmem>> -> memref<1x64xf32, #tpu.memory_space<vmem>>
    %dma_start3A_788 = arith.constant 0 : i32
    %dma_start3A_789 = tpu.memref_slice %arg3[%get3A_784, %dma_start3A_788] : memref<100000x64xf32, #tpu.memory_space<any>> -> memref<1x64xf32, #tpu.memory_space<any>>
    tpu.enqueue_dma source(%dma_start3A_789 : memref<1x64xf32, #tpu.memory_space<any>>) target(%dma_start3A_787 : memref<1x64xf32, #tpu.memory_space<vmem>>) target_semaphore(%arg19 : memref<!tpu.dma_semaphore, #tpu.memory_space<semaphore_mem>>)
    %get3A_790 = arith.constant 99 : index
    %get3A_791 = arith.constant 0 : index
    %get3A_792 = memref.load %arg4[%get3A_790, %get3A_791] : memref<128x1xi32, #tpu.memory_space<smem>>
    %dma_start3A_793 = arith.constant 99 : i32
    %dma_start3A_794 = arith.constant 0 : i32
    %dma_start3A_795 = tpu.memref_slice %arg18[%dma_start3A_793, %dma_start3A_794] : memref<128x64xf32, #tpu.memory_space<vmem>> -> memref<1x64xf32, #tpu.memory_space<vmem>>
    %dma_start3A_796 = arith.constant 0 : i32
    %dma_start3A_797 = tpu.memref_slice %arg3[%get3A_792, %dma_start3A_796] : memref<100000x64xf32, #tpu.memory_space<any>> -> memref<1x64xf32, #tpu.memory_space<any>>
    tpu.enqueue_dma source(%dma_start3A_797 : memref<1x64xf32, #tpu.memory_space<any>>) target(%dma_start3A_795 : memref<1x64xf32, #tpu.memory_space<vmem>>) target_semaphore(%arg19 : memref<!tpu.dma_semaphore, #tpu.memory_space<semaphore_mem>>)
    %get3A_798 = arith.constant 100 : index
    %get3A_799 = arith.constant 0 : index
    %get3A_800 = memref.load %arg4[%get3A_798, %get3A_799] : memref<128x1xi32, #tpu.memory_space<smem>>
    %dma_start3A_801 = arith.constant 100 : i32
    %dma_start3A_802 = arith.constant 0 : i32
    %dma_start3A_803 = tpu.memref_slice %arg18[%dma_start3A_801, %dma_start3A_802] : memref<128x64xf32, #tpu.memory_space<vmem>> -> memref<1x64xf32, #tpu.memory_space<vmem>>
    %dma_start3A_804 = arith.constant 0 : i32
    %dma_start3A_805 = tpu.memref_slice %arg3[%get3A_800, %dma_start3A_804] : memref<100000x64xf32, #tpu.memory_space<any>> -> memref<1x64xf32, #tpu.memory_space<any>>
    tpu.enqueue_dma source(%dma_start3A_805 : memref<1x64xf32, #tpu.memory_space<any>>) target(%dma_start3A_803 : memref<1x64xf32, #tpu.memory_space<vmem>>) target_semaphore(%arg19 : memref<!tpu.dma_semaphore, #tpu.memory_space<semaphore_mem>>)
    %get3A_806 = arith.constant 101 : index
    %get3A_807 = arith.constant 0 : index
    %get3A_808 = memref.load %arg4[%get3A_806, %get3A_807] : memref<128x1xi32, #tpu.memory_space<smem>>
    %dma_start3A_809 = arith.constant 101 : i32
    %dma_start3A_810 = arith.constant 0 : i32
    %dma_start3A_811 = tpu.memref_slice %arg18[%dma_start3A_809, %dma_start3A_810] : memref<128x64xf32, #tpu.memory_space<vmem>> -> memref<1x64xf32, #tpu.memory_space<vmem>>
    %dma_start3A_812 = arith.constant 0 : i32
    %dma_start3A_813 = tpu.memref_slice %arg3[%get3A_808, %dma_start3A_812] : memref<100000x64xf32, #tpu.memory_space<any>> -> memref<1x64xf32, #tpu.memory_space<any>>
    tpu.enqueue_dma source(%dma_start3A_813 : memref<1x64xf32, #tpu.memory_space<any>>) target(%dma_start3A_811 : memref<1x64xf32, #tpu.memory_space<vmem>>) target_semaphore(%arg19 : memref<!tpu.dma_semaphore, #tpu.memory_space<semaphore_mem>>)
    %get3A_814 = arith.constant 102 : index
    %get3A_815 = arith.constant 0 : index
    %get3A_816 = memref.load %arg4[%get3A_814, %get3A_815] : memref<128x1xi32, #tpu.memory_space<smem>>
    %dma_start3A_817 = arith.constant 102 : i32
    %dma_start3A_818 = arith.constant 0 : i32
    %dma_start3A_819 = tpu.memref_slice %arg18[%dma_start3A_817, %dma_start3A_818] : memref<128x64xf32, #tpu.memory_space<vmem>> -> memref<1x64xf32, #tpu.memory_space<vmem>>
    %dma_start3A_820 = arith.constant 0 : i32
    %dma_start3A_821 = tpu.memref_slice %arg3[%get3A_816, %dma_start3A_820] : memref<100000x64xf32, #tpu.memory_space<any>> -> memref<1x64xf32, #tpu.memory_space<any>>
    tpu.enqueue_dma source(%dma_start3A_821 : memref<1x64xf32, #tpu.memory_space<any>>) target(%dma_start3A_819 : memref<1x64xf32, #tpu.memory_space<vmem>>) target_semaphore(%arg19 : memref<!tpu.dma_semaphore, #tpu.memory_space<semaphore_mem>>)
    %get3A_822 = arith.constant 103 : index
    %get3A_823 = arith.constant 0 : index
    %get3A_824 = memref.load %arg4[%get3A_822, %get3A_823] : memref<128x1xi32, #tpu.memory_space<smem>>
    %dma_start3A_825 = arith.constant 103 : i32
    %dma_start3A_826 = arith.constant 0 : i32
    %dma_start3A_827 = tpu.memref_slice %arg18[%dma_start3A_825, %dma_start3A_826] : memref<128x64xf32, #tpu.memory_space<vmem>> -> memref<1x64xf32, #tpu.memory_space<vmem>>
    %dma_start3A_828 = arith.constant 0 : i32
    %dma_start3A_829 = tpu.memref_slice %arg3[%get3A_824, %dma_start3A_828] : memref<100000x64xf32, #tpu.memory_space<any>> -> memref<1x64xf32, #tpu.memory_space<any>>
    tpu.enqueue_dma source(%dma_start3A_829 : memref<1x64xf32, #tpu.memory_space<any>>) target(%dma_start3A_827 : memref<1x64xf32, #tpu.memory_space<vmem>>) target_semaphore(%arg19 : memref<!tpu.dma_semaphore, #tpu.memory_space<semaphore_mem>>)
    %get3A_830 = arith.constant 104 : index
    %get3A_831 = arith.constant 0 : index
    %get3A_832 = memref.load %arg4[%get3A_830, %get3A_831] : memref<128x1xi32, #tpu.memory_space<smem>>
    %dma_start3A_833 = arith.constant 104 : i32
    %dma_start3A_834 = arith.constant 0 : i32
    %dma_start3A_835 = tpu.memref_slice %arg18[%dma_start3A_833, %dma_start3A_834] : memref<128x64xf32, #tpu.memory_space<vmem>> -> memref<1x64xf32, #tpu.memory_space<vmem>>
    %dma_start3A_836 = arith.constant 0 : i32
    %dma_start3A_837 = tpu.memref_slice %arg3[%get3A_832, %dma_start3A_836] : memref<100000x64xf32, #tpu.memory_space<any>> -> memref<1x64xf32, #tpu.memory_space<any>>
    tpu.enqueue_dma source(%dma_start3A_837 : memref<1x64xf32, #tpu.memory_space<any>>) target(%dma_start3A_835 : memref<1x64xf32, #tpu.memory_space<vmem>>) target_semaphore(%arg19 : memref<!tpu.dma_semaphore, #tpu.memory_space<semaphore_mem>>)
    %get3A_838 = arith.constant 105 : index
    %get3A_839 = arith.constant 0 : index
    %get3A_840 = memref.load %arg4[%get3A_838, %get3A_839] : memref<128x1xi32, #tpu.memory_space<smem>>
    %dma_start3A_841 = arith.constant 105 : i32
    %dma_start3A_842 = arith.constant 0 : i32
    %dma_start3A_843 = tpu.memref_slice %arg18[%dma_start3A_841, %dma_start3A_842] : memref<128x64xf32, #tpu.memory_space<vmem>> -> memref<1x64xf32, #tpu.memory_space<vmem>>
    %dma_start3A_844 = arith.constant 0 : i32
    %dma_start3A_845 = tpu.memref_slice %arg3[%get3A_840, %dma_start3A_844] : memref<100000x64xf32, #tpu.memory_space<any>> -> memref<1x64xf32, #tpu.memory_space<any>>
    tpu.enqueue_dma source(%dma_start3A_845 : memref<1x64xf32, #tpu.memory_space<any>>) target(%dma_start3A_843 : memref<1x64xf32, #tpu.memory_space<vmem>>) target_semaphore(%arg19 : memref<!tpu.dma_semaphore, #tpu.memory_space<semaphore_mem>>)
    %get3A_846 = arith.constant 106 : index
    %get3A_847 = arith.constant 0 : index
    %get3A_848 = memref.load %arg4[%get3A_846, %get3A_847] : memref<128x1xi32, #tpu.memory_space<smem>>
    %dma_start3A_849 = arith.constant 106 : i32
    %dma_start3A_850 = arith.constant 0 : i32
    %dma_start3A_851 = tpu.memref_slice %arg18[%dma_start3A_849, %dma_start3A_850] : memref<128x64xf32, #tpu.memory_space<vmem>> -> memref<1x64xf32, #tpu.memory_space<vmem>>
    %dma_start3A_852 = arith.constant 0 : i32
    %dma_start3A_853 = tpu.memref_slice %arg3[%get3A_848, %dma_start3A_852] : memref<100000x64xf32, #tpu.memory_space<any>> -> memref<1x64xf32, #tpu.memory_space<any>>
    tpu.enqueue_dma source(%dma_start3A_853 : memref<1x64xf32, #tpu.memory_space<any>>) target(%dma_start3A_851 : memref<1x64xf32, #tpu.memory_space<vmem>>) target_semaphore(%arg19 : memref<!tpu.dma_semaphore, #tpu.memory_space<semaphore_mem>>)
    %get3A_854 = arith.constant 107 : index
    %get3A_855 = arith.constant 0 : index
    %get3A_856 = memref.load %arg4[%get3A_854, %get3A_855] : memref<128x1xi32, #tpu.memory_space<smem>>
    %dma_start3A_857 = arith.constant 107 : i32
    %dma_start3A_858 = arith.constant 0 : i32
    %dma_start3A_859 = tpu.memref_slice %arg18[%dma_start3A_857, %dma_start3A_858] : memref<128x64xf32, #tpu.memory_space<vmem>> -> memref<1x64xf32, #tpu.memory_space<vmem>>
    %dma_start3A_860 = arith.constant 0 : i32
    %dma_start3A_861 = tpu.memref_slice %arg3[%get3A_856, %dma_start3A_860] : memref<100000x64xf32, #tpu.memory_space<any>> -> memref<1x64xf32, #tpu.memory_space<any>>
    tpu.enqueue_dma source(%dma_start3A_861 : memref<1x64xf32, #tpu.memory_space<any>>) target(%dma_start3A_859 : memref<1x64xf32, #tpu.memory_space<vmem>>) target_semaphore(%arg19 : memref<!tpu.dma_semaphore, #tpu.memory_space<semaphore_mem>>)
    %get3A_862 = arith.constant 108 : index
    %get3A_863 = arith.constant 0 : index
    %get3A_864 = memref.load %arg4[%get3A_862, %get3A_863] : memref<128x1xi32, #tpu.memory_space<smem>>
    %dma_start3A_865 = arith.constant 108 : i32
    %dma_start3A_866 = arith.constant 0 : i32
    %dma_start3A_867 = tpu.memref_slice %arg18[%dma_start3A_865, %dma_start3A_866] : memref<128x64xf32, #tpu.memory_space<vmem>> -> memref<1x64xf32, #tpu.memory_space<vmem>>
    %dma_start3A_868 = arith.constant 0 : i32
    %dma_start3A_869 = tpu.memref_slice %arg3[%get3A_864, %dma_start3A_868] : memref<100000x64xf32, #tpu.memory_space<any>> -> memref<1x64xf32, #tpu.memory_space<any>>
    tpu.enqueue_dma source(%dma_start3A_869 : memref<1x64xf32, #tpu.memory_space<any>>) target(%dma_start3A_867 : memref<1x64xf32, #tpu.memory_space<vmem>>) target_semaphore(%arg19 : memref<!tpu.dma_semaphore, #tpu.memory_space<semaphore_mem>>)
    %get3A_870 = arith.constant 109 : index
    %get3A_871 = arith.constant 0 : index
    %get3A_872 = memref.load %arg4[%get3A_870, %get3A_871] : memref<128x1xi32, #tpu.memory_space<smem>>
    %dma_start3A_873 = arith.constant 109 : i32
    %dma_start3A_874 = arith.constant 0 : i32
    %dma_start3A_875 = tpu.memref_slice %arg18[%dma_start3A_873, %dma_start3A_874] : memref<128x64xf32, #tpu.memory_space<vmem>> -> memref<1x64xf32, #tpu.memory_space<vmem>>
    %dma_start3A_876 = arith.constant 0 : i32
    %dma_start3A_877 = tpu.memref_slice %arg3[%get3A_872, %dma_start3A_876] : memref<100000x64xf32, #tpu.memory_space<any>> -> memref<1x64xf32, #tpu.memory_space<any>>
    tpu.enqueue_dma source(%dma_start3A_877 : memref<1x64xf32, #tpu.memory_space<any>>) target(%dma_start3A_875 : memref<1x64xf32, #tpu.memory_space<vmem>>) target_semaphore(%arg19 : memref<!tpu.dma_semaphore, #tpu.memory_space<semaphore_mem>>)
    %get3A_878 = arith.constant 110 : index
    %get3A_879 = arith.constant 0 : index
    %get3A_880 = memref.load %arg4[%get3A_878, %get3A_879] : memref<128x1xi32, #tpu.memory_space<smem>>
    %dma_start3A_881 = arith.constant 110 : i32
    %dma_start3A_882 = arith.constant 0 : i32
    %dma_start3A_883 = tpu.memref_slice %arg18[%dma_start3A_881, %dma_start3A_882] : memref<128x64xf32, #tpu.memory_space<vmem>> -> memref<1x64xf32, #tpu.memory_space<vmem>>
    %dma_start3A_884 = arith.constant 0 : i32
    %dma_start3A_885 = tpu.memref_slice %arg3[%get3A_880, %dma_start3A_884] : memref<100000x64xf32, #tpu.memory_space<any>> -> memref<1x64xf32, #tpu.memory_space<any>>
    tpu.enqueue_dma source(%dma_start3A_885 : memref<1x64xf32, #tpu.memory_space<any>>) target(%dma_start3A_883 : memref<1x64xf32, #tpu.memory_space<vmem>>) target_semaphore(%arg19 : memref<!tpu.dma_semaphore, #tpu.memory_space<semaphore_mem>>)
    %get3A_886 = arith.constant 111 : index
    %get3A_887 = arith.constant 0 : index
    %get3A_888 = memref.load %arg4[%get3A_886, %get3A_887] : memref<128x1xi32, #tpu.memory_space<smem>>
    %dma_start3A_889 = arith.constant 111 : i32
    %dma_start3A_890 = arith.constant 0 : i32
    %dma_start3A_891 = tpu.memref_slice %arg18[%dma_start3A_889, %dma_start3A_890] : memref<128x64xf32, #tpu.memory_space<vmem>> -> memref<1x64xf32, #tpu.memory_space<vmem>>
    %dma_start3A_892 = arith.constant 0 : i32
    %dma_start3A_893 = tpu.memref_slice %arg3[%get3A_888, %dma_start3A_892] : memref<100000x64xf32, #tpu.memory_space<any>> -> memref<1x64xf32, #tpu.memory_space<any>>
    tpu.enqueue_dma source(%dma_start3A_893 : memref<1x64xf32, #tpu.memory_space<any>>) target(%dma_start3A_891 : memref<1x64xf32, #tpu.memory_space<vmem>>) target_semaphore(%arg19 : memref<!tpu.dma_semaphore, #tpu.memory_space<semaphore_mem>>)
    %get3A_894 = arith.constant 112 : index
    %get3A_895 = arith.constant 0 : index
    %get3A_896 = memref.load %arg4[%get3A_894, %get3A_895] : memref<128x1xi32, #tpu.memory_space<smem>>
    %dma_start3A_897 = arith.constant 112 : i32
    %dma_start3A_898 = arith.constant 0 : i32
    %dma_start3A_899 = tpu.memref_slice %arg18[%dma_start3A_897, %dma_start3A_898] : memref<128x64xf32, #tpu.memory_space<vmem>> -> memref<1x64xf32, #tpu.memory_space<vmem>>
    %dma_start3A_900 = arith.constant 0 : i32
    %dma_start3A_901 = tpu.memref_slice %arg3[%get3A_896, %dma_start3A_900] : memref<100000x64xf32, #tpu.memory_space<any>> -> memref<1x64xf32, #tpu.memory_space<any>>
    tpu.enqueue_dma source(%dma_start3A_901 : memref<1x64xf32, #tpu.memory_space<any>>) target(%dma_start3A_899 : memref<1x64xf32, #tpu.memory_space<vmem>>) target_semaphore(%arg19 : memref<!tpu.dma_semaphore, #tpu.memory_space<semaphore_mem>>)
    %get3A_902 = arith.constant 113 : index
    %get3A_903 = arith.constant 0 : index
    %get3A_904 = memref.load %arg4[%get3A_902, %get3A_903] : memref<128x1xi32, #tpu.memory_space<smem>>
    %dma_start3A_905 = arith.constant 113 : i32
    %dma_start3A_906 = arith.constant 0 : i32
    %dma_start3A_907 = tpu.memref_slice %arg18[%dma_start3A_905, %dma_start3A_906] : memref<128x64xf32, #tpu.memory_space<vmem>> -> memref<1x64xf32, #tpu.memory_space<vmem>>
    %dma_start3A_908 = arith.constant 0 : i32
    %dma_start3A_909 = tpu.memref_slice %arg3[%get3A_904, %dma_start3A_908] : memref<100000x64xf32, #tpu.memory_space<any>> -> memref<1x64xf32, #tpu.memory_space<any>>
    tpu.enqueue_dma source(%dma_start3A_909 : memref<1x64xf32, #tpu.memory_space<any>>) target(%dma_start3A_907 : memref<1x64xf32, #tpu.memory_space<vmem>>) target_semaphore(%arg19 : memref<!tpu.dma_semaphore, #tpu.memory_space<semaphore_mem>>)
    %get3A_910 = arith.constant 114 : index
    %get3A_911 = arith.constant 0 : index
    %get3A_912 = memref.load %arg4[%get3A_910, %get3A_911] : memref<128x1xi32, #tpu.memory_space<smem>>
    %dma_start3A_913 = arith.constant 114 : i32
    %dma_start3A_914 = arith.constant 0 : i32
    %dma_start3A_915 = tpu.memref_slice %arg18[%dma_start3A_913, %dma_start3A_914] : memref<128x64xf32, #tpu.memory_space<vmem>> -> memref<1x64xf32, #tpu.memory_space<vmem>>
    %dma_start3A_916 = arith.constant 0 : i32
    %dma_start3A_917 = tpu.memref_slice %arg3[%get3A_912, %dma_start3A_916] : memref<100000x64xf32, #tpu.memory_space<any>> -> memref<1x64xf32, #tpu.memory_space<any>>
    tpu.enqueue_dma source(%dma_start3A_917 : memref<1x64xf32, #tpu.memory_space<any>>) target(%dma_start3A_915 : memref<1x64xf32, #tpu.memory_space<vmem>>) target_semaphore(%arg19 : memref<!tpu.dma_semaphore, #tpu.memory_space<semaphore_mem>>)
    %get3A_918 = arith.constant 115 : index
    %get3A_919 = arith.constant 0 : index
    %get3A_920 = memref.load %arg4[%get3A_918, %get3A_919] : memref<128x1xi32, #tpu.memory_space<smem>>
    %dma_start3A_921 = arith.constant 115 : i32
    %dma_start3A_922 = arith.constant 0 : i32
    %dma_start3A_923 = tpu.memref_slice %arg18[%dma_start3A_921, %dma_start3A_922] : memref<128x64xf32, #tpu.memory_space<vmem>> -> memref<1x64xf32, #tpu.memory_space<vmem>>
    %dma_start3A_924 = arith.constant 0 : i32
    %dma_start3A_925 = tpu.memref_slice %arg3[%get3A_920, %dma_start3A_924] : memref<100000x64xf32, #tpu.memory_space<any>> -> memref<1x64xf32, #tpu.memory_space<any>>
    tpu.enqueue_dma source(%dma_start3A_925 : memref<1x64xf32, #tpu.memory_space<any>>) target(%dma_start3A_923 : memref<1x64xf32, #tpu.memory_space<vmem>>) target_semaphore(%arg19 : memref<!tpu.dma_semaphore, #tpu.memory_space<semaphore_mem>>)
    %get3A_926 = arith.constant 116 : index
    %get3A_927 = arith.constant 0 : index
    %get3A_928 = memref.load %arg4[%get3A_926, %get3A_927] : memref<128x1xi32, #tpu.memory_space<smem>>
    %dma_start3A_929 = arith.constant 116 : i32
    %dma_start3A_930 = arith.constant 0 : i32
    %dma_start3A_931 = tpu.memref_slice %arg18[%dma_start3A_929, %dma_start3A_930] : memref<128x64xf32, #tpu.memory_space<vmem>> -> memref<1x64xf32, #tpu.memory_space<vmem>>
    %dma_start3A_932 = arith.constant 0 : i32
    %dma_start3A_933 = tpu.memref_slice %arg3[%get3A_928, %dma_start3A_932] : memref<100000x64xf32, #tpu.memory_space<any>> -> memref<1x64xf32, #tpu.memory_space<any>>
    tpu.enqueue_dma source(%dma_start3A_933 : memref<1x64xf32, #tpu.memory_space<any>>) target(%dma_start3A_931 : memref<1x64xf32, #tpu.memory_space<vmem>>) target_semaphore(%arg19 : memref<!tpu.dma_semaphore, #tpu.memory_space<semaphore_mem>>)
    %get3A_934 = arith.constant 117 : index
    %get3A_935 = arith.constant 0 : index
    %get3A_936 = memref.load %arg4[%get3A_934, %get3A_935] : memref<128x1xi32, #tpu.memory_space<smem>>
    %dma_start3A_937 = arith.constant 117 : i32
    %dma_start3A_938 = arith.constant 0 : i32
    %dma_start3A_939 = tpu.memref_slice %arg18[%dma_start3A_937, %dma_start3A_938] : memref<128x64xf32, #tpu.memory_space<vmem>> -> memref<1x64xf32, #tpu.memory_space<vmem>>
    %dma_start3A_940 = arith.constant 0 : i32
    %dma_start3A_941 = tpu.memref_slice %arg3[%get3A_936, %dma_start3A_940] : memref<100000x64xf32, #tpu.memory_space<any>> -> memref<1x64xf32, #tpu.memory_space<any>>
    tpu.enqueue_dma source(%dma_start3A_941 : memref<1x64xf32, #tpu.memory_space<any>>) target(%dma_start3A_939 : memref<1x64xf32, #tpu.memory_space<vmem>>) target_semaphore(%arg19 : memref<!tpu.dma_semaphore, #tpu.memory_space<semaphore_mem>>)
    %get3A_942 = arith.constant 118 : index
    %get3A_943 = arith.constant 0 : index
    %get3A_944 = memref.load %arg4[%get3A_942, %get3A_943] : memref<128x1xi32, #tpu.memory_space<smem>>
    %dma_start3A_945 = arith.constant 118 : i32
    %dma_start3A_946 = arith.constant 0 : i32
    %dma_start3A_947 = tpu.memref_slice %arg18[%dma_start3A_945, %dma_start3A_946] : memref<128x64xf32, #tpu.memory_space<vmem>> -> memref<1x64xf32, #tpu.memory_space<vmem>>
    %dma_start3A_948 = arith.constant 0 : i32
    %dma_start3A_949 = tpu.memref_slice %arg3[%get3A_944, %dma_start3A_948] : memref<100000x64xf32, #tpu.memory_space<any>> -> memref<1x64xf32, #tpu.memory_space<any>>
    tpu.enqueue_dma source(%dma_start3A_949 : memref<1x64xf32, #tpu.memory_space<any>>) target(%dma_start3A_947 : memref<1x64xf32, #tpu.memory_space<vmem>>) target_semaphore(%arg19 : memref<!tpu.dma_semaphore, #tpu.memory_space<semaphore_mem>>)
    %get3A_950 = arith.constant 119 : index
    %get3A_951 = arith.constant 0 : index
    %get3A_952 = memref.load %arg4[%get3A_950, %get3A_951] : memref<128x1xi32, #tpu.memory_space<smem>>
    %dma_start3A_953 = arith.constant 119 : i32
    %dma_start3A_954 = arith.constant 0 : i32
    %dma_start3A_955 = tpu.memref_slice %arg18[%dma_start3A_953, %dma_start3A_954] : memref<128x64xf32, #tpu.memory_space<vmem>> -> memref<1x64xf32, #tpu.memory_space<vmem>>
    %dma_start3A_956 = arith.constant 0 : i32
    %dma_start3A_957 = tpu.memref_slice %arg3[%get3A_952, %dma_start3A_956] : memref<100000x64xf32, #tpu.memory_space<any>> -> memref<1x64xf32, #tpu.memory_space<any>>
    tpu.enqueue_dma source(%dma_start3A_957 : memref<1x64xf32, #tpu.memory_space<any>>) target(%dma_start3A_955 : memref<1x64xf32, #tpu.memory_space<vmem>>) target_semaphore(%arg19 : memref<!tpu.dma_semaphore, #tpu.memory_space<semaphore_mem>>)
    %get3A_958 = arith.constant 120 : index
    %get3A_959 = arith.constant 0 : index
    %get3A_960 = memref.load %arg4[%get3A_958, %get3A_959] : memref<128x1xi32, #tpu.memory_space<smem>>
    %dma_start3A_961 = arith.constant 120 : i32
    %dma_start3A_962 = arith.constant 0 : i32
    %dma_start3A_963 = tpu.memref_slice %arg18[%dma_start3A_961, %dma_start3A_962] : memref<128x64xf32, #tpu.memory_space<vmem>> -> memref<1x64xf32, #tpu.memory_space<vmem>>
    %dma_start3A_964 = arith.constant 0 : i32
    %dma_start3A_965 = tpu.memref_slice %arg3[%get3A_960, %dma_start3A_964] : memref<100000x64xf32, #tpu.memory_space<any>> -> memref<1x64xf32, #tpu.memory_space<any>>
    tpu.enqueue_dma source(%dma_start3A_965 : memref<1x64xf32, #tpu.memory_space<any>>) target(%dma_start3A_963 : memref<1x64xf32, #tpu.memory_space<vmem>>) target_semaphore(%arg19 : memref<!tpu.dma_semaphore, #tpu.memory_space<semaphore_mem>>)
    %get3A_966 = arith.constant 121 : index
    %get3A_967 = arith.constant 0 : index
    %get3A_968 = memref.load %arg4[%get3A_966, %get3A_967] : memref<128x1xi32, #tpu.memory_space<smem>>
    %dma_start3A_969 = arith.constant 121 : i32
    %dma_start3A_970 = arith.constant 0 : i32
    %dma_start3A_971 = tpu.memref_slice %arg18[%dma_start3A_969, %dma_start3A_970] : memref<128x64xf32, #tpu.memory_space<vmem>> -> memref<1x64xf32, #tpu.memory_space<vmem>>
    %dma_start3A_972 = arith.constant 0 : i32
    %dma_start3A_973 = tpu.memref_slice %arg3[%get3A_968, %dma_start3A_972] : memref<100000x64xf32, #tpu.memory_space<any>> -> memref<1x64xf32, #tpu.memory_space<any>>
    tpu.enqueue_dma source(%dma_start3A_973 : memref<1x64xf32, #tpu.memory_space<any>>) target(%dma_start3A_971 : memref<1x64xf32, #tpu.memory_space<vmem>>) target_semaphore(%arg19 : memref<!tpu.dma_semaphore, #tpu.memory_space<semaphore_mem>>)
    %get3A_974 = arith.constant 122 : index
    %get3A_975 = arith.constant 0 : index
    %get3A_976 = memref.load %arg4[%get3A_974, %get3A_975] : memref<128x1xi32, #tpu.memory_space<smem>>
    %dma_start3A_977 = arith.constant 122 : i32
    %dma_start3A_978 = arith.constant 0 : i32
    %dma_start3A_979 = tpu.memref_slice %arg18[%dma_start3A_977, %dma_start3A_978] : memref<128x64xf32, #tpu.memory_space<vmem>> -> memref<1x64xf32, #tpu.memory_space<vmem>>
    %dma_start3A_980 = arith.constant 0 : i32
    %dma_start3A_981 = tpu.memref_slice %arg3[%get3A_976, %dma_start3A_980] : memref<100000x64xf32, #tpu.memory_space<any>> -> memref<1x64xf32, #tpu.memory_space<any>>
    tpu.enqueue_dma source(%dma_start3A_981 : memref<1x64xf32, #tpu.memory_space<any>>) target(%dma_start3A_979 : memref<1x64xf32, #tpu.memory_space<vmem>>) target_semaphore(%arg19 : memref<!tpu.dma_semaphore, #tpu.memory_space<semaphore_mem>>)
    %get3A_982 = arith.constant 123 : index
    %get3A_983 = arith.constant 0 : index
    %get3A_984 = memref.load %arg4[%get3A_982, %get3A_983] : memref<128x1xi32, #tpu.memory_space<smem>>
    %dma_start3A_985 = arith.constant 123 : i32
    %dma_start3A_986 = arith.constant 0 : i32
    %dma_start3A_987 = tpu.memref_slice %arg18[%dma_start3A_985, %dma_start3A_986] : memref<128x64xf32, #tpu.memory_space<vmem>> -> memref<1x64xf32, #tpu.memory_space<vmem>>
    %dma_start3A_988 = arith.constant 0 : i32
    %dma_start3A_989 = tpu.memref_slice %arg3[%get3A_984, %dma_start3A_988] : memref<100000x64xf32, #tpu.memory_space<any>> -> memref<1x64xf32, #tpu.memory_space<any>>
    tpu.enqueue_dma source(%dma_start3A_989 : memref<1x64xf32, #tpu.memory_space<any>>) target(%dma_start3A_987 : memref<1x64xf32, #tpu.memory_space<vmem>>) target_semaphore(%arg19 : memref<!tpu.dma_semaphore, #tpu.memory_space<semaphore_mem>>)
    %get3A_990 = arith.constant 124 : index
    %get3A_991 = arith.constant 0 : index
    %get3A_992 = memref.load %arg4[%get3A_990, %get3A_991] : memref<128x1xi32, #tpu.memory_space<smem>>
    %dma_start3A_993 = arith.constant 124 : i32
    %dma_start3A_994 = arith.constant 0 : i32
    %dma_start3A_995 = tpu.memref_slice %arg18[%dma_start3A_993, %dma_start3A_994] : memref<128x64xf32, #tpu.memory_space<vmem>> -> memref<1x64xf32, #tpu.memory_space<vmem>>
    %dma_start3A_996 = arith.constant 0 : i32
    %dma_start3A_997 = tpu.memref_slice %arg3[%get3A_992, %dma_start3A_996] : memref<100000x64xf32, #tpu.memory_space<any>> -> memref<1x64xf32, #tpu.memory_space<any>>
    tpu.enqueue_dma source(%dma_start3A_997 : memref<1x64xf32, #tpu.memory_space<any>>) target(%dma_start3A_995 : memref<1x64xf32, #tpu.memory_space<vmem>>) target_semaphore(%arg19 : memref<!tpu.dma_semaphore, #tpu.memory_space<semaphore_mem>>)
    %get3A_998 = arith.constant 125 : index
    %get3A_999 = arith.constant 0 : index
    %get3A_1000 = memref.load %arg4[%get3A_998, %get3A_999] : memref<128x1xi32, #tpu.memory_space<smem>>
    %dma_start3A_1001 = arith.constant 125 : i32
    %dma_start3A_1002 = arith.constant 0 : i32
    %dma_start3A_1003 = tpu.memref_slice %arg18[%dma_start3A_1001, %dma_start3A_1002] : memref<128x64xf32, #tpu.memory_space<vmem>> -> memref<1x64xf32, #tpu.memory_space<vmem>>
    %dma_start3A_1004 = arith.constant 0 : i32
    %dma_start3A_1005 = tpu.memref_slice %arg3[%get3A_1000, %dma_start3A_1004] : memref<100000x64xf32, #tpu.memory_space<any>> -> memref<1x64xf32, #tpu.memory_space<any>>
    tpu.enqueue_dma source(%dma_start3A_1005 : memref<1x64xf32, #tpu.memory_space<any>>) target(%dma_start3A_1003 : memref<1x64xf32, #tpu.memory_space<vmem>>) target_semaphore(%arg19 : memref<!tpu.dma_semaphore, #tpu.memory_space<semaphore_mem>>)
    %get3A_1006 = arith.constant 126 : index
    %get3A_1007 = arith.constant 0 : index
    %get3A_1008 = memref.load %arg4[%get3A_1006, %get3A_1007] : memref<128x1xi32, #tpu.memory_space<smem>>
    %dma_start3A_1009 = arith.constant 126 : i32
    %dma_start3A_1010 = arith.constant 0 : i32
    %dma_start3A_1011 = tpu.memref_slice %arg18[%dma_start3A_1009, %dma_start3A_1010] : memref<128x64xf32, #tpu.memory_space<vmem>> -> memref<1x64xf32, #tpu.memory_space<vmem>>
    %dma_start3A_1012 = arith.constant 0 : i32
    %dma_start3A_1013 = tpu.memref_slice %arg3[%get3A_1008, %dma_start3A_1012] : memref<100000x64xf32, #tpu.memory_space<any>> -> memref<1x64xf32, #tpu.memory_space<any>>
    tpu.enqueue_dma source(%dma_start3A_1013 : memref<1x64xf32, #tpu.memory_space<any>>) target(%dma_start3A_1011 : memref<1x64xf32, #tpu.memory_space<vmem>>) target_semaphore(%arg19 : memref<!tpu.dma_semaphore, #tpu.memory_space<semaphore_mem>>)
    %get3A_1014 = arith.constant 127 : index
    %get3A_1015 = arith.constant 0 : index
    %get3A_1016 = memref.load %arg4[%get3A_1014, %get3A_1015] : memref<128x1xi32, #tpu.memory_space<smem>>
    %dma_start3A_1017 = arith.constant 127 : i32
    %dma_start3A_1018 = arith.constant 0 : i32
    %dma_start3A_1019 = tpu.memref_slice %arg18[%dma_start3A_1017, %dma_start3A_1018] : memref<128x64xf32, #tpu.memory_space<vmem>> -> memref<1x64xf32, #tpu.memory_space<vmem>>
    %dma_start3A_1020 = arith.constant 0 : i32
    %dma_start3A_1021 = tpu.memref_slice %arg3[%get3A_1016, %dma_start3A_1020] : memref<100000x64xf32, #tpu.memory_space<any>> -> memref<1x64xf32, #tpu.memory_space<any>>
    tpu.enqueue_dma source(%dma_start3A_1021 : memref<1x64xf32, #tpu.memory_space<any>>) target(%dma_start3A_1019 : memref<1x64xf32, #tpu.memory_space<vmem>>) target_semaphore(%arg19 : memref<!tpu.dma_semaphore, #tpu.memory_space<semaphore_mem>>)
    %get3A_1022 = arith.constant 0 : index
    %get3A_1023 = arith.constant 0 : index
    %get3A_1024 = arith.constant 0 : index
    %get3A_1025 = vector.load %arg1[%get3A_1022, %get3A_1023, %get3A_1024] : memref<20x64x128xf32, #tpu.memory_space<vmem>>, vector<20x64x128xf32>
    %slice3A = vector.extract_strided_slice %get3A_1025 {offsets = [0, 0, 0], sizes = [20, 64, 64], strides = [1, 1, 1]} : vector<20x64x128xf32> to vector<20x64x64xf32>
    %slice3A_1026 = vector.extract_strided_slice %get3A_1025 {offsets = [0, 0, 64], sizes = [20, 64, 64], strides = [1, 1, 1]} : vector<20x64x128xf32> to vector<20x64x64xf32>
    %get3A_1027 = arith.constant 0 : index
    %get3A_1028 = arith.constant 0 : index
    %get3A_1029 = arith.constant 0 : index
    %get3A_1030 = vector.load %arg2[%get3A_1027, %get3A_1028, %get3A_1029] : memref<20x128x1xi32, #tpu.memory_space<vmem>>, vector<20x128x1xi32>
    %get3A_1031 = arith.constant 0 : index
    %get3A_1032 = arith.constant 0 : index
    %get3A_1033 = vector.load %arg8[%get3A_1031, %get3A_1032] : memref<64x64xf32, #tpu.memory_space<vmem>>, vector<64x64xf32>
    %get3A_1034 = arith.constant 0 : index
    %get3A_1035 = arith.constant 0 : index
    %get3A_1036 = vector.load %arg9[%get3A_1034, %get3A_1035] : memref<64x64xf32, #tpu.memory_space<vmem>>, vector<64x64xf32>
    %get3A_1037 = arith.constant 0 : index
    %get3A_1038 = arith.constant 0 : index
    %get3A_1039 = vector.load %arg7[%get3A_1037, %get3A_1038] : memref<64x512xf32, #tpu.memory_space<vmem>>, vector<64x512xf32>
    %dot_general3A = arith.constant dense<0.000000e+00> : vector<64x512xf32>
    %dot_general3A_1040 = tpu.matmul %get3A_1036, %get3A_1039, %dot_general3A {dimension_numbers = #tpu.dot_dimension_numbers<[1], [0], [0], [1], [0, 0, 1, 1], [], []>, transpose_lhs_hint = false} : vector<64x64xf32>, vector<64x512xf32>, vector<64x512xf32> -> vector<64x512xf32>
    %dot_general3A_1041 = arith.constant dense<0.000000e+00> : vector<64x512xf32>
    %dot_general3A_1042 = tpu.matmul %get3A_1033, %dot_general3A_1040, %dot_general3A_1041 {dimension_numbers = #tpu.dot_dimension_numbers<[1], [0], [0], [1], [0, 0, 1, 1], [], []>, transpose_lhs_hint = false} : vector<64x64xf32>, vector<64x512xf32>, vector<64x512xf32> -> vector<64x512xf32>
    %mul3A = arith.constant 1.250000e-01 : f32
    %mul3A_1043 = vector.broadcast %mul3A : f32 to vector<64x512xf32>
    %mul3A_1044 = arith.mulf %dot_general3A_1042, %mul3A_1043 : vector<64x512xf32>
    %get3A_1045 = arith.constant 0 : index
    %get3A_1046 = arith.constant 0 : index
    %get3A_1047 = vector.load %arg6[%get3A_1045, %get3A_1046] : memref<512x64xf32, #tpu.memory_space<vmem>>, vector<512x64xf32>
    %get3A_1048 = arith.constant 0 : index
    %get3A_1049 = arith.constant 0 : index
    %get3A_1050 = vector.load %arg10[%get3A_1048, %get3A_1049] : memref<64x64xf32, #tpu.memory_space<vmem>>, vector<64x64xf32>
    %dot_general3A_1051 = arith.constant dense<0.000000e+00> : vector<512x64xf32>
    %dot_general3A_1052 = tpu.matmul %get3A_1047, %get3A_1050, %dot_general3A_1051 {dimension_numbers = #tpu.dot_dimension_numbers<[1], [0], [0], [1], [0, 0, 1, 1], [], []>, transpose_lhs_hint = false} : vector<512x64xf32>, vector<64x64xf32>, vector<512x64xf32> -> vector<512x64xf32>
    %get3A_1053 = arith.constant 0 : index
    %get3A_1054 = arith.constant 0 : index
    %get3A_1055 = vector.load %arg11[%get3A_1053, %get3A_1054] : memref<64x64xf32, #tpu.memory_space<vmem>>, vector<64x64xf32>
    %dot_general3A_1056 = arith.constant dense<0.000000e+00> : vector<512x64xf32>
    %dot_general3A_1057 = tpu.matmul %dot_general3A_1052, %get3A_1055, %dot_general3A_1056 {dimension_numbers = #tpu.dot_dimension_numbers<[1], [0], [0], [1], [0, 0, 1, 1], [], []>, transpose_lhs_hint = false} : vector<512x64xf32>, vector<64x64xf32>, vector<512x64xf32> -> vector<512x64xf32>
    %iota3A = tpu.iota {dimensions = array<i32: 1>} : vector<1280x512xi32>
    %iota3A_1058 = tpu.iota {dimensions = array<i32: 0>} : vector<512x8xi32>
    %jit3A = arith.constant 8 : i32
    %eq3A = arith.constant 0 : i32
    %eq3A_1059 = arith.cmpi eq, %jit3A, %eq3A : i32
    %jit3A_1060 = arith.constant 1 : i32
    %select_n3A = arith.select %eq3A_1059, %jit3A_1060, %jit3A : i32
    %rem3A = vector.broadcast %select_n3A : i32 to vector<512x8xi32>
    %rem3A_1061 = arith.remsi %iota3A_1058, %rem3A : vector<512x8xi32>
    %ne3A = arith.constant 0 : i32
    %ne3A_1062 = vector.broadcast %ne3A : i32 to vector<512x8xi32>
    %ne3A_1063 = arith.cmpi ne, %rem3A_1061, %ne3A_1062 : vector<512x8xi32>
    %lt3A = arith.constant 0 : i32
    %lt3A_1064 = vector.broadcast %lt3A : i32 to vector<512x8xi32>
    %lt3A_1065 = arith.cmpi slt, %rem3A_1061, %lt3A_1064 : vector<512x8xi32>
    %lt3A_1066 = arith.constant 0 : i32
    %lt3A_1067 = arith.cmpi slt, %select_n3A, %lt3A_1066 : i32
    %ne3A_1068 = vector.broadcast %lt3A_1067 : i1 to vector<512x8xi1>
    %ne3A_1069 = vector.broadcast %ne3A_1068 : vector<512x8xi1> to vector<512x8xi1>
    %ne3A_1070 = arith.xori %lt3A_1065, %ne3A_1069 : vector<512x8xi1>
    %and3A = arith.andi %ne3A_1070, %ne3A_1063 : vector<512x8xi1>
    %add3A = vector.broadcast %select_n3A : i32 to vector<512x8xi32>
    %add3A_1071 = arith.addi %rem3A_1061, %add3A : vector<512x8xi32>
    %select_n3A_1072 = arith.select %and3A, %add3A_1071, %rem3A_1061 : vector<512x8xi1>, vector<512x8xi32>
    %iota3A_1073 = tpu.iota {dimensions = array<i32: 1>} : vector<512x8xi32>
    %eq3A_1074 = arith.cmpi eq, %select_n3A_1072, %iota3A_1073 : vector<512x8xi32>
    %convert_element_type3A = arith.extui %eq3A_1074 : vector<512x8xi1> to vector<512x8xi32>
    %convert_element_type3A_1075 = arith.sitofp %convert_element_type3A : vector<512x8xi32> to vector<512x8xf32>
    %jit3A_1076 = arith.constant 8 : i32
    %div3A = vector.broadcast %jit3A_1076 : i32 to vector<1280x512xi32>
    %div3A_1077 = arith.divsi %iota3A, %div3A : vector<1280x512xi32>
    %sign3A = arith.constant 0 : i32
    %sign3A_1078 = vector.broadcast %sign3A : i32 to vector<1280x512xi32>
    %sign3A_1079 = arith.cmpi sgt, %iota3A, %sign3A_1078 : vector<1280x512xi32>
    %sign3A_1080 = arith.extui %sign3A_1079 : vector<1280x512xi1> to vector<1280x512xi32>
    %sign3A_1081 = arith.constant 0 : i32
    %sign3A_1082 = vector.broadcast %sign3A_1081 : i32 to vector<1280x512xi32>
    %sign3A_1083 = arith.cmpi slt, %iota3A, %sign3A_1082 : vector<1280x512xi32>
    %sign3A_1084 = arith.extui %sign3A_1083 : vector<1280x512xi1> to vector<1280x512xi32>
    %sign3A_1085 = arith.subi %sign3A_1080, %sign3A_1084 : vector<1280x512xi32>
    %sign3A_1086 = arith.constant 0 : i32
    %sign3A_1087 = arith.cmpi sgt, %jit3A_1076, %sign3A_1086 : i32
    %sign3A_1088 = arith.extui %sign3A_1087 : i1 to i32
    %sign3A_1089 = arith.constant 0 : i32
    %sign3A_1090 = arith.cmpi slt, %jit3A_1076, %sign3A_1089 : i32
    %sign3A_1091 = arith.extui %sign3A_1090 : i1 to i32
    %sign3A_1092 = arith.subi %sign3A_1088, %sign3A_1091 : i32
    %ne3A_1093 = vector.broadcast %sign3A_1092 : i32 to vector<1280x512xi32>
    %ne3A_1094 = arith.cmpi ne, %sign3A_1085, %ne3A_1093 : vector<1280x512xi32>
    %rem3A_1095 = vector.broadcast %jit3A_1076 : i32 to vector<1280x512xi32>
    %rem3A_1096 = arith.remsi %iota3A, %rem3A_1095 : vector<1280x512xi32>
    %ne3A_1097 = arith.constant 0 : i32
    %ne3A_1098 = vector.broadcast %ne3A_1097 : i32 to vector<1280x512xi32>
    %ne3A_1099 = arith.cmpi ne, %rem3A_1096, %ne3A_1098 : vector<1280x512xi32>
    %and3A_1100 = arith.andi %ne3A_1094, %ne3A_1099 : vector<1280x512xi1>
    %sub3A = arith.constant 1 : i32
    %sub3A_1101 = vector.broadcast %sub3A : i32 to vector<1280x512xi32>
    %sub3A_1102 = arith.subi %div3A_1077, %sub3A_1101 : vector<1280x512xi32>
    %select_n3A_1103 = arith.select %and3A_1100, %sub3A_1102, %div3A_1077 : vector<1280x512xi1>, vector<1280x512xi32>
    %slice3A_1104 = vector.extract_strided_slice %get3A_1030 {offsets = [0, 0, 0], sizes = [20, 64, 1], strides = [1, 1, 1]} : vector<20x128x1xi32> to vector<20x64x1xi32>
    %reshape3A = vector.shape_cast %slice3A_1104 : vector<20x64x1xi32> to vector<1280x1xi32>
    %eq3A_1105 = vector.broadcast %reshape3A : vector<1280x1xi32> to vector<1280x512xi32>
    %eq3A_1106 = arith.cmpi eq, %select_n3A_1103, %eq3A_1105 : vector<1280x512xi32>
    %jit3A_1107 = arith.constant 8 : i32
    %div3A_1108 = vector.broadcast %jit3A_1107 : i32 to vector<1280x512xi32>
    %div3A_1109 = arith.divsi %iota3A, %div3A_1108 : vector<1280x512xi32>
    %sign3A_1110 = arith.constant 0 : i32
    %sign3A_1111 = vector.broadcast %sign3A_1110 : i32 to vector<1280x512xi32>
    %sign3A_1112 = arith.cmpi sgt, %iota3A, %sign3A_1111 : vector<1280x512xi32>
    %sign3A_1113 = arith.extui %sign3A_1112 : vector<1280x512xi1> to vector<1280x512xi32>
    %sign3A_1114 = arith.constant 0 : i32
    %sign3A_1115 = vector.broadcast %sign3A_1114 : i32 to vector<1280x512xi32>
    %sign3A_1116 = arith.cmpi slt, %iota3A, %sign3A_1115 : vector<1280x512xi32>
    %sign3A_1117 = arith.extui %sign3A_1116 : vector<1280x512xi1> to vector<1280x512xi32>
    %sign3A_1118 = arith.subi %sign3A_1113, %sign3A_1117 : vector<1280x512xi32>
    %sign3A_1119 = arith.constant 0 : i32
    %sign3A_1120 = arith.cmpi sgt, %jit3A_1107, %sign3A_1119 : i32
    %sign3A_1121 = arith.extui %sign3A_1120 : i1 to i32
    %sign3A_1122 = arith.constant 0 : i32
    %sign3A_1123 = arith.cmpi slt, %jit3A_1107, %sign3A_1122 : i32
    %sign3A_1124 = arith.extui %sign3A_1123 : i1 to i32
    %sign3A_1125 = arith.subi %sign3A_1121, %sign3A_1124 : i32
    %ne3A_1126 = vector.broadcast %sign3A_1125 : i32 to vector<1280x512xi32>
    %ne3A_1127 = arith.cmpi ne, %sign3A_1118, %ne3A_1126 : vector<1280x512xi32>
    %rem3A_1128 = vector.broadcast %jit3A_1107 : i32 to vector<1280x512xi32>
    %rem3A_1129 = arith.remsi %iota3A, %rem3A_1128 : vector<1280x512xi32>
    %ne3A_1130 = arith.constant 0 : i32
    %ne3A_1131 = vector.broadcast %ne3A_1130 : i32 to vector<1280x512xi32>
    %ne3A_1132 = arith.cmpi ne, %rem3A_1129, %ne3A_1131 : vector<1280x512xi32>
    %and3A_1133 = arith.andi %ne3A_1127, %ne3A_1132 : vector<1280x512xi1>
    %sub3A_1134 = arith.constant 1 : i32
    %sub3A_1135 = vector.broadcast %sub3A_1134 : i32 to vector<1280x512xi32>
    %sub3A_1136 = arith.subi %div3A_1109, %sub3A_1135 : vector<1280x512xi32>
    %select_n3A_1137 = arith.select %and3A_1133, %sub3A_1136, %div3A_1109 : vector<1280x512xi1>, vector<1280x512xi32>
    %slice3A_1138 = vector.extract_strided_slice %get3A_1030 {offsets = [0, 64, 0], sizes = [20, 64, 1], strides = [1, 1, 1]} : vector<20x128x1xi32> to vector<20x64x1xi32>
    %reshape3A_1139 = vector.shape_cast %slice3A_1138 : vector<20x64x1xi32> to vector<1280x1xi32>
    %eq3A_1140 = vector.broadcast %reshape3A_1139 : vector<1280x1xi32> to vector<1280x512xi32>
    %eq3A_1141 = arith.cmpi eq, %select_n3A_1137, %eq3A_1140 : vector<1280x512xi32>
    %reshape3A_1142 = vector.shape_cast %slice3A : vector<20x64x64xf32> to vector<1280x64xf32>
    %dot_general3A_1143 = arith.constant dense<0.000000e+00> : vector<1280x512xf32>
    %dot_general3A_1144 = tpu.matmul %reshape3A_1142, %mul3A_1044, %dot_general3A_1143 {dimension_numbers = #tpu.dot_dimension_numbers<[1], [0], [0], [1], [0, 0, 1, 1], [], []>, transpose_lhs_hint = false} : vector<1280x64xf32>, vector<64x512xf32>, vector<1280x512xf32> -> vector<1280x512xf32>
    %reshape3A_1145 = vector.shape_cast %slice3A_1026 : vector<20x64x64xf32> to vector<1280x64xf32>
    %dot_general3A_1146 = arith.constant dense<0.000000e+00> : vector<1280x512xf32>
    %dot_general3A_1147 = tpu.matmul %reshape3A_1145, %mul3A_1044, %dot_general3A_1146 {dimension_numbers = #tpu.dot_dimension_numbers<[1], [0], [0], [1], [0, 0, 1, 1], [], []>, transpose_lhs_hint = false} : vector<1280x64xf32>, vector<64x512xf32>, vector<1280x512xf32> -> vector<1280x512xf32>
    %jit3A_1148 = arith.constant 0.000000e+00 : f32
    %broadcast_in_dim3A = vector.broadcast %jit3A_1148 : f32 to vector<1280x512xf32>
    %select_n3A_1149 = arith.select %eq3A_1106, %dot_general3A_1144, %broadcast_in_dim3A : vector<1280x512xi1>, vector<1280x512xf32>
    %dot_general3A_1150 = arith.constant dense<0.000000e+00> : vector<1280x8xf32>
    %dot_general3A_1151 = tpu.matmul %select_n3A_1149, %convert_element_type3A_1075, %dot_general3A_1150 {dimension_numbers = #tpu.dot_dimension_numbers<[1], [0], [0], [1], [0, 0, 1, 1], [], []>, transpose_lhs_hint = false} : vector<1280x512xf32>, vector<512x8xf32>, vector<1280x8xf32> -> vector<1280x8xf32>
    %jit3A_1152 = arith.constant 0.000000e+00 : f32
    %broadcast_in_dim3A_1153 = vector.broadcast %jit3A_1152 : f32 to vector<1280x512xf32>
    %select_n3A_1154 = arith.select %eq3A_1141, %dot_general3A_1147, %broadcast_in_dim3A_1153 : vector<1280x512xi1>, vector<1280x512xf32>
    %dot_general3A_1155 = arith.constant dense<0.000000e+00> : vector<1280x8xf32>
    %dot_general3A_1156 = tpu.matmul %select_n3A_1154, %convert_element_type3A_1075, %dot_general3A_1155 {dimension_numbers = #tpu.dot_dimension_numbers<[1], [0], [0], [1], [0, 0, 1, 1], [], []>, transpose_lhs_hint = false} : vector<1280x512xf32>, vector<512x8xf32>, vector<1280x8xf32> -> vector<1280x8xf32>
    %dma_wait3A = arith.constant 0 : i32
    %dma_wait3A_1157 = arith.constant 0 : i32
    %dma_wait3A_1158 = tpu.memref_slice %arg18[%dma_wait3A, %dma_wait3A_1157] : memref<128x64xf32, #tpu.memory_space<vmem>> -> memref<1x64xf32, #tpu.memory_space<vmem>>
    %dma_wait3A_1159 = arith.constant 0 : i32
    %dma_wait3A_1160 = tpu.memref_slice %arg3[%get3A_1, %dma_wait3A_1159] : memref<100000x64xf32, #tpu.memory_space<any>> -> memref<1x64xf32, #tpu.memory_space<any>>
    tpu.wait_dma2 semaphore(%arg19 : memref<!tpu.dma_semaphore, #tpu.memory_space<semaphore_mem>>) src(%dma_wait3A_1160 : memref<1x64xf32, #tpu.memory_space<any>>) dst(%dma_wait3A_1158 : memref<1x64xf32, #tpu.memory_space<vmem>>)
    %dma_wait3A_1161 = arith.constant 1 : i32
    %dma_wait3A_1162 = arith.constant 0 : i32
    %dma_wait3A_1163 = tpu.memref_slice %arg18[%dma_wait3A_1161, %dma_wait3A_1162] : memref<128x64xf32, #tpu.memory_space<vmem>> -> memref<1x64xf32, #tpu.memory_space<vmem>>
    %dma_wait3A_1164 = arith.constant 0 : i32
    %dma_wait3A_1165 = tpu.memref_slice %arg3[%get3A_8, %dma_wait3A_1164] : memref<100000x64xf32, #tpu.memory_space<any>> -> memref<1x64xf32, #tpu.memory_space<any>>
    tpu.wait_dma2 semaphore(%arg19 : memref<!tpu.dma_semaphore, #tpu.memory_space<semaphore_mem>>) src(%dma_wait3A_1165 : memref<1x64xf32, #tpu.memory_space<any>>) dst(%dma_wait3A_1163 : memref<1x64xf32, #tpu.memory_space<vmem>>)
    %dma_wait3A_1166 = arith.constant 2 : i32
    %dma_wait3A_1167 = arith.constant 0 : i32
    %dma_wait3A_1168 = tpu.memref_slice %arg18[%dma_wait3A_1166, %dma_wait3A_1167] : memref<128x64xf32, #tpu.memory_space<vmem>> -> memref<1x64xf32, #tpu.memory_space<vmem>>
    %dma_wait3A_1169 = arith.constant 0 : i32
    %dma_wait3A_1170 = tpu.memref_slice %arg3[%get3A_16, %dma_wait3A_1169] : memref<100000x64xf32, #tpu.memory_space<any>> -> memref<1x64xf32, #tpu.memory_space<any>>
    tpu.wait_dma2 semaphore(%arg19 : memref<!tpu.dma_semaphore, #tpu.memory_space<semaphore_mem>>) src(%dma_wait3A_1170 : memref<1x64xf32, #tpu.memory_space<any>>) dst(%dma_wait3A_1168 : memref<1x64xf32, #tpu.memory_space<vmem>>)
    %dma_wait3A_1171 = arith.constant 3 : i32
    %dma_wait3A_1172 = arith.constant 0 : i32
    %dma_wait3A_1173 = tpu.memref_slice %arg18[%dma_wait3A_1171, %dma_wait3A_1172] : memref<128x64xf32, #tpu.memory_space<vmem>> -> memref<1x64xf32, #tpu.memory_space<vmem>>
    %dma_wait3A_1174 = arith.constant 0 : i32
    %dma_wait3A_1175 = tpu.memref_slice %arg3[%get3A_24, %dma_wait3A_1174] : memref<100000x64xf32, #tpu.memory_space<any>> -> memref<1x64xf32, #tpu.memory_space<any>>
    tpu.wait_dma2 semaphore(%arg19 : memref<!tpu.dma_semaphore, #tpu.memory_space<semaphore_mem>>) src(%dma_wait3A_1175 : memref<1x64xf32, #tpu.memory_space<any>>) dst(%dma_wait3A_1173 : memref<1x64xf32, #tpu.memory_space<vmem>>)
    %dma_wait3A_1176 = arith.constant 4 : i32
    %dma_wait3A_1177 = arith.constant 0 : i32
    %dma_wait3A_1178 = tpu.memref_slice %arg18[%dma_wait3A_1176, %dma_wait3A_1177] : memref<128x64xf32, #tpu.memory_space<vmem>> -> memref<1x64xf32, #tpu.memory_space<vmem>>
    %dma_wait3A_1179 = arith.constant 0 : i32
    %dma_wait3A_1180 = tpu.memref_slice %arg3[%get3A_32, %dma_wait3A_1179] : memref<100000x64xf32, #tpu.memory_space<any>> -> memref<1x64xf32, #tpu.memory_space<any>>
    tpu.wait_dma2 semaphore(%arg19 : memref<!tpu.dma_semaphore, #tpu.memory_space<semaphore_mem>>) src(%dma_wait3A_1180 : memref<1x64xf32, #tpu.memory_space<any>>) dst(%dma_wait3A_1178 : memref<1x64xf32, #tpu.memory_space<vmem>>)
    %dma_wait3A_1181 = arith.constant 5 : i32
    %dma_wait3A_1182 = arith.constant 0 : i32
    %dma_wait3A_1183 = tpu.memref_slice %arg18[%dma_wait3A_1181, %dma_wait3A_1182] : memref<128x64xf32, #tpu.memory_space<vmem>> -> memref<1x64xf32, #tpu.memory_space<vmem>>
    %dma_wait3A_1184 = arith.constant 0 : i32
    %dma_wait3A_1185 = tpu.memref_slice %arg3[%get3A_40, %dma_wait3A_1184] : memref<100000x64xf32, #tpu.memory_space<any>> -> memref<1x64xf32, #tpu.memory_space<any>>
    tpu.wait_dma2 semaphore(%arg19 : memref<!tpu.dma_semaphore, #tpu.memory_space<semaphore_mem>>) src(%dma_wait3A_1185 : memref<1x64xf32, #tpu.memory_space<any>>) dst(%dma_wait3A_1183 : memref<1x64xf32, #tpu.memory_space<vmem>>)
    %dma_wait3A_1186 = arith.constant 6 : i32
    %dma_wait3A_1187 = arith.constant 0 : i32
    %dma_wait3A_1188 = tpu.memref_slice %arg18[%dma_wait3A_1186, %dma_wait3A_1187] : memref<128x64xf32, #tpu.memory_space<vmem>> -> memref<1x64xf32, #tpu.memory_space<vmem>>
    %dma_wait3A_1189 = arith.constant 0 : i32
    %dma_wait3A_1190 = tpu.memref_slice %arg3[%get3A_48, %dma_wait3A_1189] : memref<100000x64xf32, #tpu.memory_space<any>> -> memref<1x64xf32, #tpu.memory_space<any>>
    tpu.wait_dma2 semaphore(%arg19 : memref<!tpu.dma_semaphore, #tpu.memory_space<semaphore_mem>>) src(%dma_wait3A_1190 : memref<1x64xf32, #tpu.memory_space<any>>) dst(%dma_wait3A_1188 : memref<1x64xf32, #tpu.memory_space<vmem>>)
    %dma_wait3A_1191 = arith.constant 7 : i32
    %dma_wait3A_1192 = arith.constant 0 : i32
    %dma_wait3A_1193 = tpu.memref_slice %arg18[%dma_wait3A_1191, %dma_wait3A_1192] : memref<128x64xf32, #tpu.memory_space<vmem>> -> memref<1x64xf32, #tpu.memory_space<vmem>>
    %dma_wait3A_1194 = arith.constant 0 : i32
    %dma_wait3A_1195 = tpu.memref_slice %arg3[%get3A_56, %dma_wait3A_1194] : memref<100000x64xf32, #tpu.memory_space<any>> -> memref<1x64xf32, #tpu.memory_space<any>>
    tpu.wait_dma2 semaphore(%arg19 : memref<!tpu.dma_semaphore, #tpu.memory_space<semaphore_mem>>) src(%dma_wait3A_1195 : memref<1x64xf32, #tpu.memory_space<any>>) dst(%dma_wait3A_1193 : memref<1x64xf32, #tpu.memory_space<vmem>>)
    %dma_wait3A_1196 = arith.constant 8 : i32
    %dma_wait3A_1197 = arith.constant 0 : i32
    %dma_wait3A_1198 = tpu.memref_slice %arg18[%dma_wait3A_1196, %dma_wait3A_1197] : memref<128x64xf32, #tpu.memory_space<vmem>> -> memref<1x64xf32, #tpu.memory_space<vmem>>
    %dma_wait3A_1199 = arith.constant 0 : i32
    %dma_wait3A_1200 = tpu.memref_slice %arg3[%get3A_64, %dma_wait3A_1199] : memref<100000x64xf32, #tpu.memory_space<any>> -> memref<1x64xf32, #tpu.memory_space<any>>
    tpu.wait_dma2 semaphore(%arg19 : memref<!tpu.dma_semaphore, #tpu.memory_space<semaphore_mem>>) src(%dma_wait3A_1200 : memref<1x64xf32, #tpu.memory_space<any>>) dst(%dma_wait3A_1198 : memref<1x64xf32, #tpu.memory_space<vmem>>)
    %dma_wait3A_1201 = arith.constant 9 : i32
    %dma_wait3A_1202 = arith.constant 0 : i32
    %dma_wait3A_1203 = tpu.memref_slice %arg18[%dma_wait3A_1201, %dma_wait3A_1202] : memref<128x64xf32, #tpu.memory_space<vmem>> -> memref<1x64xf32, #tpu.memory_space<vmem>>
    %dma_wait3A_1204 = arith.constant 0 : i32
    %dma_wait3A_1205 = tpu.memref_slice %arg3[%get3A_72, %dma_wait3A_1204] : memref<100000x64xf32, #tpu.memory_space<any>> -> memref<1x64xf32, #tpu.memory_space<any>>
    tpu.wait_dma2 semaphore(%arg19 : memref<!tpu.dma_semaphore, #tpu.memory_space<semaphore_mem>>) src(%dma_wait3A_1205 : memref<1x64xf32, #tpu.memory_space<any>>) dst(%dma_wait3A_1203 : memref<1x64xf32, #tpu.memory_space<vmem>>)
    %dma_wait3A_1206 = arith.constant 10 : i32
    %dma_wait3A_1207 = arith.constant 0 : i32
    %dma_wait3A_1208 = tpu.memref_slice %arg18[%dma_wait3A_1206, %dma_wait3A_1207] : memref<128x64xf32, #tpu.memory_space<vmem>> -> memref<1x64xf32, #tpu.memory_space<vmem>>
    %dma_wait3A_1209 = arith.constant 0 : i32
    %dma_wait3A_1210 = tpu.memref_slice %arg3[%get3A_80, %dma_wait3A_1209] : memref<100000x64xf32, #tpu.memory_space<any>> -> memref<1x64xf32, #tpu.memory_space<any>>
    tpu.wait_dma2 semaphore(%arg19 : memref<!tpu.dma_semaphore, #tpu.memory_space<semaphore_mem>>) src(%dma_wait3A_1210 : memref<1x64xf32, #tpu.memory_space<any>>) dst(%dma_wait3A_1208 : memref<1x64xf32, #tpu.memory_space<vmem>>)
    %dma_wait3A_1211 = arith.constant 11 : i32
    %dma_wait3A_1212 = arith.constant 0 : i32
    %dma_wait3A_1213 = tpu.memref_slice %arg18[%dma_wait3A_1211, %dma_wait3A_1212] : memref<128x64xf32, #tpu.memory_space<vmem>> -> memref<1x64xf32, #tpu.memory_space<vmem>>
    %dma_wait3A_1214 = arith.constant 0 : i32
    %dma_wait3A_1215 = tpu.memref_slice %arg3[%get3A_88, %dma_wait3A_1214] : memref<100000x64xf32, #tpu.memory_space<any>> -> memref<1x64xf32, #tpu.memory_space<any>>
    tpu.wait_dma2 semaphore(%arg19 : memref<!tpu.dma_semaphore, #tpu.memory_space<semaphore_mem>>) src(%dma_wait3A_1215 : memref<1x64xf32, #tpu.memory_space<any>>) dst(%dma_wait3A_1213 : memref<1x64xf32, #tpu.memory_space<vmem>>)
    %dma_wait3A_1216 = arith.constant 12 : i32
    %dma_wait3A_1217 = arith.constant 0 : i32
    %dma_wait3A_1218 = tpu.memref_slice %arg18[%dma_wait3A_1216, %dma_wait3A_1217] : memref<128x64xf32, #tpu.memory_space<vmem>> -> memref<1x64xf32, #tpu.memory_space<vmem>>
    %dma_wait3A_1219 = arith.constant 0 : i32
    %dma_wait3A_1220 = tpu.memref_slice %arg3[%get3A_96, %dma_wait3A_1219] : memref<100000x64xf32, #tpu.memory_space<any>> -> memref<1x64xf32, #tpu.memory_space<any>>
    tpu.wait_dma2 semaphore(%arg19 : memref<!tpu.dma_semaphore, #tpu.memory_space<semaphore_mem>>) src(%dma_wait3A_1220 : memref<1x64xf32, #tpu.memory_space<any>>) dst(%dma_wait3A_1218 : memref<1x64xf32, #tpu.memory_space<vmem>>)
    %dma_wait3A_1221 = arith.constant 13 : i32
    %dma_wait3A_1222 = arith.constant 0 : i32
    %dma_wait3A_1223 = tpu.memref_slice %arg18[%dma_wait3A_1221, %dma_wait3A_1222] : memref<128x64xf32, #tpu.memory_space<vmem>> -> memref<1x64xf32, #tpu.memory_space<vmem>>
    %dma_wait3A_1224 = arith.constant 0 : i32
    %dma_wait3A_1225 = tpu.memref_slice %arg3[%get3A_104, %dma_wait3A_1224] : memref<100000x64xf32, #tpu.memory_space<any>> -> memref<1x64xf32, #tpu.memory_space<any>>
    tpu.wait_dma2 semaphore(%arg19 : memref<!tpu.dma_semaphore, #tpu.memory_space<semaphore_mem>>) src(%dma_wait3A_1225 : memref<1x64xf32, #tpu.memory_space<any>>) dst(%dma_wait3A_1223 : memref<1x64xf32, #tpu.memory_space<vmem>>)
    %dma_wait3A_1226 = arith.constant 14 : i32
    %dma_wait3A_1227 = arith.constant 0 : i32
    %dma_wait3A_1228 = tpu.memref_slice %arg18[%dma_wait3A_1226, %dma_wait3A_1227] : memref<128x64xf32, #tpu.memory_space<vmem>> -> memref<1x64xf32, #tpu.memory_space<vmem>>
    %dma_wait3A_1229 = arith.constant 0 : i32
    %dma_wait3A_1230 = tpu.memref_slice %arg3[%get3A_112, %dma_wait3A_1229] : memref<100000x64xf32, #tpu.memory_space<any>> -> memref<1x64xf32, #tpu.memory_space<any>>
    tpu.wait_dma2 semaphore(%arg19 : memref<!tpu.dma_semaphore, #tpu.memory_space<semaphore_mem>>) src(%dma_wait3A_1230 : memref<1x64xf32, #tpu.memory_space<any>>) dst(%dma_wait3A_1228 : memref<1x64xf32, #tpu.memory_space<vmem>>)
    %dma_wait3A_1231 = arith.constant 15 : i32
    %dma_wait3A_1232 = arith.constant 0 : i32
    %dma_wait3A_1233 = tpu.memref_slice %arg18[%dma_wait3A_1231, %dma_wait3A_1232] : memref<128x64xf32, #tpu.memory_space<vmem>> -> memref<1x64xf32, #tpu.memory_space<vmem>>
    %dma_wait3A_1234 = arith.constant 0 : i32
    %dma_wait3A_1235 = tpu.memref_slice %arg3[%get3A_120, %dma_wait3A_1234] : memref<100000x64xf32, #tpu.memory_space<any>> -> memref<1x64xf32, #tpu.memory_space<any>>
    tpu.wait_dma2 semaphore(%arg19 : memref<!tpu.dma_semaphore, #tpu.memory_space<semaphore_mem>>) src(%dma_wait3A_1235 : memref<1x64xf32, #tpu.memory_space<any>>) dst(%dma_wait3A_1233 : memref<1x64xf32, #tpu.memory_space<vmem>>)
    %dma_wait3A_1236 = arith.constant 16 : i32
    %dma_wait3A_1237 = arith.constant 0 : i32
    %dma_wait3A_1238 = tpu.memref_slice %arg18[%dma_wait3A_1236, %dma_wait3A_1237] : memref<128x64xf32, #tpu.memory_space<vmem>> -> memref<1x64xf32, #tpu.memory_space<vmem>>
    %dma_wait3A_1239 = arith.constant 0 : i32
    %dma_wait3A_1240 = tpu.memref_slice %arg3[%get3A_128, %dma_wait3A_1239] : memref<100000x64xf32, #tpu.memory_space<any>> -> memref<1x64xf32, #tpu.memory_space<any>>
    tpu.wait_dma2 semaphore(%arg19 : memref<!tpu.dma_semaphore, #tpu.memory_space<semaphore_mem>>) src(%dma_wait3A_1240 : memref<1x64xf32, #tpu.memory_space<any>>) dst(%dma_wait3A_1238 : memref<1x64xf32, #tpu.memory_space<vmem>>)
    %dma_wait3A_1241 = arith.constant 17 : i32
    %dma_wait3A_1242 = arith.constant 0 : i32
    %dma_wait3A_1243 = tpu.memref_slice %arg18[%dma_wait3A_1241, %dma_wait3A_1242] : memref<128x64xf32, #tpu.memory_space<vmem>> -> memref<1x64xf32, #tpu.memory_space<vmem>>
    %dma_wait3A_1244 = arith.constant 0 : i32
    %dma_wait3A_1245 = tpu.memref_slice %arg3[%get3A_136, %dma_wait3A_1244] : memref<100000x64xf32, #tpu.memory_space<any>> -> memref<1x64xf32, #tpu.memory_space<any>>
    tpu.wait_dma2 semaphore(%arg19 : memref<!tpu.dma_semaphore, #tpu.memory_space<semaphore_mem>>) src(%dma_wait3A_1245 : memref<1x64xf32, #tpu.memory_space<any>>) dst(%dma_wait3A_1243 : memref<1x64xf32, #tpu.memory_space<vmem>>)
    %dma_wait3A_1246 = arith.constant 18 : i32
    %dma_wait3A_1247 = arith.constant 0 : i32
    %dma_wait3A_1248 = tpu.memref_slice %arg18[%dma_wait3A_1246, %dma_wait3A_1247] : memref<128x64xf32, #tpu.memory_space<vmem>> -> memref<1x64xf32, #tpu.memory_space<vmem>>
    %dma_wait3A_1249 = arith.constant 0 : i32
    %dma_wait3A_1250 = tpu.memref_slice %arg3[%get3A_144, %dma_wait3A_1249] : memref<100000x64xf32, #tpu.memory_space<any>> -> memref<1x64xf32, #tpu.memory_space<any>>
    tpu.wait_dma2 semaphore(%arg19 : memref<!tpu.dma_semaphore, #tpu.memory_space<semaphore_mem>>) src(%dma_wait3A_1250 : memref<1x64xf32, #tpu.memory_space<any>>) dst(%dma_wait3A_1248 : memref<1x64xf32, #tpu.memory_space<vmem>>)
    %dma_wait3A_1251 = arith.constant 19 : i32
    %dma_wait3A_1252 = arith.constant 0 : i32
    %dma_wait3A_1253 = tpu.memref_slice %arg18[%dma_wait3A_1251, %dma_wait3A_1252] : memref<128x64xf32, #tpu.memory_space<vmem>> -> memref<1x64xf32, #tpu.memory_space<vmem>>
    %dma_wait3A_1254 = arith.constant 0 : i32
    %dma_wait3A_1255 = tpu.memref_slice %arg3[%get3A_152, %dma_wait3A_1254] : memref<100000x64xf32, #tpu.memory_space<any>> -> memref<1x64xf32, #tpu.memory_space<any>>
    tpu.wait_dma2 semaphore(%arg19 : memref<!tpu.dma_semaphore, #tpu.memory_space<semaphore_mem>>) src(%dma_wait3A_1255 : memref<1x64xf32, #tpu.memory_space<any>>) dst(%dma_wait3A_1253 : memref<1x64xf32, #tpu.memory_space<vmem>>)
    %dma_wait3A_1256 = arith.constant 20 : i32
    %dma_wait3A_1257 = arith.constant 0 : i32
    %dma_wait3A_1258 = tpu.memref_slice %arg18[%dma_wait3A_1256, %dma_wait3A_1257] : memref<128x64xf32, #tpu.memory_space<vmem>> -> memref<1x64xf32, #tpu.memory_space<vmem>>
    %dma_wait3A_1259 = arith.constant 0 : i32
    %dma_wait3A_1260 = tpu.memref_slice %arg3[%get3A_160, %dma_wait3A_1259] : memref<100000x64xf32, #tpu.memory_space<any>> -> memref<1x64xf32, #tpu.memory_space<any>>
    tpu.wait_dma2 semaphore(%arg19 : memref<!tpu.dma_semaphore, #tpu.memory_space<semaphore_mem>>) src(%dma_wait3A_1260 : memref<1x64xf32, #tpu.memory_space<any>>) dst(%dma_wait3A_1258 : memref<1x64xf32, #tpu.memory_space<vmem>>)
    %dma_wait3A_1261 = arith.constant 21 : i32
    %dma_wait3A_1262 = arith.constant 0 : i32
    %dma_wait3A_1263 = tpu.memref_slice %arg18[%dma_wait3A_1261, %dma_wait3A_1262] : memref<128x64xf32, #tpu.memory_space<vmem>> -> memref<1x64xf32, #tpu.memory_space<vmem>>
    %dma_wait3A_1264 = arith.constant 0 : i32
    %dma_wait3A_1265 = tpu.memref_slice %arg3[%get3A_168, %dma_wait3A_1264] : memref<100000x64xf32, #tpu.memory_space<any>> -> memref<1x64xf32, #tpu.memory_space<any>>
    tpu.wait_dma2 semaphore(%arg19 : memref<!tpu.dma_semaphore, #tpu.memory_space<semaphore_mem>>) src(%dma_wait3A_1265 : memref<1x64xf32, #tpu.memory_space<any>>) dst(%dma_wait3A_1263 : memref<1x64xf32, #tpu.memory_space<vmem>>)
    %dma_wait3A_1266 = arith.constant 22 : i32
    %dma_wait3A_1267 = arith.constant 0 : i32
    %dma_wait3A_1268 = tpu.memref_slice %arg18[%dma_wait3A_1266, %dma_wait3A_1267] : memref<128x64xf32, #tpu.memory_space<vmem>> -> memref<1x64xf32, #tpu.memory_space<vmem>>
    %dma_wait3A_1269 = arith.constant 0 : i32
    %dma_wait3A_1270 = tpu.memref_slice %arg3[%get3A_176, %dma_wait3A_1269] : memref<100000x64xf32, #tpu.memory_space<any>> -> memref<1x64xf32, #tpu.memory_space<any>>
    tpu.wait_dma2 semaphore(%arg19 : memref<!tpu.dma_semaphore, #tpu.memory_space<semaphore_mem>>) src(%dma_wait3A_1270 : memref<1x64xf32, #tpu.memory_space<any>>) dst(%dma_wait3A_1268 : memref<1x64xf32, #tpu.memory_space<vmem>>)
    %dma_wait3A_1271 = arith.constant 23 : i32
    %dma_wait3A_1272 = arith.constant 0 : i32
    %dma_wait3A_1273 = tpu.memref_slice %arg18[%dma_wait3A_1271, %dma_wait3A_1272] : memref<128x64xf32, #tpu.memory_space<vmem>> -> memref<1x64xf32, #tpu.memory_space<vmem>>
    %dma_wait3A_1274 = arith.constant 0 : i32
    %dma_wait3A_1275 = tpu.memref_slice %arg3[%get3A_184, %dma_wait3A_1274] : memref<100000x64xf32, #tpu.memory_space<any>> -> memref<1x64xf32, #tpu.memory_space<any>>
    tpu.wait_dma2 semaphore(%arg19 : memref<!tpu.dma_semaphore, #tpu.memory_space<semaphore_mem>>) src(%dma_wait3A_1275 : memref<1x64xf32, #tpu.memory_space<any>>) dst(%dma_wait3A_1273 : memref<1x64xf32, #tpu.memory_space<vmem>>)
    %dma_wait3A_1276 = arith.constant 24 : i32
    %dma_wait3A_1277 = arith.constant 0 : i32
    %dma_wait3A_1278 = tpu.memref_slice %arg18[%dma_wait3A_1276, %dma_wait3A_1277] : memref<128x64xf32, #tpu.memory_space<vmem>> -> memref<1x64xf32, #tpu.memory_space<vmem>>
    %dma_wait3A_1279 = arith.constant 0 : i32
    %dma_wait3A_1280 = tpu.memref_slice %arg3[%get3A_192, %dma_wait3A_1279] : memref<100000x64xf32, #tpu.memory_space<any>> -> memref<1x64xf32, #tpu.memory_space<any>>
    tpu.wait_dma2 semaphore(%arg19 : memref<!tpu.dma_semaphore, #tpu.memory_space<semaphore_mem>>) src(%dma_wait3A_1280 : memref<1x64xf32, #tpu.memory_space<any>>) dst(%dma_wait3A_1278 : memref<1x64xf32, #tpu.memory_space<vmem>>)
    %dma_wait3A_1281 = arith.constant 25 : i32
    %dma_wait3A_1282 = arith.constant 0 : i32
    %dma_wait3A_1283 = tpu.memref_slice %arg18[%dma_wait3A_1281, %dma_wait3A_1282] : memref<128x64xf32, #tpu.memory_space<vmem>> -> memref<1x64xf32, #tpu.memory_space<vmem>>
    %dma_wait3A_1284 = arith.constant 0 : i32
    %dma_wait3A_1285 = tpu.memref_slice %arg3[%get3A_200, %dma_wait3A_1284] : memref<100000x64xf32, #tpu.memory_space<any>> -> memref<1x64xf32, #tpu.memory_space<any>>
    tpu.wait_dma2 semaphore(%arg19 : memref<!tpu.dma_semaphore, #tpu.memory_space<semaphore_mem>>) src(%dma_wait3A_1285 : memref<1x64xf32, #tpu.memory_space<any>>) dst(%dma_wait3A_1283 : memref<1x64xf32, #tpu.memory_space<vmem>>)
    %dma_wait3A_1286 = arith.constant 26 : i32
    %dma_wait3A_1287 = arith.constant 0 : i32
    %dma_wait3A_1288 = tpu.memref_slice %arg18[%dma_wait3A_1286, %dma_wait3A_1287] : memref<128x64xf32, #tpu.memory_space<vmem>> -> memref<1x64xf32, #tpu.memory_space<vmem>>
    %dma_wait3A_1289 = arith.constant 0 : i32
    %dma_wait3A_1290 = tpu.memref_slice %arg3[%get3A_208, %dma_wait3A_1289] : memref<100000x64xf32, #tpu.memory_space<any>> -> memref<1x64xf32, #tpu.memory_space<any>>
    tpu.wait_dma2 semaphore(%arg19 : memref<!tpu.dma_semaphore, #tpu.memory_space<semaphore_mem>>) src(%dma_wait3A_1290 : memref<1x64xf32, #tpu.memory_space<any>>) dst(%dma_wait3A_1288 : memref<1x64xf32, #tpu.memory_space<vmem>>)
    %dma_wait3A_1291 = arith.constant 27 : i32
    %dma_wait3A_1292 = arith.constant 0 : i32
    %dma_wait3A_1293 = tpu.memref_slice %arg18[%dma_wait3A_1291, %dma_wait3A_1292] : memref<128x64xf32, #tpu.memory_space<vmem>> -> memref<1x64xf32, #tpu.memory_space<vmem>>
    %dma_wait3A_1294 = arith.constant 0 : i32
    %dma_wait3A_1295 = tpu.memref_slice %arg3[%get3A_216, %dma_wait3A_1294] : memref<100000x64xf32, #tpu.memory_space<any>> -> memref<1x64xf32, #tpu.memory_space<any>>
    tpu.wait_dma2 semaphore(%arg19 : memref<!tpu.dma_semaphore, #tpu.memory_space<semaphore_mem>>) src(%dma_wait3A_1295 : memref<1x64xf32, #tpu.memory_space<any>>) dst(%dma_wait3A_1293 : memref<1x64xf32, #tpu.memory_space<vmem>>)
    %dma_wait3A_1296 = arith.constant 28 : i32
    %dma_wait3A_1297 = arith.constant 0 : i32
    %dma_wait3A_1298 = tpu.memref_slice %arg18[%dma_wait3A_1296, %dma_wait3A_1297] : memref<128x64xf32, #tpu.memory_space<vmem>> -> memref<1x64xf32, #tpu.memory_space<vmem>>
    %dma_wait3A_1299 = arith.constant 0 : i32
    %dma_wait3A_1300 = tpu.memref_slice %arg3[%get3A_224, %dma_wait3A_1299] : memref<100000x64xf32, #tpu.memory_space<any>> -> memref<1x64xf32, #tpu.memory_space<any>>
    tpu.wait_dma2 semaphore(%arg19 : memref<!tpu.dma_semaphore, #tpu.memory_space<semaphore_mem>>) src(%dma_wait3A_1300 : memref<1x64xf32, #tpu.memory_space<any>>) dst(%dma_wait3A_1298 : memref<1x64xf32, #tpu.memory_space<vmem>>)
    %dma_wait3A_1301 = arith.constant 29 : i32
    %dma_wait3A_1302 = arith.constant 0 : i32
    %dma_wait3A_1303 = tpu.memref_slice %arg18[%dma_wait3A_1301, %dma_wait3A_1302] : memref<128x64xf32, #tpu.memory_space<vmem>> -> memref<1x64xf32, #tpu.memory_space<vmem>>
    %dma_wait3A_1304 = arith.constant 0 : i32
    %dma_wait3A_1305 = tpu.memref_slice %arg3[%get3A_232, %dma_wait3A_1304] : memref<100000x64xf32, #tpu.memory_space<any>> -> memref<1x64xf32, #tpu.memory_space<any>>
    tpu.wait_dma2 semaphore(%arg19 : memref<!tpu.dma_semaphore, #tpu.memory_space<semaphore_mem>>) src(%dma_wait3A_1305 : memref<1x64xf32, #tpu.memory_space<any>>) dst(%dma_wait3A_1303 : memref<1x64xf32, #tpu.memory_space<vmem>>)
    %dma_wait3A_1306 = arith.constant 30 : i32
    %dma_wait3A_1307 = arith.constant 0 : i32
    %dma_wait3A_1308 = tpu.memref_slice %arg18[%dma_wait3A_1306, %dma_wait3A_1307] : memref<128x64xf32, #tpu.memory_space<vmem>> -> memref<1x64xf32, #tpu.memory_space<vmem>>
    %dma_wait3A_1309 = arith.constant 0 : i32
    %dma_wait3A_1310 = tpu.memref_slice %arg3[%get3A_240, %dma_wait3A_1309] : memref<100000x64xf32, #tpu.memory_space<any>> -> memref<1x64xf32, #tpu.memory_space<any>>
    tpu.wait_dma2 semaphore(%arg19 : memref<!tpu.dma_semaphore, #tpu.memory_space<semaphore_mem>>) src(%dma_wait3A_1310 : memref<1x64xf32, #tpu.memory_space<any>>) dst(%dma_wait3A_1308 : memref<1x64xf32, #tpu.memory_space<vmem>>)
    %dma_wait3A_1311 = arith.constant 31 : i32
    %dma_wait3A_1312 = arith.constant 0 : i32
    %dma_wait3A_1313 = tpu.memref_slice %arg18[%dma_wait3A_1311, %dma_wait3A_1312] : memref<128x64xf32, #tpu.memory_space<vmem>> -> memref<1x64xf32, #tpu.memory_space<vmem>>
    %dma_wait3A_1314 = arith.constant 0 : i32
    %dma_wait3A_1315 = tpu.memref_slice %arg3[%get3A_248, %dma_wait3A_1314] : memref<100000x64xf32, #tpu.memory_space<any>> -> memref<1x64xf32, #tpu.memory_space<any>>
    tpu.wait_dma2 semaphore(%arg19 : memref<!tpu.dma_semaphore, #tpu.memory_space<semaphore_mem>>) src(%dma_wait3A_1315 : memref<1x64xf32, #tpu.memory_space<any>>) dst(%dma_wait3A_1313 : memref<1x64xf32, #tpu.memory_space<vmem>>)
    %dma_wait3A_1316 = arith.constant 32 : i32
    %dma_wait3A_1317 = arith.constant 0 : i32
    %dma_wait3A_1318 = tpu.memref_slice %arg18[%dma_wait3A_1316, %dma_wait3A_1317] : memref<128x64xf32, #tpu.memory_space<vmem>> -> memref<1x64xf32, #tpu.memory_space<vmem>>
    %dma_wait3A_1319 = arith.constant 0 : i32
    %dma_wait3A_1320 = tpu.memref_slice %arg3[%get3A_256, %dma_wait3A_1319] : memref<100000x64xf32, #tpu.memory_space<any>> -> memref<1x64xf32, #tpu.memory_space<any>>
    tpu.wait_dma2 semaphore(%arg19 : memref<!tpu.dma_semaphore, #tpu.memory_space<semaphore_mem>>) src(%dma_wait3A_1320 : memref<1x64xf32, #tpu.memory_space<any>>) dst(%dma_wait3A_1318 : memref<1x64xf32, #tpu.memory_space<vmem>>)
    %dma_wait3A_1321 = arith.constant 33 : i32
    %dma_wait3A_1322 = arith.constant 0 : i32
    %dma_wait3A_1323 = tpu.memref_slice %arg18[%dma_wait3A_1321, %dma_wait3A_1322] : memref<128x64xf32, #tpu.memory_space<vmem>> -> memref<1x64xf32, #tpu.memory_space<vmem>>
    %dma_wait3A_1324 = arith.constant 0 : i32
    %dma_wait3A_1325 = tpu.memref_slice %arg3[%get3A_264, %dma_wait3A_1324] : memref<100000x64xf32, #tpu.memory_space<any>> -> memref<1x64xf32, #tpu.memory_space<any>>
    tpu.wait_dma2 semaphore(%arg19 : memref<!tpu.dma_semaphore, #tpu.memory_space<semaphore_mem>>) src(%dma_wait3A_1325 : memref<1x64xf32, #tpu.memory_space<any>>) dst(%dma_wait3A_1323 : memref<1x64xf32, #tpu.memory_space<vmem>>)
    %dma_wait3A_1326 = arith.constant 34 : i32
    %dma_wait3A_1327 = arith.constant 0 : i32
    %dma_wait3A_1328 = tpu.memref_slice %arg18[%dma_wait3A_1326, %dma_wait3A_1327] : memref<128x64xf32, #tpu.memory_space<vmem>> -> memref<1x64xf32, #tpu.memory_space<vmem>>
    %dma_wait3A_1329 = arith.constant 0 : i32
    %dma_wait3A_1330 = tpu.memref_slice %arg3[%get3A_272, %dma_wait3A_1329] : memref<100000x64xf32, #tpu.memory_space<any>> -> memref<1x64xf32, #tpu.memory_space<any>>
    tpu.wait_dma2 semaphore(%arg19 : memref<!tpu.dma_semaphore, #tpu.memory_space<semaphore_mem>>) src(%dma_wait3A_1330 : memref<1x64xf32, #tpu.memory_space<any>>) dst(%dma_wait3A_1328 : memref<1x64xf32, #tpu.memory_space<vmem>>)
    %dma_wait3A_1331 = arith.constant 35 : i32
    %dma_wait3A_1332 = arith.constant 0 : i32
    %dma_wait3A_1333 = tpu.memref_slice %arg18[%dma_wait3A_1331, %dma_wait3A_1332] : memref<128x64xf32, #tpu.memory_space<vmem>> -> memref<1x64xf32, #tpu.memory_space<vmem>>
    %dma_wait3A_1334 = arith.constant 0 : i32
    %dma_wait3A_1335 = tpu.memref_slice %arg3[%get3A_280, %dma_wait3A_1334] : memref<100000x64xf32, #tpu.memory_space<any>> -> memref<1x64xf32, #tpu.memory_space<any>>
    tpu.wait_dma2 semaphore(%arg19 : memref<!tpu.dma_semaphore, #tpu.memory_space<semaphore_mem>>) src(%dma_wait3A_1335 : memref<1x64xf32, #tpu.memory_space<any>>) dst(%dma_wait3A_1333 : memref<1x64xf32, #tpu.memory_space<vmem>>)
    %dma_wait3A_1336 = arith.constant 36 : i32
    %dma_wait3A_1337 = arith.constant 0 : i32
    %dma_wait3A_1338 = tpu.memref_slice %arg18[%dma_wait3A_1336, %dma_wait3A_1337] : memref<128x64xf32, #tpu.memory_space<vmem>> -> memref<1x64xf32, #tpu.memory_space<vmem>>
    %dma_wait3A_1339 = arith.constant 0 : i32
    %dma_wait3A_1340 = tpu.memref_slice %arg3[%get3A_288, %dma_wait3A_1339] : memref<100000x64xf32, #tpu.memory_space<any>> -> memref<1x64xf32, #tpu.memory_space<any>>
    tpu.wait_dma2 semaphore(%arg19 : memref<!tpu.dma_semaphore, #tpu.memory_space<semaphore_mem>>) src(%dma_wait3A_1340 : memref<1x64xf32, #tpu.memory_space<any>>) dst(%dma_wait3A_1338 : memref<1x64xf32, #tpu.memory_space<vmem>>)
    %dma_wait3A_1341 = arith.constant 37 : i32
    %dma_wait3A_1342 = arith.constant 0 : i32
    %dma_wait3A_1343 = tpu.memref_slice %arg18[%dma_wait3A_1341, %dma_wait3A_1342] : memref<128x64xf32, #tpu.memory_space<vmem>> -> memref<1x64xf32, #tpu.memory_space<vmem>>
    %dma_wait3A_1344 = arith.constant 0 : i32
    %dma_wait3A_1345 = tpu.memref_slice %arg3[%get3A_296, %dma_wait3A_1344] : memref<100000x64xf32, #tpu.memory_space<any>> -> memref<1x64xf32, #tpu.memory_space<any>>
    tpu.wait_dma2 semaphore(%arg19 : memref<!tpu.dma_semaphore, #tpu.memory_space<semaphore_mem>>) src(%dma_wait3A_1345 : memref<1x64xf32, #tpu.memory_space<any>>) dst(%dma_wait3A_1343 : memref<1x64xf32, #tpu.memory_space<vmem>>)
    %dma_wait3A_1346 = arith.constant 38 : i32
    %dma_wait3A_1347 = arith.constant 0 : i32
    %dma_wait3A_1348 = tpu.memref_slice %arg18[%dma_wait3A_1346, %dma_wait3A_1347] : memref<128x64xf32, #tpu.memory_space<vmem>> -> memref<1x64xf32, #tpu.memory_space<vmem>>
    %dma_wait3A_1349 = arith.constant 0 : i32
    %dma_wait3A_1350 = tpu.memref_slice %arg3[%get3A_304, %dma_wait3A_1349] : memref<100000x64xf32, #tpu.memory_space<any>> -> memref<1x64xf32, #tpu.memory_space<any>>
    tpu.wait_dma2 semaphore(%arg19 : memref<!tpu.dma_semaphore, #tpu.memory_space<semaphore_mem>>) src(%dma_wait3A_1350 : memref<1x64xf32, #tpu.memory_space<any>>) dst(%dma_wait3A_1348 : memref<1x64xf32, #tpu.memory_space<vmem>>)
    %dma_wait3A_1351 = arith.constant 39 : i32
    %dma_wait3A_1352 = arith.constant 0 : i32
    %dma_wait3A_1353 = tpu.memref_slice %arg18[%dma_wait3A_1351, %dma_wait3A_1352] : memref<128x64xf32, #tpu.memory_space<vmem>> -> memref<1x64xf32, #tpu.memory_space<vmem>>
    %dma_wait3A_1354 = arith.constant 0 : i32
    %dma_wait3A_1355 = tpu.memref_slice %arg3[%get3A_312, %dma_wait3A_1354] : memref<100000x64xf32, #tpu.memory_space<any>> -> memref<1x64xf32, #tpu.memory_space<any>>
    tpu.wait_dma2 semaphore(%arg19 : memref<!tpu.dma_semaphore, #tpu.memory_space<semaphore_mem>>) src(%dma_wait3A_1355 : memref<1x64xf32, #tpu.memory_space<any>>) dst(%dma_wait3A_1353 : memref<1x64xf32, #tpu.memory_space<vmem>>)
    %dma_wait3A_1356 = arith.constant 40 : i32
    %dma_wait3A_1357 = arith.constant 0 : i32
    %dma_wait3A_1358 = tpu.memref_slice %arg18[%dma_wait3A_1356, %dma_wait3A_1357] : memref<128x64xf32, #tpu.memory_space<vmem>> -> memref<1x64xf32, #tpu.memory_space<vmem>>
    %dma_wait3A_1359 = arith.constant 0 : i32
    %dma_wait3A_1360 = tpu.memref_slice %arg3[%get3A_320, %dma_wait3A_1359] : memref<100000x64xf32, #tpu.memory_space<any>> -> memref<1x64xf32, #tpu.memory_space<any>>
    tpu.wait_dma2 semaphore(%arg19 : memref<!tpu.dma_semaphore, #tpu.memory_space<semaphore_mem>>) src(%dma_wait3A_1360 : memref<1x64xf32, #tpu.memory_space<any>>) dst(%dma_wait3A_1358 : memref<1x64xf32, #tpu.memory_space<vmem>>)
    %dma_wait3A_1361 = arith.constant 41 : i32
    %dma_wait3A_1362 = arith.constant 0 : i32
    %dma_wait3A_1363 = tpu.memref_slice %arg18[%dma_wait3A_1361, %dma_wait3A_1362] : memref<128x64xf32, #tpu.memory_space<vmem>> -> memref<1x64xf32, #tpu.memory_space<vmem>>
    %dma_wait3A_1364 = arith.constant 0 : i32
    %dma_wait3A_1365 = tpu.memref_slice %arg3[%get3A_328, %dma_wait3A_1364] : memref<100000x64xf32, #tpu.memory_space<any>> -> memref<1x64xf32, #tpu.memory_space<any>>
    tpu.wait_dma2 semaphore(%arg19 : memref<!tpu.dma_semaphore, #tpu.memory_space<semaphore_mem>>) src(%dma_wait3A_1365 : memref<1x64xf32, #tpu.memory_space<any>>) dst(%dma_wait3A_1363 : memref<1x64xf32, #tpu.memory_space<vmem>>)
    %dma_wait3A_1366 = arith.constant 42 : i32
    %dma_wait3A_1367 = arith.constant 0 : i32
    %dma_wait3A_1368 = tpu.memref_slice %arg18[%dma_wait3A_1366, %dma_wait3A_1367] : memref<128x64xf32, #tpu.memory_space<vmem>> -> memref<1x64xf32, #tpu.memory_space<vmem>>
    %dma_wait3A_1369 = arith.constant 0 : i32
    %dma_wait3A_1370 = tpu.memref_slice %arg3[%get3A_336, %dma_wait3A_1369] : memref<100000x64xf32, #tpu.memory_space<any>> -> memref<1x64xf32, #tpu.memory_space<any>>
    tpu.wait_dma2 semaphore(%arg19 : memref<!tpu.dma_semaphore, #tpu.memory_space<semaphore_mem>>) src(%dma_wait3A_1370 : memref<1x64xf32, #tpu.memory_space<any>>) dst(%dma_wait3A_1368 : memref<1x64xf32, #tpu.memory_space<vmem>>)
    %dma_wait3A_1371 = arith.constant 43 : i32
    %dma_wait3A_1372 = arith.constant 0 : i32
    %dma_wait3A_1373 = tpu.memref_slice %arg18[%dma_wait3A_1371, %dma_wait3A_1372] : memref<128x64xf32, #tpu.memory_space<vmem>> -> memref<1x64xf32, #tpu.memory_space<vmem>>
    %dma_wait3A_1374 = arith.constant 0 : i32
    %dma_wait3A_1375 = tpu.memref_slice %arg3[%get3A_344, %dma_wait3A_1374] : memref<100000x64xf32, #tpu.memory_space<any>> -> memref<1x64xf32, #tpu.memory_space<any>>
    tpu.wait_dma2 semaphore(%arg19 : memref<!tpu.dma_semaphore, #tpu.memory_space<semaphore_mem>>) src(%dma_wait3A_1375 : memref<1x64xf32, #tpu.memory_space<any>>) dst(%dma_wait3A_1373 : memref<1x64xf32, #tpu.memory_space<vmem>>)
    %dma_wait3A_1376 = arith.constant 44 : i32
    %dma_wait3A_1377 = arith.constant 0 : i32
    %dma_wait3A_1378 = tpu.memref_slice %arg18[%dma_wait3A_1376, %dma_wait3A_1377] : memref<128x64xf32, #tpu.memory_space<vmem>> -> memref<1x64xf32, #tpu.memory_space<vmem>>
    %dma_wait3A_1379 = arith.constant 0 : i32
    %dma_wait3A_1380 = tpu.memref_slice %arg3[%get3A_352, %dma_wait3A_1379] : memref<100000x64xf32, #tpu.memory_space<any>> -> memref<1x64xf32, #tpu.memory_space<any>>
    tpu.wait_dma2 semaphore(%arg19 : memref<!tpu.dma_semaphore, #tpu.memory_space<semaphore_mem>>) src(%dma_wait3A_1380 : memref<1x64xf32, #tpu.memory_space<any>>) dst(%dma_wait3A_1378 : memref<1x64xf32, #tpu.memory_space<vmem>>)
    %dma_wait3A_1381 = arith.constant 45 : i32
    %dma_wait3A_1382 = arith.constant 0 : i32
    %dma_wait3A_1383 = tpu.memref_slice %arg18[%dma_wait3A_1381, %dma_wait3A_1382] : memref<128x64xf32, #tpu.memory_space<vmem>> -> memref<1x64xf32, #tpu.memory_space<vmem>>
    %dma_wait3A_1384 = arith.constant 0 : i32
    %dma_wait3A_1385 = tpu.memref_slice %arg3[%get3A_360, %dma_wait3A_1384] : memref<100000x64xf32, #tpu.memory_space<any>> -> memref<1x64xf32, #tpu.memory_space<any>>
    tpu.wait_dma2 semaphore(%arg19 : memref<!tpu.dma_semaphore, #tpu.memory_space<semaphore_mem>>) src(%dma_wait3A_1385 : memref<1x64xf32, #tpu.memory_space<any>>) dst(%dma_wait3A_1383 : memref<1x64xf32, #tpu.memory_space<vmem>>)
    %dma_wait3A_1386 = arith.constant 46 : i32
    %dma_wait3A_1387 = arith.constant 0 : i32
    %dma_wait3A_1388 = tpu.memref_slice %arg18[%dma_wait3A_1386, %dma_wait3A_1387] : memref<128x64xf32, #tpu.memory_space<vmem>> -> memref<1x64xf32, #tpu.memory_space<vmem>>
    %dma_wait3A_1389 = arith.constant 0 : i32
    %dma_wait3A_1390 = tpu.memref_slice %arg3[%get3A_368, %dma_wait3A_1389] : memref<100000x64xf32, #tpu.memory_space<any>> -> memref<1x64xf32, #tpu.memory_space<any>>
    tpu.wait_dma2 semaphore(%arg19 : memref<!tpu.dma_semaphore, #tpu.memory_space<semaphore_mem>>) src(%dma_wait3A_1390 : memref<1x64xf32, #tpu.memory_space<any>>) dst(%dma_wait3A_1388 : memref<1x64xf32, #tpu.memory_space<vmem>>)
    %dma_wait3A_1391 = arith.constant 47 : i32
    %dma_wait3A_1392 = arith.constant 0 : i32
    %dma_wait3A_1393 = tpu.memref_slice %arg18[%dma_wait3A_1391, %dma_wait3A_1392] : memref<128x64xf32, #tpu.memory_space<vmem>> -> memref<1x64xf32, #tpu.memory_space<vmem>>
    %dma_wait3A_1394 = arith.constant 0 : i32
    %dma_wait3A_1395 = tpu.memref_slice %arg3[%get3A_376, %dma_wait3A_1394] : memref<100000x64xf32, #tpu.memory_space<any>> -> memref<1x64xf32, #tpu.memory_space<any>>
    tpu.wait_dma2 semaphore(%arg19 : memref<!tpu.dma_semaphore, #tpu.memory_space<semaphore_mem>>) src(%dma_wait3A_1395 : memref<1x64xf32, #tpu.memory_space<any>>) dst(%dma_wait3A_1393 : memref<1x64xf32, #tpu.memory_space<vmem>>)
    %dma_wait3A_1396 = arith.constant 48 : i32
    %dma_wait3A_1397 = arith.constant 0 : i32
    %dma_wait3A_1398 = tpu.memref_slice %arg18[%dma_wait3A_1396, %dma_wait3A_1397] : memref<128x64xf32, #tpu.memory_space<vmem>> -> memref<1x64xf32, #tpu.memory_space<vmem>>
    %dma_wait3A_1399 = arith.constant 0 : i32
    %dma_wait3A_1400 = tpu.memref_slice %arg3[%get3A_384, %dma_wait3A_1399] : memref<100000x64xf32, #tpu.memory_space<any>> -> memref<1x64xf32, #tpu.memory_space<any>>
    tpu.wait_dma2 semaphore(%arg19 : memref<!tpu.dma_semaphore, #tpu.memory_space<semaphore_mem>>) src(%dma_wait3A_1400 : memref<1x64xf32, #tpu.memory_space<any>>) dst(%dma_wait3A_1398 : memref<1x64xf32, #tpu.memory_space<vmem>>)
    %dma_wait3A_1401 = arith.constant 49 : i32
    %dma_wait3A_1402 = arith.constant 0 : i32
    %dma_wait3A_1403 = tpu.memref_slice %arg18[%dma_wait3A_1401, %dma_wait3A_1402] : memref<128x64xf32, #tpu.memory_space<vmem>> -> memref<1x64xf32, #tpu.memory_space<vmem>>
    %dma_wait3A_1404 = arith.constant 0 : i32
    %dma_wait3A_1405 = tpu.memref_slice %arg3[%get3A_392, %dma_wait3A_1404] : memref<100000x64xf32, #tpu.memory_space<any>> -> memref<1x64xf32, #tpu.memory_space<any>>
    tpu.wait_dma2 semaphore(%arg19 : memref<!tpu.dma_semaphore, #tpu.memory_space<semaphore_mem>>) src(%dma_wait3A_1405 : memref<1x64xf32, #tpu.memory_space<any>>) dst(%dma_wait3A_1403 : memref<1x64xf32, #tpu.memory_space<vmem>>)
    %dma_wait3A_1406 = arith.constant 50 : i32
    %dma_wait3A_1407 = arith.constant 0 : i32
    %dma_wait3A_1408 = tpu.memref_slice %arg18[%dma_wait3A_1406, %dma_wait3A_1407] : memref<128x64xf32, #tpu.memory_space<vmem>> -> memref<1x64xf32, #tpu.memory_space<vmem>>
    %dma_wait3A_1409 = arith.constant 0 : i32
    %dma_wait3A_1410 = tpu.memref_slice %arg3[%get3A_400, %dma_wait3A_1409] : memref<100000x64xf32, #tpu.memory_space<any>> -> memref<1x64xf32, #tpu.memory_space<any>>
    tpu.wait_dma2 semaphore(%arg19 : memref<!tpu.dma_semaphore, #tpu.memory_space<semaphore_mem>>) src(%dma_wait3A_1410 : memref<1x64xf32, #tpu.memory_space<any>>) dst(%dma_wait3A_1408 : memref<1x64xf32, #tpu.memory_space<vmem>>)
    %dma_wait3A_1411 = arith.constant 51 : i32
    %dma_wait3A_1412 = arith.constant 0 : i32
    %dma_wait3A_1413 = tpu.memref_slice %arg18[%dma_wait3A_1411, %dma_wait3A_1412] : memref<128x64xf32, #tpu.memory_space<vmem>> -> memref<1x64xf32, #tpu.memory_space<vmem>>
    %dma_wait3A_1414 = arith.constant 0 : i32
    %dma_wait3A_1415 = tpu.memref_slice %arg3[%get3A_408, %dma_wait3A_1414] : memref<100000x64xf32, #tpu.memory_space<any>> -> memref<1x64xf32, #tpu.memory_space<any>>
    tpu.wait_dma2 semaphore(%arg19 : memref<!tpu.dma_semaphore, #tpu.memory_space<semaphore_mem>>) src(%dma_wait3A_1415 : memref<1x64xf32, #tpu.memory_space<any>>) dst(%dma_wait3A_1413 : memref<1x64xf32, #tpu.memory_space<vmem>>)
    %dma_wait3A_1416 = arith.constant 52 : i32
    %dma_wait3A_1417 = arith.constant 0 : i32
    %dma_wait3A_1418 = tpu.memref_slice %arg18[%dma_wait3A_1416, %dma_wait3A_1417] : memref<128x64xf32, #tpu.memory_space<vmem>> -> memref<1x64xf32, #tpu.memory_space<vmem>>
    %dma_wait3A_1419 = arith.constant 0 : i32
    %dma_wait3A_1420 = tpu.memref_slice %arg3[%get3A_416, %dma_wait3A_1419] : memref<100000x64xf32, #tpu.memory_space<any>> -> memref<1x64xf32, #tpu.memory_space<any>>
    tpu.wait_dma2 semaphore(%arg19 : memref<!tpu.dma_semaphore, #tpu.memory_space<semaphore_mem>>) src(%dma_wait3A_1420 : memref<1x64xf32, #tpu.memory_space<any>>) dst(%dma_wait3A_1418 : memref<1x64xf32, #tpu.memory_space<vmem>>)
    %dma_wait3A_1421 = arith.constant 53 : i32
    %dma_wait3A_1422 = arith.constant 0 : i32
    %dma_wait3A_1423 = tpu.memref_slice %arg18[%dma_wait3A_1421, %dma_wait3A_1422] : memref<128x64xf32, #tpu.memory_space<vmem>> -> memref<1x64xf32, #tpu.memory_space<vmem>>
    %dma_wait3A_1424 = arith.constant 0 : i32
    %dma_wait3A_1425 = tpu.memref_slice %arg3[%get3A_424, %dma_wait3A_1424] : memref<100000x64xf32, #tpu.memory_space<any>> -> memref<1x64xf32, #tpu.memory_space<any>>
    tpu.wait_dma2 semaphore(%arg19 : memref<!tpu.dma_semaphore, #tpu.memory_space<semaphore_mem>>) src(%dma_wait3A_1425 : memref<1x64xf32, #tpu.memory_space<any>>) dst(%dma_wait3A_1423 : memref<1x64xf32, #tpu.memory_space<vmem>>)
    %dma_wait3A_1426 = arith.constant 54 : i32
    %dma_wait3A_1427 = arith.constant 0 : i32
    %dma_wait3A_1428 = tpu.memref_slice %arg18[%dma_wait3A_1426, %dma_wait3A_1427] : memref<128x64xf32, #tpu.memory_space<vmem>> -> memref<1x64xf32, #tpu.memory_space<vmem>>
    %dma_wait3A_1429 = arith.constant 0 : i32
    %dma_wait3A_1430 = tpu.memref_slice %arg3[%get3A_432, %dma_wait3A_1429] : memref<100000x64xf32, #tpu.memory_space<any>> -> memref<1x64xf32, #tpu.memory_space<any>>
    tpu.wait_dma2 semaphore(%arg19 : memref<!tpu.dma_semaphore, #tpu.memory_space<semaphore_mem>>) src(%dma_wait3A_1430 : memref<1x64xf32, #tpu.memory_space<any>>) dst(%dma_wait3A_1428 : memref<1x64xf32, #tpu.memory_space<vmem>>)
    %dma_wait3A_1431 = arith.constant 55 : i32
    %dma_wait3A_1432 = arith.constant 0 : i32
    %dma_wait3A_1433 = tpu.memref_slice %arg18[%dma_wait3A_1431, %dma_wait3A_1432] : memref<128x64xf32, #tpu.memory_space<vmem>> -> memref<1x64xf32, #tpu.memory_space<vmem>>
    %dma_wait3A_1434 = arith.constant 0 : i32
    %dma_wait3A_1435 = tpu.memref_slice %arg3[%get3A_440, %dma_wait3A_1434] : memref<100000x64xf32, #tpu.memory_space<any>> -> memref<1x64xf32, #tpu.memory_space<any>>
    tpu.wait_dma2 semaphore(%arg19 : memref<!tpu.dma_semaphore, #tpu.memory_space<semaphore_mem>>) src(%dma_wait3A_1435 : memref<1x64xf32, #tpu.memory_space<any>>) dst(%dma_wait3A_1433 : memref<1x64xf32, #tpu.memory_space<vmem>>)
    %dma_wait3A_1436 = arith.constant 56 : i32
    %dma_wait3A_1437 = arith.constant 0 : i32
    %dma_wait3A_1438 = tpu.memref_slice %arg18[%dma_wait3A_1436, %dma_wait3A_1437] : memref<128x64xf32, #tpu.memory_space<vmem>> -> memref<1x64xf32, #tpu.memory_space<vmem>>
    %dma_wait3A_1439 = arith.constant 0 : i32
    %dma_wait3A_1440 = tpu.memref_slice %arg3[%get3A_448, %dma_wait3A_1439] : memref<100000x64xf32, #tpu.memory_space<any>> -> memref<1x64xf32, #tpu.memory_space<any>>
    tpu.wait_dma2 semaphore(%arg19 : memref<!tpu.dma_semaphore, #tpu.memory_space<semaphore_mem>>) src(%dma_wait3A_1440 : memref<1x64xf32, #tpu.memory_space<any>>) dst(%dma_wait3A_1438 : memref<1x64xf32, #tpu.memory_space<vmem>>)
    %dma_wait3A_1441 = arith.constant 57 : i32
    %dma_wait3A_1442 = arith.constant 0 : i32
    %dma_wait3A_1443 = tpu.memref_slice %arg18[%dma_wait3A_1441, %dma_wait3A_1442] : memref<128x64xf32, #tpu.memory_space<vmem>> -> memref<1x64xf32, #tpu.memory_space<vmem>>
    %dma_wait3A_1444 = arith.constant 0 : i32
    %dma_wait3A_1445 = tpu.memref_slice %arg3[%get3A_456, %dma_wait3A_1444] : memref<100000x64xf32, #tpu.memory_space<any>> -> memref<1x64xf32, #tpu.memory_space<any>>
    tpu.wait_dma2 semaphore(%arg19 : memref<!tpu.dma_semaphore, #tpu.memory_space<semaphore_mem>>) src(%dma_wait3A_1445 : memref<1x64xf32, #tpu.memory_space<any>>) dst(%dma_wait3A_1443 : memref<1x64xf32, #tpu.memory_space<vmem>>)
    %dma_wait3A_1446 = arith.constant 58 : i32
    %dma_wait3A_1447 = arith.constant 0 : i32
    %dma_wait3A_1448 = tpu.memref_slice %arg18[%dma_wait3A_1446, %dma_wait3A_1447] : memref<128x64xf32, #tpu.memory_space<vmem>> -> memref<1x64xf32, #tpu.memory_space<vmem>>
    %dma_wait3A_1449 = arith.constant 0 : i32
    %dma_wait3A_1450 = tpu.memref_slice %arg3[%get3A_464, %dma_wait3A_1449] : memref<100000x64xf32, #tpu.memory_space<any>> -> memref<1x64xf32, #tpu.memory_space<any>>
    tpu.wait_dma2 semaphore(%arg19 : memref<!tpu.dma_semaphore, #tpu.memory_space<semaphore_mem>>) src(%dma_wait3A_1450 : memref<1x64xf32, #tpu.memory_space<any>>) dst(%dma_wait3A_1448 : memref<1x64xf32, #tpu.memory_space<vmem>>)
    %dma_wait3A_1451 = arith.constant 59 : i32
    %dma_wait3A_1452 = arith.constant 0 : i32
    %dma_wait3A_1453 = tpu.memref_slice %arg18[%dma_wait3A_1451, %dma_wait3A_1452] : memref<128x64xf32, #tpu.memory_space<vmem>> -> memref<1x64xf32, #tpu.memory_space<vmem>>
    %dma_wait3A_1454 = arith.constant 0 : i32
    %dma_wait3A_1455 = tpu.memref_slice %arg3[%get3A_472, %dma_wait3A_1454] : memref<100000x64xf32, #tpu.memory_space<any>> -> memref<1x64xf32, #tpu.memory_space<any>>
    tpu.wait_dma2 semaphore(%arg19 : memref<!tpu.dma_semaphore, #tpu.memory_space<semaphore_mem>>) src(%dma_wait3A_1455 : memref<1x64xf32, #tpu.memory_space<any>>) dst(%dma_wait3A_1453 : memref<1x64xf32, #tpu.memory_space<vmem>>)
    %dma_wait3A_1456 = arith.constant 60 : i32
    %dma_wait3A_1457 = arith.constant 0 : i32
    %dma_wait3A_1458 = tpu.memref_slice %arg18[%dma_wait3A_1456, %dma_wait3A_1457] : memref<128x64xf32, #tpu.memory_space<vmem>> -> memref<1x64xf32, #tpu.memory_space<vmem>>
    %dma_wait3A_1459 = arith.constant 0 : i32
    %dma_wait3A_1460 = tpu.memref_slice %arg3[%get3A_480, %dma_wait3A_1459] : memref<100000x64xf32, #tpu.memory_space<any>> -> memref<1x64xf32, #tpu.memory_space<any>>
    tpu.wait_dma2 semaphore(%arg19 : memref<!tpu.dma_semaphore, #tpu.memory_space<semaphore_mem>>) src(%dma_wait3A_1460 : memref<1x64xf32, #tpu.memory_space<any>>) dst(%dma_wait3A_1458 : memref<1x64xf32, #tpu.memory_space<vmem>>)
    %dma_wait3A_1461 = arith.constant 61 : i32
    %dma_wait3A_1462 = arith.constant 0 : i32
    %dma_wait3A_1463 = tpu.memref_slice %arg18[%dma_wait3A_1461, %dma_wait3A_1462] : memref<128x64xf32, #tpu.memory_space<vmem>> -> memref<1x64xf32, #tpu.memory_space<vmem>>
    %dma_wait3A_1464 = arith.constant 0 : i32
    %dma_wait3A_1465 = tpu.memref_slice %arg3[%get3A_488, %dma_wait3A_1464] : memref<100000x64xf32, #tpu.memory_space<any>> -> memref<1x64xf32, #tpu.memory_space<any>>
    tpu.wait_dma2 semaphore(%arg19 : memref<!tpu.dma_semaphore, #tpu.memory_space<semaphore_mem>>) src(%dma_wait3A_1465 : memref<1x64xf32, #tpu.memory_space<any>>) dst(%dma_wait3A_1463 : memref<1x64xf32, #tpu.memory_space<vmem>>)
    %dma_wait3A_1466 = arith.constant 62 : i32
    %dma_wait3A_1467 = arith.constant 0 : i32
    %dma_wait3A_1468 = tpu.memref_slice %arg18[%dma_wait3A_1466, %dma_wait3A_1467] : memref<128x64xf32, #tpu.memory_space<vmem>> -> memref<1x64xf32, #tpu.memory_space<vmem>>
    %dma_wait3A_1469 = arith.constant 0 : i32
    %dma_wait3A_1470 = tpu.memref_slice %arg3[%get3A_496, %dma_wait3A_1469] : memref<100000x64xf32, #tpu.memory_space<any>> -> memref<1x64xf32, #tpu.memory_space<any>>
    tpu.wait_dma2 semaphore(%arg19 : memref<!tpu.dma_semaphore, #tpu.memory_space<semaphore_mem>>) src(%dma_wait3A_1470 : memref<1x64xf32, #tpu.memory_space<any>>) dst(%dma_wait3A_1468 : memref<1x64xf32, #tpu.memory_space<vmem>>)
    %dma_wait3A_1471 = arith.constant 63 : i32
    %dma_wait3A_1472 = arith.constant 0 : i32
    %dma_wait3A_1473 = tpu.memref_slice %arg18[%dma_wait3A_1471, %dma_wait3A_1472] : memref<128x64xf32, #tpu.memory_space<vmem>> -> memref<1x64xf32, #tpu.memory_space<vmem>>
    %dma_wait3A_1474 = arith.constant 0 : i32
    %dma_wait3A_1475 = tpu.memref_slice %arg3[%get3A_504, %dma_wait3A_1474] : memref<100000x64xf32, #tpu.memory_space<any>> -> memref<1x64xf32, #tpu.memory_space<any>>
    tpu.wait_dma2 semaphore(%arg19 : memref<!tpu.dma_semaphore, #tpu.memory_space<semaphore_mem>>) src(%dma_wait3A_1475 : memref<1x64xf32, #tpu.memory_space<any>>) dst(%dma_wait3A_1473 : memref<1x64xf32, #tpu.memory_space<vmem>>)
    %dma_wait3A_1476 = arith.constant 64 : i32
    %dma_wait3A_1477 = arith.constant 0 : i32
    %dma_wait3A_1478 = tpu.memref_slice %arg18[%dma_wait3A_1476, %dma_wait3A_1477] : memref<128x64xf32, #tpu.memory_space<vmem>> -> memref<1x64xf32, #tpu.memory_space<vmem>>
    %dma_wait3A_1479 = arith.constant 0 : i32
    %dma_wait3A_1480 = tpu.memref_slice %arg3[%get3A_512, %dma_wait3A_1479] : memref<100000x64xf32, #tpu.memory_space<any>> -> memref<1x64xf32, #tpu.memory_space<any>>
    tpu.wait_dma2 semaphore(%arg19 : memref<!tpu.dma_semaphore, #tpu.memory_space<semaphore_mem>>) src(%dma_wait3A_1480 : memref<1x64xf32, #tpu.memory_space<any>>) dst(%dma_wait3A_1478 : memref<1x64xf32, #tpu.memory_space<vmem>>)
    %dma_wait3A_1481 = arith.constant 65 : i32
    %dma_wait3A_1482 = arith.constant 0 : i32
    %dma_wait3A_1483 = tpu.memref_slice %arg18[%dma_wait3A_1481, %dma_wait3A_1482] : memref<128x64xf32, #tpu.memory_space<vmem>> -> memref<1x64xf32, #tpu.memory_space<vmem>>
    %dma_wait3A_1484 = arith.constant 0 : i32
    %dma_wait3A_1485 = tpu.memref_slice %arg3[%get3A_520, %dma_wait3A_1484] : memref<100000x64xf32, #tpu.memory_space<any>> -> memref<1x64xf32, #tpu.memory_space<any>>
    tpu.wait_dma2 semaphore(%arg19 : memref<!tpu.dma_semaphore, #tpu.memory_space<semaphore_mem>>) src(%dma_wait3A_1485 : memref<1x64xf32, #tpu.memory_space<any>>) dst(%dma_wait3A_1483 : memref<1x64xf32, #tpu.memory_space<vmem>>)
    %dma_wait3A_1486 = arith.constant 66 : i32
    %dma_wait3A_1487 = arith.constant 0 : i32
    %dma_wait3A_1488 = tpu.memref_slice %arg18[%dma_wait3A_1486, %dma_wait3A_1487] : memref<128x64xf32, #tpu.memory_space<vmem>> -> memref<1x64xf32, #tpu.memory_space<vmem>>
    %dma_wait3A_1489 = arith.constant 0 : i32
    %dma_wait3A_1490 = tpu.memref_slice %arg3[%get3A_528, %dma_wait3A_1489] : memref<100000x64xf32, #tpu.memory_space<any>> -> memref<1x64xf32, #tpu.memory_space<any>>
    tpu.wait_dma2 semaphore(%arg19 : memref<!tpu.dma_semaphore, #tpu.memory_space<semaphore_mem>>) src(%dma_wait3A_1490 : memref<1x64xf32, #tpu.memory_space<any>>) dst(%dma_wait3A_1488 : memref<1x64xf32, #tpu.memory_space<vmem>>)
    %dma_wait3A_1491 = arith.constant 67 : i32
    %dma_wait3A_1492 = arith.constant 0 : i32
    %dma_wait3A_1493 = tpu.memref_slice %arg18[%dma_wait3A_1491, %dma_wait3A_1492] : memref<128x64xf32, #tpu.memory_space<vmem>> -> memref<1x64xf32, #tpu.memory_space<vmem>>
    %dma_wait3A_1494 = arith.constant 0 : i32
    %dma_wait3A_1495 = tpu.memref_slice %arg3[%get3A_536, %dma_wait3A_1494] : memref<100000x64xf32, #tpu.memory_space<any>> -> memref<1x64xf32, #tpu.memory_space<any>>
    tpu.wait_dma2 semaphore(%arg19 : memref<!tpu.dma_semaphore, #tpu.memory_space<semaphore_mem>>) src(%dma_wait3A_1495 : memref<1x64xf32, #tpu.memory_space<any>>) dst(%dma_wait3A_1493 : memref<1x64xf32, #tpu.memory_space<vmem>>)
    %dma_wait3A_1496 = arith.constant 68 : i32
    %dma_wait3A_1497 = arith.constant 0 : i32
    %dma_wait3A_1498 = tpu.memref_slice %arg18[%dma_wait3A_1496, %dma_wait3A_1497] : memref<128x64xf32, #tpu.memory_space<vmem>> -> memref<1x64xf32, #tpu.memory_space<vmem>>
    %dma_wait3A_1499 = arith.constant 0 : i32
    %dma_wait3A_1500 = tpu.memref_slice %arg3[%get3A_544, %dma_wait3A_1499] : memref<100000x64xf32, #tpu.memory_space<any>> -> memref<1x64xf32, #tpu.memory_space<any>>
    tpu.wait_dma2 semaphore(%arg19 : memref<!tpu.dma_semaphore, #tpu.memory_space<semaphore_mem>>) src(%dma_wait3A_1500 : memref<1x64xf32, #tpu.memory_space<any>>) dst(%dma_wait3A_1498 : memref<1x64xf32, #tpu.memory_space<vmem>>)
    %dma_wait3A_1501 = arith.constant 69 : i32
    %dma_wait3A_1502 = arith.constant 0 : i32
    %dma_wait3A_1503 = tpu.memref_slice %arg18[%dma_wait3A_1501, %dma_wait3A_1502] : memref<128x64xf32, #tpu.memory_space<vmem>> -> memref<1x64xf32, #tpu.memory_space<vmem>>
    %dma_wait3A_1504 = arith.constant 0 : i32
    %dma_wait3A_1505 = tpu.memref_slice %arg3[%get3A_552, %dma_wait3A_1504] : memref<100000x64xf32, #tpu.memory_space<any>> -> memref<1x64xf32, #tpu.memory_space<any>>
    tpu.wait_dma2 semaphore(%arg19 : memref<!tpu.dma_semaphore, #tpu.memory_space<semaphore_mem>>) src(%dma_wait3A_1505 : memref<1x64xf32, #tpu.memory_space<any>>) dst(%dma_wait3A_1503 : memref<1x64xf32, #tpu.memory_space<vmem>>)
    %dma_wait3A_1506 = arith.constant 70 : i32
    %dma_wait3A_1507 = arith.constant 0 : i32
    %dma_wait3A_1508 = tpu.memref_slice %arg18[%dma_wait3A_1506, %dma_wait3A_1507] : memref<128x64xf32, #tpu.memory_space<vmem>> -> memref<1x64xf32, #tpu.memory_space<vmem>>
    %dma_wait3A_1509 = arith.constant 0 : i32
    %dma_wait3A_1510 = tpu.memref_slice %arg3[%get3A_560, %dma_wait3A_1509] : memref<100000x64xf32, #tpu.memory_space<any>> -> memref<1x64xf32, #tpu.memory_space<any>>
    tpu.wait_dma2 semaphore(%arg19 : memref<!tpu.dma_semaphore, #tpu.memory_space<semaphore_mem>>) src(%dma_wait3A_1510 : memref<1x64xf32, #tpu.memory_space<any>>) dst(%dma_wait3A_1508 : memref<1x64xf32, #tpu.memory_space<vmem>>)
    %dma_wait3A_1511 = arith.constant 71 : i32
    %dma_wait3A_1512 = arith.constant 0 : i32
    %dma_wait3A_1513 = tpu.memref_slice %arg18[%dma_wait3A_1511, %dma_wait3A_1512] : memref<128x64xf32, #tpu.memory_space<vmem>> -> memref<1x64xf32, #tpu.memory_space<vmem>>
    %dma_wait3A_1514 = arith.constant 0 : i32
    %dma_wait3A_1515 = tpu.memref_slice %arg3[%get3A_568, %dma_wait3A_1514] : memref<100000x64xf32, #tpu.memory_space<any>> -> memref<1x64xf32, #tpu.memory_space<any>>
    tpu.wait_dma2 semaphore(%arg19 : memref<!tpu.dma_semaphore, #tpu.memory_space<semaphore_mem>>) src(%dma_wait3A_1515 : memref<1x64xf32, #tpu.memory_space<any>>) dst(%dma_wait3A_1513 : memref<1x64xf32, #tpu.memory_space<vmem>>)
    %dma_wait3A_1516 = arith.constant 72 : i32
    %dma_wait3A_1517 = arith.constant 0 : i32
    %dma_wait3A_1518 = tpu.memref_slice %arg18[%dma_wait3A_1516, %dma_wait3A_1517] : memref<128x64xf32, #tpu.memory_space<vmem>> -> memref<1x64xf32, #tpu.memory_space<vmem>>
    %dma_wait3A_1519 = arith.constant 0 : i32
    %dma_wait3A_1520 = tpu.memref_slice %arg3[%get3A_576, %dma_wait3A_1519] : memref<100000x64xf32, #tpu.memory_space<any>> -> memref<1x64xf32, #tpu.memory_space<any>>
    tpu.wait_dma2 semaphore(%arg19 : memref<!tpu.dma_semaphore, #tpu.memory_space<semaphore_mem>>) src(%dma_wait3A_1520 : memref<1x64xf32, #tpu.memory_space<any>>) dst(%dma_wait3A_1518 : memref<1x64xf32, #tpu.memory_space<vmem>>)
    %dma_wait3A_1521 = arith.constant 73 : i32
    %dma_wait3A_1522 = arith.constant 0 : i32
    %dma_wait3A_1523 = tpu.memref_slice %arg18[%dma_wait3A_1521, %dma_wait3A_1522] : memref<128x64xf32, #tpu.memory_space<vmem>> -> memref<1x64xf32, #tpu.memory_space<vmem>>
    %dma_wait3A_1524 = arith.constant 0 : i32
    %dma_wait3A_1525 = tpu.memref_slice %arg3[%get3A_584, %dma_wait3A_1524] : memref<100000x64xf32, #tpu.memory_space<any>> -> memref<1x64xf32, #tpu.memory_space<any>>
    tpu.wait_dma2 semaphore(%arg19 : memref<!tpu.dma_semaphore, #tpu.memory_space<semaphore_mem>>) src(%dma_wait3A_1525 : memref<1x64xf32, #tpu.memory_space<any>>) dst(%dma_wait3A_1523 : memref<1x64xf32, #tpu.memory_space<vmem>>)
    %dma_wait3A_1526 = arith.constant 74 : i32
    %dma_wait3A_1527 = arith.constant 0 : i32
    %dma_wait3A_1528 = tpu.memref_slice %arg18[%dma_wait3A_1526, %dma_wait3A_1527] : memref<128x64xf32, #tpu.memory_space<vmem>> -> memref<1x64xf32, #tpu.memory_space<vmem>>
    %dma_wait3A_1529 = arith.constant 0 : i32
    %dma_wait3A_1530 = tpu.memref_slice %arg3[%get3A_592, %dma_wait3A_1529] : memref<100000x64xf32, #tpu.memory_space<any>> -> memref<1x64xf32, #tpu.memory_space<any>>
    tpu.wait_dma2 semaphore(%arg19 : memref<!tpu.dma_semaphore, #tpu.memory_space<semaphore_mem>>) src(%dma_wait3A_1530 : memref<1x64xf32, #tpu.memory_space<any>>) dst(%dma_wait3A_1528 : memref<1x64xf32, #tpu.memory_space<vmem>>)
    %dma_wait3A_1531 = arith.constant 75 : i32
    %dma_wait3A_1532 = arith.constant 0 : i32
    %dma_wait3A_1533 = tpu.memref_slice %arg18[%dma_wait3A_1531, %dma_wait3A_1532] : memref<128x64xf32, #tpu.memory_space<vmem>> -> memref<1x64xf32, #tpu.memory_space<vmem>>
    %dma_wait3A_1534 = arith.constant 0 : i32
    %dma_wait3A_1535 = tpu.memref_slice %arg3[%get3A_600, %dma_wait3A_1534] : memref<100000x64xf32, #tpu.memory_space<any>> -> memref<1x64xf32, #tpu.memory_space<any>>
    tpu.wait_dma2 semaphore(%arg19 : memref<!tpu.dma_semaphore, #tpu.memory_space<semaphore_mem>>) src(%dma_wait3A_1535 : memref<1x64xf32, #tpu.memory_space<any>>) dst(%dma_wait3A_1533 : memref<1x64xf32, #tpu.memory_space<vmem>>)
    %dma_wait3A_1536 = arith.constant 76 : i32
    %dma_wait3A_1537 = arith.constant 0 : i32
    %dma_wait3A_1538 = tpu.memref_slice %arg18[%dma_wait3A_1536, %dma_wait3A_1537] : memref<128x64xf32, #tpu.memory_space<vmem>> -> memref<1x64xf32, #tpu.memory_space<vmem>>
    %dma_wait3A_1539 = arith.constant 0 : i32
    %dma_wait3A_1540 = tpu.memref_slice %arg3[%get3A_608, %dma_wait3A_1539] : memref<100000x64xf32, #tpu.memory_space<any>> -> memref<1x64xf32, #tpu.memory_space<any>>
    tpu.wait_dma2 semaphore(%arg19 : memref<!tpu.dma_semaphore, #tpu.memory_space<semaphore_mem>>) src(%dma_wait3A_1540 : memref<1x64xf32, #tpu.memory_space<any>>) dst(%dma_wait3A_1538 : memref<1x64xf32, #tpu.memory_space<vmem>>)
    %dma_wait3A_1541 = arith.constant 77 : i32
    %dma_wait3A_1542 = arith.constant 0 : i32
    %dma_wait3A_1543 = tpu.memref_slice %arg18[%dma_wait3A_1541, %dma_wait3A_1542] : memref<128x64xf32, #tpu.memory_space<vmem>> -> memref<1x64xf32, #tpu.memory_space<vmem>>
    %dma_wait3A_1544 = arith.constant 0 : i32
    %dma_wait3A_1545 = tpu.memref_slice %arg3[%get3A_616, %dma_wait3A_1544] : memref<100000x64xf32, #tpu.memory_space<any>> -> memref<1x64xf32, #tpu.memory_space<any>>
    tpu.wait_dma2 semaphore(%arg19 : memref<!tpu.dma_semaphore, #tpu.memory_space<semaphore_mem>>) src(%dma_wait3A_1545 : memref<1x64xf32, #tpu.memory_space<any>>) dst(%dma_wait3A_1543 : memref<1x64xf32, #tpu.memory_space<vmem>>)
    %dma_wait3A_1546 = arith.constant 78 : i32
    %dma_wait3A_1547 = arith.constant 0 : i32
    %dma_wait3A_1548 = tpu.memref_slice %arg18[%dma_wait3A_1546, %dma_wait3A_1547] : memref<128x64xf32, #tpu.memory_space<vmem>> -> memref<1x64xf32, #tpu.memory_space<vmem>>
    %dma_wait3A_1549 = arith.constant 0 : i32
    %dma_wait3A_1550 = tpu.memref_slice %arg3[%get3A_624, %dma_wait3A_1549] : memref<100000x64xf32, #tpu.memory_space<any>> -> memref<1x64xf32, #tpu.memory_space<any>>
    tpu.wait_dma2 semaphore(%arg19 : memref<!tpu.dma_semaphore, #tpu.memory_space<semaphore_mem>>) src(%dma_wait3A_1550 : memref<1x64xf32, #tpu.memory_space<any>>) dst(%dma_wait3A_1548 : memref<1x64xf32, #tpu.memory_space<vmem>>)
    %dma_wait3A_1551 = arith.constant 79 : i32
    %dma_wait3A_1552 = arith.constant 0 : i32
    %dma_wait3A_1553 = tpu.memref_slice %arg18[%dma_wait3A_1551, %dma_wait3A_1552] : memref<128x64xf32, #tpu.memory_space<vmem>> -> memref<1x64xf32, #tpu.memory_space<vmem>>
    %dma_wait3A_1554 = arith.constant 0 : i32
    %dma_wait3A_1555 = tpu.memref_slice %arg3[%get3A_632, %dma_wait3A_1554] : memref<100000x64xf32, #tpu.memory_space<any>> -> memref<1x64xf32, #tpu.memory_space<any>>
    tpu.wait_dma2 semaphore(%arg19 : memref<!tpu.dma_semaphore, #tpu.memory_space<semaphore_mem>>) src(%dma_wait3A_1555 : memref<1x64xf32, #tpu.memory_space<any>>) dst(%dma_wait3A_1553 : memref<1x64xf32, #tpu.memory_space<vmem>>)
    %dma_wait3A_1556 = arith.constant 80 : i32
    %dma_wait3A_1557 = arith.constant 0 : i32
    %dma_wait3A_1558 = tpu.memref_slice %arg18[%dma_wait3A_1556, %dma_wait3A_1557] : memref<128x64xf32, #tpu.memory_space<vmem>> -> memref<1x64xf32, #tpu.memory_space<vmem>>
    %dma_wait3A_1559 = arith.constant 0 : i32
    %dma_wait3A_1560 = tpu.memref_slice %arg3[%get3A_640, %dma_wait3A_1559] : memref<100000x64xf32, #tpu.memory_space<any>> -> memref<1x64xf32, #tpu.memory_space<any>>
    tpu.wait_dma2 semaphore(%arg19 : memref<!tpu.dma_semaphore, #tpu.memory_space<semaphore_mem>>) src(%dma_wait3A_1560 : memref<1x64xf32, #tpu.memory_space<any>>) dst(%dma_wait3A_1558 : memref<1x64xf32, #tpu.memory_space<vmem>>)
    %dma_wait3A_1561 = arith.constant 81 : i32
    %dma_wait3A_1562 = arith.constant 0 : i32
    %dma_wait3A_1563 = tpu.memref_slice %arg18[%dma_wait3A_1561, %dma_wait3A_1562] : memref<128x64xf32, #tpu.memory_space<vmem>> -> memref<1x64xf32, #tpu.memory_space<vmem>>
    %dma_wait3A_1564 = arith.constant 0 : i32
    %dma_wait3A_1565 = tpu.memref_slice %arg3[%get3A_648, %dma_wait3A_1564] : memref<100000x64xf32, #tpu.memory_space<any>> -> memref<1x64xf32, #tpu.memory_space<any>>
    tpu.wait_dma2 semaphore(%arg19 : memref<!tpu.dma_semaphore, #tpu.memory_space<semaphore_mem>>) src(%dma_wait3A_1565 : memref<1x64xf32, #tpu.memory_space<any>>) dst(%dma_wait3A_1563 : memref<1x64xf32, #tpu.memory_space<vmem>>)
    %dma_wait3A_1566 = arith.constant 82 : i32
    %dma_wait3A_1567 = arith.constant 0 : i32
    %dma_wait3A_1568 = tpu.memref_slice %arg18[%dma_wait3A_1566, %dma_wait3A_1567] : memref<128x64xf32, #tpu.memory_space<vmem>> -> memref<1x64xf32, #tpu.memory_space<vmem>>
    %dma_wait3A_1569 = arith.constant 0 : i32
    %dma_wait3A_1570 = tpu.memref_slice %arg3[%get3A_656, %dma_wait3A_1569] : memref<100000x64xf32, #tpu.memory_space<any>> -> memref<1x64xf32, #tpu.memory_space<any>>
    tpu.wait_dma2 semaphore(%arg19 : memref<!tpu.dma_semaphore, #tpu.memory_space<semaphore_mem>>) src(%dma_wait3A_1570 : memref<1x64xf32, #tpu.memory_space<any>>) dst(%dma_wait3A_1568 : memref<1x64xf32, #tpu.memory_space<vmem>>)
    %dma_wait3A_1571 = arith.constant 83 : i32
    %dma_wait3A_1572 = arith.constant 0 : i32
    %dma_wait3A_1573 = tpu.memref_slice %arg18[%dma_wait3A_1571, %dma_wait3A_1572] : memref<128x64xf32, #tpu.memory_space<vmem>> -> memref<1x64xf32, #tpu.memory_space<vmem>>
    %dma_wait3A_1574 = arith.constant 0 : i32
    %dma_wait3A_1575 = tpu.memref_slice %arg3[%get3A_664, %dma_wait3A_1574] : memref<100000x64xf32, #tpu.memory_space<any>> -> memref<1x64xf32, #tpu.memory_space<any>>
    tpu.wait_dma2 semaphore(%arg19 : memref<!tpu.dma_semaphore, #tpu.memory_space<semaphore_mem>>) src(%dma_wait3A_1575 : memref<1x64xf32, #tpu.memory_space<any>>) dst(%dma_wait3A_1573 : memref<1x64xf32, #tpu.memory_space<vmem>>)
    %dma_wait3A_1576 = arith.constant 84 : i32
    %dma_wait3A_1577 = arith.constant 0 : i32
    %dma_wait3A_1578 = tpu.memref_slice %arg18[%dma_wait3A_1576, %dma_wait3A_1577] : memref<128x64xf32, #tpu.memory_space<vmem>> -> memref<1x64xf32, #tpu.memory_space<vmem>>
    %dma_wait3A_1579 = arith.constant 0 : i32
    %dma_wait3A_1580 = tpu.memref_slice %arg3[%get3A_672, %dma_wait3A_1579] : memref<100000x64xf32, #tpu.memory_space<any>> -> memref<1x64xf32, #tpu.memory_space<any>>
    tpu.wait_dma2 semaphore(%arg19 : memref<!tpu.dma_semaphore, #tpu.memory_space<semaphore_mem>>) src(%dma_wait3A_1580 : memref<1x64xf32, #tpu.memory_space<any>>) dst(%dma_wait3A_1578 : memref<1x64xf32, #tpu.memory_space<vmem>>)
    %dma_wait3A_1581 = arith.constant 85 : i32
    %dma_wait3A_1582 = arith.constant 0 : i32
    %dma_wait3A_1583 = tpu.memref_slice %arg18[%dma_wait3A_1581, %dma_wait3A_1582] : memref<128x64xf32, #tpu.memory_space<vmem>> -> memref<1x64xf32, #tpu.memory_space<vmem>>
    %dma_wait3A_1584 = arith.constant 0 : i32
    %dma_wait3A_1585 = tpu.memref_slice %arg3[%get3A_680, %dma_wait3A_1584] : memref<100000x64xf32, #tpu.memory_space<any>> -> memref<1x64xf32, #tpu.memory_space<any>>
    tpu.wait_dma2 semaphore(%arg19 : memref<!tpu.dma_semaphore, #tpu.memory_space<semaphore_mem>>) src(%dma_wait3A_1585 : memref<1x64xf32, #tpu.memory_space<any>>) dst(%dma_wait3A_1583 : memref<1x64xf32, #tpu.memory_space<vmem>>)
    %dma_wait3A_1586 = arith.constant 86 : i32
    %dma_wait3A_1587 = arith.constant 0 : i32
    %dma_wait3A_1588 = tpu.memref_slice %arg18[%dma_wait3A_1586, %dma_wait3A_1587] : memref<128x64xf32, #tpu.memory_space<vmem>> -> memref<1x64xf32, #tpu.memory_space<vmem>>
    %dma_wait3A_1589 = arith.constant 0 : i32
    %dma_wait3A_1590 = tpu.memref_slice %arg3[%get3A_688, %dma_wait3A_1589] : memref<100000x64xf32, #tpu.memory_space<any>> -> memref<1x64xf32, #tpu.memory_space<any>>
    tpu.wait_dma2 semaphore(%arg19 : memref<!tpu.dma_semaphore, #tpu.memory_space<semaphore_mem>>) src(%dma_wait3A_1590 : memref<1x64xf32, #tpu.memory_space<any>>) dst(%dma_wait3A_1588 : memref<1x64xf32, #tpu.memory_space<vmem>>)
    %dma_wait3A_1591 = arith.constant 87 : i32
    %dma_wait3A_1592 = arith.constant 0 : i32
    %dma_wait3A_1593 = tpu.memref_slice %arg18[%dma_wait3A_1591, %dma_wait3A_1592] : memref<128x64xf32, #tpu.memory_space<vmem>> -> memref<1x64xf32, #tpu.memory_space<vmem>>
    %dma_wait3A_1594 = arith.constant 0 : i32
    %dma_wait3A_1595 = tpu.memref_slice %arg3[%get3A_696, %dma_wait3A_1594] : memref<100000x64xf32, #tpu.memory_space<any>> -> memref<1x64xf32, #tpu.memory_space<any>>
    tpu.wait_dma2 semaphore(%arg19 : memref<!tpu.dma_semaphore, #tpu.memory_space<semaphore_mem>>) src(%dma_wait3A_1595 : memref<1x64xf32, #tpu.memory_space<any>>) dst(%dma_wait3A_1593 : memref<1x64xf32, #tpu.memory_space<vmem>>)
    %dma_wait3A_1596 = arith.constant 88 : i32
    %dma_wait3A_1597 = arith.constant 0 : i32
    %dma_wait3A_1598 = tpu.memref_slice %arg18[%dma_wait3A_1596, %dma_wait3A_1597] : memref<128x64xf32, #tpu.memory_space<vmem>> -> memref<1x64xf32, #tpu.memory_space<vmem>>
    %dma_wait3A_1599 = arith.constant 0 : i32
    %dma_wait3A_1600 = tpu.memref_slice %arg3[%get3A_704, %dma_wait3A_1599] : memref<100000x64xf32, #tpu.memory_space<any>> -> memref<1x64xf32, #tpu.memory_space<any>>
    tpu.wait_dma2 semaphore(%arg19 : memref<!tpu.dma_semaphore, #tpu.memory_space<semaphore_mem>>) src(%dma_wait3A_1600 : memref<1x64xf32, #tpu.memory_space<any>>) dst(%dma_wait3A_1598 : memref<1x64xf32, #tpu.memory_space<vmem>>)
    %dma_wait3A_1601 = arith.constant 89 : i32
    %dma_wait3A_1602 = arith.constant 0 : i32
    %dma_wait3A_1603 = tpu.memref_slice %arg18[%dma_wait3A_1601, %dma_wait3A_1602] : memref<128x64xf32, #tpu.memory_space<vmem>> -> memref<1x64xf32, #tpu.memory_space<vmem>>
    %dma_wait3A_1604 = arith.constant 0 : i32
    %dma_wait3A_1605 = tpu.memref_slice %arg3[%get3A_712, %dma_wait3A_1604] : memref<100000x64xf32, #tpu.memory_space<any>> -> memref<1x64xf32, #tpu.memory_space<any>>
    tpu.wait_dma2 semaphore(%arg19 : memref<!tpu.dma_semaphore, #tpu.memory_space<semaphore_mem>>) src(%dma_wait3A_1605 : memref<1x64xf32, #tpu.memory_space<any>>) dst(%dma_wait3A_1603 : memref<1x64xf32, #tpu.memory_space<vmem>>)
    %dma_wait3A_1606 = arith.constant 90 : i32
    %dma_wait3A_1607 = arith.constant 0 : i32
    %dma_wait3A_1608 = tpu.memref_slice %arg18[%dma_wait3A_1606, %dma_wait3A_1607] : memref<128x64xf32, #tpu.memory_space<vmem>> -> memref<1x64xf32, #tpu.memory_space<vmem>>
    %dma_wait3A_1609 = arith.constant 0 : i32
    %dma_wait3A_1610 = tpu.memref_slice %arg3[%get3A_720, %dma_wait3A_1609] : memref<100000x64xf32, #tpu.memory_space<any>> -> memref<1x64xf32, #tpu.memory_space<any>>
    tpu.wait_dma2 semaphore(%arg19 : memref<!tpu.dma_semaphore, #tpu.memory_space<semaphore_mem>>) src(%dma_wait3A_1610 : memref<1x64xf32, #tpu.memory_space<any>>) dst(%dma_wait3A_1608 : memref<1x64xf32, #tpu.memory_space<vmem>>)
    %dma_wait3A_1611 = arith.constant 91 : i32
    %dma_wait3A_1612 = arith.constant 0 : i32
    %dma_wait3A_1613 = tpu.memref_slice %arg18[%dma_wait3A_1611, %dma_wait3A_1612] : memref<128x64xf32, #tpu.memory_space<vmem>> -> memref<1x64xf32, #tpu.memory_space<vmem>>
    %dma_wait3A_1614 = arith.constant 0 : i32
    %dma_wait3A_1615 = tpu.memref_slice %arg3[%get3A_728, %dma_wait3A_1614] : memref<100000x64xf32, #tpu.memory_space<any>> -> memref<1x64xf32, #tpu.memory_space<any>>
    tpu.wait_dma2 semaphore(%arg19 : memref<!tpu.dma_semaphore, #tpu.memory_space<semaphore_mem>>) src(%dma_wait3A_1615 : memref<1x64xf32, #tpu.memory_space<any>>) dst(%dma_wait3A_1613 : memref<1x64xf32, #tpu.memory_space<vmem>>)
    %dma_wait3A_1616 = arith.constant 92 : i32
    %dma_wait3A_1617 = arith.constant 0 : i32
    %dma_wait3A_1618 = tpu.memref_slice %arg18[%dma_wait3A_1616, %dma_wait3A_1617] : memref<128x64xf32, #tpu.memory_space<vmem>> -> memref<1x64xf32, #tpu.memory_space<vmem>>
    %dma_wait3A_1619 = arith.constant 0 : i32
    %dma_wait3A_1620 = tpu.memref_slice %arg3[%get3A_736, %dma_wait3A_1619] : memref<100000x64xf32, #tpu.memory_space<any>> -> memref<1x64xf32, #tpu.memory_space<any>>
    tpu.wait_dma2 semaphore(%arg19 : memref<!tpu.dma_semaphore, #tpu.memory_space<semaphore_mem>>) src(%dma_wait3A_1620 : memref<1x64xf32, #tpu.memory_space<any>>) dst(%dma_wait3A_1618 : memref<1x64xf32, #tpu.memory_space<vmem>>)
    %dma_wait3A_1621 = arith.constant 93 : i32
    %dma_wait3A_1622 = arith.constant 0 : i32
    %dma_wait3A_1623 = tpu.memref_slice %arg18[%dma_wait3A_1621, %dma_wait3A_1622] : memref<128x64xf32, #tpu.memory_space<vmem>> -> memref<1x64xf32, #tpu.memory_space<vmem>>
    %dma_wait3A_1624 = arith.constant 0 : i32
    %dma_wait3A_1625 = tpu.memref_slice %arg3[%get3A_744, %dma_wait3A_1624] : memref<100000x64xf32, #tpu.memory_space<any>> -> memref<1x64xf32, #tpu.memory_space<any>>
    tpu.wait_dma2 semaphore(%arg19 : memref<!tpu.dma_semaphore, #tpu.memory_space<semaphore_mem>>) src(%dma_wait3A_1625 : memref<1x64xf32, #tpu.memory_space<any>>) dst(%dma_wait3A_1623 : memref<1x64xf32, #tpu.memory_space<vmem>>)
    %dma_wait3A_1626 = arith.constant 94 : i32
    %dma_wait3A_1627 = arith.constant 0 : i32
    %dma_wait3A_1628 = tpu.memref_slice %arg18[%dma_wait3A_1626, %dma_wait3A_1627] : memref<128x64xf32, #tpu.memory_space<vmem>> -> memref<1x64xf32, #tpu.memory_space<vmem>>
    %dma_wait3A_1629 = arith.constant 0 : i32
    %dma_wait3A_1630 = tpu.memref_slice %arg3[%get3A_752, %dma_wait3A_1629] : memref<100000x64xf32, #tpu.memory_space<any>> -> memref<1x64xf32, #tpu.memory_space<any>>
    tpu.wait_dma2 semaphore(%arg19 : memref<!tpu.dma_semaphore, #tpu.memory_space<semaphore_mem>>) src(%dma_wait3A_1630 : memref<1x64xf32, #tpu.memory_space<any>>) dst(%dma_wait3A_1628 : memref<1x64xf32, #tpu.memory_space<vmem>>)
    %dma_wait3A_1631 = arith.constant 95 : i32
    %dma_wait3A_1632 = arith.constant 0 : i32
    %dma_wait3A_1633 = tpu.memref_slice %arg18[%dma_wait3A_1631, %dma_wait3A_1632] : memref<128x64xf32, #tpu.memory_space<vmem>> -> memref<1x64xf32, #tpu.memory_space<vmem>>
    %dma_wait3A_1634 = arith.constant 0 : i32
    %dma_wait3A_1635 = tpu.memref_slice %arg3[%get3A_760, %dma_wait3A_1634] : memref<100000x64xf32, #tpu.memory_space<any>> -> memref<1x64xf32, #tpu.memory_space<any>>
    tpu.wait_dma2 semaphore(%arg19 : memref<!tpu.dma_semaphore, #tpu.memory_space<semaphore_mem>>) src(%dma_wait3A_1635 : memref<1x64xf32, #tpu.memory_space<any>>) dst(%dma_wait3A_1633 : memref<1x64xf32, #tpu.memory_space<vmem>>)
    %dma_wait3A_1636 = arith.constant 96 : i32
    %dma_wait3A_1637 = arith.constant 0 : i32
    %dma_wait3A_1638 = tpu.memref_slice %arg18[%dma_wait3A_1636, %dma_wait3A_1637] : memref<128x64xf32, #tpu.memory_space<vmem>> -> memref<1x64xf32, #tpu.memory_space<vmem>>
    %dma_wait3A_1639 = arith.constant 0 : i32
    %dma_wait3A_1640 = tpu.memref_slice %arg3[%get3A_768, %dma_wait3A_1639] : memref<100000x64xf32, #tpu.memory_space<any>> -> memref<1x64xf32, #tpu.memory_space<any>>
    tpu.wait_dma2 semaphore(%arg19 : memref<!tpu.dma_semaphore, #tpu.memory_space<semaphore_mem>>) src(%dma_wait3A_1640 : memref<1x64xf32, #tpu.memory_space<any>>) dst(%dma_wait3A_1638 : memref<1x64xf32, #tpu.memory_space<vmem>>)
    %dma_wait3A_1641 = arith.constant 97 : i32
    %dma_wait3A_1642 = arith.constant 0 : i32
    %dma_wait3A_1643 = tpu.memref_slice %arg18[%dma_wait3A_1641, %dma_wait3A_1642] : memref<128x64xf32, #tpu.memory_space<vmem>> -> memref<1x64xf32, #tpu.memory_space<vmem>>
    %dma_wait3A_1644 = arith.constant 0 : i32
    %dma_wait3A_1645 = tpu.memref_slice %arg3[%get3A_776, %dma_wait3A_1644] : memref<100000x64xf32, #tpu.memory_space<any>> -> memref<1x64xf32, #tpu.memory_space<any>>
    tpu.wait_dma2 semaphore(%arg19 : memref<!tpu.dma_semaphore, #tpu.memory_space<semaphore_mem>>) src(%dma_wait3A_1645 : memref<1x64xf32, #tpu.memory_space<any>>) dst(%dma_wait3A_1643 : memref<1x64xf32, #tpu.memory_space<vmem>>)
    %dma_wait3A_1646 = arith.constant 98 : i32
    %dma_wait3A_1647 = arith.constant 0 : i32
    %dma_wait3A_1648 = tpu.memref_slice %arg18[%dma_wait3A_1646, %dma_wait3A_1647] : memref<128x64xf32, #tpu.memory_space<vmem>> -> memref<1x64xf32, #tpu.memory_space<vmem>>
    %dma_wait3A_1649 = arith.constant 0 : i32
    %dma_wait3A_1650 = tpu.memref_slice %arg3[%get3A_784, %dma_wait3A_1649] : memref<100000x64xf32, #tpu.memory_space<any>> -> memref<1x64xf32, #tpu.memory_space<any>>
    tpu.wait_dma2 semaphore(%arg19 : memref<!tpu.dma_semaphore, #tpu.memory_space<semaphore_mem>>) src(%dma_wait3A_1650 : memref<1x64xf32, #tpu.memory_space<any>>) dst(%dma_wait3A_1648 : memref<1x64xf32, #tpu.memory_space<vmem>>)
    %dma_wait3A_1651 = arith.constant 99 : i32
    %dma_wait3A_1652 = arith.constant 0 : i32
    %dma_wait3A_1653 = tpu.memref_slice %arg18[%dma_wait3A_1651, %dma_wait3A_1652] : memref<128x64xf32, #tpu.memory_space<vmem>> -> memref<1x64xf32, #tpu.memory_space<vmem>>
    %dma_wait3A_1654 = arith.constant 0 : i32
    %dma_wait3A_1655 = tpu.memref_slice %arg3[%get3A_792, %dma_wait3A_1654] : memref<100000x64xf32, #tpu.memory_space<any>> -> memref<1x64xf32, #tpu.memory_space<any>>
    tpu.wait_dma2 semaphore(%arg19 : memref<!tpu.dma_semaphore, #tpu.memory_space<semaphore_mem>>) src(%dma_wait3A_1655 : memref<1x64xf32, #tpu.memory_space<any>>) dst(%dma_wait3A_1653 : memref<1x64xf32, #tpu.memory_space<vmem>>)
    %dma_wait3A_1656 = arith.constant 100 : i32
    %dma_wait3A_1657 = arith.constant 0 : i32
    %dma_wait3A_1658 = tpu.memref_slice %arg18[%dma_wait3A_1656, %dma_wait3A_1657] : memref<128x64xf32, #tpu.memory_space<vmem>> -> memref<1x64xf32, #tpu.memory_space<vmem>>
    %dma_wait3A_1659 = arith.constant 0 : i32
    %dma_wait3A_1660 = tpu.memref_slice %arg3[%get3A_800, %dma_wait3A_1659] : memref<100000x64xf32, #tpu.memory_space<any>> -> memref<1x64xf32, #tpu.memory_space<any>>
    tpu.wait_dma2 semaphore(%arg19 : memref<!tpu.dma_semaphore, #tpu.memory_space<semaphore_mem>>) src(%dma_wait3A_1660 : memref<1x64xf32, #tpu.memory_space<any>>) dst(%dma_wait3A_1658 : memref<1x64xf32, #tpu.memory_space<vmem>>)
    %dma_wait3A_1661 = arith.constant 101 : i32
    %dma_wait3A_1662 = arith.constant 0 : i32
    %dma_wait3A_1663 = tpu.memref_slice %arg18[%dma_wait3A_1661, %dma_wait3A_1662] : memref<128x64xf32, #tpu.memory_space<vmem>> -> memref<1x64xf32, #tpu.memory_space<vmem>>
    %dma_wait3A_1664 = arith.constant 0 : i32
    %dma_wait3A_1665 = tpu.memref_slice %arg3[%get3A_808, %dma_wait3A_1664] : memref<100000x64xf32, #tpu.memory_space<any>> -> memref<1x64xf32, #tpu.memory_space<any>>
    tpu.wait_dma2 semaphore(%arg19 : memref<!tpu.dma_semaphore, #tpu.memory_space<semaphore_mem>>) src(%dma_wait3A_1665 : memref<1x64xf32, #tpu.memory_space<any>>) dst(%dma_wait3A_1663 : memref<1x64xf32, #tpu.memory_space<vmem>>)
    %dma_wait3A_1666 = arith.constant 102 : i32
    %dma_wait3A_1667 = arith.constant 0 : i32
    %dma_wait3A_1668 = tpu.memref_slice %arg18[%dma_wait3A_1666, %dma_wait3A_1667] : memref<128x64xf32, #tpu.memory_space<vmem>> -> memref<1x64xf32, #tpu.memory_space<vmem>>
    %dma_wait3A_1669 = arith.constant 0 : i32
    %dma_wait3A_1670 = tpu.memref_slice %arg3[%get3A_816, %dma_wait3A_1669] : memref<100000x64xf32, #tpu.memory_space<any>> -> memref<1x64xf32, #tpu.memory_space<any>>
    tpu.wait_dma2 semaphore(%arg19 : memref<!tpu.dma_semaphore, #tpu.memory_space<semaphore_mem>>) src(%dma_wait3A_1670 : memref<1x64xf32, #tpu.memory_space<any>>) dst(%dma_wait3A_1668 : memref<1x64xf32, #tpu.memory_space<vmem>>)
    %dma_wait3A_1671 = arith.constant 103 : i32
    %dma_wait3A_1672 = arith.constant 0 : i32
    %dma_wait3A_1673 = tpu.memref_slice %arg18[%dma_wait3A_1671, %dma_wait3A_1672] : memref<128x64xf32, #tpu.memory_space<vmem>> -> memref<1x64xf32, #tpu.memory_space<vmem>>
    %dma_wait3A_1674 = arith.constant 0 : i32
    %dma_wait3A_1675 = tpu.memref_slice %arg3[%get3A_824, %dma_wait3A_1674] : memref<100000x64xf32, #tpu.memory_space<any>> -> memref<1x64xf32, #tpu.memory_space<any>>
    tpu.wait_dma2 semaphore(%arg19 : memref<!tpu.dma_semaphore, #tpu.memory_space<semaphore_mem>>) src(%dma_wait3A_1675 : memref<1x64xf32, #tpu.memory_space<any>>) dst(%dma_wait3A_1673 : memref<1x64xf32, #tpu.memory_space<vmem>>)
    %dma_wait3A_1676 = arith.constant 104 : i32
    %dma_wait3A_1677 = arith.constant 0 : i32
    %dma_wait3A_1678 = tpu.memref_slice %arg18[%dma_wait3A_1676, %dma_wait3A_1677] : memref<128x64xf32, #tpu.memory_space<vmem>> -> memref<1x64xf32, #tpu.memory_space<vmem>>
    %dma_wait3A_1679 = arith.constant 0 : i32
    %dma_wait3A_1680 = tpu.memref_slice %arg3[%get3A_832, %dma_wait3A_1679] : memref<100000x64xf32, #tpu.memory_space<any>> -> memref<1x64xf32, #tpu.memory_space<any>>
    tpu.wait_dma2 semaphore(%arg19 : memref<!tpu.dma_semaphore, #tpu.memory_space<semaphore_mem>>) src(%dma_wait3A_1680 : memref<1x64xf32, #tpu.memory_space<any>>) dst(%dma_wait3A_1678 : memref<1x64xf32, #tpu.memory_space<vmem>>)
    %dma_wait3A_1681 = arith.constant 105 : i32
    %dma_wait3A_1682 = arith.constant 0 : i32
    %dma_wait3A_1683 = tpu.memref_slice %arg18[%dma_wait3A_1681, %dma_wait3A_1682] : memref<128x64xf32, #tpu.memory_space<vmem>> -> memref<1x64xf32, #tpu.memory_space<vmem>>
    %dma_wait3A_1684 = arith.constant 0 : i32
    %dma_wait3A_1685 = tpu.memref_slice %arg3[%get3A_840, %dma_wait3A_1684] : memref<100000x64xf32, #tpu.memory_space<any>> -> memref<1x64xf32, #tpu.memory_space<any>>
    tpu.wait_dma2 semaphore(%arg19 : memref<!tpu.dma_semaphore, #tpu.memory_space<semaphore_mem>>) src(%dma_wait3A_1685 : memref<1x64xf32, #tpu.memory_space<any>>) dst(%dma_wait3A_1683 : memref<1x64xf32, #tpu.memory_space<vmem>>)
    %dma_wait3A_1686 = arith.constant 106 : i32
    %dma_wait3A_1687 = arith.constant 0 : i32
    %dma_wait3A_1688 = tpu.memref_slice %arg18[%dma_wait3A_1686, %dma_wait3A_1687] : memref<128x64xf32, #tpu.memory_space<vmem>> -> memref<1x64xf32, #tpu.memory_space<vmem>>
    %dma_wait3A_1689 = arith.constant 0 : i32
    %dma_wait3A_1690 = tpu.memref_slice %arg3[%get3A_848, %dma_wait3A_1689] : memref<100000x64xf32, #tpu.memory_space<any>> -> memref<1x64xf32, #tpu.memory_space<any>>
    tpu.wait_dma2 semaphore(%arg19 : memref<!tpu.dma_semaphore, #tpu.memory_space<semaphore_mem>>) src(%dma_wait3A_1690 : memref<1x64xf32, #tpu.memory_space<any>>) dst(%dma_wait3A_1688 : memref<1x64xf32, #tpu.memory_space<vmem>>)
    %dma_wait3A_1691 = arith.constant 107 : i32
    %dma_wait3A_1692 = arith.constant 0 : i32
    %dma_wait3A_1693 = tpu.memref_slice %arg18[%dma_wait3A_1691, %dma_wait3A_1692] : memref<128x64xf32, #tpu.memory_space<vmem>> -> memref<1x64xf32, #tpu.memory_space<vmem>>
    %dma_wait3A_1694 = arith.constant 0 : i32
    %dma_wait3A_1695 = tpu.memref_slice %arg3[%get3A_856, %dma_wait3A_1694] : memref<100000x64xf32, #tpu.memory_space<any>> -> memref<1x64xf32, #tpu.memory_space<any>>
    tpu.wait_dma2 semaphore(%arg19 : memref<!tpu.dma_semaphore, #tpu.memory_space<semaphore_mem>>) src(%dma_wait3A_1695 : memref<1x64xf32, #tpu.memory_space<any>>) dst(%dma_wait3A_1693 : memref<1x64xf32, #tpu.memory_space<vmem>>)
    %dma_wait3A_1696 = arith.constant 108 : i32
    %dma_wait3A_1697 = arith.constant 0 : i32
    %dma_wait3A_1698 = tpu.memref_slice %arg18[%dma_wait3A_1696, %dma_wait3A_1697] : memref<128x64xf32, #tpu.memory_space<vmem>> -> memref<1x64xf32, #tpu.memory_space<vmem>>
    %dma_wait3A_1699 = arith.constant 0 : i32
    %dma_wait3A_1700 = tpu.memref_slice %arg3[%get3A_864, %dma_wait3A_1699] : memref<100000x64xf32, #tpu.memory_space<any>> -> memref<1x64xf32, #tpu.memory_space<any>>
    tpu.wait_dma2 semaphore(%arg19 : memref<!tpu.dma_semaphore, #tpu.memory_space<semaphore_mem>>) src(%dma_wait3A_1700 : memref<1x64xf32, #tpu.memory_space<any>>) dst(%dma_wait3A_1698 : memref<1x64xf32, #tpu.memory_space<vmem>>)
    %dma_wait3A_1701 = arith.constant 109 : i32
    %dma_wait3A_1702 = arith.constant 0 : i32
    %dma_wait3A_1703 = tpu.memref_slice %arg18[%dma_wait3A_1701, %dma_wait3A_1702] : memref<128x64xf32, #tpu.memory_space<vmem>> -> memref<1x64xf32, #tpu.memory_space<vmem>>
    %dma_wait3A_1704 = arith.constant 0 : i32
    %dma_wait3A_1705 = tpu.memref_slice %arg3[%get3A_872, %dma_wait3A_1704] : memref<100000x64xf32, #tpu.memory_space<any>> -> memref<1x64xf32, #tpu.memory_space<any>>
    tpu.wait_dma2 semaphore(%arg19 : memref<!tpu.dma_semaphore, #tpu.memory_space<semaphore_mem>>) src(%dma_wait3A_1705 : memref<1x64xf32, #tpu.memory_space<any>>) dst(%dma_wait3A_1703 : memref<1x64xf32, #tpu.memory_space<vmem>>)
    %dma_wait3A_1706 = arith.constant 110 : i32
    %dma_wait3A_1707 = arith.constant 0 : i32
    %dma_wait3A_1708 = tpu.memref_slice %arg18[%dma_wait3A_1706, %dma_wait3A_1707] : memref<128x64xf32, #tpu.memory_space<vmem>> -> memref<1x64xf32, #tpu.memory_space<vmem>>
    %dma_wait3A_1709 = arith.constant 0 : i32
    %dma_wait3A_1710 = tpu.memref_slice %arg3[%get3A_880, %dma_wait3A_1709] : memref<100000x64xf32, #tpu.memory_space<any>> -> memref<1x64xf32, #tpu.memory_space<any>>
    tpu.wait_dma2 semaphore(%arg19 : memref<!tpu.dma_semaphore, #tpu.memory_space<semaphore_mem>>) src(%dma_wait3A_1710 : memref<1x64xf32, #tpu.memory_space<any>>) dst(%dma_wait3A_1708 : memref<1x64xf32, #tpu.memory_space<vmem>>)
    %dma_wait3A_1711 = arith.constant 111 : i32
    %dma_wait3A_1712 = arith.constant 0 : i32
    %dma_wait3A_1713 = tpu.memref_slice %arg18[%dma_wait3A_1711, %dma_wait3A_1712] : memref<128x64xf32, #tpu.memory_space<vmem>> -> memref<1x64xf32, #tpu.memory_space<vmem>>
    %dma_wait3A_1714 = arith.constant 0 : i32
    %dma_wait3A_1715 = tpu.memref_slice %arg3[%get3A_888, %dma_wait3A_1714] : memref<100000x64xf32, #tpu.memory_space<any>> -> memref<1x64xf32, #tpu.memory_space<any>>
    tpu.wait_dma2 semaphore(%arg19 : memref<!tpu.dma_semaphore, #tpu.memory_space<semaphore_mem>>) src(%dma_wait3A_1715 : memref<1x64xf32, #tpu.memory_space<any>>) dst(%dma_wait3A_1713 : memref<1x64xf32, #tpu.memory_space<vmem>>)
    %dma_wait3A_1716 = arith.constant 112 : i32
    %dma_wait3A_1717 = arith.constant 0 : i32
    %dma_wait3A_1718 = tpu.memref_slice %arg18[%dma_wait3A_1716, %dma_wait3A_1717] : memref<128x64xf32, #tpu.memory_space<vmem>> -> memref<1x64xf32, #tpu.memory_space<vmem>>
    %dma_wait3A_1719 = arith.constant 0 : i32
    %dma_wait3A_1720 = tpu.memref_slice %arg3[%get3A_896, %dma_wait3A_1719] : memref<100000x64xf32, #tpu.memory_space<any>> -> memref<1x64xf32, #tpu.memory_space<any>>
    tpu.wait_dma2 semaphore(%arg19 : memref<!tpu.dma_semaphore, #tpu.memory_space<semaphore_mem>>) src(%dma_wait3A_1720 : memref<1x64xf32, #tpu.memory_space<any>>) dst(%dma_wait3A_1718 : memref<1x64xf32, #tpu.memory_space<vmem>>)
    %dma_wait3A_1721 = arith.constant 113 : i32
    %dma_wait3A_1722 = arith.constant 0 : i32
    %dma_wait3A_1723 = tpu.memref_slice %arg18[%dma_wait3A_1721, %dma_wait3A_1722] : memref<128x64xf32, #tpu.memory_space<vmem>> -> memref<1x64xf32, #tpu.memory_space<vmem>>
    %dma_wait3A_1724 = arith.constant 0 : i32
    %dma_wait3A_1725 = tpu.memref_slice %arg3[%get3A_904, %dma_wait3A_1724] : memref<100000x64xf32, #tpu.memory_space<any>> -> memref<1x64xf32, #tpu.memory_space<any>>
    tpu.wait_dma2 semaphore(%arg19 : memref<!tpu.dma_semaphore, #tpu.memory_space<semaphore_mem>>) src(%dma_wait3A_1725 : memref<1x64xf32, #tpu.memory_space<any>>) dst(%dma_wait3A_1723 : memref<1x64xf32, #tpu.memory_space<vmem>>)
    %dma_wait3A_1726 = arith.constant 114 : i32
    %dma_wait3A_1727 = arith.constant 0 : i32
    %dma_wait3A_1728 = tpu.memref_slice %arg18[%dma_wait3A_1726, %dma_wait3A_1727] : memref<128x64xf32, #tpu.memory_space<vmem>> -> memref<1x64xf32, #tpu.memory_space<vmem>>
    %dma_wait3A_1729 = arith.constant 0 : i32
    %dma_wait3A_1730 = tpu.memref_slice %arg3[%get3A_912, %dma_wait3A_1729] : memref<100000x64xf32, #tpu.memory_space<any>> -> memref<1x64xf32, #tpu.memory_space<any>>
    tpu.wait_dma2 semaphore(%arg19 : memref<!tpu.dma_semaphore, #tpu.memory_space<semaphore_mem>>) src(%dma_wait3A_1730 : memref<1x64xf32, #tpu.memory_space<any>>) dst(%dma_wait3A_1728 : memref<1x64xf32, #tpu.memory_space<vmem>>)
    %dma_wait3A_1731 = arith.constant 115 : i32
    %dma_wait3A_1732 = arith.constant 0 : i32
    %dma_wait3A_1733 = tpu.memref_slice %arg18[%dma_wait3A_1731, %dma_wait3A_1732] : memref<128x64xf32, #tpu.memory_space<vmem>> -> memref<1x64xf32, #tpu.memory_space<vmem>>
    %dma_wait3A_1734 = arith.constant 0 : i32
    %dma_wait3A_1735 = tpu.memref_slice %arg3[%get3A_920, %dma_wait3A_1734] : memref<100000x64xf32, #tpu.memory_space<any>> -> memref<1x64xf32, #tpu.memory_space<any>>
    tpu.wait_dma2 semaphore(%arg19 : memref<!tpu.dma_semaphore, #tpu.memory_space<semaphore_mem>>) src(%dma_wait3A_1735 : memref<1x64xf32, #tpu.memory_space<any>>) dst(%dma_wait3A_1733 : memref<1x64xf32, #tpu.memory_space<vmem>>)
    %dma_wait3A_1736 = arith.constant 116 : i32
    %dma_wait3A_1737 = arith.constant 0 : i32
    %dma_wait3A_1738 = tpu.memref_slice %arg18[%dma_wait3A_1736, %dma_wait3A_1737] : memref<128x64xf32, #tpu.memory_space<vmem>> -> memref<1x64xf32, #tpu.memory_space<vmem>>
    %dma_wait3A_1739 = arith.constant 0 : i32
    %dma_wait3A_1740 = tpu.memref_slice %arg3[%get3A_928, %dma_wait3A_1739] : memref<100000x64xf32, #tpu.memory_space<any>> -> memref<1x64xf32, #tpu.memory_space<any>>
    tpu.wait_dma2 semaphore(%arg19 : memref<!tpu.dma_semaphore, #tpu.memory_space<semaphore_mem>>) src(%dma_wait3A_1740 : memref<1x64xf32, #tpu.memory_space<any>>) dst(%dma_wait3A_1738 : memref<1x64xf32, #tpu.memory_space<vmem>>)
    %dma_wait3A_1741 = arith.constant 117 : i32
    %dma_wait3A_1742 = arith.constant 0 : i32
    %dma_wait3A_1743 = tpu.memref_slice %arg18[%dma_wait3A_1741, %dma_wait3A_1742] : memref<128x64xf32, #tpu.memory_space<vmem>> -> memref<1x64xf32, #tpu.memory_space<vmem>>
    %dma_wait3A_1744 = arith.constant 0 : i32
    %dma_wait3A_1745 = tpu.memref_slice %arg3[%get3A_936, %dma_wait3A_1744] : memref<100000x64xf32, #tpu.memory_space<any>> -> memref<1x64xf32, #tpu.memory_space<any>>
    tpu.wait_dma2 semaphore(%arg19 : memref<!tpu.dma_semaphore, #tpu.memory_space<semaphore_mem>>) src(%dma_wait3A_1745 : memref<1x64xf32, #tpu.memory_space<any>>) dst(%dma_wait3A_1743 : memref<1x64xf32, #tpu.memory_space<vmem>>)
    %dma_wait3A_1746 = arith.constant 118 : i32
    %dma_wait3A_1747 = arith.constant 0 : i32
    %dma_wait3A_1748 = tpu.memref_slice %arg18[%dma_wait3A_1746, %dma_wait3A_1747] : memref<128x64xf32, #tpu.memory_space<vmem>> -> memref<1x64xf32, #tpu.memory_space<vmem>>
    %dma_wait3A_1749 = arith.constant 0 : i32
    %dma_wait3A_1750 = tpu.memref_slice %arg3[%get3A_944, %dma_wait3A_1749] : memref<100000x64xf32, #tpu.memory_space<any>> -> memref<1x64xf32, #tpu.memory_space<any>>
    tpu.wait_dma2 semaphore(%arg19 : memref<!tpu.dma_semaphore, #tpu.memory_space<semaphore_mem>>) src(%dma_wait3A_1750 : memref<1x64xf32, #tpu.memory_space<any>>) dst(%dma_wait3A_1748 : memref<1x64xf32, #tpu.memory_space<vmem>>)
    %dma_wait3A_1751 = arith.constant 119 : i32
    %dma_wait3A_1752 = arith.constant 0 : i32
    %dma_wait3A_1753 = tpu.memref_slice %arg18[%dma_wait3A_1751, %dma_wait3A_1752] : memref<128x64xf32, #tpu.memory_space<vmem>> -> memref<1x64xf32, #tpu.memory_space<vmem>>
    %dma_wait3A_1754 = arith.constant 0 : i32
    %dma_wait3A_1755 = tpu.memref_slice %arg3[%get3A_952, %dma_wait3A_1754] : memref<100000x64xf32, #tpu.memory_space<any>> -> memref<1x64xf32, #tpu.memory_space<any>>
    tpu.wait_dma2 semaphore(%arg19 : memref<!tpu.dma_semaphore, #tpu.memory_space<semaphore_mem>>) src(%dma_wait3A_1755 : memref<1x64xf32, #tpu.memory_space<any>>) dst(%dma_wait3A_1753 : memref<1x64xf32, #tpu.memory_space<vmem>>)
    %dma_wait3A_1756 = arith.constant 120 : i32
    %dma_wait3A_1757 = arith.constant 0 : i32
    %dma_wait3A_1758 = tpu.memref_slice %arg18[%dma_wait3A_1756, %dma_wait3A_1757] : memref<128x64xf32, #tpu.memory_space<vmem>> -> memref<1x64xf32, #tpu.memory_space<vmem>>
    %dma_wait3A_1759 = arith.constant 0 : i32
    %dma_wait3A_1760 = tpu.memref_slice %arg3[%get3A_960, %dma_wait3A_1759] : memref<100000x64xf32, #tpu.memory_space<any>> -> memref<1x64xf32, #tpu.memory_space<any>>
    tpu.wait_dma2 semaphore(%arg19 : memref<!tpu.dma_semaphore, #tpu.memory_space<semaphore_mem>>) src(%dma_wait3A_1760 : memref<1x64xf32, #tpu.memory_space<any>>) dst(%dma_wait3A_1758 : memref<1x64xf32, #tpu.memory_space<vmem>>)
    %dma_wait3A_1761 = arith.constant 121 : i32
    %dma_wait3A_1762 = arith.constant 0 : i32
    %dma_wait3A_1763 = tpu.memref_slice %arg18[%dma_wait3A_1761, %dma_wait3A_1762] : memref<128x64xf32, #tpu.memory_space<vmem>> -> memref<1x64xf32, #tpu.memory_space<vmem>>
    %dma_wait3A_1764 = arith.constant 0 : i32
    %dma_wait3A_1765 = tpu.memref_slice %arg3[%get3A_968, %dma_wait3A_1764] : memref<100000x64xf32, #tpu.memory_space<any>> -> memref<1x64xf32, #tpu.memory_space<any>>
    tpu.wait_dma2 semaphore(%arg19 : memref<!tpu.dma_semaphore, #tpu.memory_space<semaphore_mem>>) src(%dma_wait3A_1765 : memref<1x64xf32, #tpu.memory_space<any>>) dst(%dma_wait3A_1763 : memref<1x64xf32, #tpu.memory_space<vmem>>)
    %dma_wait3A_1766 = arith.constant 122 : i32
    %dma_wait3A_1767 = arith.constant 0 : i32
    %dma_wait3A_1768 = tpu.memref_slice %arg18[%dma_wait3A_1766, %dma_wait3A_1767] : memref<128x64xf32, #tpu.memory_space<vmem>> -> memref<1x64xf32, #tpu.memory_space<vmem>>
    %dma_wait3A_1769 = arith.constant 0 : i32
    %dma_wait3A_1770 = tpu.memref_slice %arg3[%get3A_976, %dma_wait3A_1769] : memref<100000x64xf32, #tpu.memory_space<any>> -> memref<1x64xf32, #tpu.memory_space<any>>
    tpu.wait_dma2 semaphore(%arg19 : memref<!tpu.dma_semaphore, #tpu.memory_space<semaphore_mem>>) src(%dma_wait3A_1770 : memref<1x64xf32, #tpu.memory_space<any>>) dst(%dma_wait3A_1768 : memref<1x64xf32, #tpu.memory_space<vmem>>)
    %dma_wait3A_1771 = arith.constant 123 : i32
    %dma_wait3A_1772 = arith.constant 0 : i32
    %dma_wait3A_1773 = tpu.memref_slice %arg18[%dma_wait3A_1771, %dma_wait3A_1772] : memref<128x64xf32, #tpu.memory_space<vmem>> -> memref<1x64xf32, #tpu.memory_space<vmem>>
    %dma_wait3A_1774 = arith.constant 0 : i32
    %dma_wait3A_1775 = tpu.memref_slice %arg3[%get3A_984, %dma_wait3A_1774] : memref<100000x64xf32, #tpu.memory_space<any>> -> memref<1x64xf32, #tpu.memory_space<any>>
    tpu.wait_dma2 semaphore(%arg19 : memref<!tpu.dma_semaphore, #tpu.memory_space<semaphore_mem>>) src(%dma_wait3A_1775 : memref<1x64xf32, #tpu.memory_space<any>>) dst(%dma_wait3A_1773 : memref<1x64xf32, #tpu.memory_space<vmem>>)
    %dma_wait3A_1776 = arith.constant 124 : i32
    %dma_wait3A_1777 = arith.constant 0 : i32
    %dma_wait3A_1778 = tpu.memref_slice %arg18[%dma_wait3A_1776, %dma_wait3A_1777] : memref<128x64xf32, #tpu.memory_space<vmem>> -> memref<1x64xf32, #tpu.memory_space<vmem>>
    %dma_wait3A_1779 = arith.constant 0 : i32
    %dma_wait3A_1780 = tpu.memref_slice %arg3[%get3A_992, %dma_wait3A_1779] : memref<100000x64xf32, #tpu.memory_space<any>> -> memref<1x64xf32, #tpu.memory_space<any>>
    tpu.wait_dma2 semaphore(%arg19 : memref<!tpu.dma_semaphore, #tpu.memory_space<semaphore_mem>>) src(%dma_wait3A_1780 : memref<1x64xf32, #tpu.memory_space<any>>) dst(%dma_wait3A_1778 : memref<1x64xf32, #tpu.memory_space<vmem>>)
    %dma_wait3A_1781 = arith.constant 125 : i32
    %dma_wait3A_1782 = arith.constant 0 : i32
    %dma_wait3A_1783 = tpu.memref_slice %arg18[%dma_wait3A_1781, %dma_wait3A_1782] : memref<128x64xf32, #tpu.memory_space<vmem>> -> memref<1x64xf32, #tpu.memory_space<vmem>>
    %dma_wait3A_1784 = arith.constant 0 : i32
    %dma_wait3A_1785 = tpu.memref_slice %arg3[%get3A_1000, %dma_wait3A_1784] : memref<100000x64xf32, #tpu.memory_space<any>> -> memref<1x64xf32, #tpu.memory_space<any>>
    tpu.wait_dma2 semaphore(%arg19 : memref<!tpu.dma_semaphore, #tpu.memory_space<semaphore_mem>>) src(%dma_wait3A_1785 : memref<1x64xf32, #tpu.memory_space<any>>) dst(%dma_wait3A_1783 : memref<1x64xf32, #tpu.memory_space<vmem>>)
    %dma_wait3A_1786 = arith.constant 126 : i32
    %dma_wait3A_1787 = arith.constant 0 : i32
    %dma_wait3A_1788 = tpu.memref_slice %arg18[%dma_wait3A_1786, %dma_wait3A_1787] : memref<128x64xf32, #tpu.memory_space<vmem>> -> memref<1x64xf32, #tpu.memory_space<vmem>>
    %dma_wait3A_1789 = arith.constant 0 : i32
    %dma_wait3A_1790 = tpu.memref_slice %arg3[%get3A_1008, %dma_wait3A_1789] : memref<100000x64xf32, #tpu.memory_space<any>> -> memref<1x64xf32, #tpu.memory_space<any>>
    tpu.wait_dma2 semaphore(%arg19 : memref<!tpu.dma_semaphore, #tpu.memory_space<semaphore_mem>>) src(%dma_wait3A_1790 : memref<1x64xf32, #tpu.memory_space<any>>) dst(%dma_wait3A_1788 : memref<1x64xf32, #tpu.memory_space<vmem>>)
    %dma_wait3A_1791 = arith.constant 127 : i32
    %dma_wait3A_1792 = arith.constant 0 : i32
    %dma_wait3A_1793 = tpu.memref_slice %arg18[%dma_wait3A_1791, %dma_wait3A_1792] : memref<128x64xf32, #tpu.memory_space<vmem>> -> memref<1x64xf32, #tpu.memory_space<vmem>>
    %dma_wait3A_1794 = arith.constant 0 : i32
    %dma_wait3A_1795 = tpu.memref_slice %arg3[%get3A_1016, %dma_wait3A_1794] : memref<100000x64xf32, #tpu.memory_space<any>> -> memref<1x64xf32, #tpu.memory_space<any>>
    tpu.wait_dma2 semaphore(%arg19 : memref<!tpu.dma_semaphore, #tpu.memory_space<semaphore_mem>>) src(%dma_wait3A_1795 : memref<1x64xf32, #tpu.memory_space<any>>) dst(%dma_wait3A_1793 : memref<1x64xf32, #tpu.memory_space<vmem>>)
    %get3A_1796 = arith.constant 0 : index
    %get3A_1797 = arith.constant 0 : index
    %get3A_1798 = vector.load %arg18[%get3A_1796, %get3A_1797] : memref<128x64xf32, #tpu.memory_space<vmem>>, vector<128x64xf32>
    %dot_general3A_1799 = arith.constant dense<0.000000e+00> : vector<128x512xf32>
    %dot_general3A_1800 = tpu.matmul %get3A_1798, %mul3A_1044, %dot_general3A_1799 {dimension_numbers = #tpu.dot_dimension_numbers<[1], [0], [0], [1], [0, 0, 1, 1], [], []>, transpose_lhs_hint = false} : vector<128x64xf32>, vector<64x512xf32>, vector<128x512xf32> -> vector<128x512xf32>
    %slice3A_1801 = vector.extract_strided_slice %dot_general3A_1800 {offsets = [0, 0], sizes = [64, 512], strides = [1, 1]} : vector<128x512xf32> to vector<64x512xf32>
    %broadcast_in_dim3A_1802 = vector.shape_cast %slice3A_1801 : vector<64x512xf32> to vector<1x64x512xf32>
    %broadcast_in_dim3A_1803 = vector.shape_cast %broadcast_in_dim3A_1802 : vector<1x64x512xf32> to vector<1x64x512xf32>
    %broadcast_in_dim3A_1804 = vector.broadcast %broadcast_in_dim3A_1803 : vector<1x64x512xf32> to vector<20x64x512xf32>
    %reshape3A_1805 = vector.shape_cast %broadcast_in_dim3A_1804 : vector<20x64x512xf32> to vector<1280x512xf32>
    %jit3A_1806 = arith.constant 0.000000e+00 : f32
    %broadcast_in_dim3A_1807 = vector.broadcast %jit3A_1806 : f32 to vector<1280x512xf32>
    %select_n3A_1808 = arith.select %eq3A_1106, %reshape3A_1805, %broadcast_in_dim3A_1807 : vector<1280x512xi1>, vector<1280x512xf32>
    %dot_general3A_1809 = arith.constant dense<0.000000e+00> : vector<1280x8xf32>
    %dot_general3A_1810 = tpu.matmul %select_n3A_1808, %convert_element_type3A_1075, %dot_general3A_1809 {dimension_numbers = #tpu.dot_dimension_numbers<[1], [0], [0], [1], [0, 0, 1, 1], [], []>, transpose_lhs_hint = false} : vector<1280x512xf32>, vector<512x8xf32>, vector<1280x8xf32> -> vector<1280x8xf32>
    %reduce_max3A = arith.constant dense<0xFF800000> : vector<1280xf32>
    %reduce_max3A_1811 = vector.multi_reduction <maximumf>, %dot_general3A_1151, %reduce_max3A [1] : vector<1280x8xf32> to vector<1280xf32>
    %max3A = arith.constant 0xFF800000 : f32
    %max3A_1812 = vector.broadcast %max3A : f32 to vector<1280xf32>
    %max3A_1813 = arith.maximumf %max3A_1812, %reduce_max3A_1811 : vector<1280xf32>
    %broadcast_in_dim3A_1814 = vector.shape_cast %max3A_1813 : vector<1280xf32> to vector<1280x1xf32>
    %sub3A_1815 = vector.broadcast %broadcast_in_dim3A_1814 : vector<1280x1xf32> to vector<1280x8xf32>
    %sub3A_1816 = arith.subf %dot_general3A_1151, %sub3A_1815 : vector<1280x8xf32>
    %exp3A = math.exp %sub3A_1816 : vector<1280x8xf32>
    %reduce_sum3A = arith.constant dense<0.000000e+00> : vector<1280xf32>
    %reduce_sum3A_1817 = vector.multi_reduction <add>, %exp3A, %reduce_sum3A [1] : vector<1280x8xf32> to vector<1280xf32>
    %broadcast_in_dim3A_1818 = vector.shape_cast %reduce_sum3A_1817 : vector<1280xf32> to vector<1280x1xf32>
    %div3A_1819 = vector.broadcast %broadcast_in_dim3A_1818 : vector<1280x1xf32> to vector<1280x8xf32>
    %div3A_1820 = arith.divf %exp3A, %div3A_1819 : vector<1280x8xf32>
    %reduce_max3A_1821 = arith.constant dense<0xFF800000> : vector<1280xf32>
    %reduce_max3A_1822 = vector.multi_reduction <maximumf>, %dot_general3A_1810, %reduce_max3A_1821 [1] : vector<1280x8xf32> to vector<1280xf32>
    %max3A_1823 = arith.constant 0xFF800000 : f32
    %max3A_1824 = vector.broadcast %max3A_1823 : f32 to vector<1280xf32>
    %max3A_1825 = arith.maximumf %max3A_1824, %reduce_max3A_1822 : vector<1280xf32>
    %broadcast_in_dim3A_1826 = vector.shape_cast %max3A_1825 : vector<1280xf32> to vector<1280x1xf32>
    %sub3A_1827 = vector.broadcast %broadcast_in_dim3A_1826 : vector<1280x1xf32> to vector<1280x8xf32>
    %sub3A_1828 = arith.subf %dot_general3A_1810, %sub3A_1827 : vector<1280x8xf32>
    %exp3A_1829 = math.exp %sub3A_1828 : vector<1280x8xf32>
    %reduce_sum3A_1830 = arith.constant dense<0.000000e+00> : vector<1280xf32>
    %reduce_sum3A_1831 = vector.multi_reduction <add>, %exp3A_1829, %reduce_sum3A_1830 [1] : vector<1280x8xf32> to vector<1280xf32>
    %broadcast_in_dim3A_1832 = vector.shape_cast %reduce_sum3A_1831 : vector<1280xf32> to vector<1280x1xf32>
    %div3A_1833 = vector.broadcast %broadcast_in_dim3A_1832 : vector<1280x1xf32> to vector<1280x8xf32>
    %div3A_1834 = arith.divf %exp3A_1829, %div3A_1833 : vector<1280x8xf32>
    %add3A_1835 = arith.addf %div3A_1820, %div3A_1834 : vector<1280x8xf32>
    %mul3A_1836 = arith.constant 5.000000e-01 : f32
    %mul3A_1837 = vector.broadcast %mul3A_1836 : f32 to vector<1280x8xf32>
    %mul3A_1838 = arith.mulf %mul3A_1837, %add3A_1835 : vector<1280x8xf32>
    %transpose3A = tpu.transpose %convert_element_type3A_1075, [1, 0] : vector<512x8xf32> -> vector<8x512xf32>
    %dot_general3A_1839 = arith.constant dense<0.000000e+00> : vector<1280x512xf32>
    %dot_general3A_1840 = tpu.matmul %mul3A_1838, %transpose3A, %dot_general3A_1839 {dimension_numbers = #tpu.dot_dimension_numbers<[1], [0], [0], [1], [0, 0, 1, 1], [], []>, transpose_lhs_hint = false} : vector<1280x8xf32>, vector<8x512xf32>, vector<1280x512xf32> -> vector<1280x512xf32>
    %jit3A_1841 = arith.constant 0.000000e+00 : f32
    %broadcast_in_dim3A_1842 = vector.broadcast %jit3A_1841 : f32 to vector<1280x512xf32>
    %select_n3A_1843 = arith.select %eq3A_1106, %dot_general3A_1840, %broadcast_in_dim3A_1842 : vector<1280x512xi1>, vector<1280x512xf32>
    %dot_general3A_1844 = arith.constant dense<0.000000e+00> : vector<1280x64xf32>
    %dot_general3A_1845 = tpu.matmul %select_n3A_1843, %dot_general3A_1057, %dot_general3A_1844 {dimension_numbers = #tpu.dot_dimension_numbers<[1], [0], [0], [1], [0, 0, 1, 1], [], []>, transpose_lhs_hint = false} : vector<1280x512xf32>, vector<512x64xf32>, vector<1280x64xf32> -> vector<1280x64xf32>
    %reshape3A_1846 = vector.shape_cast %dot_general3A_1845 : vector<1280x64xf32> to vector<20x64x64xf32>
    %slice3A_1847 = vector.extract_strided_slice %dot_general3A_1800 {offsets = [64, 0], sizes = [64, 512], strides = [1, 1]} : vector<128x512xf32> to vector<64x512xf32>
    %broadcast_in_dim3A_1848 = vector.shape_cast %slice3A_1847 : vector<64x512xf32> to vector<1x64x512xf32>
    %broadcast_in_dim3A_1849 = vector.shape_cast %broadcast_in_dim3A_1848 : vector<1x64x512xf32> to vector<1x64x512xf32>
    %broadcast_in_dim3A_1850 = vector.broadcast %broadcast_in_dim3A_1849 : vector<1x64x512xf32> to vector<20x64x512xf32>
    %reshape3A_1851 = vector.shape_cast %broadcast_in_dim3A_1850 : vector<20x64x512xf32> to vector<1280x512xf32>
    %jit3A_1852 = arith.constant 0.000000e+00 : f32
    %broadcast_in_dim3A_1853 = vector.broadcast %jit3A_1852 : f32 to vector<1280x512xf32>
    %select_n3A_1854 = arith.select %eq3A_1141, %reshape3A_1851, %broadcast_in_dim3A_1853 : vector<1280x512xi1>, vector<1280x512xf32>
    %dot_general3A_1855 = arith.constant dense<0.000000e+00> : vector<1280x8xf32>
    %dot_general3A_1856 = tpu.matmul %select_n3A_1854, %convert_element_type3A_1075, %dot_general3A_1855 {dimension_numbers = #tpu.dot_dimension_numbers<[1], [0], [0], [1], [0, 0, 1, 1], [], []>, transpose_lhs_hint = false} : vector<1280x512xf32>, vector<512x8xf32>, vector<1280x8xf32> -> vector<1280x8xf32>
    %reduce_max3A_1857 = arith.constant dense<0xFF800000> : vector<1280xf32>
    %reduce_max3A_1858 = vector.multi_reduction <maximumf>, %dot_general3A_1156, %reduce_max3A_1857 [1] : vector<1280x8xf32> to vector<1280xf32>
    %max3A_1859 = arith.constant 0xFF800000 : f32
    %max3A_1860 = vector.broadcast %max3A_1859 : f32 to vector<1280xf32>
    %max3A_1861 = arith.maximumf %max3A_1860, %reduce_max3A_1858 : vector<1280xf32>
    %broadcast_in_dim3A_1862 = vector.shape_cast %max3A_1861 : vector<1280xf32> to vector<1280x1xf32>
    %sub3A_1863 = vector.broadcast %broadcast_in_dim3A_1862 : vector<1280x1xf32> to vector<1280x8xf32>
    %sub3A_1864 = arith.subf %dot_general3A_1156, %sub3A_1863 : vector<1280x8xf32>
    %exp3A_1865 = math.exp %sub3A_1864 : vector<1280x8xf32>
    %reduce_sum3A_1866 = arith.constant dense<0.000000e+00> : vector<1280xf32>
    %reduce_sum3A_1867 = vector.multi_reduction <add>, %exp3A_1865, %reduce_sum3A_1866 [1] : vector<1280x8xf32> to vector<1280xf32>
    %broadcast_in_dim3A_1868 = vector.shape_cast %reduce_sum3A_1867 : vector<1280xf32> to vector<1280x1xf32>
    %div3A_1869 = vector.broadcast %broadcast_in_dim3A_1868 : vector<1280x1xf32> to vector<1280x8xf32>
    %div3A_1870 = arith.divf %exp3A_1865, %div3A_1869 : vector<1280x8xf32>
    %reduce_max3A_1871 = arith.constant dense<0xFF800000> : vector<1280xf32>
    %reduce_max3A_1872 = vector.multi_reduction <maximumf>, %dot_general3A_1856, %reduce_max3A_1871 [1] : vector<1280x8xf32> to vector<1280xf32>
    %max3A_1873 = arith.constant 0xFF800000 : f32
    %max3A_1874 = vector.broadcast %max3A_1873 : f32 to vector<1280xf32>
    %max3A_1875 = arith.maximumf %max3A_1874, %reduce_max3A_1872 : vector<1280xf32>
    %broadcast_in_dim3A_1876 = vector.shape_cast %max3A_1875 : vector<1280xf32> to vector<1280x1xf32>
    %sub3A_1877 = vector.broadcast %broadcast_in_dim3A_1876 : vector<1280x1xf32> to vector<1280x8xf32>
    %sub3A_1878 = arith.subf %dot_general3A_1856, %sub3A_1877 : vector<1280x8xf32>
    %exp3A_1879 = math.exp %sub3A_1878 : vector<1280x8xf32>
    %reduce_sum3A_1880 = arith.constant dense<0.000000e+00> : vector<1280xf32>
    %reduce_sum3A_1881 = vector.multi_reduction <add>, %exp3A_1879, %reduce_sum3A_1880 [1] : vector<1280x8xf32> to vector<1280xf32>
    %broadcast_in_dim3A_1882 = vector.shape_cast %reduce_sum3A_1881 : vector<1280xf32> to vector<1280x1xf32>
    %div3A_1883 = vector.broadcast %broadcast_in_dim3A_1882 : vector<1280x1xf32> to vector<1280x8xf32>
    %div3A_1884 = arith.divf %exp3A_1879, %div3A_1883 : vector<1280x8xf32>
    %add3A_1885 = arith.addf %div3A_1870, %div3A_1884 : vector<1280x8xf32>
    %mul3A_1886 = arith.constant 5.000000e-01 : f32
    %mul3A_1887 = vector.broadcast %mul3A_1886 : f32 to vector<1280x8xf32>
    %mul3A_1888 = arith.mulf %mul3A_1887, %add3A_1885 : vector<1280x8xf32>
    %transpose3A_1889 = tpu.transpose %convert_element_type3A_1075, [1, 0] : vector<512x8xf32> -> vector<8x512xf32>
    %dot_general3A_1890 = arith.constant dense<0.000000e+00> : vector<1280x512xf32>
    %dot_general3A_1891 = tpu.matmul %mul3A_1888, %transpose3A_1889, %dot_general3A_1890 {dimension_numbers = #tpu.dot_dimension_numbers<[1], [0], [0], [1], [0, 0, 1, 1], [], []>, transpose_lhs_hint = false} : vector<1280x8xf32>, vector<8x512xf32>, vector<1280x512xf32> -> vector<1280x512xf32>
    %jit3A_1892 = arith.constant 0.000000e+00 : f32
    %broadcast_in_dim3A_1893 = vector.broadcast %jit3A_1892 : f32 to vector<1280x512xf32>
    %select_n3A_1894 = arith.select %eq3A_1141, %dot_general3A_1891, %broadcast_in_dim3A_1893 : vector<1280x512xi1>, vector<1280x512xf32>
    %dot_general3A_1895 = arith.constant dense<0.000000e+00> : vector<1280x64xf32>
    %dot_general3A_1896 = tpu.matmul %select_n3A_1894, %dot_general3A_1057, %dot_general3A_1895 {dimension_numbers = #tpu.dot_dimension_numbers<[1], [0], [0], [1], [0, 0, 1, 1], [], []>, transpose_lhs_hint = false} : vector<1280x512xf32>, vector<512x64xf32>, vector<1280x64xf32> -> vector<1280x64xf32>
    %reshape3A_1897 = vector.shape_cast %dot_general3A_1896 : vector<1280x64xf32> to vector<20x64x64xf32>
    %get3A_1898 = arith.constant 0 : index
    %get3A_1899 = arith.constant 0 : index
    %get3A_1900 = vector.load %arg5[%get3A_1898, %get3A_1899] : memref<128x12xf32, #tpu.memory_space<vmem>>, vector<128x12xf32>
    %get3A_1901 = arith.constant 0 : index
    %get3A_1902 = arith.constant 0 : index
    %get3A_1903 = vector.load %arg14[%get3A_1901, %get3A_1902] : memref<12x69xf32, #tpu.memory_space<vmem>>, vector<12x69xf32>
    %dot_general3A_1904 = arith.constant dense<0.000000e+00> : vector<128x69xf32>
    %dot_general3A_1905 = tpu.matmul %get3A_1900, %get3A_1903, %dot_general3A_1904 {dimension_numbers = #tpu.dot_dimension_numbers<[1], [0], [0], [1], [0, 0, 1, 1], [], []>, transpose_lhs_hint = false} : vector<128x12xf32>, vector<12x69xf32>, vector<128x69xf32> -> vector<128x69xf32>
    %get3A_1906 = arith.constant 0 : index
    %get3A_1907 = arith.constant 0 : index
    %get3A_1908 = vector.load %arg15[%get3A_1906, %get3A_1907] : memref<1x69xf32, #tpu.memory_space<vmem>>, vector<1x69xf32>
    %add3A_1909 = vector.broadcast %get3A_1908 : vector<1x69xf32> to vector<128x69xf32>
    %add3A_1910 = arith.addf %dot_general3A_1905, %add3A_1909 : vector<128x69xf32>
    %get3A_1911 = arith.constant 0 : index
    %get3A_1912 = arith.constant 0 : index
    %get3A_1913 = vector.load %arg12[%get3A_1911, %get3A_1912] : memref<64x69xf32, #tpu.memory_space<vmem>>, vector<64x69xf32>
    %dot_general3A_1914 = arith.constant dense<0.000000e+00> : vector<128x69xf32>
    %dot_general3A_1915 = tpu.matmul %get3A_1798, %get3A_1913, %dot_general3A_1914 {dimension_numbers = #tpu.dot_dimension_numbers<[1], [0], [0], [1], [0, 0, 1, 1], [], []>, transpose_lhs_hint = false} : vector<128x64xf32>, vector<64x69xf32>, vector<128x69xf32> -> vector<128x69xf32>
    %add3A_1916 = arith.addf %add3A_1910, %dot_general3A_1915 : vector<128x69xf32>
    %slice3A_1917 = vector.extract_strided_slice %add3A_1916 {offsets = [0, 0], sizes = [64, 69], strides = [1, 1]} : vector<128x69xf32> to vector<64x69xf32>
    %slice3A_1918 = vector.extract_strided_slice %add3A_1916 {offsets = [64, 0], sizes = [64, 69], strides = [1, 1]} : vector<128x69xf32> to vector<64x69xf32>
    %slice3A_1919 = vector.extract_strided_slice %slice3A {offsets = [0, 0, 0], sizes = [1, 64, 64], strides = [1, 1, 1]} : vector<20x64x64xf32> to vector<1x64x64xf32>
    %squeeze3A = vector.shape_cast %slice3A_1919 : vector<1x64x64xf32> to vector<64x64xf32>
    %get3A_1920 = arith.constant 0 : index
    %get3A_1921 = arith.constant 0 : index
    %get3A_1922 = arith.constant 0 : index
    %get3A_1923 = vector.load %arg13[%get3A_1920, %get3A_1921, %get3A_1922] : memref<20x128x69xf32, #tpu.memory_space<vmem>>, vector<1x64x69xf32>
    %get3A_1924 = vector.shape_cast %get3A_1923 : vector<1x64x69xf32> to vector<64x69xf32>
    %dot_general3A_1925 = arith.constant dense<0.000000e+00> : vector<64x69xf32>
    %dot_general3A_1926 = tpu.matmul %squeeze3A, %get3A_1924, %dot_general3A_1925 {dimension_numbers = #tpu.dot_dimension_numbers<[1], [0], [0], [1], [0, 0, 1, 1], [], []>, transpose_lhs_hint = false} : vector<64x64xf32>, vector<64x69xf32>, vector<64x69xf32> -> vector<64x69xf32>
    %add3A_1927 = arith.addf %slice3A_1917, %dot_general3A_1926 : vector<64x69xf32>
    %slice3A_1928 = vector.extract_strided_slice %reshape3A_1846 {offsets = [0, 0, 0], sizes = [1, 64, 64], strides = [1, 1, 1]} : vector<20x64x64xf32> to vector<1x64x64xf32>
    %squeeze3A_1929 = vector.shape_cast %slice3A_1928 : vector<1x64x64xf32> to vector<64x64xf32>
    %get3A_1930 = arith.constant 0 : index
    %get3A_1931 = arith.constant 64 : index
    %get3A_1932 = arith.constant 0 : index
    %get3A_1933 = vector.load %arg13[%get3A_1930, %get3A_1931, %get3A_1932] : memref<20x128x69xf32, #tpu.memory_space<vmem>>, vector<1x64x69xf32>
    %get3A_1934 = vector.shape_cast %get3A_1933 : vector<1x64x69xf32> to vector<64x69xf32>
    %dot_general3A_1935 = arith.constant dense<0.000000e+00> : vector<64x69xf32>
    %dot_general3A_1936 = tpu.matmul %squeeze3A_1929, %get3A_1934, %dot_general3A_1935 {dimension_numbers = #tpu.dot_dimension_numbers<[1], [0], [0], [1], [0, 0, 1, 1], [], []>, transpose_lhs_hint = false} : vector<64x64xf32>, vector<64x69xf32>, vector<64x69xf32> -> vector<64x69xf32>
    %add3A_1937 = arith.addf %add3A_1927, %dot_general3A_1936 : vector<64x69xf32>
    %slice3A_1938 = vector.extract_strided_slice %slice3A_1026 {offsets = [0, 0, 0], sizes = [1, 64, 64], strides = [1, 1, 1]} : vector<20x64x64xf32> to vector<1x64x64xf32>
    %squeeze3A_1939 = vector.shape_cast %slice3A_1938 : vector<1x64x64xf32> to vector<64x64xf32>
    %get3A_1940 = arith.constant 0 : index
    %get3A_1941 = arith.constant 0 : index
    %get3A_1942 = arith.constant 0 : index
    %get3A_1943 = vector.load %arg13[%get3A_1940, %get3A_1941, %get3A_1942] : memref<20x128x69xf32, #tpu.memory_space<vmem>>, vector<1x64x69xf32>
    %get3A_1944 = vector.shape_cast %get3A_1943 : vector<1x64x69xf32> to vector<64x69xf32>
    %dot_general3A_1945 = arith.constant dense<0.000000e+00> : vector<64x69xf32>
    %dot_general3A_1946 = tpu.matmul %squeeze3A_1939, %get3A_1944, %dot_general3A_1945 {dimension_numbers = #tpu.dot_dimension_numbers<[1], [0], [0], [1], [0, 0, 1, 1], [], []>, transpose_lhs_hint = false} : vector<64x64xf32>, vector<64x69xf32>, vector<64x69xf32> -> vector<64x69xf32>
    %add3A_1947 = arith.addf %slice3A_1918, %dot_general3A_1946 : vector<64x69xf32>
    %slice3A_1948 = vector.extract_strided_slice %reshape3A_1897 {offsets = [0, 0, 0], sizes = [1, 64, 64], strides = [1, 1, 1]} : vector<20x64x64xf32> to vector<1x64x64xf32>
    %squeeze3A_1949 = vector.shape_cast %slice3A_1948 : vector<1x64x64xf32> to vector<64x64xf32>
    %get3A_1950 = arith.constant 0 : index
    %get3A_1951 = arith.constant 64 : index
    %get3A_1952 = arith.constant 0 : index
    %get3A_1953 = vector.load %arg13[%get3A_1950, %get3A_1951, %get3A_1952] : memref<20x128x69xf32, #tpu.memory_space<vmem>>, vector<1x64x69xf32>
    %get3A_1954 = vector.shape_cast %get3A_1953 : vector<1x64x69xf32> to vector<64x69xf32>
    %dot_general3A_1955 = arith.constant dense<0.000000e+00> : vector<64x69xf32>
    %dot_general3A_1956 = tpu.matmul %squeeze3A_1949, %get3A_1954, %dot_general3A_1955 {dimension_numbers = #tpu.dot_dimension_numbers<[1], [0], [0], [1], [0, 0, 1, 1], [], []>, transpose_lhs_hint = false} : vector<64x64xf32>, vector<64x69xf32>, vector<64x69xf32> -> vector<64x69xf32>
    %add3A_1957 = arith.addf %add3A_1947, %dot_general3A_1956 : vector<64x69xf32>
    %slice3A_1958 = vector.extract_strided_slice %slice3A {offsets = [1, 0, 0], sizes = [1, 64, 64], strides = [1, 1, 1]} : vector<20x64x64xf32> to vector<1x64x64xf32>
    %squeeze3A_1959 = vector.shape_cast %slice3A_1958 : vector<1x64x64xf32> to vector<64x64xf32>
    %get3A_1960 = arith.constant 1 : index
    %get3A_1961 = arith.constant 0 : index
    %get3A_1962 = arith.constant 0 : index
    %get3A_1963 = vector.load %arg13[%get3A_1960, %get3A_1961, %get3A_1962] : memref<20x128x69xf32, #tpu.memory_space<vmem>>, vector<1x64x69xf32>
    %get3A_1964 = vector.shape_cast %get3A_1963 : vector<1x64x69xf32> to vector<64x69xf32>
    %dot_general3A_1965 = arith.constant dense<0.000000e+00> : vector<64x69xf32>
    %dot_general3A_1966 = tpu.matmul %squeeze3A_1959, %get3A_1964, %dot_general3A_1965 {dimension_numbers = #tpu.dot_dimension_numbers<[1], [0], [0], [1], [0, 0, 1, 1], [], []>, transpose_lhs_hint = false} : vector<64x64xf32>, vector<64x69xf32>, vector<64x69xf32> -> vector<64x69xf32>
    %add3A_1967 = arith.addf %add3A_1937, %dot_general3A_1966 : vector<64x69xf32>
    %slice3A_1968 = vector.extract_strided_slice %reshape3A_1846 {offsets = [1, 0, 0], sizes = [1, 64, 64], strides = [1, 1, 1]} : vector<20x64x64xf32> to vector<1x64x64xf32>
    %squeeze3A_1969 = vector.shape_cast %slice3A_1968 : vector<1x64x64xf32> to vector<64x64xf32>
    %get3A_1970 = arith.constant 1 : index
    %get3A_1971 = arith.constant 64 : index
    %get3A_1972 = arith.constant 0 : index
    %get3A_1973 = vector.load %arg13[%get3A_1970, %get3A_1971, %get3A_1972] : memref<20x128x69xf32, #tpu.memory_space<vmem>>, vector<1x64x69xf32>
    %get3A_1974 = vector.shape_cast %get3A_1973 : vector<1x64x69xf32> to vector<64x69xf32>
    %dot_general3A_1975 = arith.constant dense<0.000000e+00> : vector<64x69xf32>
    %dot_general3A_1976 = tpu.matmul %squeeze3A_1969, %get3A_1974, %dot_general3A_1975 {dimension_numbers = #tpu.dot_dimension_numbers<[1], [0], [0], [1], [0, 0, 1, 1], [], []>, transpose_lhs_hint = false} : vector<64x64xf32>, vector<64x69xf32>, vector<64x69xf32> -> vector<64x69xf32>
    %add3A_1977 = arith.addf %add3A_1967, %dot_general3A_1976 : vector<64x69xf32>
    %slice3A_1978 = vector.extract_strided_slice %slice3A_1026 {offsets = [1, 0, 0], sizes = [1, 64, 64], strides = [1, 1, 1]} : vector<20x64x64xf32> to vector<1x64x64xf32>
    %squeeze3A_1979 = vector.shape_cast %slice3A_1978 : vector<1x64x64xf32> to vector<64x64xf32>
    %get3A_1980 = arith.constant 1 : index
    %get3A_1981 = arith.constant 0 : index
    %get3A_1982 = arith.constant 0 : index
    %get3A_1983 = vector.load %arg13[%get3A_1980, %get3A_1981, %get3A_1982] : memref<20x128x69xf32, #tpu.memory_space<vmem>>, vector<1x64x69xf32>
    %get3A_1984 = vector.shape_cast %get3A_1983 : vector<1x64x69xf32> to vector<64x69xf32>
    %dot_general3A_1985 = arith.constant dense<0.000000e+00> : vector<64x69xf32>
    %dot_general3A_1986 = tpu.matmul %squeeze3A_1979, %get3A_1984, %dot_general3A_1985 {dimension_numbers = #tpu.dot_dimension_numbers<[1], [0], [0], [1], [0, 0, 1, 1], [], []>, transpose_lhs_hint = false} : vector<64x64xf32>, vector<64x69xf32>, vector<64x69xf32> -> vector<64x69xf32>
    %add3A_1987 = arith.addf %add3A_1957, %dot_general3A_1986 : vector<64x69xf32>
    %slice3A_1988 = vector.extract_strided_slice %reshape3A_1897 {offsets = [1, 0, 0], sizes = [1, 64, 64], strides = [1, 1, 1]} : vector<20x64x64xf32> to vector<1x64x64xf32>
    %squeeze3A_1989 = vector.shape_cast %slice3A_1988 : vector<1x64x64xf32> to vector<64x64xf32>
    %get3A_1990 = arith.constant 1 : index
    %get3A_1991 = arith.constant 64 : index
    %get3A_1992 = arith.constant 0 : index
    %get3A_1993 = vector.load %arg13[%get3A_1990, %get3A_1991, %get3A_1992] : memref<20x128x69xf32, #tpu.memory_space<vmem>>, vector<1x64x69xf32>
    %get3A_1994 = vector.shape_cast %get3A_1993 : vector<1x64x69xf32> to vector<64x69xf32>
    %dot_general3A_1995 = arith.constant dense<0.000000e+00> : vector<64x69xf32>
    %dot_general3A_1996 = tpu.matmul %squeeze3A_1989, %get3A_1994, %dot_general3A_1995 {dimension_numbers = #tpu.dot_dimension_numbers<[1], [0], [0], [1], [0, 0, 1, 1], [], []>, transpose_lhs_hint = false} : vector<64x64xf32>, vector<64x69xf32>, vector<64x69xf32> -> vector<64x69xf32>
    %add3A_1997 = arith.addf %add3A_1987, %dot_general3A_1996 : vector<64x69xf32>
    %slice3A_1998 = vector.extract_strided_slice %slice3A {offsets = [2, 0, 0], sizes = [1, 64, 64], strides = [1, 1, 1]} : vector<20x64x64xf32> to vector<1x64x64xf32>
    %squeeze3A_1999 = vector.shape_cast %slice3A_1998 : vector<1x64x64xf32> to vector<64x64xf32>
    %get3A_2000 = arith.constant 2 : index
    %get3A_2001 = arith.constant 0 : index
    %get3A_2002 = arith.constant 0 : index
    %get3A_2003 = vector.load %arg13[%get3A_2000, %get3A_2001, %get3A_2002] : memref<20x128x69xf32, #tpu.memory_space<vmem>>, vector<1x64x69xf32>
    %get3A_2004 = vector.shape_cast %get3A_2003 : vector<1x64x69xf32> to vector<64x69xf32>
    %dot_general3A_2005 = arith.constant dense<0.000000e+00> : vector<64x69xf32>
    %dot_general3A_2006 = tpu.matmul %squeeze3A_1999, %get3A_2004, %dot_general3A_2005 {dimension_numbers = #tpu.dot_dimension_numbers<[1], [0], [0], [1], [0, 0, 1, 1], [], []>, transpose_lhs_hint = false} : vector<64x64xf32>, vector<64x69xf32>, vector<64x69xf32> -> vector<64x69xf32>
    %add3A_2007 = arith.addf %add3A_1977, %dot_general3A_2006 : vector<64x69xf32>
    %slice3A_2008 = vector.extract_strided_slice %reshape3A_1846 {offsets = [2, 0, 0], sizes = [1, 64, 64], strides = [1, 1, 1]} : vector<20x64x64xf32> to vector<1x64x64xf32>
    %squeeze3A_2009 = vector.shape_cast %slice3A_2008 : vector<1x64x64xf32> to vector<64x64xf32>
    %get3A_2010 = arith.constant 2 : index
    %get3A_2011 = arith.constant 64 : index
    %get3A_2012 = arith.constant 0 : index
    %get3A_2013 = vector.load %arg13[%get3A_2010, %get3A_2011, %get3A_2012] : memref<20x128x69xf32, #tpu.memory_space<vmem>>, vector<1x64x69xf32>
    %get3A_2014 = vector.shape_cast %get3A_2013 : vector<1x64x69xf32> to vector<64x69xf32>
    %dot_general3A_2015 = arith.constant dense<0.000000e+00> : vector<64x69xf32>
    %dot_general3A_2016 = tpu.matmul %squeeze3A_2009, %get3A_2014, %dot_general3A_2015 {dimension_numbers = #tpu.dot_dimension_numbers<[1], [0], [0], [1], [0, 0, 1, 1], [], []>, transpose_lhs_hint = false} : vector<64x64xf32>, vector<64x69xf32>, vector<64x69xf32> -> vector<64x69xf32>
    %add3A_2017 = arith.addf %add3A_2007, %dot_general3A_2016 : vector<64x69xf32>
    %slice3A_2018 = vector.extract_strided_slice %slice3A_1026 {offsets = [2, 0, 0], sizes = [1, 64, 64], strides = [1, 1, 1]} : vector<20x64x64xf32> to vector<1x64x64xf32>
    %squeeze3A_2019 = vector.shape_cast %slice3A_2018 : vector<1x64x64xf32> to vector<64x64xf32>
    %get3A_2020 = arith.constant 2 : index
    %get3A_2021 = arith.constant 0 : index
    %get3A_2022 = arith.constant 0 : index
    %get3A_2023 = vector.load %arg13[%get3A_2020, %get3A_2021, %get3A_2022] : memref<20x128x69xf32, #tpu.memory_space<vmem>>, vector<1x64x69xf32>
    %get3A_2024 = vector.shape_cast %get3A_2023 : vector<1x64x69xf32> to vector<64x69xf32>
    %dot_general3A_2025 = arith.constant dense<0.000000e+00> : vector<64x69xf32>
    %dot_general3A_2026 = tpu.matmul %squeeze3A_2019, %get3A_2024, %dot_general3A_2025 {dimension_numbers = #tpu.dot_dimension_numbers<[1], [0], [0], [1], [0, 0, 1, 1], [], []>, transpose_lhs_hint = false} : vector<64x64xf32>, vector<64x69xf32>, vector<64x69xf32> -> vector<64x69xf32>
    %add3A_2027 = arith.addf %add3A_1997, %dot_general3A_2026 : vector<64x69xf32>
    %slice3A_2028 = vector.extract_strided_slice %reshape3A_1897 {offsets = [2, 0, 0], sizes = [1, 64, 64], strides = [1, 1, 1]} : vector<20x64x64xf32> to vector<1x64x64xf32>
    %squeeze3A_2029 = vector.shape_cast %slice3A_2028 : vector<1x64x64xf32> to vector<64x64xf32>
    %get3A_2030 = arith.constant 2 : index
    %get3A_2031 = arith.constant 64 : index
    %get3A_2032 = arith.constant 0 : index
    %get3A_2033 = vector.load %arg13[%get3A_2030, %get3A_2031, %get3A_2032] : memref<20x128x69xf32, #tpu.memory_space<vmem>>, vector<1x64x69xf32>
    %get3A_2034 = vector.shape_cast %get3A_2033 : vector<1x64x69xf32> to vector<64x69xf32>
    %dot_general3A_2035 = arith.constant dense<0.000000e+00> : vector<64x69xf32>
    %dot_general3A_2036 = tpu.matmul %squeeze3A_2029, %get3A_2034, %dot_general3A_2035 {dimension_numbers = #tpu.dot_dimension_numbers<[1], [0], [0], [1], [0, 0, 1, 1], [], []>, transpose_lhs_hint = false} : vector<64x64xf32>, vector<64x69xf32>, vector<64x69xf32> -> vector<64x69xf32>
    %add3A_2037 = arith.addf %add3A_2027, %dot_general3A_2036 : vector<64x69xf32>
    %slice3A_2038 = vector.extract_strided_slice %slice3A {offsets = [3, 0, 0], sizes = [1, 64, 64], strides = [1, 1, 1]} : vector<20x64x64xf32> to vector<1x64x64xf32>
    %squeeze3A_2039 = vector.shape_cast %slice3A_2038 : vector<1x64x64xf32> to vector<64x64xf32>
    %get3A_2040 = arith.constant 3 : index
    %get3A_2041 = arith.constant 0 : index
    %get3A_2042 = arith.constant 0 : index
    %get3A_2043 = vector.load %arg13[%get3A_2040, %get3A_2041, %get3A_2042] : memref<20x128x69xf32, #tpu.memory_space<vmem>>, vector<1x64x69xf32>
    %get3A_2044 = vector.shape_cast %get3A_2043 : vector<1x64x69xf32> to vector<64x69xf32>
    %dot_general3A_2045 = arith.constant dense<0.000000e+00> : vector<64x69xf32>
    %dot_general3A_2046 = tpu.matmul %squeeze3A_2039, %get3A_2044, %dot_general3A_2045 {dimension_numbers = #tpu.dot_dimension_numbers<[1], [0], [0], [1], [0, 0, 1, 1], [], []>, transpose_lhs_hint = false} : vector<64x64xf32>, vector<64x69xf32>, vector<64x69xf32> -> vector<64x69xf32>
    %add3A_2047 = arith.addf %add3A_2017, %dot_general3A_2046 : vector<64x69xf32>
    %slice3A_2048 = vector.extract_strided_slice %reshape3A_1846 {offsets = [3, 0, 0], sizes = [1, 64, 64], strides = [1, 1, 1]} : vector<20x64x64xf32> to vector<1x64x64xf32>
    %squeeze3A_2049 = vector.shape_cast %slice3A_2048 : vector<1x64x64xf32> to vector<64x64xf32>
    %get3A_2050 = arith.constant 3 : index
    %get3A_2051 = arith.constant 64 : index
    %get3A_2052 = arith.constant 0 : index
    %get3A_2053 = vector.load %arg13[%get3A_2050, %get3A_2051, %get3A_2052] : memref<20x128x69xf32, #tpu.memory_space<vmem>>, vector<1x64x69xf32>
    %get3A_2054 = vector.shape_cast %get3A_2053 : vector<1x64x69xf32> to vector<64x69xf32>
    %dot_general3A_2055 = arith.constant dense<0.000000e+00> : vector<64x69xf32>
    %dot_general3A_2056 = tpu.matmul %squeeze3A_2049, %get3A_2054, %dot_general3A_2055 {dimension_numbers = #tpu.dot_dimension_numbers<[1], [0], [0], [1], [0, 0, 1, 1], [], []>, transpose_lhs_hint = false} : vector<64x64xf32>, vector<64x69xf32>, vector<64x69xf32> -> vector<64x69xf32>
    %add3A_2057 = arith.addf %add3A_2047, %dot_general3A_2056 : vector<64x69xf32>
    %slice3A_2058 = vector.extract_strided_slice %slice3A_1026 {offsets = [3, 0, 0], sizes = [1, 64, 64], strides = [1, 1, 1]} : vector<20x64x64xf32> to vector<1x64x64xf32>
    %squeeze3A_2059 = vector.shape_cast %slice3A_2058 : vector<1x64x64xf32> to vector<64x64xf32>
    %get3A_2060 = arith.constant 3 : index
    %get3A_2061 = arith.constant 0 : index
    %get3A_2062 = arith.constant 0 : index
    %get3A_2063 = vector.load %arg13[%get3A_2060, %get3A_2061, %get3A_2062] : memref<20x128x69xf32, #tpu.memory_space<vmem>>, vector<1x64x69xf32>
    %get3A_2064 = vector.shape_cast %get3A_2063 : vector<1x64x69xf32> to vector<64x69xf32>
    %dot_general3A_2065 = arith.constant dense<0.000000e+00> : vector<64x69xf32>
    %dot_general3A_2066 = tpu.matmul %squeeze3A_2059, %get3A_2064, %dot_general3A_2065 {dimension_numbers = #tpu.dot_dimension_numbers<[1], [0], [0], [1], [0, 0, 1, 1], [], []>, transpose_lhs_hint = false} : vector<64x64xf32>, vector<64x69xf32>, vector<64x69xf32> -> vector<64x69xf32>
    %add3A_2067 = arith.addf %add3A_2037, %dot_general3A_2066 : vector<64x69xf32>
    %slice3A_2068 = vector.extract_strided_slice %reshape3A_1897 {offsets = [3, 0, 0], sizes = [1, 64, 64], strides = [1, 1, 1]} : vector<20x64x64xf32> to vector<1x64x64xf32>
    %squeeze3A_2069 = vector.shape_cast %slice3A_2068 : vector<1x64x64xf32> to vector<64x64xf32>
    %get3A_2070 = arith.constant 3 : index
    %get3A_2071 = arith.constant 64 : index
    %get3A_2072 = arith.constant 0 : index
    %get3A_2073 = vector.load %arg13[%get3A_2070, %get3A_2071, %get3A_2072] : memref<20x128x69xf32, #tpu.memory_space<vmem>>, vector<1x64x69xf32>
    %get3A_2074 = vector.shape_cast %get3A_2073 : vector<1x64x69xf32> to vector<64x69xf32>
    %dot_general3A_2075 = arith.constant dense<0.000000e+00> : vector<64x69xf32>
    %dot_general3A_2076 = tpu.matmul %squeeze3A_2069, %get3A_2074, %dot_general3A_2075 {dimension_numbers = #tpu.dot_dimension_numbers<[1], [0], [0], [1], [0, 0, 1, 1], [], []>, transpose_lhs_hint = false} : vector<64x64xf32>, vector<64x69xf32>, vector<64x69xf32> -> vector<64x69xf32>
    %add3A_2077 = arith.addf %add3A_2067, %dot_general3A_2076 : vector<64x69xf32>
    %slice3A_2078 = vector.extract_strided_slice %slice3A {offsets = [4, 0, 0], sizes = [1, 64, 64], strides = [1, 1, 1]} : vector<20x64x64xf32> to vector<1x64x64xf32>
    %squeeze3A_2079 = vector.shape_cast %slice3A_2078 : vector<1x64x64xf32> to vector<64x64xf32>
    %get3A_2080 = arith.constant 4 : index
    %get3A_2081 = arith.constant 0 : index
    %get3A_2082 = arith.constant 0 : index
    %get3A_2083 = vector.load %arg13[%get3A_2080, %get3A_2081, %get3A_2082] : memref<20x128x69xf32, #tpu.memory_space<vmem>>, vector<1x64x69xf32>
    %get3A_2084 = vector.shape_cast %get3A_2083 : vector<1x64x69xf32> to vector<64x69xf32>
    %dot_general3A_2085 = arith.constant dense<0.000000e+00> : vector<64x69xf32>
    %dot_general3A_2086 = tpu.matmul %squeeze3A_2079, %get3A_2084, %dot_general3A_2085 {dimension_numbers = #tpu.dot_dimension_numbers<[1], [0], [0], [1], [0, 0, 1, 1], [], []>, transpose_lhs_hint = false} : vector<64x64xf32>, vector<64x69xf32>, vector<64x69xf32> -> vector<64x69xf32>
    %add3A_2087 = arith.addf %add3A_2057, %dot_general3A_2086 : vector<64x69xf32>
    %slice3A_2088 = vector.extract_strided_slice %reshape3A_1846 {offsets = [4, 0, 0], sizes = [1, 64, 64], strides = [1, 1, 1]} : vector<20x64x64xf32> to vector<1x64x64xf32>
    %squeeze3A_2089 = vector.shape_cast %slice3A_2088 : vector<1x64x64xf32> to vector<64x64xf32>
    %get3A_2090 = arith.constant 4 : index
    %get3A_2091 = arith.constant 64 : index
    %get3A_2092 = arith.constant 0 : index
    %get3A_2093 = vector.load %arg13[%get3A_2090, %get3A_2091, %get3A_2092] : memref<20x128x69xf32, #tpu.memory_space<vmem>>, vector<1x64x69xf32>
    %get3A_2094 = vector.shape_cast %get3A_2093 : vector<1x64x69xf32> to vector<64x69xf32>
    %dot_general3A_2095 = arith.constant dense<0.000000e+00> : vector<64x69xf32>
    %dot_general3A_2096 = tpu.matmul %squeeze3A_2089, %get3A_2094, %dot_general3A_2095 {dimension_numbers = #tpu.dot_dimension_numbers<[1], [0], [0], [1], [0, 0, 1, 1], [], []>, transpose_lhs_hint = false} : vector<64x64xf32>, vector<64x69xf32>, vector<64x69xf32> -> vector<64x69xf32>
    %add3A_2097 = arith.addf %add3A_2087, %dot_general3A_2096 : vector<64x69xf32>
    %slice3A_2098 = vector.extract_strided_slice %slice3A_1026 {offsets = [4, 0, 0], sizes = [1, 64, 64], strides = [1, 1, 1]} : vector<20x64x64xf32> to vector<1x64x64xf32>
    %squeeze3A_2099 = vector.shape_cast %slice3A_2098 : vector<1x64x64xf32> to vector<64x64xf32>
    %get3A_2100 = arith.constant 4 : index
    %get3A_2101 = arith.constant 0 : index
    %get3A_2102 = arith.constant 0 : index
    %get3A_2103 = vector.load %arg13[%get3A_2100, %get3A_2101, %get3A_2102] : memref<20x128x69xf32, #tpu.memory_space<vmem>>, vector<1x64x69xf32>
    %get3A_2104 = vector.shape_cast %get3A_2103 : vector<1x64x69xf32> to vector<64x69xf32>
    %dot_general3A_2105 = arith.constant dense<0.000000e+00> : vector<64x69xf32>
    %dot_general3A_2106 = tpu.matmul %squeeze3A_2099, %get3A_2104, %dot_general3A_2105 {dimension_numbers = #tpu.dot_dimension_numbers<[1], [0], [0], [1], [0, 0, 1, 1], [], []>, transpose_lhs_hint = false} : vector<64x64xf32>, vector<64x69xf32>, vector<64x69xf32> -> vector<64x69xf32>
    %add3A_2107 = arith.addf %add3A_2077, %dot_general3A_2106 : vector<64x69xf32>
    %slice3A_2108 = vector.extract_strided_slice %reshape3A_1897 {offsets = [4, 0, 0], sizes = [1, 64, 64], strides = [1, 1, 1]} : vector<20x64x64xf32> to vector<1x64x64xf32>
    %squeeze3A_2109 = vector.shape_cast %slice3A_2108 : vector<1x64x64xf32> to vector<64x64xf32>
    %get3A_2110 = arith.constant 4 : index
    %get3A_2111 = arith.constant 64 : index
    %get3A_2112 = arith.constant 0 : index
    %get3A_2113 = vector.load %arg13[%get3A_2110, %get3A_2111, %get3A_2112] : memref<20x128x69xf32, #tpu.memory_space<vmem>>, vector<1x64x69xf32>
    %get3A_2114 = vector.shape_cast %get3A_2113 : vector<1x64x69xf32> to vector<64x69xf32>
    %dot_general3A_2115 = arith.constant dense<0.000000e+00> : vector<64x69xf32>
    %dot_general3A_2116 = tpu.matmul %squeeze3A_2109, %get3A_2114, %dot_general3A_2115 {dimension_numbers = #tpu.dot_dimension_numbers<[1], [0], [0], [1], [0, 0, 1, 1], [], []>, transpose_lhs_hint = false} : vector<64x64xf32>, vector<64x69xf32>, vector<64x69xf32> -> vector<64x69xf32>
    %add3A_2117 = arith.addf %add3A_2107, %dot_general3A_2116 : vector<64x69xf32>
    %slice3A_2118 = vector.extract_strided_slice %slice3A {offsets = [5, 0, 0], sizes = [1, 64, 64], strides = [1, 1, 1]} : vector<20x64x64xf32> to vector<1x64x64xf32>
    %squeeze3A_2119 = vector.shape_cast %slice3A_2118 : vector<1x64x64xf32> to vector<64x64xf32>
    %get3A_2120 = arith.constant 5 : index
    %get3A_2121 = arith.constant 0 : index
    %get3A_2122 = arith.constant 0 : index
    %get3A_2123 = vector.load %arg13[%get3A_2120, %get3A_2121, %get3A_2122] : memref<20x128x69xf32, #tpu.memory_space<vmem>>, vector<1x64x69xf32>
    %get3A_2124 = vector.shape_cast %get3A_2123 : vector<1x64x69xf32> to vector<64x69xf32>
    %dot_general3A_2125 = arith.constant dense<0.000000e+00> : vector<64x69xf32>
    %dot_general3A_2126 = tpu.matmul %squeeze3A_2119, %get3A_2124, %dot_general3A_2125 {dimension_numbers = #tpu.dot_dimension_numbers<[1], [0], [0], [1], [0, 0, 1, 1], [], []>, transpose_lhs_hint = false} : vector<64x64xf32>, vector<64x69xf32>, vector<64x69xf32> -> vector<64x69xf32>
    %add3A_2127 = arith.addf %add3A_2097, %dot_general3A_2126 : vector<64x69xf32>
    %slice3A_2128 = vector.extract_strided_slice %reshape3A_1846 {offsets = [5, 0, 0], sizes = [1, 64, 64], strides = [1, 1, 1]} : vector<20x64x64xf32> to vector<1x64x64xf32>
    %squeeze3A_2129 = vector.shape_cast %slice3A_2128 : vector<1x64x64xf32> to vector<64x64xf32>
    %get3A_2130 = arith.constant 5 : index
    %get3A_2131 = arith.constant 64 : index
    %get3A_2132 = arith.constant 0 : index
    %get3A_2133 = vector.load %arg13[%get3A_2130, %get3A_2131, %get3A_2132] : memref<20x128x69xf32, #tpu.memory_space<vmem>>, vector<1x64x69xf32>
    %get3A_2134 = vector.shape_cast %get3A_2133 : vector<1x64x69xf32> to vector<64x69xf32>
    %dot_general3A_2135 = arith.constant dense<0.000000e+00> : vector<64x69xf32>
    %dot_general3A_2136 = tpu.matmul %squeeze3A_2129, %get3A_2134, %dot_general3A_2135 {dimension_numbers = #tpu.dot_dimension_numbers<[1], [0], [0], [1], [0, 0, 1, 1], [], []>, transpose_lhs_hint = false} : vector<64x64xf32>, vector<64x69xf32>, vector<64x69xf32> -> vector<64x69xf32>
    %add3A_2137 = arith.addf %add3A_2127, %dot_general3A_2136 : vector<64x69xf32>
    %slice3A_2138 = vector.extract_strided_slice %slice3A_1026 {offsets = [5, 0, 0], sizes = [1, 64, 64], strides = [1, 1, 1]} : vector<20x64x64xf32> to vector<1x64x64xf32>
    %squeeze3A_2139 = vector.shape_cast %slice3A_2138 : vector<1x64x64xf32> to vector<64x64xf32>
    %get3A_2140 = arith.constant 5 : index
    %get3A_2141 = arith.constant 0 : index
    %get3A_2142 = arith.constant 0 : index
    %get3A_2143 = vector.load %arg13[%get3A_2140, %get3A_2141, %get3A_2142] : memref<20x128x69xf32, #tpu.memory_space<vmem>>, vector<1x64x69xf32>
    %get3A_2144 = vector.shape_cast %get3A_2143 : vector<1x64x69xf32> to vector<64x69xf32>
    %dot_general3A_2145 = arith.constant dense<0.000000e+00> : vector<64x69xf32>
    %dot_general3A_2146 = tpu.matmul %squeeze3A_2139, %get3A_2144, %dot_general3A_2145 {dimension_numbers = #tpu.dot_dimension_numbers<[1], [0], [0], [1], [0, 0, 1, 1], [], []>, transpose_lhs_hint = false} : vector<64x64xf32>, vector<64x69xf32>, vector<64x69xf32> -> vector<64x69xf32>
    %add3A_2147 = arith.addf %add3A_2117, %dot_general3A_2146 : vector<64x69xf32>
    %slice3A_2148 = vector.extract_strided_slice %reshape3A_1897 {offsets = [5, 0, 0], sizes = [1, 64, 64], strides = [1, 1, 1]} : vector<20x64x64xf32> to vector<1x64x64xf32>
    %squeeze3A_2149 = vector.shape_cast %slice3A_2148 : vector<1x64x64xf32> to vector<64x64xf32>
    %get3A_2150 = arith.constant 5 : index
    %get3A_2151 = arith.constant 64 : index
    %get3A_2152 = arith.constant 0 : index
    %get3A_2153 = vector.load %arg13[%get3A_2150, %get3A_2151, %get3A_2152] : memref<20x128x69xf32, #tpu.memory_space<vmem>>, vector<1x64x69xf32>
    %get3A_2154 = vector.shape_cast %get3A_2153 : vector<1x64x69xf32> to vector<64x69xf32>
    %dot_general3A_2155 = arith.constant dense<0.000000e+00> : vector<64x69xf32>
    %dot_general3A_2156 = tpu.matmul %squeeze3A_2149, %get3A_2154, %dot_general3A_2155 {dimension_numbers = #tpu.dot_dimension_numbers<[1], [0], [0], [1], [0, 0, 1, 1], [], []>, transpose_lhs_hint = false} : vector<64x64xf32>, vector<64x69xf32>, vector<64x69xf32> -> vector<64x69xf32>
    %add3A_2157 = arith.addf %add3A_2147, %dot_general3A_2156 : vector<64x69xf32>
    %slice3A_2158 = vector.extract_strided_slice %slice3A {offsets = [6, 0, 0], sizes = [1, 64, 64], strides = [1, 1, 1]} : vector<20x64x64xf32> to vector<1x64x64xf32>
    %squeeze3A_2159 = vector.shape_cast %slice3A_2158 : vector<1x64x64xf32> to vector<64x64xf32>
    %get3A_2160 = arith.constant 6 : index
    %get3A_2161 = arith.constant 0 : index
    %get3A_2162 = arith.constant 0 : index
    %get3A_2163 = vector.load %arg13[%get3A_2160, %get3A_2161, %get3A_2162] : memref<20x128x69xf32, #tpu.memory_space<vmem>>, vector<1x64x69xf32>
    %get3A_2164 = vector.shape_cast %get3A_2163 : vector<1x64x69xf32> to vector<64x69xf32>
    %dot_general3A_2165 = arith.constant dense<0.000000e+00> : vector<64x69xf32>
    %dot_general3A_2166 = tpu.matmul %squeeze3A_2159, %get3A_2164, %dot_general3A_2165 {dimension_numbers = #tpu.dot_dimension_numbers<[1], [0], [0], [1], [0, 0, 1, 1], [], []>, transpose_lhs_hint = false} : vector<64x64xf32>, vector<64x69xf32>, vector<64x69xf32> -> vector<64x69xf32>
    %add3A_2167 = arith.addf %add3A_2137, %dot_general3A_2166 : vector<64x69xf32>
    %slice3A_2168 = vector.extract_strided_slice %reshape3A_1846 {offsets = [6, 0, 0], sizes = [1, 64, 64], strides = [1, 1, 1]} : vector<20x64x64xf32> to vector<1x64x64xf32>
    %squeeze3A_2169 = vector.shape_cast %slice3A_2168 : vector<1x64x64xf32> to vector<64x64xf32>
    %get3A_2170 = arith.constant 6 : index
    %get3A_2171 = arith.constant 64 : index
    %get3A_2172 = arith.constant 0 : index
    %get3A_2173 = vector.load %arg13[%get3A_2170, %get3A_2171, %get3A_2172] : memref<20x128x69xf32, #tpu.memory_space<vmem>>, vector<1x64x69xf32>
    %get3A_2174 = vector.shape_cast %get3A_2173 : vector<1x64x69xf32> to vector<64x69xf32>
    %dot_general3A_2175 = arith.constant dense<0.000000e+00> : vector<64x69xf32>
    %dot_general3A_2176 = tpu.matmul %squeeze3A_2169, %get3A_2174, %dot_general3A_2175 {dimension_numbers = #tpu.dot_dimension_numbers<[1], [0], [0], [1], [0, 0, 1, 1], [], []>, transpose_lhs_hint = false} : vector<64x64xf32>, vector<64x69xf32>, vector<64x69xf32> -> vector<64x69xf32>
    %add3A_2177 = arith.addf %add3A_2167, %dot_general3A_2176 : vector<64x69xf32>
    %slice3A_2178 = vector.extract_strided_slice %slice3A_1026 {offsets = [6, 0, 0], sizes = [1, 64, 64], strides = [1, 1, 1]} : vector<20x64x64xf32> to vector<1x64x64xf32>
    %squeeze3A_2179 = vector.shape_cast %slice3A_2178 : vector<1x64x64xf32> to vector<64x64xf32>
    %get3A_2180 = arith.constant 6 : index
    %get3A_2181 = arith.constant 0 : index
    %get3A_2182 = arith.constant 0 : index
    %get3A_2183 = vector.load %arg13[%get3A_2180, %get3A_2181, %get3A_2182] : memref<20x128x69xf32, #tpu.memory_space<vmem>>, vector<1x64x69xf32>
    %get3A_2184 = vector.shape_cast %get3A_2183 : vector<1x64x69xf32> to vector<64x69xf32>
    %dot_general3A_2185 = arith.constant dense<0.000000e+00> : vector<64x69xf32>
    %dot_general3A_2186 = tpu.matmul %squeeze3A_2179, %get3A_2184, %dot_general3A_2185 {dimension_numbers = #tpu.dot_dimension_numbers<[1], [0], [0], [1], [0, 0, 1, 1], [], []>, transpose_lhs_hint = false} : vector<64x64xf32>, vector<64x69xf32>, vector<64x69xf32> -> vector<64x69xf32>
    %add3A_2187 = arith.addf %add3A_2157, %dot_general3A_2186 : vector<64x69xf32>
    %slice3A_2188 = vector.extract_strided_slice %reshape3A_1897 {offsets = [6, 0, 0], sizes = [1, 64, 64], strides = [1, 1, 1]} : vector<20x64x64xf32> to vector<1x64x64xf32>
    %squeeze3A_2189 = vector.shape_cast %slice3A_2188 : vector<1x64x64xf32> to vector<64x64xf32>
    %get3A_2190 = arith.constant 6 : index
    %get3A_2191 = arith.constant 64 : index
    %get3A_2192 = arith.constant 0 : index
    %get3A_2193 = vector.load %arg13[%get3A_2190, %get3A_2191, %get3A_2192] : memref<20x128x69xf32, #tpu.memory_space<vmem>>, vector<1x64x69xf32>
    %get3A_2194 = vector.shape_cast %get3A_2193 : vector<1x64x69xf32> to vector<64x69xf32>
    %dot_general3A_2195 = arith.constant dense<0.000000e+00> : vector<64x69xf32>
    %dot_general3A_2196 = tpu.matmul %squeeze3A_2189, %get3A_2194, %dot_general3A_2195 {dimension_numbers = #tpu.dot_dimension_numbers<[1], [0], [0], [1], [0, 0, 1, 1], [], []>, transpose_lhs_hint = false} : vector<64x64xf32>, vector<64x69xf32>, vector<64x69xf32> -> vector<64x69xf32>
    %add3A_2197 = arith.addf %add3A_2187, %dot_general3A_2196 : vector<64x69xf32>
    %slice3A_2198 = vector.extract_strided_slice %slice3A {offsets = [7, 0, 0], sizes = [1, 64, 64], strides = [1, 1, 1]} : vector<20x64x64xf32> to vector<1x64x64xf32>
    %squeeze3A_2199 = vector.shape_cast %slice3A_2198 : vector<1x64x64xf32> to vector<64x64xf32>
    %get3A_2200 = arith.constant 7 : index
    %get3A_2201 = arith.constant 0 : index
    %get3A_2202 = arith.constant 0 : index
    %get3A_2203 = vector.load %arg13[%get3A_2200, %get3A_2201, %get3A_2202] : memref<20x128x69xf32, #tpu.memory_space<vmem>>, vector<1x64x69xf32>
    %get3A_2204 = vector.shape_cast %get3A_2203 : vector<1x64x69xf32> to vector<64x69xf32>
    %dot_general3A_2205 = arith.constant dense<0.000000e+00> : vector<64x69xf32>
    %dot_general3A_2206 = tpu.matmul %squeeze3A_2199, %get3A_2204, %dot_general3A_2205 {dimension_numbers = #tpu.dot_dimension_numbers<[1], [0], [0], [1], [0, 0, 1, 1], [], []>, transpose_lhs_hint = false} : vector<64x64xf32>, vector<64x69xf32>, vector<64x69xf32> -> vector<64x69xf32>
    %add3A_2207 = arith.addf %add3A_2177, %dot_general3A_2206 : vector<64x69xf32>
    %slice3A_2208 = vector.extract_strided_slice %reshape3A_1846 {offsets = [7, 0, 0], sizes = [1, 64, 64], strides = [1, 1, 1]} : vector<20x64x64xf32> to vector<1x64x64xf32>
    %squeeze3A_2209 = vector.shape_cast %slice3A_2208 : vector<1x64x64xf32> to vector<64x64xf32>
    %get3A_2210 = arith.constant 7 : index
    %get3A_2211 = arith.constant 64 : index
    %get3A_2212 = arith.constant 0 : index
    %get3A_2213 = vector.load %arg13[%get3A_2210, %get3A_2211, %get3A_2212] : memref<20x128x69xf32, #tpu.memory_space<vmem>>, vector<1x64x69xf32>
    %get3A_2214 = vector.shape_cast %get3A_2213 : vector<1x64x69xf32> to vector<64x69xf32>
    %dot_general3A_2215 = arith.constant dense<0.000000e+00> : vector<64x69xf32>
    %dot_general3A_2216 = tpu.matmul %squeeze3A_2209, %get3A_2214, %dot_general3A_2215 {dimension_numbers = #tpu.dot_dimension_numbers<[1], [0], [0], [1], [0, 0, 1, 1], [], []>, transpose_lhs_hint = false} : vector<64x64xf32>, vector<64x69xf32>, vector<64x69xf32> -> vector<64x69xf32>
    %add3A_2217 = arith.addf %add3A_2207, %dot_general3A_2216 : vector<64x69xf32>
    %slice3A_2218 = vector.extract_strided_slice %slice3A_1026 {offsets = [7, 0, 0], sizes = [1, 64, 64], strides = [1, 1, 1]} : vector<20x64x64xf32> to vector<1x64x64xf32>
    %squeeze3A_2219 = vector.shape_cast %slice3A_2218 : vector<1x64x64xf32> to vector<64x64xf32>
    %get3A_2220 = arith.constant 7 : index
    %get3A_2221 = arith.constant 0 : index
    %get3A_2222 = arith.constant 0 : index
    %get3A_2223 = vector.load %arg13[%get3A_2220, %get3A_2221, %get3A_2222] : memref<20x128x69xf32, #tpu.memory_space<vmem>>, vector<1x64x69xf32>
    %get3A_2224 = vector.shape_cast %get3A_2223 : vector<1x64x69xf32> to vector<64x69xf32>
    %dot_general3A_2225 = arith.constant dense<0.000000e+00> : vector<64x69xf32>
    %dot_general3A_2226 = tpu.matmul %squeeze3A_2219, %get3A_2224, %dot_general3A_2225 {dimension_numbers = #tpu.dot_dimension_numbers<[1], [0], [0], [1], [0, 0, 1, 1], [], []>, transpose_lhs_hint = false} : vector<64x64xf32>, vector<64x69xf32>, vector<64x69xf32> -> vector<64x69xf32>
    %add3A_2227 = arith.addf %add3A_2197, %dot_general3A_2226 : vector<64x69xf32>
    %slice3A_2228 = vector.extract_strided_slice %reshape3A_1897 {offsets = [7, 0, 0], sizes = [1, 64, 64], strides = [1, 1, 1]} : vector<20x64x64xf32> to vector<1x64x64xf32>
    %squeeze3A_2229 = vector.shape_cast %slice3A_2228 : vector<1x64x64xf32> to vector<64x64xf32>
    %get3A_2230 = arith.constant 7 : index
    %get3A_2231 = arith.constant 64 : index
    %get3A_2232 = arith.constant 0 : index
    %get3A_2233 = vector.load %arg13[%get3A_2230, %get3A_2231, %get3A_2232] : memref<20x128x69xf32, #tpu.memory_space<vmem>>, vector<1x64x69xf32>
    %get3A_2234 = vector.shape_cast %get3A_2233 : vector<1x64x69xf32> to vector<64x69xf32>
    %dot_general3A_2235 = arith.constant dense<0.000000e+00> : vector<64x69xf32>
    %dot_general3A_2236 = tpu.matmul %squeeze3A_2229, %get3A_2234, %dot_general3A_2235 {dimension_numbers = #tpu.dot_dimension_numbers<[1], [0], [0], [1], [0, 0, 1, 1], [], []>, transpose_lhs_hint = false} : vector<64x64xf32>, vector<64x69xf32>, vector<64x69xf32> -> vector<64x69xf32>
    %add3A_2237 = arith.addf %add3A_2227, %dot_general3A_2236 : vector<64x69xf32>
    %slice3A_2238 = vector.extract_strided_slice %slice3A {offsets = [8, 0, 0], sizes = [1, 64, 64], strides = [1, 1, 1]} : vector<20x64x64xf32> to vector<1x64x64xf32>
    %squeeze3A_2239 = vector.shape_cast %slice3A_2238 : vector<1x64x64xf32> to vector<64x64xf32>
    %get3A_2240 = arith.constant 8 : index
    %get3A_2241 = arith.constant 0 : index
    %get3A_2242 = arith.constant 0 : index
    %get3A_2243 = vector.load %arg13[%get3A_2240, %get3A_2241, %get3A_2242] : memref<20x128x69xf32, #tpu.memory_space<vmem>>, vector<1x64x69xf32>
    %get3A_2244 = vector.shape_cast %get3A_2243 : vector<1x64x69xf32> to vector<64x69xf32>
    %dot_general3A_2245 = arith.constant dense<0.000000e+00> : vector<64x69xf32>
    %dot_general3A_2246 = tpu.matmul %squeeze3A_2239, %get3A_2244, %dot_general3A_2245 {dimension_numbers = #tpu.dot_dimension_numbers<[1], [0], [0], [1], [0, 0, 1, 1], [], []>, transpose_lhs_hint = false} : vector<64x64xf32>, vector<64x69xf32>, vector<64x69xf32> -> vector<64x69xf32>
    %add3A_2247 = arith.addf %add3A_2217, %dot_general3A_2246 : vector<64x69xf32>
    %slice3A_2248 = vector.extract_strided_slice %reshape3A_1846 {offsets = [8, 0, 0], sizes = [1, 64, 64], strides = [1, 1, 1]} : vector<20x64x64xf32> to vector<1x64x64xf32>
    %squeeze3A_2249 = vector.shape_cast %slice3A_2248 : vector<1x64x64xf32> to vector<64x64xf32>
    %get3A_2250 = arith.constant 8 : index
    %get3A_2251 = arith.constant 64 : index
    %get3A_2252 = arith.constant 0 : index
    %get3A_2253 = vector.load %arg13[%get3A_2250, %get3A_2251, %get3A_2252] : memref<20x128x69xf32, #tpu.memory_space<vmem>>, vector<1x64x69xf32>
    %get3A_2254 = vector.shape_cast %get3A_2253 : vector<1x64x69xf32> to vector<64x69xf32>
    %dot_general3A_2255 = arith.constant dense<0.000000e+00> : vector<64x69xf32>
    %dot_general3A_2256 = tpu.matmul %squeeze3A_2249, %get3A_2254, %dot_general3A_2255 {dimension_numbers = #tpu.dot_dimension_numbers<[1], [0], [0], [1], [0, 0, 1, 1], [], []>, transpose_lhs_hint = false} : vector<64x64xf32>, vector<64x69xf32>, vector<64x69xf32> -> vector<64x69xf32>
    %add3A_2257 = arith.addf %add3A_2247, %dot_general3A_2256 : vector<64x69xf32>
    %slice3A_2258 = vector.extract_strided_slice %slice3A_1026 {offsets = [8, 0, 0], sizes = [1, 64, 64], strides = [1, 1, 1]} : vector<20x64x64xf32> to vector<1x64x64xf32>
    %squeeze3A_2259 = vector.shape_cast %slice3A_2258 : vector<1x64x64xf32> to vector<64x64xf32>
    %get3A_2260 = arith.constant 8 : index
    %get3A_2261 = arith.constant 0 : index
    %get3A_2262 = arith.constant 0 : index
    %get3A_2263 = vector.load %arg13[%get3A_2260, %get3A_2261, %get3A_2262] : memref<20x128x69xf32, #tpu.memory_space<vmem>>, vector<1x64x69xf32>
    %get3A_2264 = vector.shape_cast %get3A_2263 : vector<1x64x69xf32> to vector<64x69xf32>
    %dot_general3A_2265 = arith.constant dense<0.000000e+00> : vector<64x69xf32>
    %dot_general3A_2266 = tpu.matmul %squeeze3A_2259, %get3A_2264, %dot_general3A_2265 {dimension_numbers = #tpu.dot_dimension_numbers<[1], [0], [0], [1], [0, 0, 1, 1], [], []>, transpose_lhs_hint = false} : vector<64x64xf32>, vector<64x69xf32>, vector<64x69xf32> -> vector<64x69xf32>
    %add3A_2267 = arith.addf %add3A_2237, %dot_general3A_2266 : vector<64x69xf32>
    %slice3A_2268 = vector.extract_strided_slice %reshape3A_1897 {offsets = [8, 0, 0], sizes = [1, 64, 64], strides = [1, 1, 1]} : vector<20x64x64xf32> to vector<1x64x64xf32>
    %squeeze3A_2269 = vector.shape_cast %slice3A_2268 : vector<1x64x64xf32> to vector<64x64xf32>
    %get3A_2270 = arith.constant 8 : index
    %get3A_2271 = arith.constant 64 : index
    %get3A_2272 = arith.constant 0 : index
    %get3A_2273 = vector.load %arg13[%get3A_2270, %get3A_2271, %get3A_2272] : memref<20x128x69xf32, #tpu.memory_space<vmem>>, vector<1x64x69xf32>
    %get3A_2274 = vector.shape_cast %get3A_2273 : vector<1x64x69xf32> to vector<64x69xf32>
    %dot_general3A_2275 = arith.constant dense<0.000000e+00> : vector<64x69xf32>
    %dot_general3A_2276 = tpu.matmul %squeeze3A_2269, %get3A_2274, %dot_general3A_2275 {dimension_numbers = #tpu.dot_dimension_numbers<[1], [0], [0], [1], [0, 0, 1, 1], [], []>, transpose_lhs_hint = false} : vector<64x64xf32>, vector<64x69xf32>, vector<64x69xf32> -> vector<64x69xf32>
    %add3A_2277 = arith.addf %add3A_2267, %dot_general3A_2276 : vector<64x69xf32>
    %slice3A_2278 = vector.extract_strided_slice %slice3A {offsets = [9, 0, 0], sizes = [1, 64, 64], strides = [1, 1, 1]} : vector<20x64x64xf32> to vector<1x64x64xf32>
    %squeeze3A_2279 = vector.shape_cast %slice3A_2278 : vector<1x64x64xf32> to vector<64x64xf32>
    %get3A_2280 = arith.constant 9 : index
    %get3A_2281 = arith.constant 0 : index
    %get3A_2282 = arith.constant 0 : index
    %get3A_2283 = vector.load %arg13[%get3A_2280, %get3A_2281, %get3A_2282] : memref<20x128x69xf32, #tpu.memory_space<vmem>>, vector<1x64x69xf32>
    %get3A_2284 = vector.shape_cast %get3A_2283 : vector<1x64x69xf32> to vector<64x69xf32>
    %dot_general3A_2285 = arith.constant dense<0.000000e+00> : vector<64x69xf32>
    %dot_general3A_2286 = tpu.matmul %squeeze3A_2279, %get3A_2284, %dot_general3A_2285 {dimension_numbers = #tpu.dot_dimension_numbers<[1], [0], [0], [1], [0, 0, 1, 1], [], []>, transpose_lhs_hint = false} : vector<64x64xf32>, vector<64x69xf32>, vector<64x69xf32> -> vector<64x69xf32>
    %add3A_2287 = arith.addf %add3A_2257, %dot_general3A_2286 : vector<64x69xf32>
    %slice3A_2288 = vector.extract_strided_slice %reshape3A_1846 {offsets = [9, 0, 0], sizes = [1, 64, 64], strides = [1, 1, 1]} : vector<20x64x64xf32> to vector<1x64x64xf32>
    %squeeze3A_2289 = vector.shape_cast %slice3A_2288 : vector<1x64x64xf32> to vector<64x64xf32>
    %get3A_2290 = arith.constant 9 : index
    %get3A_2291 = arith.constant 64 : index
    %get3A_2292 = arith.constant 0 : index
    %get3A_2293 = vector.load %arg13[%get3A_2290, %get3A_2291, %get3A_2292] : memref<20x128x69xf32, #tpu.memory_space<vmem>>, vector<1x64x69xf32>
    %get3A_2294 = vector.shape_cast %get3A_2293 : vector<1x64x69xf32> to vector<64x69xf32>
    %dot_general3A_2295 = arith.constant dense<0.000000e+00> : vector<64x69xf32>
    %dot_general3A_2296 = tpu.matmul %squeeze3A_2289, %get3A_2294, %dot_general3A_2295 {dimension_numbers = #tpu.dot_dimension_numbers<[1], [0], [0], [1], [0, 0, 1, 1], [], []>, transpose_lhs_hint = false} : vector<64x64xf32>, vector<64x69xf32>, vector<64x69xf32> -> vector<64x69xf32>
    %add3A_2297 = arith.addf %add3A_2287, %dot_general3A_2296 : vector<64x69xf32>
    %slice3A_2298 = vector.extract_strided_slice %slice3A_1026 {offsets = [9, 0, 0], sizes = [1, 64, 64], strides = [1, 1, 1]} : vector<20x64x64xf32> to vector<1x64x64xf32>
    %squeeze3A_2299 = vector.shape_cast %slice3A_2298 : vector<1x64x64xf32> to vector<64x64xf32>
    %get3A_2300 = arith.constant 9 : index
    %get3A_2301 = arith.constant 0 : index
    %get3A_2302 = arith.constant 0 : index
    %get3A_2303 = vector.load %arg13[%get3A_2300, %get3A_2301, %get3A_2302] : memref<20x128x69xf32, #tpu.memory_space<vmem>>, vector<1x64x69xf32>
    %get3A_2304 = vector.shape_cast %get3A_2303 : vector<1x64x69xf32> to vector<64x69xf32>
    %dot_general3A_2305 = arith.constant dense<0.000000e+00> : vector<64x69xf32>
    %dot_general3A_2306 = tpu.matmul %squeeze3A_2299, %get3A_2304, %dot_general3A_2305 {dimension_numbers = #tpu.dot_dimension_numbers<[1], [0], [0], [1], [0, 0, 1, 1], [], []>, transpose_lhs_hint = false} : vector<64x64xf32>, vector<64x69xf32>, vector<64x69xf32> -> vector<64x69xf32>
    %add3A_2307 = arith.addf %add3A_2277, %dot_general3A_2306 : vector<64x69xf32>
    %slice3A_2308 = vector.extract_strided_slice %reshape3A_1897 {offsets = [9, 0, 0], sizes = [1, 64, 64], strides = [1, 1, 1]} : vector<20x64x64xf32> to vector<1x64x64xf32>
    %squeeze3A_2309 = vector.shape_cast %slice3A_2308 : vector<1x64x64xf32> to vector<64x64xf32>
    %get3A_2310 = arith.constant 9 : index
    %get3A_2311 = arith.constant 64 : index
    %get3A_2312 = arith.constant 0 : index
    %get3A_2313 = vector.load %arg13[%get3A_2310, %get3A_2311, %get3A_2312] : memref<20x128x69xf32, #tpu.memory_space<vmem>>, vector<1x64x69xf32>
    %get3A_2314 = vector.shape_cast %get3A_2313 : vector<1x64x69xf32> to vector<64x69xf32>
    %dot_general3A_2315 = arith.constant dense<0.000000e+00> : vector<64x69xf32>
    %dot_general3A_2316 = tpu.matmul %squeeze3A_2309, %get3A_2314, %dot_general3A_2315 {dimension_numbers = #tpu.dot_dimension_numbers<[1], [0], [0], [1], [0, 0, 1, 1], [], []>, transpose_lhs_hint = false} : vector<64x64xf32>, vector<64x69xf32>, vector<64x69xf32> -> vector<64x69xf32>
    %add3A_2317 = arith.addf %add3A_2307, %dot_general3A_2316 : vector<64x69xf32>
    %slice3A_2318 = vector.extract_strided_slice %slice3A {offsets = [10, 0, 0], sizes = [1, 64, 64], strides = [1, 1, 1]} : vector<20x64x64xf32> to vector<1x64x64xf32>
    %squeeze3A_2319 = vector.shape_cast %slice3A_2318 : vector<1x64x64xf32> to vector<64x64xf32>
    %get3A_2320 = arith.constant 10 : index
    %get3A_2321 = arith.constant 0 : index
    %get3A_2322 = arith.constant 0 : index
    %get3A_2323 = vector.load %arg13[%get3A_2320, %get3A_2321, %get3A_2322] : memref<20x128x69xf32, #tpu.memory_space<vmem>>, vector<1x64x69xf32>
    %get3A_2324 = vector.shape_cast %get3A_2323 : vector<1x64x69xf32> to vector<64x69xf32>
    %dot_general3A_2325 = arith.constant dense<0.000000e+00> : vector<64x69xf32>
    %dot_general3A_2326 = tpu.matmul %squeeze3A_2319, %get3A_2324, %dot_general3A_2325 {dimension_numbers = #tpu.dot_dimension_numbers<[1], [0], [0], [1], [0, 0, 1, 1], [], []>, transpose_lhs_hint = false} : vector<64x64xf32>, vector<64x69xf32>, vector<64x69xf32> -> vector<64x69xf32>
    %add3A_2327 = arith.addf %add3A_2297, %dot_general3A_2326 : vector<64x69xf32>
    %slice3A_2328 = vector.extract_strided_slice %reshape3A_1846 {offsets = [10, 0, 0], sizes = [1, 64, 64], strides = [1, 1, 1]} : vector<20x64x64xf32> to vector<1x64x64xf32>
    %squeeze3A_2329 = vector.shape_cast %slice3A_2328 : vector<1x64x64xf32> to vector<64x64xf32>
    %get3A_2330 = arith.constant 10 : index
    %get3A_2331 = arith.constant 64 : index
    %get3A_2332 = arith.constant 0 : index
    %get3A_2333 = vector.load %arg13[%get3A_2330, %get3A_2331, %get3A_2332] : memref<20x128x69xf32, #tpu.memory_space<vmem>>, vector<1x64x69xf32>
    %get3A_2334 = vector.shape_cast %get3A_2333 : vector<1x64x69xf32> to vector<64x69xf32>
    %dot_general3A_2335 = arith.constant dense<0.000000e+00> : vector<64x69xf32>
    %dot_general3A_2336 = tpu.matmul %squeeze3A_2329, %get3A_2334, %dot_general3A_2335 {dimension_numbers = #tpu.dot_dimension_numbers<[1], [0], [0], [1], [0, 0, 1, 1], [], []>, transpose_lhs_hint = false} : vector<64x64xf32>, vector<64x69xf32>, vector<64x69xf32> -> vector<64x69xf32>
    %add3A_2337 = arith.addf %add3A_2327, %dot_general3A_2336 : vector<64x69xf32>
    %slice3A_2338 = vector.extract_strided_slice %slice3A_1026 {offsets = [10, 0, 0], sizes = [1, 64, 64], strides = [1, 1, 1]} : vector<20x64x64xf32> to vector<1x64x64xf32>
    %squeeze3A_2339 = vector.shape_cast %slice3A_2338 : vector<1x64x64xf32> to vector<64x64xf32>
    %get3A_2340 = arith.constant 10 : index
    %get3A_2341 = arith.constant 0 : index
    %get3A_2342 = arith.constant 0 : index
    %get3A_2343 = vector.load %arg13[%get3A_2340, %get3A_2341, %get3A_2342] : memref<20x128x69xf32, #tpu.memory_space<vmem>>, vector<1x64x69xf32>
    %get3A_2344 = vector.shape_cast %get3A_2343 : vector<1x64x69xf32> to vector<64x69xf32>
    %dot_general3A_2345 = arith.constant dense<0.000000e+00> : vector<64x69xf32>
    %dot_general3A_2346 = tpu.matmul %squeeze3A_2339, %get3A_2344, %dot_general3A_2345 {dimension_numbers = #tpu.dot_dimension_numbers<[1], [0], [0], [1], [0, 0, 1, 1], [], []>, transpose_lhs_hint = false} : vector<64x64xf32>, vector<64x69xf32>, vector<64x69xf32> -> vector<64x69xf32>
    %add3A_2347 = arith.addf %add3A_2317, %dot_general3A_2346 : vector<64x69xf32>
    %slice3A_2348 = vector.extract_strided_slice %reshape3A_1897 {offsets = [10, 0, 0], sizes = [1, 64, 64], strides = [1, 1, 1]} : vector<20x64x64xf32> to vector<1x64x64xf32>
    %squeeze3A_2349 = vector.shape_cast %slice3A_2348 : vector<1x64x64xf32> to vector<64x64xf32>
    %get3A_2350 = arith.constant 10 : index
    %get3A_2351 = arith.constant 64 : index
    %get3A_2352 = arith.constant 0 : index
    %get3A_2353 = vector.load %arg13[%get3A_2350, %get3A_2351, %get3A_2352] : memref<20x128x69xf32, #tpu.memory_space<vmem>>, vector<1x64x69xf32>
    %get3A_2354 = vector.shape_cast %get3A_2353 : vector<1x64x69xf32> to vector<64x69xf32>
    %dot_general3A_2355 = arith.constant dense<0.000000e+00> : vector<64x69xf32>
    %dot_general3A_2356 = tpu.matmul %squeeze3A_2349, %get3A_2354, %dot_general3A_2355 {dimension_numbers = #tpu.dot_dimension_numbers<[1], [0], [0], [1], [0, 0, 1, 1], [], []>, transpose_lhs_hint = false} : vector<64x64xf32>, vector<64x69xf32>, vector<64x69xf32> -> vector<64x69xf32>
    %add3A_2357 = arith.addf %add3A_2347, %dot_general3A_2356 : vector<64x69xf32>
    %slice3A_2358 = vector.extract_strided_slice %slice3A {offsets = [11, 0, 0], sizes = [1, 64, 64], strides = [1, 1, 1]} : vector<20x64x64xf32> to vector<1x64x64xf32>
    %squeeze3A_2359 = vector.shape_cast %slice3A_2358 : vector<1x64x64xf32> to vector<64x64xf32>
    %get3A_2360 = arith.constant 11 : index
    %get3A_2361 = arith.constant 0 : index
    %get3A_2362 = arith.constant 0 : index
    %get3A_2363 = vector.load %arg13[%get3A_2360, %get3A_2361, %get3A_2362] : memref<20x128x69xf32, #tpu.memory_space<vmem>>, vector<1x64x69xf32>
    %get3A_2364 = vector.shape_cast %get3A_2363 : vector<1x64x69xf32> to vector<64x69xf32>
    %dot_general3A_2365 = arith.constant dense<0.000000e+00> : vector<64x69xf32>
    %dot_general3A_2366 = tpu.matmul %squeeze3A_2359, %get3A_2364, %dot_general3A_2365 {dimension_numbers = #tpu.dot_dimension_numbers<[1], [0], [0], [1], [0, 0, 1, 1], [], []>, transpose_lhs_hint = false} : vector<64x64xf32>, vector<64x69xf32>, vector<64x69xf32> -> vector<64x69xf32>
    %add3A_2367 = arith.addf %add3A_2337, %dot_general3A_2366 : vector<64x69xf32>
    %slice3A_2368 = vector.extract_strided_slice %reshape3A_1846 {offsets = [11, 0, 0], sizes = [1, 64, 64], strides = [1, 1, 1]} : vector<20x64x64xf32> to vector<1x64x64xf32>
    %squeeze3A_2369 = vector.shape_cast %slice3A_2368 : vector<1x64x64xf32> to vector<64x64xf32>
    %get3A_2370 = arith.constant 11 : index
    %get3A_2371 = arith.constant 64 : index
    %get3A_2372 = arith.constant 0 : index
    %get3A_2373 = vector.load %arg13[%get3A_2370, %get3A_2371, %get3A_2372] : memref<20x128x69xf32, #tpu.memory_space<vmem>>, vector<1x64x69xf32>
    %get3A_2374 = vector.shape_cast %get3A_2373 : vector<1x64x69xf32> to vector<64x69xf32>
    %dot_general3A_2375 = arith.constant dense<0.000000e+00> : vector<64x69xf32>
    %dot_general3A_2376 = tpu.matmul %squeeze3A_2369, %get3A_2374, %dot_general3A_2375 {dimension_numbers = #tpu.dot_dimension_numbers<[1], [0], [0], [1], [0, 0, 1, 1], [], []>, transpose_lhs_hint = false} : vector<64x64xf32>, vector<64x69xf32>, vector<64x69xf32> -> vector<64x69xf32>
    %add3A_2377 = arith.addf %add3A_2367, %dot_general3A_2376 : vector<64x69xf32>
    %slice3A_2378 = vector.extract_strided_slice %slice3A_1026 {offsets = [11, 0, 0], sizes = [1, 64, 64], strides = [1, 1, 1]} : vector<20x64x64xf32> to vector<1x64x64xf32>
    %squeeze3A_2379 = vector.shape_cast %slice3A_2378 : vector<1x64x64xf32> to vector<64x64xf32>
    %get3A_2380 = arith.constant 11 : index
    %get3A_2381 = arith.constant 0 : index
    %get3A_2382 = arith.constant 0 : index
    %get3A_2383 = vector.load %arg13[%get3A_2380, %get3A_2381, %get3A_2382] : memref<20x128x69xf32, #tpu.memory_space<vmem>>, vector<1x64x69xf32>
    %get3A_2384 = vector.shape_cast %get3A_2383 : vector<1x64x69xf32> to vector<64x69xf32>
    %dot_general3A_2385 = arith.constant dense<0.000000e+00> : vector<64x69xf32>
    %dot_general3A_2386 = tpu.matmul %squeeze3A_2379, %get3A_2384, %dot_general3A_2385 {dimension_numbers = #tpu.dot_dimension_numbers<[1], [0], [0], [1], [0, 0, 1, 1], [], []>, transpose_lhs_hint = false} : vector<64x64xf32>, vector<64x69xf32>, vector<64x69xf32> -> vector<64x69xf32>
    %add3A_2387 = arith.addf %add3A_2357, %dot_general3A_2386 : vector<64x69xf32>
    %slice3A_2388 = vector.extract_strided_slice %reshape3A_1897 {offsets = [11, 0, 0], sizes = [1, 64, 64], strides = [1, 1, 1]} : vector<20x64x64xf32> to vector<1x64x64xf32>
    %squeeze3A_2389 = vector.shape_cast %slice3A_2388 : vector<1x64x64xf32> to vector<64x64xf32>
    %get3A_2390 = arith.constant 11 : index
    %get3A_2391 = arith.constant 64 : index
    %get3A_2392 = arith.constant 0 : index
    %get3A_2393 = vector.load %arg13[%get3A_2390, %get3A_2391, %get3A_2392] : memref<20x128x69xf32, #tpu.memory_space<vmem>>, vector<1x64x69xf32>
    %get3A_2394 = vector.shape_cast %get3A_2393 : vector<1x64x69xf32> to vector<64x69xf32>
    %dot_general3A_2395 = arith.constant dense<0.000000e+00> : vector<64x69xf32>
    %dot_general3A_2396 = tpu.matmul %squeeze3A_2389, %get3A_2394, %dot_general3A_2395 {dimension_numbers = #tpu.dot_dimension_numbers<[1], [0], [0], [1], [0, 0, 1, 1], [], []>, transpose_lhs_hint = false} : vector<64x64xf32>, vector<64x69xf32>, vector<64x69xf32> -> vector<64x69xf32>
    %add3A_2397 = arith.addf %add3A_2387, %dot_general3A_2396 : vector<64x69xf32>
    %slice3A_2398 = vector.extract_strided_slice %slice3A {offsets = [12, 0, 0], sizes = [1, 64, 64], strides = [1, 1, 1]} : vector<20x64x64xf32> to vector<1x64x64xf32>
    %squeeze3A_2399 = vector.shape_cast %slice3A_2398 : vector<1x64x64xf32> to vector<64x64xf32>
    %get3A_2400 = arith.constant 12 : index
    %get3A_2401 = arith.constant 0 : index
    %get3A_2402 = arith.constant 0 : index
    %get3A_2403 = vector.load %arg13[%get3A_2400, %get3A_2401, %get3A_2402] : memref<20x128x69xf32, #tpu.memory_space<vmem>>, vector<1x64x69xf32>
    %get3A_2404 = vector.shape_cast %get3A_2403 : vector<1x64x69xf32> to vector<64x69xf32>
    %dot_general3A_2405 = arith.constant dense<0.000000e+00> : vector<64x69xf32>
    %dot_general3A_2406 = tpu.matmul %squeeze3A_2399, %get3A_2404, %dot_general3A_2405 {dimension_numbers = #tpu.dot_dimension_numbers<[1], [0], [0], [1], [0, 0, 1, 1], [], []>, transpose_lhs_hint = false} : vector<64x64xf32>, vector<64x69xf32>, vector<64x69xf32> -> vector<64x69xf32>
    %add3A_2407 = arith.addf %add3A_2377, %dot_general3A_2406 : vector<64x69xf32>
    %slice3A_2408 = vector.extract_strided_slice %reshape3A_1846 {offsets = [12, 0, 0], sizes = [1, 64, 64], strides = [1, 1, 1]} : vector<20x64x64xf32> to vector<1x64x64xf32>
    %squeeze3A_2409 = vector.shape_cast %slice3A_2408 : vector<1x64x64xf32> to vector<64x64xf32>
    %get3A_2410 = arith.constant 12 : index
    %get3A_2411 = arith.constant 64 : index
    %get3A_2412 = arith.constant 0 : index
    %get3A_2413 = vector.load %arg13[%get3A_2410, %get3A_2411, %get3A_2412] : memref<20x128x69xf32, #tpu.memory_space<vmem>>, vector<1x64x69xf32>
    %get3A_2414 = vector.shape_cast %get3A_2413 : vector<1x64x69xf32> to vector<64x69xf32>
    %dot_general3A_2415 = arith.constant dense<0.000000e+00> : vector<64x69xf32>
    %dot_general3A_2416 = tpu.matmul %squeeze3A_2409, %get3A_2414, %dot_general3A_2415 {dimension_numbers = #tpu.dot_dimension_numbers<[1], [0], [0], [1], [0, 0, 1, 1], [], []>, transpose_lhs_hint = false} : vector<64x64xf32>, vector<64x69xf32>, vector<64x69xf32> -> vector<64x69xf32>
    %add3A_2417 = arith.addf %add3A_2407, %dot_general3A_2416 : vector<64x69xf32>
    %slice3A_2418 = vector.extract_strided_slice %slice3A_1026 {offsets = [12, 0, 0], sizes = [1, 64, 64], strides = [1, 1, 1]} : vector<20x64x64xf32> to vector<1x64x64xf32>
    %squeeze3A_2419 = vector.shape_cast %slice3A_2418 : vector<1x64x64xf32> to vector<64x64xf32>
    %get3A_2420 = arith.constant 12 : index
    %get3A_2421 = arith.constant 0 : index
    %get3A_2422 = arith.constant 0 : index
    %get3A_2423 = vector.load %arg13[%get3A_2420, %get3A_2421, %get3A_2422] : memref<20x128x69xf32, #tpu.memory_space<vmem>>, vector<1x64x69xf32>
    %get3A_2424 = vector.shape_cast %get3A_2423 : vector<1x64x69xf32> to vector<64x69xf32>
    %dot_general3A_2425 = arith.constant dense<0.000000e+00> : vector<64x69xf32>
    %dot_general3A_2426 = tpu.matmul %squeeze3A_2419, %get3A_2424, %dot_general3A_2425 {dimension_numbers = #tpu.dot_dimension_numbers<[1], [0], [0], [1], [0, 0, 1, 1], [], []>, transpose_lhs_hint = false} : vector<64x64xf32>, vector<64x69xf32>, vector<64x69xf32> -> vector<64x69xf32>
    %add3A_2427 = arith.addf %add3A_2397, %dot_general3A_2426 : vector<64x69xf32>
    %slice3A_2428 = vector.extract_strided_slice %reshape3A_1897 {offsets = [12, 0, 0], sizes = [1, 64, 64], strides = [1, 1, 1]} : vector<20x64x64xf32> to vector<1x64x64xf32>
    %squeeze3A_2429 = vector.shape_cast %slice3A_2428 : vector<1x64x64xf32> to vector<64x64xf32>
    %get3A_2430 = arith.constant 12 : index
    %get3A_2431 = arith.constant 64 : index
    %get3A_2432 = arith.constant 0 : index
    %get3A_2433 = vector.load %arg13[%get3A_2430, %get3A_2431, %get3A_2432] : memref<20x128x69xf32, #tpu.memory_space<vmem>>, vector<1x64x69xf32>
    %get3A_2434 = vector.shape_cast %get3A_2433 : vector<1x64x69xf32> to vector<64x69xf32>
    %dot_general3A_2435 = arith.constant dense<0.000000e+00> : vector<64x69xf32>
    %dot_general3A_2436 = tpu.matmul %squeeze3A_2429, %get3A_2434, %dot_general3A_2435 {dimension_numbers = #tpu.dot_dimension_numbers<[1], [0], [0], [1], [0, 0, 1, 1], [], []>, transpose_lhs_hint = false} : vector<64x64xf32>, vector<64x69xf32>, vector<64x69xf32> -> vector<64x69xf32>
    %add3A_2437 = arith.addf %add3A_2427, %dot_general3A_2436 : vector<64x69xf32>
    %slice3A_2438 = vector.extract_strided_slice %slice3A {offsets = [13, 0, 0], sizes = [1, 64, 64], strides = [1, 1, 1]} : vector<20x64x64xf32> to vector<1x64x64xf32>
    %squeeze3A_2439 = vector.shape_cast %slice3A_2438 : vector<1x64x64xf32> to vector<64x64xf32>
    %get3A_2440 = arith.constant 13 : index
    %get3A_2441 = arith.constant 0 : index
    %get3A_2442 = arith.constant 0 : index
    %get3A_2443 = vector.load %arg13[%get3A_2440, %get3A_2441, %get3A_2442] : memref<20x128x69xf32, #tpu.memory_space<vmem>>, vector<1x64x69xf32>
    %get3A_2444 = vector.shape_cast %get3A_2443 : vector<1x64x69xf32> to vector<64x69xf32>
    %dot_general3A_2445 = arith.constant dense<0.000000e+00> : vector<64x69xf32>
    %dot_general3A_2446 = tpu.matmul %squeeze3A_2439, %get3A_2444, %dot_general3A_2445 {dimension_numbers = #tpu.dot_dimension_numbers<[1], [0], [0], [1], [0, 0, 1, 1], [], []>, transpose_lhs_hint = false} : vector<64x64xf32>, vector<64x69xf32>, vector<64x69xf32> -> vector<64x69xf32>
    %add3A_2447 = arith.addf %add3A_2417, %dot_general3A_2446 : vector<64x69xf32>
    %slice3A_2448 = vector.extract_strided_slice %reshape3A_1846 {offsets = [13, 0, 0], sizes = [1, 64, 64], strides = [1, 1, 1]} : vector<20x64x64xf32> to vector<1x64x64xf32>
    %squeeze3A_2449 = vector.shape_cast %slice3A_2448 : vector<1x64x64xf32> to vector<64x64xf32>
    %get3A_2450 = arith.constant 13 : index
    %get3A_2451 = arith.constant 64 : index
    %get3A_2452 = arith.constant 0 : index
    %get3A_2453 = vector.load %arg13[%get3A_2450, %get3A_2451, %get3A_2452] : memref<20x128x69xf32, #tpu.memory_space<vmem>>, vector<1x64x69xf32>
    %get3A_2454 = vector.shape_cast %get3A_2453 : vector<1x64x69xf32> to vector<64x69xf32>
    %dot_general3A_2455 = arith.constant dense<0.000000e+00> : vector<64x69xf32>
    %dot_general3A_2456 = tpu.matmul %squeeze3A_2449, %get3A_2454, %dot_general3A_2455 {dimension_numbers = #tpu.dot_dimension_numbers<[1], [0], [0], [1], [0, 0, 1, 1], [], []>, transpose_lhs_hint = false} : vector<64x64xf32>, vector<64x69xf32>, vector<64x69xf32> -> vector<64x69xf32>
    %add3A_2457 = arith.addf %add3A_2447, %dot_general3A_2456 : vector<64x69xf32>
    %slice3A_2458 = vector.extract_strided_slice %slice3A_1026 {offsets = [13, 0, 0], sizes = [1, 64, 64], strides = [1, 1, 1]} : vector<20x64x64xf32> to vector<1x64x64xf32>
    %squeeze3A_2459 = vector.shape_cast %slice3A_2458 : vector<1x64x64xf32> to vector<64x64xf32>
    %get3A_2460 = arith.constant 13 : index
    %get3A_2461 = arith.constant 0 : index
    %get3A_2462 = arith.constant 0 : index
    %get3A_2463 = vector.load %arg13[%get3A_2460, %get3A_2461, %get3A_2462] : memref<20x128x69xf32, #tpu.memory_space<vmem>>, vector<1x64x69xf32>
    %get3A_2464 = vector.shape_cast %get3A_2463 : vector<1x64x69xf32> to vector<64x69xf32>
    %dot_general3A_2465 = arith.constant dense<0.000000e+00> : vector<64x69xf32>
    %dot_general3A_2466 = tpu.matmul %squeeze3A_2459, %get3A_2464, %dot_general3A_2465 {dimension_numbers = #tpu.dot_dimension_numbers<[1], [0], [0], [1], [0, 0, 1, 1], [], []>, transpose_lhs_hint = false} : vector<64x64xf32>, vector<64x69xf32>, vector<64x69xf32> -> vector<64x69xf32>
    %add3A_2467 = arith.addf %add3A_2437, %dot_general3A_2466 : vector<64x69xf32>
    %slice3A_2468 = vector.extract_strided_slice %reshape3A_1897 {offsets = [13, 0, 0], sizes = [1, 64, 64], strides = [1, 1, 1]} : vector<20x64x64xf32> to vector<1x64x64xf32>
    %squeeze3A_2469 = vector.shape_cast %slice3A_2468 : vector<1x64x64xf32> to vector<64x64xf32>
    %get3A_2470 = arith.constant 13 : index
    %get3A_2471 = arith.constant 64 : index
    %get3A_2472 = arith.constant 0 : index
    %get3A_2473 = vector.load %arg13[%get3A_2470, %get3A_2471, %get3A_2472] : memref<20x128x69xf32, #tpu.memory_space<vmem>>, vector<1x64x69xf32>
    %get3A_2474 = vector.shape_cast %get3A_2473 : vector<1x64x69xf32> to vector<64x69xf32>
    %dot_general3A_2475 = arith.constant dense<0.000000e+00> : vector<64x69xf32>
    %dot_general3A_2476 = tpu.matmul %squeeze3A_2469, %get3A_2474, %dot_general3A_2475 {dimension_numbers = #tpu.dot_dimension_numbers<[1], [0], [0], [1], [0, 0, 1, 1], [], []>, transpose_lhs_hint = false} : vector<64x64xf32>, vector<64x69xf32>, vector<64x69xf32> -> vector<64x69xf32>
    %add3A_2477 = arith.addf %add3A_2467, %dot_general3A_2476 : vector<64x69xf32>
    %slice3A_2478 = vector.extract_strided_slice %slice3A {offsets = [14, 0, 0], sizes = [1, 64, 64], strides = [1, 1, 1]} : vector<20x64x64xf32> to vector<1x64x64xf32>
    %squeeze3A_2479 = vector.shape_cast %slice3A_2478 : vector<1x64x64xf32> to vector<64x64xf32>
    %get3A_2480 = arith.constant 14 : index
    %get3A_2481 = arith.constant 0 : index
    %get3A_2482 = arith.constant 0 : index
    %get3A_2483 = vector.load %arg13[%get3A_2480, %get3A_2481, %get3A_2482] : memref<20x128x69xf32, #tpu.memory_space<vmem>>, vector<1x64x69xf32>
    %get3A_2484 = vector.shape_cast %get3A_2483 : vector<1x64x69xf32> to vector<64x69xf32>
    %dot_general3A_2485 = arith.constant dense<0.000000e+00> : vector<64x69xf32>
    %dot_general3A_2486 = tpu.matmul %squeeze3A_2479, %get3A_2484, %dot_general3A_2485 {dimension_numbers = #tpu.dot_dimension_numbers<[1], [0], [0], [1], [0, 0, 1, 1], [], []>, transpose_lhs_hint = false} : vector<64x64xf32>, vector<64x69xf32>, vector<64x69xf32> -> vector<64x69xf32>
    %add3A_2487 = arith.addf %add3A_2457, %dot_general3A_2486 : vector<64x69xf32>
    %slice3A_2488 = vector.extract_strided_slice %reshape3A_1846 {offsets = [14, 0, 0], sizes = [1, 64, 64], strides = [1, 1, 1]} : vector<20x64x64xf32> to vector<1x64x64xf32>
    %squeeze3A_2489 = vector.shape_cast %slice3A_2488 : vector<1x64x64xf32> to vector<64x64xf32>
    %get3A_2490 = arith.constant 14 : index
    %get3A_2491 = arith.constant 64 : index
    %get3A_2492 = arith.constant 0 : index
    %get3A_2493 = vector.load %arg13[%get3A_2490, %get3A_2491, %get3A_2492] : memref<20x128x69xf32, #tpu.memory_space<vmem>>, vector<1x64x69xf32>
    %get3A_2494 = vector.shape_cast %get3A_2493 : vector<1x64x69xf32> to vector<64x69xf32>
    %dot_general3A_2495 = arith.constant dense<0.000000e+00> : vector<64x69xf32>
    %dot_general3A_2496 = tpu.matmul %squeeze3A_2489, %get3A_2494, %dot_general3A_2495 {dimension_numbers = #tpu.dot_dimension_numbers<[1], [0], [0], [1], [0, 0, 1, 1], [], []>, transpose_lhs_hint = false} : vector<64x64xf32>, vector<64x69xf32>, vector<64x69xf32> -> vector<64x69xf32>
    %add3A_2497 = arith.addf %add3A_2487, %dot_general3A_2496 : vector<64x69xf32>
    %slice3A_2498 = vector.extract_strided_slice %slice3A_1026 {offsets = [14, 0, 0], sizes = [1, 64, 64], strides = [1, 1, 1]} : vector<20x64x64xf32> to vector<1x64x64xf32>
    %squeeze3A_2499 = vector.shape_cast %slice3A_2498 : vector<1x64x64xf32> to vector<64x64xf32>
    %get3A_2500 = arith.constant 14 : index
    %get3A_2501 = arith.constant 0 : index
    %get3A_2502 = arith.constant 0 : index
    %get3A_2503 = vector.load %arg13[%get3A_2500, %get3A_2501, %get3A_2502] : memref<20x128x69xf32, #tpu.memory_space<vmem>>, vector<1x64x69xf32>
    %get3A_2504 = vector.shape_cast %get3A_2503 : vector<1x64x69xf32> to vector<64x69xf32>
    %dot_general3A_2505 = arith.constant dense<0.000000e+00> : vector<64x69xf32>
    %dot_general3A_2506 = tpu.matmul %squeeze3A_2499, %get3A_2504, %dot_general3A_2505 {dimension_numbers = #tpu.dot_dimension_numbers<[1], [0], [0], [1], [0, 0, 1, 1], [], []>, transpose_lhs_hint = false} : vector<64x64xf32>, vector<64x69xf32>, vector<64x69xf32> -> vector<64x69xf32>
    %add3A_2507 = arith.addf %add3A_2477, %dot_general3A_2506 : vector<64x69xf32>
    %slice3A_2508 = vector.extract_strided_slice %reshape3A_1897 {offsets = [14, 0, 0], sizes = [1, 64, 64], strides = [1, 1, 1]} : vector<20x64x64xf32> to vector<1x64x64xf32>
    %squeeze3A_2509 = vector.shape_cast %slice3A_2508 : vector<1x64x64xf32> to vector<64x64xf32>
    %get3A_2510 = arith.constant 14 : index
    %get3A_2511 = arith.constant 64 : index
    %get3A_2512 = arith.constant 0 : index
    %get3A_2513 = vector.load %arg13[%get3A_2510, %get3A_2511, %get3A_2512] : memref<20x128x69xf32, #tpu.memory_space<vmem>>, vector<1x64x69xf32>
    %get3A_2514 = vector.shape_cast %get3A_2513 : vector<1x64x69xf32> to vector<64x69xf32>
    %dot_general3A_2515 = arith.constant dense<0.000000e+00> : vector<64x69xf32>
    %dot_general3A_2516 = tpu.matmul %squeeze3A_2509, %get3A_2514, %dot_general3A_2515 {dimension_numbers = #tpu.dot_dimension_numbers<[1], [0], [0], [1], [0, 0, 1, 1], [], []>, transpose_lhs_hint = false} : vector<64x64xf32>, vector<64x69xf32>, vector<64x69xf32> -> vector<64x69xf32>
    %add3A_2517 = arith.addf %add3A_2507, %dot_general3A_2516 : vector<64x69xf32>
    %slice3A_2518 = vector.extract_strided_slice %slice3A {offsets = [15, 0, 0], sizes = [1, 64, 64], strides = [1, 1, 1]} : vector<20x64x64xf32> to vector<1x64x64xf32>
    %squeeze3A_2519 = vector.shape_cast %slice3A_2518 : vector<1x64x64xf32> to vector<64x64xf32>
    %get3A_2520 = arith.constant 15 : index
    %get3A_2521 = arith.constant 0 : index
    %get3A_2522 = arith.constant 0 : index
    %get3A_2523 = vector.load %arg13[%get3A_2520, %get3A_2521, %get3A_2522] : memref<20x128x69xf32, #tpu.memory_space<vmem>>, vector<1x64x69xf32>
    %get3A_2524 = vector.shape_cast %get3A_2523 : vector<1x64x69xf32> to vector<64x69xf32>
    %dot_general3A_2525 = arith.constant dense<0.000000e+00> : vector<64x69xf32>
    %dot_general3A_2526 = tpu.matmul %squeeze3A_2519, %get3A_2524, %dot_general3A_2525 {dimension_numbers = #tpu.dot_dimension_numbers<[1], [0], [0], [1], [0, 0, 1, 1], [], []>, transpose_lhs_hint = false} : vector<64x64xf32>, vector<64x69xf32>, vector<64x69xf32> -> vector<64x69xf32>
    %add3A_2527 = arith.addf %add3A_2497, %dot_general3A_2526 : vector<64x69xf32>
    %slice3A_2528 = vector.extract_strided_slice %reshape3A_1846 {offsets = [15, 0, 0], sizes = [1, 64, 64], strides = [1, 1, 1]} : vector<20x64x64xf32> to vector<1x64x64xf32>
    %squeeze3A_2529 = vector.shape_cast %slice3A_2528 : vector<1x64x64xf32> to vector<64x64xf32>
    %get3A_2530 = arith.constant 15 : index
    %get3A_2531 = arith.constant 64 : index
    %get3A_2532 = arith.constant 0 : index
    %get3A_2533 = vector.load %arg13[%get3A_2530, %get3A_2531, %get3A_2532] : memref<20x128x69xf32, #tpu.memory_space<vmem>>, vector<1x64x69xf32>
    %get3A_2534 = vector.shape_cast %get3A_2533 : vector<1x64x69xf32> to vector<64x69xf32>
    %dot_general3A_2535 = arith.constant dense<0.000000e+00> : vector<64x69xf32>
    %dot_general3A_2536 = tpu.matmul %squeeze3A_2529, %get3A_2534, %dot_general3A_2535 {dimension_numbers = #tpu.dot_dimension_numbers<[1], [0], [0], [1], [0, 0, 1, 1], [], []>, transpose_lhs_hint = false} : vector<64x64xf32>, vector<64x69xf32>, vector<64x69xf32> -> vector<64x69xf32>
    %add3A_2537 = arith.addf %add3A_2527, %dot_general3A_2536 : vector<64x69xf32>
    %slice3A_2538 = vector.extract_strided_slice %slice3A_1026 {offsets = [15, 0, 0], sizes = [1, 64, 64], strides = [1, 1, 1]} : vector<20x64x64xf32> to vector<1x64x64xf32>
    %squeeze3A_2539 = vector.shape_cast %slice3A_2538 : vector<1x64x64xf32> to vector<64x64xf32>
    %get3A_2540 = arith.constant 15 : index
    %get3A_2541 = arith.constant 0 : index
    %get3A_2542 = arith.constant 0 : index
    %get3A_2543 = vector.load %arg13[%get3A_2540, %get3A_2541, %get3A_2542] : memref<20x128x69xf32, #tpu.memory_space<vmem>>, vector<1x64x69xf32>
    %get3A_2544 = vector.shape_cast %get3A_2543 : vector<1x64x69xf32> to vector<64x69xf32>
    %dot_general3A_2545 = arith.constant dense<0.000000e+00> : vector<64x69xf32>
    %dot_general3A_2546 = tpu.matmul %squeeze3A_2539, %get3A_2544, %dot_general3A_2545 {dimension_numbers = #tpu.dot_dimension_numbers<[1], [0], [0], [1], [0, 0, 1, 1], [], []>, transpose_lhs_hint = false} : vector<64x64xf32>, vector<64x69xf32>, vector<64x69xf32> -> vector<64x69xf32>
    %add3A_2547 = arith.addf %add3A_2517, %dot_general3A_2546 : vector<64x69xf32>
    %slice3A_2548 = vector.extract_strided_slice %reshape3A_1897 {offsets = [15, 0, 0], sizes = [1, 64, 64], strides = [1, 1, 1]} : vector<20x64x64xf32> to vector<1x64x64xf32>
    %squeeze3A_2549 = vector.shape_cast %slice3A_2548 : vector<1x64x64xf32> to vector<64x64xf32>
    %get3A_2550 = arith.constant 15 : index
    %get3A_2551 = arith.constant 64 : index
    %get3A_2552 = arith.constant 0 : index
    %get3A_2553 = vector.load %arg13[%get3A_2550, %get3A_2551, %get3A_2552] : memref<20x128x69xf32, #tpu.memory_space<vmem>>, vector<1x64x69xf32>
    %get3A_2554 = vector.shape_cast %get3A_2553 : vector<1x64x69xf32> to vector<64x69xf32>
    %dot_general3A_2555 = arith.constant dense<0.000000e+00> : vector<64x69xf32>
    %dot_general3A_2556 = tpu.matmul %squeeze3A_2549, %get3A_2554, %dot_general3A_2555 {dimension_numbers = #tpu.dot_dimension_numbers<[1], [0], [0], [1], [0, 0, 1, 1], [], []>, transpose_lhs_hint = false} : vector<64x64xf32>, vector<64x69xf32>, vector<64x69xf32> -> vector<64x69xf32>
    %add3A_2557 = arith.addf %add3A_2547, %dot_general3A_2556 : vector<64x69xf32>
    %slice3A_2558 = vector.extract_strided_slice %slice3A {offsets = [16, 0, 0], sizes = [1, 64, 64], strides = [1, 1, 1]} : vector<20x64x64xf32> to vector<1x64x64xf32>
    %squeeze3A_2559 = vector.shape_cast %slice3A_2558 : vector<1x64x64xf32> to vector<64x64xf32>
    %get3A_2560 = arith.constant 16 : index
    %get3A_2561 = arith.constant 0 : index
    %get3A_2562 = arith.constant 0 : index
    %get3A_2563 = vector.load %arg13[%get3A_2560, %get3A_2561, %get3A_2562] : memref<20x128x69xf32, #tpu.memory_space<vmem>>, vector<1x64x69xf32>
    %get3A_2564 = vector.shape_cast %get3A_2563 : vector<1x64x69xf32> to vector<64x69xf32>
    %dot_general3A_2565 = arith.constant dense<0.000000e+00> : vector<64x69xf32>
    %dot_general3A_2566 = tpu.matmul %squeeze3A_2559, %get3A_2564, %dot_general3A_2565 {dimension_numbers = #tpu.dot_dimension_numbers<[1], [0], [0], [1], [0, 0, 1, 1], [], []>, transpose_lhs_hint = false} : vector<64x64xf32>, vector<64x69xf32>, vector<64x69xf32> -> vector<64x69xf32>
    %add3A_2567 = arith.addf %add3A_2537, %dot_general3A_2566 : vector<64x69xf32>
    %slice3A_2568 = vector.extract_strided_slice %reshape3A_1846 {offsets = [16, 0, 0], sizes = [1, 64, 64], strides = [1, 1, 1]} : vector<20x64x64xf32> to vector<1x64x64xf32>
    %squeeze3A_2569 = vector.shape_cast %slice3A_2568 : vector<1x64x64xf32> to vector<64x64xf32>
    %get3A_2570 = arith.constant 16 : index
    %get3A_2571 = arith.constant 64 : index
    %get3A_2572 = arith.constant 0 : index
    %get3A_2573 = vector.load %arg13[%get3A_2570, %get3A_2571, %get3A_2572] : memref<20x128x69xf32, #tpu.memory_space<vmem>>, vector<1x64x69xf32>
    %get3A_2574 = vector.shape_cast %get3A_2573 : vector<1x64x69xf32> to vector<64x69xf32>
    %dot_general3A_2575 = arith.constant dense<0.000000e+00> : vector<64x69xf32>
    %dot_general3A_2576 = tpu.matmul %squeeze3A_2569, %get3A_2574, %dot_general3A_2575 {dimension_numbers = #tpu.dot_dimension_numbers<[1], [0], [0], [1], [0, 0, 1, 1], [], []>, transpose_lhs_hint = false} : vector<64x64xf32>, vector<64x69xf32>, vector<64x69xf32> -> vector<64x69xf32>
    %add3A_2577 = arith.addf %add3A_2567, %dot_general3A_2576 : vector<64x69xf32>
    %slice3A_2578 = vector.extract_strided_slice %slice3A_1026 {offsets = [16, 0, 0], sizes = [1, 64, 64], strides = [1, 1, 1]} : vector<20x64x64xf32> to vector<1x64x64xf32>
    %squeeze3A_2579 = vector.shape_cast %slice3A_2578 : vector<1x64x64xf32> to vector<64x64xf32>
    %get3A_2580 = arith.constant 16 : index
    %get3A_2581 = arith.constant 0 : index
    %get3A_2582 = arith.constant 0 : index
    %get3A_2583 = vector.load %arg13[%get3A_2580, %get3A_2581, %get3A_2582] : memref<20x128x69xf32, #tpu.memory_space<vmem>>, vector<1x64x69xf32>
    %get3A_2584 = vector.shape_cast %get3A_2583 : vector<1x64x69xf32> to vector<64x69xf32>
    %dot_general3A_2585 = arith.constant dense<0.000000e+00> : vector<64x69xf32>
    %dot_general3A_2586 = tpu.matmul %squeeze3A_2579, %get3A_2584, %dot_general3A_2585 {dimension_numbers = #tpu.dot_dimension_numbers<[1], [0], [0], [1], [0, 0, 1, 1], [], []>, transpose_lhs_hint = false} : vector<64x64xf32>, vector<64x69xf32>, vector<64x69xf32> -> vector<64x69xf32>
    %add3A_2587 = arith.addf %add3A_2557, %dot_general3A_2586 : vector<64x69xf32>
    %slice3A_2588 = vector.extract_strided_slice %reshape3A_1897 {offsets = [16, 0, 0], sizes = [1, 64, 64], strides = [1, 1, 1]} : vector<20x64x64xf32> to vector<1x64x64xf32>
    %squeeze3A_2589 = vector.shape_cast %slice3A_2588 : vector<1x64x64xf32> to vector<64x64xf32>
    %get3A_2590 = arith.constant 16 : index
    %get3A_2591 = arith.constant 64 : index
    %get3A_2592 = arith.constant 0 : index
    %get3A_2593 = vector.load %arg13[%get3A_2590, %get3A_2591, %get3A_2592] : memref<20x128x69xf32, #tpu.memory_space<vmem>>, vector<1x64x69xf32>
    %get3A_2594 = vector.shape_cast %get3A_2593 : vector<1x64x69xf32> to vector<64x69xf32>
    %dot_general3A_2595 = arith.constant dense<0.000000e+00> : vector<64x69xf32>
    %dot_general3A_2596 = tpu.matmul %squeeze3A_2589, %get3A_2594, %dot_general3A_2595 {dimension_numbers = #tpu.dot_dimension_numbers<[1], [0], [0], [1], [0, 0, 1, 1], [], []>, transpose_lhs_hint = false} : vector<64x64xf32>, vector<64x69xf32>, vector<64x69xf32> -> vector<64x69xf32>
    %add3A_2597 = arith.addf %add3A_2587, %dot_general3A_2596 : vector<64x69xf32>
    %slice3A_2598 = vector.extract_strided_slice %slice3A {offsets = [17, 0, 0], sizes = [1, 64, 64], strides = [1, 1, 1]} : vector<20x64x64xf32> to vector<1x64x64xf32>
    %squeeze3A_2599 = vector.shape_cast %slice3A_2598 : vector<1x64x64xf32> to vector<64x64xf32>
    %get3A_2600 = arith.constant 17 : index
    %get3A_2601 = arith.constant 0 : index
    %get3A_2602 = arith.constant 0 : index
    %get3A_2603 = vector.load %arg13[%get3A_2600, %get3A_2601, %get3A_2602] : memref<20x128x69xf32, #tpu.memory_space<vmem>>, vector<1x64x69xf32>
    %get3A_2604 = vector.shape_cast %get3A_2603 : vector<1x64x69xf32> to vector<64x69xf32>
    %dot_general3A_2605 = arith.constant dense<0.000000e+00> : vector<64x69xf32>
    %dot_general3A_2606 = tpu.matmul %squeeze3A_2599, %get3A_2604, %dot_general3A_2605 {dimension_numbers = #tpu.dot_dimension_numbers<[1], [0], [0], [1], [0, 0, 1, 1], [], []>, transpose_lhs_hint = false} : vector<64x64xf32>, vector<64x69xf32>, vector<64x69xf32> -> vector<64x69xf32>
    %add3A_2607 = arith.addf %add3A_2577, %dot_general3A_2606 : vector<64x69xf32>
    %slice3A_2608 = vector.extract_strided_slice %reshape3A_1846 {offsets = [17, 0, 0], sizes = [1, 64, 64], strides = [1, 1, 1]} : vector<20x64x64xf32> to vector<1x64x64xf32>
    %squeeze3A_2609 = vector.shape_cast %slice3A_2608 : vector<1x64x64xf32> to vector<64x64xf32>
    %get3A_2610 = arith.constant 17 : index
    %get3A_2611 = arith.constant 64 : index
    %get3A_2612 = arith.constant 0 : index
    %get3A_2613 = vector.load %arg13[%get3A_2610, %get3A_2611, %get3A_2612] : memref<20x128x69xf32, #tpu.memory_space<vmem>>, vector<1x64x69xf32>
    %get3A_2614 = vector.shape_cast %get3A_2613 : vector<1x64x69xf32> to vector<64x69xf32>
    %dot_general3A_2615 = arith.constant dense<0.000000e+00> : vector<64x69xf32>
    %dot_general3A_2616 = tpu.matmul %squeeze3A_2609, %get3A_2614, %dot_general3A_2615 {dimension_numbers = #tpu.dot_dimension_numbers<[1], [0], [0], [1], [0, 0, 1, 1], [], []>, transpose_lhs_hint = false} : vector<64x64xf32>, vector<64x69xf32>, vector<64x69xf32> -> vector<64x69xf32>
    %add3A_2617 = arith.addf %add3A_2607, %dot_general3A_2616 : vector<64x69xf32>
    %slice3A_2618 = vector.extract_strided_slice %slice3A_1026 {offsets = [17, 0, 0], sizes = [1, 64, 64], strides = [1, 1, 1]} : vector<20x64x64xf32> to vector<1x64x64xf32>
    %squeeze3A_2619 = vector.shape_cast %slice3A_2618 : vector<1x64x64xf32> to vector<64x64xf32>
    %get3A_2620 = arith.constant 17 : index
    %get3A_2621 = arith.constant 0 : index
    %get3A_2622 = arith.constant 0 : index
    %get3A_2623 = vector.load %arg13[%get3A_2620, %get3A_2621, %get3A_2622] : memref<20x128x69xf32, #tpu.memory_space<vmem>>, vector<1x64x69xf32>
    %get3A_2624 = vector.shape_cast %get3A_2623 : vector<1x64x69xf32> to vector<64x69xf32>
    %dot_general3A_2625 = arith.constant dense<0.000000e+00> : vector<64x69xf32>
    %dot_general3A_2626 = tpu.matmul %squeeze3A_2619, %get3A_2624, %dot_general3A_2625 {dimension_numbers = #tpu.dot_dimension_numbers<[1], [0], [0], [1], [0, 0, 1, 1], [], []>, transpose_lhs_hint = false} : vector<64x64xf32>, vector<64x69xf32>, vector<64x69xf32> -> vector<64x69xf32>
    %add3A_2627 = arith.addf %add3A_2597, %dot_general3A_2626 : vector<64x69xf32>
    %slice3A_2628 = vector.extract_strided_slice %reshape3A_1897 {offsets = [17, 0, 0], sizes = [1, 64, 64], strides = [1, 1, 1]} : vector<20x64x64xf32> to vector<1x64x64xf32>
    %squeeze3A_2629 = vector.shape_cast %slice3A_2628 : vector<1x64x64xf32> to vector<64x64xf32>
    %get3A_2630 = arith.constant 17 : index
    %get3A_2631 = arith.constant 64 : index
    %get3A_2632 = arith.constant 0 : index
    %get3A_2633 = vector.load %arg13[%get3A_2630, %get3A_2631, %get3A_2632] : memref<20x128x69xf32, #tpu.memory_space<vmem>>, vector<1x64x69xf32>
    %get3A_2634 = vector.shape_cast %get3A_2633 : vector<1x64x69xf32> to vector<64x69xf32>
    %dot_general3A_2635 = arith.constant dense<0.000000e+00> : vector<64x69xf32>
    %dot_general3A_2636 = tpu.matmul %squeeze3A_2629, %get3A_2634, %dot_general3A_2635 {dimension_numbers = #tpu.dot_dimension_numbers<[1], [0], [0], [1], [0, 0, 1, 1], [], []>, transpose_lhs_hint = false} : vector<64x64xf32>, vector<64x69xf32>, vector<64x69xf32> -> vector<64x69xf32>
    %add3A_2637 = arith.addf %add3A_2627, %dot_general3A_2636 : vector<64x69xf32>
    %slice3A_2638 = vector.extract_strided_slice %slice3A {offsets = [18, 0, 0], sizes = [1, 64, 64], strides = [1, 1, 1]} : vector<20x64x64xf32> to vector<1x64x64xf32>
    %squeeze3A_2639 = vector.shape_cast %slice3A_2638 : vector<1x64x64xf32> to vector<64x64xf32>
    %get3A_2640 = arith.constant 18 : index
    %get3A_2641 = arith.constant 0 : index
    %get3A_2642 = arith.constant 0 : index
    %get3A_2643 = vector.load %arg13[%get3A_2640, %get3A_2641, %get3A_2642] : memref<20x128x69xf32, #tpu.memory_space<vmem>>, vector<1x64x69xf32>
    %get3A_2644 = vector.shape_cast %get3A_2643 : vector<1x64x69xf32> to vector<64x69xf32>
    %dot_general3A_2645 = arith.constant dense<0.000000e+00> : vector<64x69xf32>
    %dot_general3A_2646 = tpu.matmul %squeeze3A_2639, %get3A_2644, %dot_general3A_2645 {dimension_numbers = #tpu.dot_dimension_numbers<[1], [0], [0], [1], [0, 0, 1, 1], [], []>, transpose_lhs_hint = false} : vector<64x64xf32>, vector<64x69xf32>, vector<64x69xf32> -> vector<64x69xf32>
    %add3A_2647 = arith.addf %add3A_2617, %dot_general3A_2646 : vector<64x69xf32>
    %slice3A_2648 = vector.extract_strided_slice %reshape3A_1846 {offsets = [18, 0, 0], sizes = [1, 64, 64], strides = [1, 1, 1]} : vector<20x64x64xf32> to vector<1x64x64xf32>
    %squeeze3A_2649 = vector.shape_cast %slice3A_2648 : vector<1x64x64xf32> to vector<64x64xf32>
    %get3A_2650 = arith.constant 18 : index
    %get3A_2651 = arith.constant 64 : index
    %get3A_2652 = arith.constant 0 : index
    %get3A_2653 = vector.load %arg13[%get3A_2650, %get3A_2651, %get3A_2652] : memref<20x128x69xf32, #tpu.memory_space<vmem>>, vector<1x64x69xf32>
    %get3A_2654 = vector.shape_cast %get3A_2653 : vector<1x64x69xf32> to vector<64x69xf32>
    %dot_general3A_2655 = arith.constant dense<0.000000e+00> : vector<64x69xf32>
    %dot_general3A_2656 = tpu.matmul %squeeze3A_2649, %get3A_2654, %dot_general3A_2655 {dimension_numbers = #tpu.dot_dimension_numbers<[1], [0], [0], [1], [0, 0, 1, 1], [], []>, transpose_lhs_hint = false} : vector<64x64xf32>, vector<64x69xf32>, vector<64x69xf32> -> vector<64x69xf32>
    %add3A_2657 = arith.addf %add3A_2647, %dot_general3A_2656 : vector<64x69xf32>
    %slice3A_2658 = vector.extract_strided_slice %slice3A_1026 {offsets = [18, 0, 0], sizes = [1, 64, 64], strides = [1, 1, 1]} : vector<20x64x64xf32> to vector<1x64x64xf32>
    %squeeze3A_2659 = vector.shape_cast %slice3A_2658 : vector<1x64x64xf32> to vector<64x64xf32>
    %get3A_2660 = arith.constant 18 : index
    %get3A_2661 = arith.constant 0 : index
    %get3A_2662 = arith.constant 0 : index
    %get3A_2663 = vector.load %arg13[%get3A_2660, %get3A_2661, %get3A_2662] : memref<20x128x69xf32, #tpu.memory_space<vmem>>, vector<1x64x69xf32>
    %get3A_2664 = vector.shape_cast %get3A_2663 : vector<1x64x69xf32> to vector<64x69xf32>
    %dot_general3A_2665 = arith.constant dense<0.000000e+00> : vector<64x69xf32>
    %dot_general3A_2666 = tpu.matmul %squeeze3A_2659, %get3A_2664, %dot_general3A_2665 {dimension_numbers = #tpu.dot_dimension_numbers<[1], [0], [0], [1], [0, 0, 1, 1], [], []>, transpose_lhs_hint = false} : vector<64x64xf32>, vector<64x69xf32>, vector<64x69xf32> -> vector<64x69xf32>
    %add3A_2667 = arith.addf %add3A_2637, %dot_general3A_2666 : vector<64x69xf32>
    %slice3A_2668 = vector.extract_strided_slice %reshape3A_1897 {offsets = [18, 0, 0], sizes = [1, 64, 64], strides = [1, 1, 1]} : vector<20x64x64xf32> to vector<1x64x64xf32>
    %squeeze3A_2669 = vector.shape_cast %slice3A_2668 : vector<1x64x64xf32> to vector<64x64xf32>
    %get3A_2670 = arith.constant 18 : index
    %get3A_2671 = arith.constant 64 : index
    %get3A_2672 = arith.constant 0 : index
    %get3A_2673 = vector.load %arg13[%get3A_2670, %get3A_2671, %get3A_2672] : memref<20x128x69xf32, #tpu.memory_space<vmem>>, vector<1x64x69xf32>
    %get3A_2674 = vector.shape_cast %get3A_2673 : vector<1x64x69xf32> to vector<64x69xf32>
    %dot_general3A_2675 = arith.constant dense<0.000000e+00> : vector<64x69xf32>
    %dot_general3A_2676 = tpu.matmul %squeeze3A_2669, %get3A_2674, %dot_general3A_2675 {dimension_numbers = #tpu.dot_dimension_numbers<[1], [0], [0], [1], [0, 0, 1, 1], [], []>, transpose_lhs_hint = false} : vector<64x64xf32>, vector<64x69xf32>, vector<64x69xf32> -> vector<64x69xf32>
    %add3A_2677 = arith.addf %add3A_2667, %dot_general3A_2676 : vector<64x69xf32>
    %slice3A_2678 = vector.extract_strided_slice %slice3A {offsets = [19, 0, 0], sizes = [1, 64, 64], strides = [1, 1, 1]} : vector<20x64x64xf32> to vector<1x64x64xf32>
    %squeeze3A_2679 = vector.shape_cast %slice3A_2678 : vector<1x64x64xf32> to vector<64x64xf32>
    %get3A_2680 = arith.constant 19 : index
    %get3A_2681 = arith.constant 0 : index
    %get3A_2682 = arith.constant 0 : index
    %get3A_2683 = vector.load %arg13[%get3A_2680, %get3A_2681, %get3A_2682] : memref<20x128x69xf32, #tpu.memory_space<vmem>>, vector<1x64x69xf32>
    %get3A_2684 = vector.shape_cast %get3A_2683 : vector<1x64x69xf32> to vector<64x69xf32>
    %dot_general3A_2685 = arith.constant dense<0.000000e+00> : vector<64x69xf32>
    %dot_general3A_2686 = tpu.matmul %squeeze3A_2679, %get3A_2684, %dot_general3A_2685 {dimension_numbers = #tpu.dot_dimension_numbers<[1], [0], [0], [1], [0, 0, 1, 1], [], []>, transpose_lhs_hint = false} : vector<64x64xf32>, vector<64x69xf32>, vector<64x69xf32> -> vector<64x69xf32>
    %add3A_2687 = arith.addf %add3A_2657, %dot_general3A_2686 : vector<64x69xf32>
    %slice3A_2688 = vector.extract_strided_slice %reshape3A_1846 {offsets = [19, 0, 0], sizes = [1, 64, 64], strides = [1, 1, 1]} : vector<20x64x64xf32> to vector<1x64x64xf32>
    %squeeze3A_2689 = vector.shape_cast %slice3A_2688 : vector<1x64x64xf32> to vector<64x64xf32>
    %get3A_2690 = arith.constant 19 : index
    %get3A_2691 = arith.constant 64 : index
    %get3A_2692 = arith.constant 0 : index
    %get3A_2693 = vector.load %arg13[%get3A_2690, %get3A_2691, %get3A_2692] : memref<20x128x69xf32, #tpu.memory_space<vmem>>, vector<1x64x69xf32>
    %get3A_2694 = vector.shape_cast %get3A_2693 : vector<1x64x69xf32> to vector<64x69xf32>
    %dot_general3A_2695 = arith.constant dense<0.000000e+00> : vector<64x69xf32>
    %dot_general3A_2696 = tpu.matmul %squeeze3A_2689, %get3A_2694, %dot_general3A_2695 {dimension_numbers = #tpu.dot_dimension_numbers<[1], [0], [0], [1], [0, 0, 1, 1], [], []>, transpose_lhs_hint = false} : vector<64x64xf32>, vector<64x69xf32>, vector<64x69xf32> -> vector<64x69xf32>
    %add3A_2697 = arith.addf %add3A_2687, %dot_general3A_2696 : vector<64x69xf32>
    %slice3A_2698 = vector.extract_strided_slice %slice3A_1026 {offsets = [19, 0, 0], sizes = [1, 64, 64], strides = [1, 1, 1]} : vector<20x64x64xf32> to vector<1x64x64xf32>
    %squeeze3A_2699 = vector.shape_cast %slice3A_2698 : vector<1x64x64xf32> to vector<64x64xf32>
    %get3A_2700 = arith.constant 19 : index
    %get3A_2701 = arith.constant 0 : index
    %get3A_2702 = arith.constant 0 : index
    %get3A_2703 = vector.load %arg13[%get3A_2700, %get3A_2701, %get3A_2702] : memref<20x128x69xf32, #tpu.memory_space<vmem>>, vector<1x64x69xf32>
    %get3A_2704 = vector.shape_cast %get3A_2703 : vector<1x64x69xf32> to vector<64x69xf32>
    %dot_general3A_2705 = arith.constant dense<0.000000e+00> : vector<64x69xf32>
    %dot_general3A_2706 = tpu.matmul %squeeze3A_2699, %get3A_2704, %dot_general3A_2705 {dimension_numbers = #tpu.dot_dimension_numbers<[1], [0], [0], [1], [0, 0, 1, 1], [], []>, transpose_lhs_hint = false} : vector<64x64xf32>, vector<64x69xf32>, vector<64x69xf32> -> vector<64x69xf32>
    %add3A_2707 = arith.addf %add3A_2677, %dot_general3A_2706 : vector<64x69xf32>
    %slice3A_2708 = vector.extract_strided_slice %reshape3A_1897 {offsets = [19, 0, 0], sizes = [1, 64, 64], strides = [1, 1, 1]} : vector<20x64x64xf32> to vector<1x64x64xf32>
    %squeeze3A_2709 = vector.shape_cast %slice3A_2708 : vector<1x64x64xf32> to vector<64x64xf32>
    %get3A_2710 = arith.constant 19 : index
    %get3A_2711 = arith.constant 64 : index
    %get3A_2712 = arith.constant 0 : index
    %get3A_2713 = vector.load %arg13[%get3A_2710, %get3A_2711, %get3A_2712] : memref<20x128x69xf32, #tpu.memory_space<vmem>>, vector<1x64x69xf32>
    %get3A_2714 = vector.shape_cast %get3A_2713 : vector<1x64x69xf32> to vector<64x69xf32>
    %dot_general3A_2715 = arith.constant dense<0.000000e+00> : vector<64x69xf32>
    %dot_general3A_2716 = tpu.matmul %squeeze3A_2709, %get3A_2714, %dot_general3A_2715 {dimension_numbers = #tpu.dot_dimension_numbers<[1], [0], [0], [1], [0, 0, 1, 1], [], []>, transpose_lhs_hint = false} : vector<64x64xf32>, vector<64x69xf32>, vector<64x69xf32> -> vector<64x69xf32>
    %add3A_2717 = arith.addf %add3A_2707, %dot_general3A_2716 : vector<64x69xf32>
    %slice3A_2718 = vector.extract_strided_slice %add3A_2697 {offsets = [0, 0], sizes = [64, 5], strides = [1, 1]} : vector<64x69xf32> to vector<64x5xf32>
    %swap3A = arith.constant 0 : index
    %swap3A_2719 = arith.constant 0 : index
    %swap3A_2720 = vector.load %arg16[%swap3A, %swap3A_2719] : memref<128x5xf32, #tpu.memory_space<vmem>>, vector<64x5xf32>
    tpu.vector_store %arg16[%swap3A, %swap3A_2719], %slice3A_2718 {strides = array<i32>} : memref<128x5xf32, #tpu.memory_space<vmem>>, vector<64x5xf32>,
    %slice3A_2721 = vector.extract_strided_slice %add3A_2717 {offsets = [0, 0], sizes = [64, 5], strides = [1, 1]} : vector<64x69xf32> to vector<64x5xf32>
    %swap3A_2722 = arith.constant 64 : index
    %swap3A_2723 = arith.constant 0 : index
    %swap3A_2724 = vector.load %arg16[%swap3A_2722, %swap3A_2723] : memref<128x5xf32, #tpu.memory_space<vmem>>, vector<64x5xf32>
    tpu.vector_store %arg16[%swap3A_2722, %swap3A_2723], %slice3A_2721 {strides = array<i32>} : memref<128x5xf32, #tpu.memory_space<vmem>>, vector<64x5xf32>,
    %slice3A_2725 = vector.extract_strided_slice %add3A_2697 {offsets = [0, 5], sizes = [64, 64], strides = [1, 1]} : vector<64x69xf32> to vector<64x64xf32>
    %swap3A_2726 = arith.constant 0 : index
    %swap3A_2727 = arith.constant 0 : index
    %swap3A_2728 = vector.load %arg17[%swap3A_2726, %swap3A_2727] : memref<128x64xf32, #tpu.memory_space<vmem>>, vector<64x64xf32>
    tpu.vector_store %arg17[%swap3A_2726, %swap3A_2727], %slice3A_2725 {strides = array<i32>} : memref<128x64xf32, #tpu.memory_space<vmem>>, vector<64x64xf32>,
    %slice3A_2729 = vector.extract_strided_slice %add3A_2717 {offsets = [0, 5], sizes = [64, 64], strides = [1, 1]} : vector<64x69xf32> to vector<64x64xf32>
    %swap3A_2730 = arith.constant 64 : index
    %swap3A_2731 = arith.constant 0 : index
    %swap3A_2732 = vector.load %arg17[%swap3A_2730, %swap3A_2731] : memref<128x64xf32, #tpu.memory_space<vmem>>, vector<64x64xf32>
    tpu.vector_store %arg17[%swap3A_2730, %swap3A_2731], %slice3A_2729 {strides = array<i32>} : memref<128x64xf32, #tpu.memory_space<vmem>>, vector<64x64xf32>,
    return
  }
  func.func @transform_0(%arg0: i32) -> (i32, i32, i32) {
    %c0_i32 = arith.constant 0 : i32
    %c0_i32_0 = arith.constant 0 : i32
    %c0_i32_1 = arith.constant 0 : i32
    return %c0_i32, %arg0, %c0_i32_0 : i32, i32, i32
  }
  func.func @transform_1(%arg0: i32) -> (i32, i32, i32) {
    %c0_i32 = arith.constant 0 : i32
    %c0_i32_0 = arith.constant 0 : i32
    %c0_i32_1 = arith.constant 0 : i32
    return %c0_i32, %arg0, %c0_i32_0 : i32, i32, i32
  }
  func.func @transform_3(%arg0: i32) -> (i32, i32) {
    %c0_i32 = arith.constant 0 : i32
    %c0_i32_0 = arith.constant 0 : i32
    return %arg0, %c0_i32 : i32, i32
  }
  func.func @transform_4(%arg0: i32) -> (i32, i32) {
    %c0_i32 = arith.constant 0 : i32
    %c0_i32_0 = arith.constant 0 : i32
    return %arg0, %c0_i32 : i32, i32
  }
  func.func @transform_5(%arg0: i32) -> (i32, i32) {
    %c0_i32 = arith.constant 0 : i32
    %c0_i32_0 = arith.constant 0 : i32
    %c0_i32_1 = arith.constant 0 : i32
    return %c0_i32, %c0_i32_0 : i32, i32
  }
  func.func @transform_6(%arg0: i32) -> (i32, i32) {
    %c0_i32 = arith.constant 0 : i32
    %c0_i32_0 = arith.constant 0 : i32
    %c0_i32_1 = arith.constant 0 : i32
    return %c0_i32, %c0_i32_0 : i32, i32
  }
  func.func @transform_7(%arg0: i32) -> (i32, i32) {
    %c0_i32 = arith.constant 0 : i32
    %c0_i32_0 = arith.constant 0 : i32
    %c0_i32_1 = arith.constant 0 : i32
    return %c0_i32, %c0_i32_0 : i32, i32
  }
  func.func @transform_8(%arg0: i32) -> (i32, i32) {
    %c0_i32 = arith.constant 0 : i32
    %c0_i32_0 = arith.constant 0 : i32
    %c0_i32_1 = arith.constant 0 : i32
    return %c0_i32, %c0_i32_0 : i32, i32
  }
  func.func @transform_9(%arg0: i32) -> (i32, i32) {
    %c0_i32 = arith.constant 0 : i32
    %c0_i32_0 = arith.constant 0 : i32
    %c0_i32_1 = arith.constant 0 : i32
    return %c0_i32, %c0_i32_0 : i32, i32
  }
  func.func @transform_10(%arg0: i32) -> (i32, i32) {
    %c0_i32 = arith.constant 0 : i32
    %c0_i32_0 = arith.constant 0 : i32
    %c0_i32_1 = arith.constant 0 : i32
    return %c0_i32, %c0_i32_0 : i32, i32
  }
  func.func @transform_11(%arg0: i32) -> (i32, i32) {
    %c0_i32 = arith.constant 0 : i32
    %c0_i32_0 = arith.constant 0 : i32
    %c0_i32_1 = arith.constant 0 : i32
    return %c0_i32, %c0_i32_0 : i32, i32
  }
  func.func @transform_12(%arg0: i32) -> (i32, i32, i32) {
    %c0_i32 = arith.constant 0 : i32
    %c0_i32_0 = arith.constant 0 : i32
    %c0_i32_1 = arith.constant 0 : i32
    %c0_i32_2 = arith.constant 0 : i32
    return %c0_i32, %c0_i32_0, %c0_i32_1 : i32, i32, i32
  }
  func.func @transform_13(%arg0: i32) -> (i32, i32) {
    %c0_i32 = arith.constant 0 : i32
    %c0_i32_0 = arith.constant 0 : i32
    %c0_i32_1 = arith.constant 0 : i32
    return %c0_i32, %c0_i32_0 : i32, i32
  }
  func.func @transform_14(%arg0: i32) -> (i32, i32) {
    %c0_i32 = arith.constant 0 : i32
    %c0_i32_0 = arith.constant 0 : i32
    %c0_i32_1 = arith.constant 0 : i32
    return %c0_i32, %c0_i32_0 : i32, i32
  }
  func.func @transform_15(%arg0: i32) -> (i32, i32) {
    %c0_i32 = arith.constant 0 : i32
    %c0_i32_0 = arith.constant 0 : i32
    return %arg0, %c0_i32 : i32, i32
  }
  func.func @transform_16(%arg0: i32) -> (i32, i32) {
    %c0_i32 = arith.constant 0 : i32
    %c0_i32_0 = arith.constant 0 : i32
    return %arg0, %c0_i32 : i32, i32
  }
}

</mosaic_0001>

<sc_bundles>
// kernel: kernel.5.cloned.1.call-start
scs
__scs_entry_jumppad:
0x0: {  	(pc) =	sbr.rel $0x88, $3  }
0x1: {  	(tag) =	ssettag $0x0;
	lr =	simm.s32 $0x1  }
0x2: {  	[smem:$0x3F92] =	sst lr;
	_ =	strace $0xD0000000  }
0x3: {  	_ = 	snop  }
0x4: {  	_ = 	snop  }
0x5: {  	_ = 	snop  }
0x6: {  	_ = 	snop  }
0x7: {  	_ = 	snop  }
__scs_overlays_trampoline_lowered:
0x8: {  	[smem:$0x3FA1] =	sst s0  }
0x9: {  	[smem:$0x3FA2] =	sst s1  }
0xa: {  	[smem:$0x3FA3] =	sst s2  }
0xb: {  	[smem:$0x3FA4] =	sst s3  }
0xc: {  	[smem:$0x3FA5] =	sst s4  }
0xd: {  	[smem:$0x3FA6] =	sst s5  }
0xe: {  	[smem:$0x3FA7] =	sst s6  }
0xf: {  	[smem:$0x3FA8] =	sst s7  }
0x10: {  	[smem:$0x3FA9] =	sst s8  }
0x11: {  	[smem:$0x3FAA] =	sst s9;
	s0 =	simm.s32 @!p0 $0x0  }
0x12: {  	s1 =	sld [smem:$0x3F90];
	s0 =	simm.s32 @p0 $0x1  }
0x13: {  	[smem:$0x3FAB] =	sst s0;
	s0 =	simm.s32 @!p1 $0x0  }
0x14: {  	s2 =	sld [smem:$0x3F8F];
	s0 =	simm.s32 @p1 $0x1  }
0x15: {  	[smem:$0x3FAC] =	sst s0;
	s0 =	simm.s32 @!p2 $0x0  }
0x16: {  	s3 =	sld [smem:$0x3FDB];
	s0 =	simm.s32 @p2 $0x1  }
0x17: {  	s4 =	simm.s32 $0x1BF5;
	[smem:$0x3FAE] =	sst s0  }
0x18: {  	s0 =	sld [smem:$0x3F91];
	_ =	swait.ge [sflag:s4], $0x0  }
0x19: {  	s7 =	sld [smem:$0x3F92]  }
0x1a: {  	s8 =	sadd.s32 $0xFFFFE003, lr  }
0x1b: {  	s9 =	sadd.s32 $0xFFFFFEF7, lr;
	s5 =	simm.s32 $0xFFFFFFFF;
	p2 =	slt.u32 s8, $0xFFFFF086  }
0x1c: {  	p1 =	slt.u32 s9, $0xF7A;
	s5 =	simm.s32 @!p2 $0x0  }
0x1d: {  	s5 =	simm.s32 @p1 $0x1;
	p0 =	seq.s32 s7, s2  }
0x1e: {  	s7 =	smul.u32 @!p0 $0xF7A, s2;
	p2 =	seq.s32 @!p0 s5, $0x0  }
0x1f: {  	s9 =	smul.u32 $0xF7A, s1;
	s8 =	simm.s32 @!p0 $0x1BF5;
	p2 =	por !p2, p0  }
0x20: {  	[sflag:s8] =	ssyncset.s32 @!p0 $0xFFFFF086;
	s6 =	sadd.s32 @!p0 s3, s7;
	s7 =	simm.s32 @!p0 $0x108  }
0x21: {  	s3 =	sadd.s32 s3, s9;
	s6 =	sadd.s32 @!p0 $0x88, s6;
	s7 =	simm.s32 @p2 $0x1082  }
0x22: {  	[simem:s7], [sflag:s8] =	dma.local @!p0 [hbm:s6], $0xF7A  }
0x23: {  	s9 =	sor.u32 $0xD0000000, s2;
	s6 =	simm.s32 $0x108;
	_ =	swait.ge @!p0 [sflag:s8], $0x0  }
0x24: {  	s3 =	sadd.s32 $0x88, s3;
	s6 =	simm.s32 @!p1 $0x1082;
	[sflag:s4] =	ssyncset.s32 $0xFFFFF086  }
0x25: {  	[simem:s6], [sflag:s4] =	dma.local [hbm:s3], $0xF7A  }
0x26: {  	[smem:$0x3F92] =	sst s1;
	(tag) =	ssettag s2;
	_ =	strace s9  }
0x27: {  	s1 =	sld [smem:$0x3FA2]  }
0x28: {  	s2 =	sld [smem:$0x3FA3]  }
0x29: {  	s4 =	sld [smem:$0x3FA5]  }
0x2a: {  	p0 =	seq.s32 s5, $0x0;
	s5 =	sld [smem:$0x3FA6]  }
0x2b: {  	s6 =	sld [smem:$0x3FA7]  }
0x2c: {  	s7 =	sld [smem:$0x3FA8]  }
0x2d: {  	s3 =	simm.s32 $0x108;
	s8 =	sld [smem:$0x3FA9]  }
0x2e: {  	s3 =	simm.s32 @!p0 $0x1082;
	s9 =	sld [smem:$0x3FAA]  }
0x2f: {  	lr =	sadd.s32 s0, s3;
	s0 =	sld [smem:$0x3FA1]  }
0x30: {  	s3 =	sld [smem:$0x3FA4]  }
0x31: {  	[smem:$0x3FAD] =	sst s10  }
0x32: {  	s10 =	sld [smem:$0x3FAB];
	_ =	sdelay $0x3  }
0x33: {  	p0 =	seq.s32 s10, $0x1;
	s10 =	sld [smem:$0x3FAD];
	_ =	sdelay $0x3  }
0x34: {  	[smem:$0x3FAD] =	sst s10  }
0x35: {  	s10 =	sld [smem:$0x3FAC];
	_ =	sdelay $0x3  }
0x36: {  	p1 =	seq.s32 s10, $0x1;
	s10 =	sld [smem:$0x3FAD];
	_ =	sdelay $0x3  }
0x37: {  	[smem:$0x3FAD] =	sst s10  }
0x38: {  	s10 =	sld [smem:$0x3FAE]  }
0x39: {  	_ = 	snop;
	(pc) =	sbr.ind lr, $3  }
0x3a: {  	_ = 	snop  }
0x3b: {  	_ = 	snop  }
0x3c: {  	p2 =	seq.s32 s10, $0x1;
	s10 =	sld [smem:$0x3FAD]  }
0x3d: {  	_ =	shalt  }
0x3e: {  	_ =	shalt  }
0x3f: {  	_ =	shalt  }
0x40: {  	_ =	shalt  }
0x41: {  	_ =	shalt  }
0x42: {  	_ =	shalt  }
0x43: {  	_ =	shalt  }
0x44: {  	_ =	shalt  }
0x45: {  	_ =	shalt  }
0x46: {  	_ =	shalt  }
0x47: {  	_ =	shalt  }
0x48: {  	_ =	shalt  }
0x49: {  	_ =	shalt  }
0x4a: {  	_ =	shalt  }
0x4b: {  	_ =	shalt  }
0x4c: {  	_ =	shalt  }
0x4d: {  	_ =	shalt  }
0x4e: {  	_ =	shalt  }
0x4f: {  	_ =	shalt  }
0x50: {  	_ =	shalt  }
0x51: {  	_ =	shalt  }
0x52: {  	_ =	shalt  }
0x53: {  	_ =	shalt  }
0x54: {  	_ =	shalt  }
0x55: {  	_ =	shalt  }
0x56: {  	_ =	shalt  }
0x57: {  	_ =	shalt  }
0x58: {  	_ =	shalt  }
0x59: {  	_ =	shalt  }
0x5a: {  	_ =	shalt  }
0x5b: {  	_ =	shalt  }
0x5c: {  	_ =	shalt  }
0x5d: {  	_ =	shalt  }
0x5e: {  	_ =	shalt  }
0x5f: {  	_ =	shalt  }
0x60: {  	_ =	shalt  }
0x61: {  	_ =	shalt  }
0x62: {  	_ =	shalt  }
0x63: {  	_ =	shalt  }
0x64: {  	_ =	shalt  }
0x65: {  	_ =	shalt  }
0x66: {  	_ =	shalt  }
0x67: {  	_ =	shalt  }
0x68: {  	_ =	shalt  }
0x69: {  	_ =	shalt  }
0x6a: {  	_ =	shalt  }
0x6b: {  	_ =	shalt  }
0x6c: {  	_ =	shalt  }
0x6d: {  	_ =	shalt  }
0x6e: {  	_ =	shalt  }
0x6f: {  	_ =	shalt  }
0x70: {  	_ =	shalt  }
0x71: {  	_ =	shalt  }
0x72: {  	_ =	shalt  }
0x73: {  	_ =	shalt  }
0x74: {  	_ =	shalt  }
0x75: {  	_ =	shalt  }
0x76: {  	_ =	shalt  }
0x77: {  	_ =	shalt  }
0x78: {  	_ =	shalt  }
0x79: {  	_ =	shalt  }
0x7a: {  	_ =	shalt  }
0x7b: {  	_ =	shalt  }
0x7c: {  	_ =	shalt  }
0x7d: {  	_ =	shalt  }
0x7e: {  	_ =	shalt  }
0x7f: {  	_ =	shalt  }
0x80: {  	_ =	shalt  }
0x81: {  	_ =	shalt  }
0x82: {  	_ =	shalt  }
0x83: {  	_ =	shalt  }
0x84: {  	_ =	shalt  }
0x85: {  	_ =	shalt  }
0x86: {  	_ =	shalt  }
0x87: {  	_ =	shalt  }
.Lfunc_end0:
.L_simem_size_0:
called_computation_lowered:
.L_overlay_start_0:
0x88: {  	s2 =	sld [smem:$0x3FD9]  }
0x89: {  	s3 =	sld [smem:$0x3FFE];
	_ =	sdelay $0x1  }
0x8a: {  	s1 =	srdreg.scid  }
0x8b: {  	s0 =	sand.u32 $0x1, s1  }
0x8c: {  	s16 =	sshll.u32 s0, $0xA;
	s2 =	sadd.s32 s3, s2  }
0x8d: {  	s2 =	sadd.s32 s2, s16  }
0x8e: {  	[smem:$0x3FB9] =	sst s2  }
0x8f: {  	_ = 	snop  }
0x90: {  	(tm) =	ssettm $0x1  }
0x91: {  	s17 =	sld [smem:$0x3FFB];
	_ =	sdelay $0x3  }
0x92: {  	_ =	strace s17  }
0x93: {  	s2 =	sld [smem:$0x3FFC];
	_ =	sdelay $0x3  }
0x94: {  	_ =	strace s2  }
0x95: {  	s2 =	sld [smem:$0x3FFD];
	_ =	sdelay $0x3  }
0x96: {  	_ =	strace s2  }
0x97: {  	_ =	strace $0x8FFFFFFF  }
0x98: {  	s18 =	sld [smem:$0x3FDB];
	_ =	sdelay $0x1  }
0x99: {  	s19 =	simm.s32 $_scs_section_size  }
0x9a: {  	s4 =	simm.s32 $_size__tile_overlayer_lowered;
	s5 =	simm.s32 $_tile_overlayer_lowered  }
0x9b: {  	s22 =	simm.s32 $0x1BFF;
	s21 =	sshll.u32 s5, $0x1;
	s2 =	sadd.s32 s19, s18  }
0x9c: {  	s6 =	simm.s32 $0x0;
	s20 =	sshll.u32 s4, $0x1;
	s4 =	sadd.s32 s21, s2  }
0x9d: {  	[timem:s6], [sflag:s22] =	dma.local [hbm:s4], s20  }
0x9e: {  	_ =	swait.ge [sflag:s22], s20  }
0x9f: {  	s3 =	ssub.s32 $0x0, s20;
	[sflag:s22] =	ssyncset.done $0x0  }
0xa0: {  	[sflag:s22] =	ssyncadd.s32 s3;
	_ =	sdelay $0x1  }
0xa1: {  	s23 =	simm.s32 $0x1B8B  }
0xa2: {  	_ =	swait.ge [sflag:s23], $0x1  }
0xa3: {  	[sflag:s23] =	ssyncset.done $0x0  }
0xa4: {  	s25 =	simm.s32 $0x1B8E;
	s24 =	sld [smem:$0x3FFE];
	[sflag:s23] =	ssyncadd.s32 $0xFFFFFFFF  }
0xa5: {  	s26 =	simm.s32 $execute0_lowered;
	[smem:$0x3FD2] =	sst s25  }
0xa6: {  	s4 =	sshll.u32 s26, $0x1;
	_ =	strace $0x80000046;
	[dreg:$0x1] =	wrdreg $0xFFFFFFFF  }
0xa7: {  	s28 =	simm.s32 $_size_execute0_lowered;
	s2 =	sadd.s32 s2, s4;
	[dreg:$0x0] =	wrdreg $0x0  }
0xa8: {  	s4 =	sshll.u32 s28, $0x1;
	[dreg:$0x2] =	wrdreg s2  }
0xa9: {  	[dreg:$0x3] =	wrdreg s4  }
0xaa: {  	[dreg:$0x4] =	wrdreg $0xC0  }
0xab: {  	_ =	task [dreg:s6], $0x5FFFF  }
0xac: {  	[dreg:$0x1] =	wrdreg $0xFFFFFFFF  }
0xad: {  	[dreg:$0x0] =	wrdreg $0x60  }
0xae: {  	[dreg:$0x2] =	wrdreg s24  }
0xaf: {  	[dreg:$0x3] =	wrdreg $0x9  }
0xb0: {  	_ =	task.clear_ibuf [dreg:s6], $0x4FFFF;
	_ =	strace $0x90000046  }
0xb1: {  	s29 =	simm.s32 $0x9;
	_ =	strace $0x80000048  }
0xb2: {  	_ =	swait.ge [sflag:s29], $0x1  }
0xb3: {  	[sflag:s29] =	ssyncadd.s32 $0xFFFFFFFF  }
0xb4: {  	_ =	strace $0x90000048  }
0xb5: {  	_ =	sfence  }
0xb6: {  	s30 =	sld [smem:$0x0];
	_ =	sdelay $0x2  }
0xb7: {  	s31 =	sshll.u32 s1, $0xD;
	s1 =	sshrl.u32 s1, $0x2  }
0xb8: {  	s3 =	sand.u32 $0x4000, s31;
	s1 =	sadd.s32 s1, s30  }
0xb9: {  	s0 =	sor.u32 s3, s0;
	s1 =	sshll.u32 s1, $0x11  }
0xba: {  	s0 =	sor.u32 s1, s0  }
0xbb: {  	s0 =	sadd.s32 $0x8F2B, s0  }
0xbc: {  	[sflag:s0] =	ssyncadd.remote.s32 $0x1  }
0xbd: {  	_ =	sfence.sel $0xFFFF  }
0xbe: {  	[dreg:$0x0] =	wrdreg $0xFFFFFFFF;
	(pc) =	sbr.abs _section_cstart, $3  }
0xbf: {  	[dreg:$0x1] =	wrdreg $0xFFFFFFFF  }
0xc0: {  	_ =	task.clear_ibuf [dreg:s6], $0x2FFFF;
	_ =	strace $0x9FFFFFFF  }
0xc1: {  	(tm) =	ssettm $0x7FFFFFFF  }
tec
execute0_lowered:
.L_overlay_start_1:
0x0: {  	(tag) =	ssettag $0x1  }
0x1: {  	s1 =	srdreg.scid;
	s0 =	stileid.u32  }
0x2: {  	s6 =	sand.u32 $0x1, s1;
	s30 =	sshll.u32 s0, $0x1  }
0x3: {  	s8 =	rddreg [dreg:$0x0];
	s7 =	sor.u32 s6, s30  }
0x4: {  	s2 =	simm.s32 $0x0;
	s1 =	rddreg [dreg:$0x1];
	s3 =	smul.u32 $0x50, s7  }
0x5: {  	[smem:$0x7FF] =	sst s2;
	s5 =	sadd.s32 $0x3000, s8  }
0x6: {  	_ =	strace $0x80000047;
	s10 =	ssub.s32 $0x2, s6;
	s3 =	sadd.s32 s3, s8  }
0x7: {  	s6 =	simm.s32 $0x280;
	s4 =	sadd.s32 $0x2600, s3;
	s3 =	simm.s32 $0x2  }
0x8: {  	[tilespmem:s2], [sflag:$0x2] =	stream.linear.gather [hbm4b:s4+s2], $0x280, $0x38;
	[tilespmem:$0xA280] =	vst v63  }
0x9: {  	s9 =	smul.u32 $0x1400, s7;
	s11 =	sshrl.u32 s10, $0x1;
	_ =	swait.ge [sflag:s3], $0x280  }
0xa: {  	s7 =	simm.s32 $0x1;
	s31 =	ssub.s32 s10, s11;
	[sflag:s3] =	ssyncset.done $0x0  }
0xb: {  	s8 =	sadd.s32 s9, s8;
	s9 =	smax.u32 s31, $0x1;
	[sflag:s3] =	ssyncadd.s32 $0xFFFFFD80  }
0xc: {  	[tilespmem:s6], [sflag:$0x1] =	stream.indirect.gather [hbm4b:s5+s6], $0x40, s2, s6, $0xb8;
	[tilespmem:$0xA280] =	vst v63  }
0xd: {  	p0 =	sne.s32 s9, $0x1;
	_ =	swait.ge [sflag:s7], $0xA000  }
.Ltmp0:
0xe: {  	[sflag:s7] =	ssyncset.done $0x0;
	(pc) =	sbr.rel @!p0 .LBB2_2-.Ltmp0, $4  }
0xf: {  	s8 =	sadd.s32 $0xB000, s8;
	[sflag:s7] =	ssyncadd.s32 $0xFFFF6000  }
0x10: {  	[hbm4b:s8+s2] =	stream.linear.scatter [tilespmem:s6], [sflag:$0x2], $0xA000, $0x38;
	[tilespmem:$0xA280] =	vst v63  }
0x11: {  	_ =	swait.ge [sflag:s3], $0xA000  }
0x12: {  	s9 =	sadd.s32 $0xFFFFFFFF, s9;
	[sflag:s3] =	ssyncset.done $0x0  }
.LBB2_1:
0x13: {  	p0 =	sne.s32 s9, $0x1;
	s9 =	sadd.s32 $0xFFFFFFFF, s9;
	[sflag:s3] =	ssyncadd.s32 $0xFFFF6000  }
0x14: {  	[tilespmem:s2], [sflag:$0x2] =	stream.linear.gather [hbm4b:s4+s2], $0x280, $0x38;
	[tilespmem:$0xA280] =	vst v63  }
0x15: {  	_ =	swait.ge [sflag:s3], $0x280  }
0x16: {  	[sflag:s3] =	ssyncset.done $0x0  }
0x17: {  	[sflag:s3] =	ssyncadd.s32 $0xFFFFFD80  }
0x18: {  	[tilespmem:s6], [sflag:$0x1] =	stream.indirect.gather [hbm4b:s5+s6], $0x40, s2, s6, $0xb8;
	[tilespmem:$0xA280] =	vst v63  }
0x19: {  	_ =	swait.ge [sflag:s7], $0xA000  }
.Ltmp1:
0x1a: {  	[sflag:s7] =	ssyncset.done $0x0;
	(pc) =	sbr.rel @p0 .LBB2_1-.Ltmp1, $4  }
0x1b: {  	[sflag:s7] =	ssyncadd.s32 $0xFFFF6000  }
0x1c: {  	[hbm4b:s8+s2] =	stream.linear.scatter [tilespmem:s6], [sflag:$0x2], $0xA000, $0x38;
	[tilespmem:$0xA280] =	vst v63  }
0x1d: {  	_ =	swait.ge [sflag:s3], $0xA000  }
0x1e: {  	[sflag:s3] =	ssyncset.done $0x0  }
.LBB2_2:
0x1f: {  	[sflag:s3] =	ssyncadd.s32 $0xFFFF6000  }
0x20: {  	_ =	sfence.sel $0x180000  }
0x21: {  	[bflag:$0x0] =	sbarrier.arrive $0xFFFF  }
0x22: {  	p0 =	sne.s32 s0, $0x0;
	_ =	strace $0x90000047  }
0x23: {  	s0 =	sadd.s32 @!p0 $0x100000, s1;
	[bflag:$0x2] =	sbarrier.arrive $0xFFFF  }
0x24: {  	[sflag:s0] =	ssyncadd.tile.s32 @!p0 $0x1;
	_ =	shalt  }
.Lfunc_end2:
_tile_overlayer_lowered:
.L_overlay_start_2:
0x25: {  	(tag) =	ssettag $0x2  }
0x26: {  	s0 =	rddreg [dreg:$0x0];
	s2 =	stileid.u32  }
0x27: {  	s1 =	rddreg [dreg:$0x1];
	p0 =	sne.s32 s2, $0x0  }
0x28: {  	s3 =	rddreg [dreg:$0x2];
	[bflag:$0x3] =	sbarrier.arrive $0xFFFF;
	s2 =	simm.s32 @!p0 $0x1C02  }
0x29: {  	[timem:s3], [sflag:s2] =	dma.local @!p0 [hbm:s0], s1  }
0x2a: {  	s0 =	simm.s32 @!p0 $0x2  }
0x2b: {  	_ =	swait.ge @!p0 [sflag:s0], s1  }
0x2c: {  	s1 =	ssub.s32 @!p0 $0x0, s1;
	[sflag:s0] =	ssyncset.done @!p0 $0x0  }
0x2d: {  	[sflag:s0] =	ssyncadd.s32 @!p0 s1  }
0x2e: {  	[bflag:$0x3] =	sbarrier.arrive $0xFFFF  }
0x2f: {  	_ =	shalt  }

</sc_bundles>
